<compile_context>
chip_gen: v7x
topology: tpu7x:2x2x1
jax: 0.10.2.dev20260603
libtpu: 0.0.44.dev20260713+nightly
codegen_flags: <defaults>
</compile_context>

<pallas_src>
import jax
import jax.numpy as jnp
from jax import lax
from jax.experimental import pallas as pl
from jax.experimental.pallas import tpu as pltpu
from jax.experimental.pallas import tpu_sc as plsc

DIM = 32
PACK = 4
LINE = DIM * PACK
NC = 2
NS = 16
NW = NC * NS
GRP = 128
LANES = 16
CHUNK = 512
SUB = CHUNK // GRP


def _transpose_body(jt, gt, jtail, gtail, jp, gp, inb0, inb1, outb0, outb1,
                    isem0, isem1, osem0, osem1):
    n = jt.shape[1]
    n_chunks = n // CHUNK
    n_tail_lines = (n - n_chunks * CHUNK) * DIM // LINE
    n_iters = (n_chunks + NW - 1) // NW
    wid = lax.axis_index("s") * NC + lax.axis_index("c")

    lanes = lax.iota(jnp.int32, LANES)
    lane_q = lax.shift_right_logical(lanes, 2)
    lane_p = lax.shift_left(lanes & 3, 5)

    def fill(src, chunk, inb, isem):
        for q in range(SUB):
            pltpu.async_copy(
                src.at[pl.ds(0, DIM), pl.ds(chunk * CHUNK + q * GRP, GRP)],
                inb.at[pl.ds(q * DIM, DIM)], isem)

    def drain_fill(inb, isem):
        for _ in range(SUB):
            pltpu.make_async_copy(
                jt.at[pl.ds(0, DIM), pl.ds(0, GRP)],
                inb.at[pl.ds(0, DIM)], isem).wait()

    def transpose_to(inb, outb):
        def block(bi, carry):
            q, s = bi // 8, bi % 8
            col = s * LANES + lanes
            line = q * DIM + s * 4 + lane_q
            for d0 in (0, LANES):
                for k in range(LANES):
                    dvec = d0 + ((lanes + k) & (LANES - 1))
                    v = plsc.load_gather(inb, [q * DIM + dvec, col])
                    plsc.store_scatter(outb, [line, lane_p + dvec], v)
            return carry
        lax.fori_loop(0, SUB * 8, block, 0)

    def flush(outb, dst, chunk, sem):
        pltpu.async_copy(outb, dst.at[pl.ds(chunk * (CHUNK // PACK),
                                            CHUNK // PACK)], sem)

    @pl.when(wid < n_chunks)
    def _():
        fill(jt, wid, inb0, isem0)

    def step(i, carry):
        chunk = wid + NW * i

        @pl.when(chunk < n_chunks)
        def _():
            fill(gt, chunk, inb1, isem1)
            drain_fill(inb0, isem0)
            @pl.when(i > 0)
            def _():
                pltpu.make_async_copy(
                    outb0, jp.at[pl.ds(0, CHUNK // PACK)], osem0).wait()
            transpose_to(inb0, outb0)
            flush(outb0, jp, chunk, osem0)

            @pl.when(chunk + NW < n_chunks)
            def _():
                fill(jt, chunk + NW, inb0, isem0)
            drain_fill(inb1, isem1)
            @pl.when(i > 0)
            def _():
                pltpu.make_async_copy(
                    outb1, gp.at[pl.ds(0, CHUNK // PACK)], osem1).wait()
            transpose_to(inb1, outb1)
            flush(outb1, gp, chunk, osem1)
        return carry

    lax.fori_loop(0, n_iters, step, 0)

    pltpu.make_async_copy(outb0, jp.at[pl.ds(0, CHUNK // PACK)],
                          osem0).wait()
    pltpu.make_async_copy(outb1, gp.at[pl.ds(0, CHUNK // PACK)],
                          osem1).wait()

    @pl.when(wid == NW - 1)
    def _():
        pltpu.sync_copy(jtail, inb0.at[pl.ds(0, n_tail_lines)])
        pltpu.sync_copy(inb0.at[pl.ds(0, n_tail_lines)],
                        jp.at[pl.ds(n_chunks * (CHUNK // PACK),
                                    n_tail_lines)])
        pltpu.sync_copy(gtail, inb0.at[pl.ds(0, n_tail_lines)])
        pltpu.sync_copy(inb0.at[pl.ds(0, n_tail_lines)],
                        gp.at[pl.ds(n_chunks * (CHUNK // PACK),
                                    n_tail_lines)])


def _cml_body(job_idx, geek_idx, job_w, geek_w, out_hbm,
              jidx_v, gidx_v, jline_v, gline_v,
              jr0, gr0, jr1, gr1, out_v, sem0, sem1):
    n_per_w = jidx_v.shape[0]
    n_grp = n_per_w // GRP
    wid = lax.axis_index("s") * NC + lax.axis_index("c")
    base = wid * n_per_w
    lanes = lax.iota(jnp.int32, LANES)

    pltpu.sync_copy(job_idx.at[pl.ds(base, n_per_w)], jidx_v)
    pltpu.sync_copy(geek_idx.at[pl.ds(base, n_per_w)], gidx_v)

    def shift(i, carry):
        s = pl.ds(i * LANES, LANES)
        jline_v[s] = lax.shift_right_logical(jidx_v[s], 2)
        gline_v[s] = lax.shift_right_logical(gidx_v[s], 2)
        return carry
    lax.fori_loop(0, n_per_w // LANES, shift, 0)

    def _sqrt(s):
        i = plsc.bitcast(s, jnp.int32)
        y = plsc.bitcast(
            jnp.int32(0x5F3759DF) - lax.shift_right_logical(i, 1),
            jnp.float32)
        for _ in range(3):
            y = y * (1.5 - 0.5 * s * y * y)
        return s * y

    def fire(g, jr, gr, sem):
        pltpu.async_copy(job_w.at[jline_v.at[pl.ds(g * GRP, GRP)]], jr, sem)
        pltpu.async_copy(geek_w.at[gline_v.at[pl.ds(g * GRP, GRP)]], gr, sem)

    def drain(jr, gr, sem):
        pltpu.make_async_copy(job_w.at[pl.ds(0, GRP)], jr, sem).wait()
        pltpu.make_async_copy(geek_w.at[pl.ds(0, GRP)], gr, sem).wait()

    def compute(g, jr, gr):
        def block(t, carry):
            s = pl.ds(g * GRP + t * LANES, LANES)
            jcol = lax.shift_left(jidx_v[s] & 3, 5)
            gcol = lax.shift_left(gidx_v[s] & 3, 5)
            row = lanes + t * LANES
            acc = [jnp.zeros((LANES,), jnp.float32) for _ in range(4)]
            for d in range(DIM):
                rot = (lanes + d) & (DIM - 1)
                jv = plsc.load_gather(jr, [row, jcol + rot])
                gv = plsc.load_gather(gr, [row, gcol + rot])
                diff = jv - gv
                acc[d % 4] = acc[d % 4] + diff * diff
            ssum = (acc[0] + acc[1]) + (acc[2] + acc[3])
            out_v[pl.ds(g * GRP + t * LANES, LANES)] = _sqrt(ssum)
            return carry
        lax.fori_loop(0, GRP // LANES, block, 0)

    fire(0, jr0, gr0, sem0)

    def pair(i, carry):
        fire(2 * i + 1, jr1, gr1, sem1)
        drain(jr0, gr0, sem0)
        compute(2 * i, jr0, gr0)

        @pl.when(i < n_grp // 2 - 1)
        def _():
            fire(2 * i + 2, jr0, gr0, sem0)

        drain(jr1, gr1, sem1)
        compute(2 * i + 1, jr1, gr1)
        return carry

    lax.fori_loop(0, n_grp // 2, pair, 0)
    pltpu.sync_copy(out_v, out_hbm.at[pl.ds(base, n_per_w)])


@jax.jit
def _cml(job_idx, geek_idx, job_emb_w, geek_emb_w):
    n_rows = job_emb_w.shape[0]
    n_lines = n_rows * DIM // LINE
    n_main = (n_rows // CHUNK) * CHUNK
    mesh = plsc.VectorSubcoreMesh(core_axis_name="c", subcore_axis_name="s")
    compact = pltpu.CompilerParams(
        needs_layout_passes=False, use_tc_tiling_on_sc=True)

    jt = jnp.swapaxes(job_emb_w, 0, 1)
    gt = jnp.swapaxes(geek_emb_w, 0, 1)
    jtail = job_emb_w[n_main:].reshape(-1, LINE)
    gtail = geek_emb_w[n_main:].reshape(-1, LINE)

    packed_t = jax.ShapeDtypeStruct((n_lines, LINE), jnp.float32)
    buf_t = pltpu.VMEM((CHUNK // PACK, LINE), jnp.float32)
    jp, gp = pl.kernel(
        _transpose_body,
        out_type=(packed_t, packed_t),
        mesh=mesh,
        compiler_params=compact,
        scratch_types=[
            buf_t, buf_t, buf_t, buf_t,
            pltpu.SemaphoreType.DMA,
            pltpu.SemaphoreType.DMA,
            pltpu.SemaphoreType.DMA,
            pltpu.SemaphoreType.DMA,
        ],
    )(jt, gt, jtail, gtail)

    n = job_idx.shape[0]
    n_per_w = n // NW
    rows_t = pltpu.VMEM((GRP, LINE), jnp.float32)
    idx_t = pltpu.VMEM((n_per_w,), jnp.int32)
    return pl.kernel(
        _cml_body,
        out_type=jax.ShapeDtypeStruct((n,), jnp.float32),
        mesh=mesh,
        compiler_params=compact,
        scratch_types=[
            idx_t, idx_t, idx_t, idx_t,
            rows_t, rows_t, rows_t, rows_t,
            pltpu.VMEM((n_per_w,), jnp.float32),
            pltpu.SemaphoreType.DMA,
            pltpu.SemaphoreType.DMA,
        ],
    )(job_idx, geek_idx, jp, gp)


def kernel(job, geek, job_emb_w, geek_emb_w):
    B, L = job.shape
    jf = job.astype(jnp.int32).reshape(-1)
    gf = geek.astype(jnp.int32).reshape(-1)
    out = _cml(jf, gf, job_emb_w, geek_emb_w)
    return out.reshape(B, L)

# --- scband reference (transcript-rebuilt; emitter-appended) ---
"""Pipeline reference for scband-cml-77292231459039 (READ-ONLY COPY).

The authoritative reference and input builder live on the scoring server;
editing this copy changes nothing except your own understanding.
"""

import jax, jax.numpy as jnp
import numpy as np

N_JOB = 1000000
N_GEEK = 1000000
DIM = 32
B = 16384
L = 20

def setup_inputs(seed: int = 0) -> dict:
    key = jax.random.key(seed)
    k1, k2, k3, k4 = jax.random.split(key, 4)
    job = jax.random.randint(k1, (B, L), 0, N_JOB)
    geek = jax.random.randint(k2, (B, L), 0, N_GEEK)
    job_emb_w = jax.random.normal(k3, (N_JOB, DIM), dtype=jnp.float32)
    geek_emb_w = jax.random.normal(k4, (N_GEEK, DIM), dtype=jnp.float32)
    return {"job": job, "geek": geek, "job_emb_w": job_emb_w, "geek_emb_w": geek_emb_w}

def reference(job, geek, job_emb_w, geek_emb_w):
    # nn.Embedding lookups
    j = jnp.take(job_emb_w, job, axis=0)   # [B, L, DIM]
    g = jnp.take(geek_emb_w, geek, axis=0) # [B, L, DIM]
    x = j - g
    # torch.norm(x, dim=2) -> L2 norm over last dim
    return jnp.sqrt(jnp.sum(x * x, axis=2))

if __name__ == "__main__":
    import jax
    _d = setup_inputs()
    print(jax.jit(kernel)(*tuple(_d.values())))

</pallas_src>

<mosaic_0001>
#map = affine_map<(d0, d1) -> (0, 0)>
module attributes {stable_mosaic.version = 14 : i64} {
  func.func @_transpose_body(%arg0: i32, %arg1: i32, %arg2: memref<32x1000000xf32, #tpu.memory_space<hbm>>, %arg3: memref<32x1000000xf32, #tpu.memory_space<hbm>>, %arg4: memref<16x128xf32, #tpu.memory_space<hbm>>, %arg5: memref<16x128xf32, #tpu.memory_space<hbm>>, %arg6: memref<250000x128xf32, #tpu.memory_space<hbm>>, %arg7: memref<250000x128xf32, #tpu.memory_space<hbm>>, %arg8: memref<128x128xf32, #tpu.memory_space<vmem>>, %arg9: memref<128x128xf32, #tpu.memory_space<vmem>>, %arg10: memref<128x128xf32, #tpu.memory_space<vmem>>, %arg11: memref<128x128xf32, #tpu.memory_space<vmem>>, %arg12: memref<!tpu.dma_semaphore, #tpu.memory_space<semaphore_mem>>, %arg13: memref<!tpu.dma_semaphore, #tpu.memory_space<semaphore_mem>>, %arg14: memref<!tpu.dma_semaphore, #tpu.memory_space<semaphore_mem>>, %arg15: memref<!tpu.dma_semaphore, #tpu.memory_space<semaphore_mem>>) attributes {dimension_semantics = [#tpu.dimension_semantics<core_parallel>, #tpu.dimension_semantics<subcore_parallel>], iteration_bounds = array<i64: 2, 16>, scalar_prefetch = 0 : i64, scratch_operands = 8 : i64, tpu.core_type = #tpu.core_type<sc_vector_subcore>, window_params = [{transform_indices = #map}, {transform_indices = #map}, {transform_indices = #map}, {transform_indices = #map}, {transform_indices = #map}, {transform_indices = #map}]} {
    %mul3A = arith.constant 2 : i32
    %mul3A_0 = arith.muli %arg1, %mul3A : i32
    %add3A = arith.addi %mul3A_0, %arg0 : i32
    %iota3A = tpu.iota {dimensions = array<i32: 0>} : vector<16xi32>
    %shift_right_logical3A = arith.constant 2 : i32
    %shift_right_logical3A_1 = vector.broadcast %shift_right_logical3A : i32 to vector<16xi32>
    %shift_right_logical3A_2 = arith.shrui %iota3A, %shift_right_logical3A_1 : vector<16xi32>
    %and3A = arith.constant 3 : i32
    %and3A_3 = vector.broadcast %and3A : i32 to vector<16xi32>
    %and3A_4 = arith.andi %iota3A, %and3A_3 : vector<16xi32>
    %shift_left3A = arith.constant 5 : i32
    %shift_left3A_5 = vector.broadcast %shift_left3A : i32 to vector<16xi32>
    %shift_left3A_6 = arith.shli %and3A_4, %shift_left3A_5 : vector<16xi32>
    %lt3A = arith.constant 1953 : i32
    %lt3A_7 = arith.cmpi slt, %add3A, %lt3A : i32
    %convert_element_type3A = arith.extui %lt3A_7 : i1 to i32
    %cond3A = arith.constant 0 : i32
    %cond3A_8 = arith.cmpi ne, %convert_element_type3A, %cond3A : i32
    scf.if %cond3A_8 {
      %mul3A_29 = arith.constant 512 : i32
      %mul3A_30 = arith.muli %add3A, %mul3A_29 : i32
      %add3A_31 = arith.constant 0 : i32
      %add3A_32 = arith.addi %mul3A_30, %add3A_31 : i32
      %dma_start3A = arith.constant 0 : i32
      %dma_start3A_33 = arith.constant 0 : i32
      %dma_start3A_34 = tpu.memref_slice %arg8[%dma_start3A, %dma_start3A_33] : memref<128x128xf32, #tpu.memory_space<vmem>> -> memref<32x128xf32, #tpu.memory_space<vmem>>
      %dma_start3A_35 = arith.constant 0 : i32
      %dma_start3A_36 = tpu.memref_slice %arg2[%dma_start3A_35, %add3A_32] : memref<32x1000000xf32, #tpu.memory_space<hbm>> -> memref<32x128xf32, #tpu.memory_space<hbm>>
      %dma_start3A_37 = arith.constant 0 : i32
      %dma_start3A_38 = arith.constant 0 : i32
      %dma_start3A_39 = tpu.memref_slice %arg8[%dma_start3A_37, %dma_start3A_38] : memref<128x128xf32, #tpu.memory_space<vmem>> -> memref<32x128xf32, #tpu.memory_space<vmem>>
      %dma_start3A_40 = arith.constant 0 : i32
      %dma_start3A_41 = tpu.memref_slice %arg2[%dma_start3A_40, %add3A_32] : memref<32x1000000xf32, #tpu.memory_space<hbm>> -> memref<32x128xf32, #tpu.memory_space<hbm>>
      tpu.enqueue_dma source(%dma_start3A_41 : memref<32x128xf32, #tpu.memory_space<hbm>>) target(%dma_start3A_39 : memref<32x128xf32, #tpu.memory_space<vmem>>) target_semaphore(%arg12 : memref<!tpu.dma_semaphore, #tpu.memory_space<semaphore_mem>>)
      %mul3A_42 = arith.constant 512 : i32
      %mul3A_43 = arith.muli %add3A, %mul3A_42 : i32
      %add3A_44 = arith.constant 128 : i32
      %add3A_45 = arith.addi %mul3A_43, %add3A_44 : i32
      %dma_start3A_46 = arith.constant 32 : i32
      %dma_start3A_47 = arith.constant 0 : i32
      %dma_start3A_48 = tpu.memref_slice %arg8[%dma_start3A_46, %dma_start3A_47] : memref<128x128xf32, #tpu.memory_space<vmem>> -> memref<32x128xf32, #tpu.memory_space<vmem>>
      %dma_start3A_49 = arith.constant 0 : i32
      %dma_start3A_50 = tpu.memref_slice %arg2[%dma_start3A_49, %add3A_45] : memref<32x1000000xf32, #tpu.memory_space<hbm>> -> memref<32x128xf32, #tpu.memory_space<hbm>>
      %dma_start3A_51 = arith.constant 32 : i32
      %dma_start3A_52 = arith.constant 0 : i32
      %dma_start3A_53 = tpu.memref_slice %arg8[%dma_start3A_51, %dma_start3A_52] : memref<128x128xf32, #tpu.memory_space<vmem>> -> memref<32x128xf32, #tpu.memory_space<vmem>>
      %dma_start3A_54 = arith.constant 0 : i32
      %dma_start3A_55 = tpu.memref_slice %arg2[%dma_start3A_54, %add3A_45] : memref<32x1000000xf32, #tpu.memory_space<hbm>> -> memref<32x128xf32, #tpu.memory_space<hbm>>
      tpu.enqueue_dma source(%dma_start3A_55 : memref<32x128xf32, #tpu.memory_space<hbm>>) target(%dma_start3A_53 : memref<32x128xf32, #tpu.memory_space<vmem>>) target_semaphore(%arg12 : memref<!tpu.dma_semaphore, #tpu.memory_space<semaphore_mem>>)
      %mul3A_56 = arith.constant 512 : i32
      %mul3A_57 = arith.muli %add3A, %mul3A_56 : i32
      %add3A_58 = arith.constant 256 : i32
      %add3A_59 = arith.addi %mul3A_57, %add3A_58 : i32
      %dma_start3A_60 = arith.constant 64 : i32
      %dma_start3A_61 = arith.constant 0 : i32
      %dma_start3A_62 = tpu.memref_slice %arg8[%dma_start3A_60, %dma_start3A_61] : memref<128x128xf32, #tpu.memory_space<vmem>> -> memref<32x128xf32, #tpu.memory_space<vmem>>
      %dma_start3A_63 = arith.constant 0 : i32
      %dma_start3A_64 = tpu.memref_slice %arg2[%dma_start3A_63, %add3A_59] : memref<32x1000000xf32, #tpu.memory_space<hbm>> -> memref<32x128xf32, #tpu.memory_space<hbm>>
      %dma_start3A_65 = arith.constant 64 : i32
      %dma_start3A_66 = arith.constant 0 : i32
      %dma_start3A_67 = tpu.memref_slice %arg8[%dma_start3A_65, %dma_start3A_66] : memref<128x128xf32, #tpu.memory_space<vmem>> -> memref<32x128xf32, #tpu.memory_space<vmem>>
      %dma_start3A_68 = arith.constant 0 : i32
      %dma_start3A_69 = tpu.memref_slice %arg2[%dma_start3A_68, %add3A_59] : memref<32x1000000xf32, #tpu.memory_space<hbm>> -> memref<32x128xf32, #tpu.memory_space<hbm>>
      tpu.enqueue_dma source(%dma_start3A_69 : memref<32x128xf32, #tpu.memory_space<hbm>>) target(%dma_start3A_67 : memref<32x128xf32, #tpu.memory_space<vmem>>) target_semaphore(%arg12 : memref<!tpu.dma_semaphore, #tpu.memory_space<semaphore_mem>>)
      %mul3A_70 = arith.constant 512 : i32
      %mul3A_71 = arith.muli %add3A, %mul3A_70 : i32
      %add3A_72 = arith.constant 384 : i32
      %add3A_73 = arith.addi %mul3A_71, %add3A_72 : i32
      %dma_start3A_74 = arith.constant 96 : i32
      %dma_start3A_75 = arith.constant 0 : i32
      %dma_start3A_76 = tpu.memref_slice %arg8[%dma_start3A_74, %dma_start3A_75] : memref<128x128xf32, #tpu.memory_space<vmem>> -> memref<32x128xf32, #tpu.memory_space<vmem>>
      %dma_start3A_77 = arith.constant 0 : i32
      %dma_start3A_78 = tpu.memref_slice %arg2[%dma_start3A_77, %add3A_73] : memref<32x1000000xf32, #tpu.memory_space<hbm>> -> memref<32x128xf32, #tpu.memory_space<hbm>>
      %dma_start3A_79 = arith.constant 96 : i32
      %dma_start3A_80 = arith.constant 0 : i32
      %dma_start3A_81 = tpu.memref_slice %arg8[%dma_start3A_79, %dma_start3A_80] : memref<128x128xf32, #tpu.memory_space<vmem>> -> memref<32x128xf32, #tpu.memory_space<vmem>>
      %dma_start3A_82 = arith.constant 0 : i32
      %dma_start3A_83 = tpu.memref_slice %arg2[%dma_start3A_82, %add3A_73] : memref<32x1000000xf32, #tpu.memory_space<hbm>> -> memref<32x128xf32, #tpu.memory_space<hbm>>
      tpu.enqueue_dma source(%dma_start3A_83 : memref<32x128xf32, #tpu.memory_space<hbm>>) target(%dma_start3A_81 : memref<32x128xf32, #tpu.memory_space<vmem>>) target_semaphore(%arg12 : memref<!tpu.dma_semaphore, #tpu.memory_space<semaphore_mem>>)
    } else {
    }
    %scan3A = arith.constant 0 : i32
    %scan3A_9 = arith.constant 0 : i32
    %scan3A_10 = arith.constant 62 : i32
    %scan3A_11 = arith.addi %scan3A_9, %scan3A_10 : i32
    %scan3A_12 = arith.constant 1 : i32
    scf.for %scan3A_29 = %scan3A_9 to %scan3A_11 step %scan3A_12  : i32 {
      %mul3A_30 = arith.constant 32 : i32
      %mul3A_31 = arith.muli %mul3A_30, %scan3A_29 : i32
      %add3A_32 = arith.addi %add3A, %mul3A_31 : i32
      %lt3A_33 = arith.constant 1953 : i32
      %lt3A_34 = arith.cmpi slt, %add3A_32, %lt3A_33 : i32
      %convert_element_type3A_35 = arith.extui %lt3A_34 : i1 to i32
      %cond3A_36 = arith.constant 0 : i32
      %cond3A_37 = arith.cmpi ne, %convert_element_type3A_35, %cond3A_36 : i32
      scf.if %cond3A_37 {
        %mul3A_38 = arith.constant 512 : i32
        %mul3A_39 = arith.muli %add3A_32, %mul3A_38 : i32
        %add3A_40 = arith.constant 0 : i32
        %add3A_41 = arith.addi %mul3A_39, %add3A_40 : i32
        %dma_start3A = arith.constant 0 : i32
        %dma_start3A_42 = arith.constant 0 : i32
        %dma_start3A_43 = tpu.memref_slice %arg9[%dma_start3A, %dma_start3A_42] : memref<128x128xf32, #tpu.memory_space<vmem>> -> memref<32x128xf32, #tpu.memory_space<vmem>>
        %dma_start3A_44 = arith.constant 0 : i32
        %dma_start3A_45 = tpu.memref_slice %arg3[%dma_start3A_44, %add3A_41] : memref<32x1000000xf32, #tpu.memory_space<hbm>> -> memref<32x128xf32, #tpu.memory_space<hbm>>
        %dma_start3A_46 = arith.constant 0 : i32
        %dma_start3A_47 = arith.constant 0 : i32
        %dma_start3A_48 = tpu.memref_slice %arg9[%dma_start3A_46, %dma_start3A_47] : memref<128x128xf32, #tpu.memory_space<vmem>> -> memref<32x128xf32, #tpu.memory_space<vmem>>
        %dma_start3A_49 = arith.constant 0 : i32
        %dma_start3A_50 = tpu.memref_slice %arg3[%dma_start3A_49, %add3A_41] : memref<32x1000000xf32, #tpu.memory_space<hbm>> -> memref<32x128xf32, #tpu.memory_space<hbm>>
        tpu.enqueue_dma source(%dma_start3A_50 : memref<32x128xf32, #tpu.memory_space<hbm>>) target(%dma_start3A_48 : memref<32x128xf32, #tpu.memory_space<vmem>>) target_semaphore(%arg13 : memref<!tpu.dma_semaphore, #tpu.memory_space<semaphore_mem>>)
        %mul3A_51 = arith.constant 512 : i32
        %mul3A_52 = arith.muli %add3A_32, %mul3A_51 : i32
        %add3A_53 = arith.constant 128 : i32
        %add3A_54 = arith.addi %mul3A_52, %add3A_53 : i32
        %dma_start3A_55 = arith.constant 32 : i32
        %dma_start3A_56 = arith.constant 0 : i32
        %dma_start3A_57 = tpu.memref_slice %arg9[%dma_start3A_55, %dma_start3A_56] : memref<128x128xf32, #tpu.memory_space<vmem>> -> memref<32x128xf32, #tpu.memory_space<vmem>>
        %dma_start3A_58 = arith.constant 0 : i32
        %dma_start3A_59 = tpu.memref_slice %arg3[%dma_start3A_58, %add3A_54] : memref<32x1000000xf32, #tpu.memory_space<hbm>> -> memref<32x128xf32, #tpu.memory_space<hbm>>
        %dma_start3A_60 = arith.constant 32 : i32
        %dma_start3A_61 = arith.constant 0 : i32
        %dma_start3A_62 = tpu.memref_slice %arg9[%dma_start3A_60, %dma_start3A_61] : memref<128x128xf32, #tpu.memory_space<vmem>> -> memref<32x128xf32, #tpu.memory_space<vmem>>
        %dma_start3A_63 = arith.constant 0 : i32
        %dma_start3A_64 = tpu.memref_slice %arg3[%dma_start3A_63, %add3A_54] : memref<32x1000000xf32, #tpu.memory_space<hbm>> -> memref<32x128xf32, #tpu.memory_space<hbm>>
        tpu.enqueue_dma source(%dma_start3A_64 : memref<32x128xf32, #tpu.memory_space<hbm>>) target(%dma_start3A_62 : memref<32x128xf32, #tpu.memory_space<vmem>>) target_semaphore(%arg13 : memref<!tpu.dma_semaphore, #tpu.memory_space<semaphore_mem>>)
        %mul3A_65 = arith.constant 512 : i32
        %mul3A_66 = arith.muli %add3A_32, %mul3A_65 : i32
        %add3A_67 = arith.constant 256 : i32
        %add3A_68 = arith.addi %mul3A_66, %add3A_67 : i32
        %dma_start3A_69 = arith.constant 64 : i32
        %dma_start3A_70 = arith.constant 0 : i32
        %dma_start3A_71 = tpu.memref_slice %arg9[%dma_start3A_69, %dma_start3A_70] : memref<128x128xf32, #tpu.memory_space<vmem>> -> memref<32x128xf32, #tpu.memory_space<vmem>>
        %dma_start3A_72 = arith.constant 0 : i32
        %dma_start3A_73 = tpu.memref_slice %arg3[%dma_start3A_72, %add3A_68] : memref<32x1000000xf32, #tpu.memory_space<hbm>> -> memref<32x128xf32, #tpu.memory_space<hbm>>
        %dma_start3A_74 = arith.constant 64 : i32
        %dma_start3A_75 = arith.constant 0 : i32
        %dma_start3A_76 = tpu.memref_slice %arg9[%dma_start3A_74, %dma_start3A_75] : memref<128x128xf32, #tpu.memory_space<vmem>> -> memref<32x128xf32, #tpu.memory_space<vmem>>
        %dma_start3A_77 = arith.constant 0 : i32
        %dma_start3A_78 = tpu.memref_slice %arg3[%dma_start3A_77, %add3A_68] : memref<32x1000000xf32, #tpu.memory_space<hbm>> -> memref<32x128xf32, #tpu.memory_space<hbm>>
        tpu.enqueue_dma source(%dma_start3A_78 : memref<32x128xf32, #tpu.memory_space<hbm>>) target(%dma_start3A_76 : memref<32x128xf32, #tpu.memory_space<vmem>>) target_semaphore(%arg13 : memref<!tpu.dma_semaphore, #tpu.memory_space<semaphore_mem>>)
        %mul3A_79 = arith.constant 512 : i32
        %mul3A_80 = arith.muli %add3A_32, %mul3A_79 : i32
        %add3A_81 = arith.constant 384 : i32
        %add3A_82 = arith.addi %mul3A_80, %add3A_81 : i32
        %dma_start3A_83 = arith.constant 96 : i32
        %dma_start3A_84 = arith.constant 0 : i32
        %dma_start3A_85 = tpu.memref_slice %arg9[%dma_start3A_83, %dma_start3A_84] : memref<128x128xf32, #tpu.memory_space<vmem>> -> memref<32x128xf32, #tpu.memory_space<vmem>>
        %dma_start3A_86 = arith.constant 0 : i32
        %dma_start3A_87 = tpu.memref_slice %arg3[%dma_start3A_86, %add3A_82] : memref<32x1000000xf32, #tpu.memory_space<hbm>> -> memref<32x128xf32, #tpu.memory_space<hbm>>
        %dma_start3A_88 = arith.constant 96 : i32
        %dma_start3A_89 = arith.constant 0 : i32
        %dma_start3A_90 = tpu.memref_slice %arg9[%dma_start3A_88, %dma_start3A_89] : memref<128x128xf32, #tpu.memory_space<vmem>> -> memref<32x128xf32, #tpu.memory_space<vmem>>
        %dma_start3A_91 = arith.constant 0 : i32
        %dma_start3A_92 = tpu.memref_slice %arg3[%dma_start3A_91, %add3A_82] : memref<32x1000000xf32, #tpu.memory_space<hbm>> -> memref<32x128xf32, #tpu.memory_space<hbm>>
        tpu.enqueue_dma source(%dma_start3A_92 : memref<32x128xf32, #tpu.memory_space<hbm>>) target(%dma_start3A_90 : memref<32x128xf32, #tpu.memory_space<vmem>>) target_semaphore(%arg13 : memref<!tpu.dma_semaphore, #tpu.memory_space<semaphore_mem>>)
        %dma_wait3A_93 = arith.constant 0 : i32
        %dma_wait3A_94 = arith.constant 0 : i32
        %dma_wait3A_95 = tpu.memref_slice %arg8[%dma_wait3A_93, %dma_wait3A_94] : memref<128x128xf32, #tpu.memory_space<vmem>> -> memref<32x128xf32, #tpu.memory_space<vmem>>
        %dma_wait3A_96 = arith.constant 0 : i32
        %dma_wait3A_97 = arith.constant 0 : i32
        %dma_wait3A_98 = tpu.memref_slice %arg2[%dma_wait3A_96, %dma_wait3A_97] : memref<32x1000000xf32, #tpu.memory_space<hbm>> -> memref<32x128xf32, #tpu.memory_space<hbm>>
        %dma_wait3A_99 = arith.constant 0 : i32
        %dma_wait3A_100 = arith.constant 0 : i32
        %dma_wait3A_101 = tpu.memref_slice %arg8[%dma_wait3A_99, %dma_wait3A_100] : memref<128x128xf32, #tpu.memory_space<vmem>> -> memref<32x128xf32, #tpu.memory_space<vmem>>
        %dma_wait3A_102 = arith.constant 0 : i32
        %dma_wait3A_103 = arith.constant 0 : i32
        %dma_wait3A_104 = tpu.memref_slice %arg2[%dma_wait3A_102, %dma_wait3A_103] : memref<32x1000000xf32, #tpu.memory_space<hbm>> -> memref<32x128xf32, #tpu.memory_space<hbm>>
        tpu.wait_dma2 semaphore(%arg12 : memref<!tpu.dma_semaphore, #tpu.memory_space<semaphore_mem>>) src(%dma_wait3A_104 : memref<32x128xf32, #tpu.memory_space<hbm>>) dst(%dma_wait3A_101 : memref<32x128xf32, #tpu.memory_space<vmem>>)
        %dma_wait3A_105 = arith.constant 0 : i32
        %dma_wait3A_106 = arith.constant 0 : i32
        %dma_wait3A_107 = tpu.memref_slice %arg8[%dma_wait3A_105, %dma_wait3A_106] : memref<128x128xf32, #tpu.memory_space<vmem>> -> memref<32x128xf32, #tpu.memory_space<vmem>>
        %dma_wait3A_108 = arith.constant 0 : i32
        %dma_wait3A_109 = arith.constant 0 : i32
        %dma_wait3A_110 = tpu.memref_slice %arg2[%dma_wait3A_108, %dma_wait3A_109] : memref<32x1000000xf32, #tpu.memory_space<hbm>> -> memref<32x128xf32, #tpu.memory_space<hbm>>
        %dma_wait3A_111 = arith.constant 0 : i32
        %dma_wait3A_112 = arith.constant 0 : i32
        %dma_wait3A_113 = tpu.memref_slice %arg8[%dma_wait3A_111, %dma_wait3A_112] : memref<128x128xf32, #tpu.memory_space<vmem>> -> memref<32x128xf32, #tpu.memory_space<vmem>>
        %dma_wait3A_114 = arith.constant 0 : i32
        %dma_wait3A_115 = arith.constant 0 : i32
        %dma_wait3A_116 = tpu.memref_slice %arg2[%dma_wait3A_114, %dma_wait3A_115] : memref<32x1000000xf32, #tpu.memory_space<hbm>> -> memref<32x128xf32, #tpu.memory_space<hbm>>
        tpu.wait_dma2 semaphore(%arg12 : memref<!tpu.dma_semaphore, #tpu.memory_space<semaphore_mem>>) src(%dma_wait3A_116 : memref<32x128xf32, #tpu.memory_space<hbm>>) dst(%dma_wait3A_113 : memref<32x128xf32, #tpu.memory_space<vmem>>)
        %dma_wait3A_117 = arith.constant 0 : i32
        %dma_wait3A_118 = arith.constant 0 : i32
        %dma_wait3A_119 = tpu.memref_slice %arg8[%dma_wait3A_117, %dma_wait3A_118] : memref<128x128xf32, #tpu.memory_space<vmem>> -> memref<32x128xf32, #tpu.memory_space<vmem>>
        %dma_wait3A_120 = arith.constant 0 : i32
        %dma_wait3A_121 = arith.constant 0 : i32
        %dma_wait3A_122 = tpu.memref_slice %arg2[%dma_wait3A_120, %dma_wait3A_121] : memref<32x1000000xf32, #tpu.memory_space<hbm>> -> memref<32x128xf32, #tpu.memory_space<hbm>>
        %dma_wait3A_123 = arith.constant 0 : i32
        %dma_wait3A_124 = arith.constant 0 : i32
        %dma_wait3A_125 = tpu.memref_slice %arg8[%dma_wait3A_123, %dma_wait3A_124] : memref<128x128xf32, #tpu.memory_space<vmem>> -> memref<32x128xf32, #tpu.memory_space<vmem>>
        %dma_wait3A_126 = arith.constant 0 : i32
        %dma_wait3A_127 = arith.constant 0 : i32
        %dma_wait3A_128 = tpu.memref_slice %arg2[%dma_wait3A_126, %dma_wait3A_127] : memref<32x1000000xf32, #tpu.memory_space<hbm>> -> memref<32x128xf32, #tpu.memory_space<hbm>>
        tpu.wait_dma2 semaphore(%arg12 : memref<!tpu.dma_semaphore, #tpu.memory_space<semaphore_mem>>) src(%dma_wait3A_128 : memref<32x128xf32, #tpu.memory_space<hbm>>) dst(%dma_wait3A_125 : memref<32x128xf32, #tpu.memory_space<vmem>>)
        %dma_wait3A_129 = arith.constant 0 : i32
        %dma_wait3A_130 = arith.constant 0 : i32
        %dma_wait3A_131 = tpu.memref_slice %arg8[%dma_wait3A_129, %dma_wait3A_130] : memref<128x128xf32, #tpu.memory_space<vmem>> -> memref<32x128xf32, #tpu.memory_space<vmem>>
        %dma_wait3A_132 = arith.constant 0 : i32
        %dma_wait3A_133 = arith.constant 0 : i32
        %dma_wait3A_134 = tpu.memref_slice %arg2[%dma_wait3A_132, %dma_wait3A_133] : memref<32x1000000xf32, #tpu.memory_space<hbm>> -> memref<32x128xf32, #tpu.memory_space<hbm>>
        %dma_wait3A_135 = arith.constant 0 : i32
        %dma_wait3A_136 = arith.constant 0 : i32
        %dma_wait3A_137 = tpu.memref_slice %arg8[%dma_wait3A_135, %dma_wait3A_136] : memref<128x128xf32, #tpu.memory_space<vmem>> -> memref<32x128xf32, #tpu.memory_space<vmem>>
        %dma_wait3A_138 = arith.constant 0 : i32
        %dma_wait3A_139 = arith.constant 0 : i32
        %dma_wait3A_140 = tpu.memref_slice %arg2[%dma_wait3A_138, %dma_wait3A_139] : memref<32x1000000xf32, #tpu.memory_space<hbm>> -> memref<32x128xf32, #tpu.memory_space<hbm>>
        tpu.wait_dma2 semaphore(%arg12 : memref<!tpu.dma_semaphore, #tpu.memory_space<semaphore_mem>>) src(%dma_wait3A_140 : memref<32x128xf32, #tpu.memory_space<hbm>>) dst(%dma_wait3A_137 : memref<32x128xf32, #tpu.memory_space<vmem>>)
        %gt3A = arith.constant 0 : i32
        %gt3A_141 = arith.cmpi sgt, %scan3A_29, %gt3A : i32
        %convert_element_type3A_142 = arith.extui %gt3A_141 : i1 to i32
        %cond3A_143 = arith.constant 0 : i32
        %cond3A_144 = arith.cmpi ne, %convert_element_type3A_142, %cond3A_143 : i32
        scf.if %cond3A_144 {
          %dma_wait3A_229 = arith.constant 0 : i32
          %dma_wait3A_230 = arith.constant 0 : i32
          %dma_wait3A_231 = tpu.memref_slice %arg6[%dma_wait3A_229, %dma_wait3A_230] : memref<250000x128xf32, #tpu.memory_space<hbm>> -> memref<128x128xf32, #tpu.memory_space<hbm>>
          %dma_wait3A_232 = arith.constant 0 : i32
          %dma_wait3A_233 = arith.constant 0 : i32
          %dma_wait3A_234 = tpu.memref_slice %arg6[%dma_wait3A_232, %dma_wait3A_233] : memref<250000x128xf32, #tpu.memory_space<hbm>> -> memref<128x128xf32, #tpu.memory_space<hbm>>
          tpu.wait_dma2 semaphore(%arg14 : memref<!tpu.dma_semaphore, #tpu.memory_space<semaphore_mem>>) src(%arg10 : memref<128x128xf32, #tpu.memory_space<vmem>>) dst(%dma_wait3A_234 : memref<128x128xf32, #tpu.memory_space<hbm>>)
        } else {
        }
        %scan3A_145 = arith.constant 0 : i32
        %scan3A_146 = arith.constant 0 : i32
        %scan3A_147 = arith.constant 32 : i32
        %scan3A_148 = arith.addi %scan3A_146, %scan3A_147 : i32
        %scan3A_149 = arith.constant 1 : i32
        scf.for %scan3A_229 = %scan3A_146 to %scan3A_148 step %scan3A_149  : i32 {
          %jit3A = arith.constant 8 : i32
          %div3A = arith.divsi %scan3A_229, %jit3A : i32
          %sign3A = arith.constant 0 : i32
          %sign3A_230 = arith.cmpi sgt, %scan3A_229, %sign3A : i32
          %sign3A_231 = arith.extui %sign3A_230 : i1 to i32
          %sign3A_232 = arith.constant 0 : i32
          %sign3A_233 = arith.cmpi slt, %scan3A_229, %sign3A_232 : i32
          %sign3A_234 = arith.extui %sign3A_233 : i1 to i32
          %sign3A_235 = arith.subi %sign3A_231, %sign3A_234 : i32
          %sign3A_236 = arith.constant 0 : i32
          %sign3A_237 = arith.cmpi sgt, %jit3A, %sign3A_236 : i32
          %sign3A_238 = arith.extui %sign3A_237 : i1 to i32
          %sign3A_239 = arith.constant 0 : i32
          %sign3A_240 = arith.cmpi slt, %jit3A, %sign3A_239 : i32
          %sign3A_241 = arith.extui %sign3A_240 : i1 to i32
          %sign3A_242 = arith.subi %sign3A_238, %sign3A_241 : i32
          %ne3A = arith.cmpi ne, %sign3A_235, %sign3A_242 : i32
          %rem3A = arith.remsi %scan3A_229, %jit3A : i32
          %ne3A_243 = arith.constant 0 : i32
          %ne3A_244 = arith.cmpi ne, %rem3A, %ne3A_243 : i32
          %and3A_245 = arith.andi %ne3A, %ne3A_244 : i1
          %sub3A = arith.constant 1 : i32
          %sub3A_246 = arith.subi %div3A, %sub3A : i32
          %select_n3A = arith.select %and3A_245, %sub3A_246, %div3A : i32
          %jit3A_247 = arith.constant 8 : i32
          %eq3A_248 = arith.constant 0 : i32
          %eq3A_249 = arith.cmpi eq, %jit3A_247, %eq3A_248 : i32
          %jit3A_250 = arith.constant 1 : i32
          %select_n3A_251 = arith.select %eq3A_249, %jit3A_250, %jit3A_247 : i32
          %rem3A_252 = arith.remsi %scan3A_229, %select_n3A_251 : i32
          %ne3A_253 = arith.constant 0 : i32
          %ne3A_254 = arith.cmpi ne, %rem3A_252, %ne3A_253 : i32
          %lt3A_255 = arith.constant 0 : i32
          %lt3A_256 = arith.cmpi slt, %rem3A_252, %lt3A_255 : i32
          %lt3A_257 = arith.constant 0 : i32
          %lt3A_258 = arith.cmpi slt, %select_n3A_251, %lt3A_257 : i32
          %ne3A_259 = arith.xori %lt3A_256, %lt3A_258 : i1
          %and3A_260 = arith.andi %ne3A_259, %ne3A_254 : i1
          %add3A_261 = arith.addi %rem3A_252, %select_n3A_251 : i32
          %select_n3A_262 = arith.select %and3A_260, %add3A_261, %rem3A_252 : i32
          %mul3A_263 = arith.constant 16 : i32
          %mul3A_264 = arith.muli %select_n3A_262, %mul3A_263 : i32
          %add3A_265 = vector.broadcast %mul3A_264 : i32 to vector<16xi32>
          %add3A_266 = arith.addi %add3A_265, %iota3A : vector<16xi32>
          %mul3A_267 = arith.constant 32 : i32
          %mul3A_268 = arith.muli %select_n3A, %mul3A_267 : i32
          %mul3A_269 = arith.constant 4 : i32
          %mul3A_270 = arith.muli %select_n3A_262, %mul3A_269 : i32
          %add3A_271 = arith.addi %mul3A_268, %mul3A_270 : i32
          %add3A_272 = vector.broadcast %add3A_271 : i32 to vector<16xi32>
          %add3A_273 = arith.addi %add3A_272, %shift_right_logical3A_2 : vector<16xi32>
          %add3A_274 = arith.constant 0 : i32
          %add3A_275 = vector.broadcast %add3A_274 : i32 to vector<16xi32>
          %add3A_276 = arith.addi %iota3A, %add3A_275 : vector<16xi32>
          %and3A_277 = arith.constant 15 : i32
          %and3A_278 = vector.broadcast %and3A_277 : i32 to vector<16xi32>
          %and3A_279 = arith.andi %add3A_276, %and3A_278 : vector<16xi32>
          %add3A_280 = arith.constant 0 : i32
          %add3A_281 = vector.broadcast %add3A_280 : i32 to vector<16xi32>
          %add3A_282 = arith.addi %add3A_281, %and3A_279 : vector<16xi32>
          %mul3A_283 = arith.constant 32 : i32
          %mul3A_284 = arith.muli %select_n3A, %mul3A_283 : i32
          %add3A_285 = vector.broadcast %mul3A_284 : i32 to vector<16xi32>
          %add3A_286 = arith.addi %add3A_285, %add3A_282 : vector<16xi32>
          %gather3A = tpu.vector_load_idx %arg8[%add3A_286, %add3A_266] : memref<128x128xf32, #tpu.memory_space<vmem>>[vector<16xi32>, vector<16xi32>], vector<16xf32>,
          %add3A_287 = arith.addi %shift_left3A_6, %add3A_282 : vector<16xi32>
          tpu.vector_store_idx %arg10[%add3A_273, %add3A_287], %gather3A : memref<128x128xf32, #tpu.memory_space<vmem>>[vector<16xi32>, vector<16xi32>], vector<16xf32>,
          %add3A_288 = arith.constant 1 : i32
          %add3A_289 = vector.broadcast %add3A_288 : i32 to vector<16xi32>
          %add3A_290 = arith.addi %iota3A, %add3A_289 : vector<16xi32>
          %and3A_291 = arith.constant 15 : i32
          %and3A_292 = vector.broadcast %and3A_291 : i32 to vector<16xi32>
          %and3A_293 = arith.andi %add3A_290, %and3A_292 : vector<16xi32>
          %add3A_294 = arith.constant 0 : i32
          %add3A_295 = vector.broadcast %add3A_294 : i32 to vector<16xi32>
          %add3A_296 = arith.addi %add3A_295, %and3A_293 : vector<16xi32>
          %mul3A_297 = arith.constant 32 : i32
          %mul3A_298 = arith.muli %select_n3A, %mul3A_297 : i32
          %add3A_299 = vector.broadcast %mul3A_298 : i32 to vector<16xi32>
          %add3A_300 = arith.addi %add3A_299, %add3A_296 : vector<16xi32>
          %gather3A_301 = tpu.vector_load_idx %arg8[%add3A_300, %add3A_266] : memref<128x128xf32, #tpu.memory_space<vmem>>[vector<16xi32>, vector<16xi32>], vector<16xf32>,
          %add3A_302 = arith.addi %shift_left3A_6, %add3A_296 : vector<16xi32>
          tpu.vector_store_idx %arg10[%add3A_273, %add3A_302], %gather3A_301 : memref<128x128xf32, #tpu.memory_space<vmem>>[vector<16xi32>, vector<16xi32>], vector<16xf32>,
          %add3A_303 = arith.constant 2 : i32
          %add3A_304 = vector.broadcast %add3A_303 : i32 to vector<16xi32>
          %add3A_305 = arith.addi %iota3A, %add3A_304 : vector<16xi32>
          %and3A_306 = arith.constant 15 : i32
          %and3A_307 = vector.broadcast %and3A_306 : i32 to vector<16xi32>
          %and3A_308 = arith.andi %add3A_305, %and3A_307 : vector<16xi32>
          %add3A_309 = arith.constant 0 : i32
          %add3A_310 = vector.broadcast %add3A_309 : i32 to vector<16xi32>
          %add3A_311 = arith.addi %add3A_310, %and3A_308 : vector<16xi32>
          %mul3A_312 = arith.constant 32 : i32
          %mul3A_313 = arith.muli %select_n3A, %mul3A_312 : i32
          %add3A_314 = vector.broadcast %mul3A_313 : i32 to vector<16xi32>
          %add3A_315 = arith.addi %add3A_314, %add3A_311 : vector<16xi32>
          %gather3A_316 = tpu.vector_load_idx %arg8[%add3A_315, %add3A_266] : memref<128x128xf32, #tpu.memory_space<vmem>>[vector<16xi32>, vector<16xi32>], vector<16xf32>,
          %add3A_317 = arith.addi %shift_left3A_6, %add3A_311 : vector<16xi32>
          tpu.vector_store_idx %arg10[%add3A_273, %add3A_317], %gather3A_316 : memref<128x128xf32, #tpu.memory_space<vmem>>[vector<16xi32>, vector<16xi32>], vector<16xf32>,
          %add3A_318 = arith.constant 3 : i32
          %add3A_319 = vector.broadcast %add3A_318 : i32 to vector<16xi32>
          %add3A_320 = arith.addi %iota3A, %add3A_319 : vector<16xi32>
          %and3A_321 = arith.constant 15 : i32
          %and3A_322 = vector.broadcast %and3A_321 : i32 to vector<16xi32>
          %and3A_323 = arith.andi %add3A_320, %and3A_322 : vector<16xi32>
          %add3A_324 = arith.constant 0 : i32
          %add3A_325 = vector.broadcast %add3A_324 : i32 to vector<16xi32>
          %add3A_326 = arith.addi %add3A_325, %and3A_323 : vector<16xi32>
          %mul3A_327 = arith.constant 32 : i32
          %mul3A_328 = arith.muli %select_n3A, %mul3A_327 : i32
          %add3A_329 = vector.broadcast %mul3A_328 : i32 to vector<16xi32>
          %add3A_330 = arith.addi %add3A_329, %add3A_326 : vector<16xi32>
          %gather3A_331 = tpu.vector_load_idx %arg8[%add3A_330, %add3A_266] : memref<128x128xf32, #tpu.memory_space<vmem>>[vector<16xi32>, vector<16xi32>], vector<16xf32>,
          %add3A_332 = arith.addi %shift_left3A_6, %add3A_326 : vector<16xi32>
          tpu.vector_store_idx %arg10[%add3A_273, %add3A_332], %gather3A_331 : memref<128x128xf32, #tpu.memory_space<vmem>>[vector<16xi32>, vector<16xi32>], vector<16xf32>,
          %add3A_333 = arith.constant 4 : i32
          %add3A_334 = vector.broadcast %add3A_333 : i32 to vector<16xi32>
          %add3A_335 = arith.addi %iota3A, %add3A_334 : vector<16xi32>
          %and3A_336 = arith.constant 15 : i32
          %and3A_337 = vector.broadcast %and3A_336 : i32 to vector<16xi32>
          %and3A_338 = arith.andi %add3A_335, %and3A_337 : vector<16xi32>
          %add3A_339 = arith.constant 0 : i32
          %add3A_340 = vector.broadcast %add3A_339 : i32 to vector<16xi32>
          %add3A_341 = arith.addi %add3A_340, %and3A_338 : vector<16xi32>
          %mul3A_342 = arith.constant 32 : i32
          %mul3A_343 = arith.muli %select_n3A, %mul3A_342 : i32
          %add3A_344 = vector.broadcast %mul3A_343 : i32 to vector<16xi32>
          %add3A_345 = arith.addi %add3A_344, %add3A_341 : vector<16xi32>
          %gather3A_346 = tpu.vector_load_idx %arg8[%add3A_345, %add3A_266] : memref<128x128xf32, #tpu.memory_space<vmem>>[vector<16xi32>, vector<16xi32>], vector<16xf32>,
          %add3A_347 = arith.addi %shift_left3A_6, %add3A_341 : vector<16xi32>
          tpu.vector_store_idx %arg10[%add3A_273, %add3A_347], %gather3A_346 : memref<128x128xf32, #tpu.memory_space<vmem>>[vector<16xi32>, vector<16xi32>], vector<16xf32>,
          %add3A_348 = arith.constant 5 : i32
          %add3A_349 = vector.broadcast %add3A_348 : i32 to vector<16xi32>
          %add3A_350 = arith.addi %iota3A, %add3A_349 : vector<16xi32>
          %and3A_351 = arith.constant 15 : i32
          %and3A_352 = vector.broadcast %and3A_351 : i32 to vector<16xi32>
          %and3A_353 = arith.andi %add3A_350, %and3A_352 : vector<16xi32>
          %add3A_354 = arith.constant 0 : i32
          %add3A_355 = vector.broadcast %add3A_354 : i32 to vector<16xi32>
          %add3A_356 = arith.addi %add3A_355, %and3A_353 : vector<16xi32>
          %mul3A_357 = arith.constant 32 : i32
          %mul3A_358 = arith.muli %select_n3A, %mul3A_357 : i32
          %add3A_359 = vector.broadcast %mul3A_358 : i32 to vector<16xi32>
          %add3A_360 = arith.addi %add3A_359, %add3A_356 : vector<16xi32>
          %gather3A_361 = tpu.vector_load_idx %arg8[%add3A_360, %add3A_266] : memref<128x128xf32, #tpu.memory_space<vmem>>[vector<16xi32>, vector<16xi32>], vector<16xf32>,
          %add3A_362 = arith.addi %shift_left3A_6, %add3A_356 : vector<16xi32>
          tpu.vector_store_idx %arg10[%add3A_273, %add3A_362], %gather3A_361 : memref<128x128xf32, #tpu.memory_space<vmem>>[vector<16xi32>, vector<16xi32>], vector<16xf32>,
          %add3A_363 = arith.constant 6 : i32
          %add3A_364 = vector.broadcast %add3A_363 : i32 to vector<16xi32>
          %add3A_365 = arith.addi %iota3A, %add3A_364 : vector<16xi32>
          %and3A_366 = arith.constant 15 : i32
          %and3A_367 = vector.broadcast %and3A_366 : i32 to vector<16xi32>
          %and3A_368 = arith.andi %add3A_365, %and3A_367 : vector<16xi32>
          %add3A_369 = arith.constant 0 : i32
          %add3A_370 = vector.broadcast %add3A_369 : i32 to vector<16xi32>
          %add3A_371 = arith.addi %add3A_370, %and3A_368 : vector<16xi32>
          %mul3A_372 = arith.constant 32 : i32
          %mul3A_373 = arith.muli %select_n3A, %mul3A_372 : i32
          %add3A_374 = vector.broadcast %mul3A_373 : i32 to vector<16xi32>
          %add3A_375 = arith.addi %add3A_374, %add3A_371 : vector<16xi32>
          %gather3A_376 = tpu.vector_load_idx %arg8[%add3A_375, %add3A_266] : memref<128x128xf32, #tpu.memory_space<vmem>>[vector<16xi32>, vector<16xi32>], vector<16xf32>,
          %add3A_377 = arith.addi %shift_left3A_6, %add3A_371 : vector<16xi32>
          tpu.vector_store_idx %arg10[%add3A_273, %add3A_377], %gather3A_376 : memref<128x128xf32, #tpu.memory_space<vmem>>[vector<16xi32>, vector<16xi32>], vector<16xf32>,
          %add3A_378 = arith.constant 7 : i32
          %add3A_379 = vector.broadcast %add3A_378 : i32 to vector<16xi32>
          %add3A_380 = arith.addi %iota3A, %add3A_379 : vector<16xi32>
          %and3A_381 = arith.constant 15 : i32
          %and3A_382 = vector.broadcast %and3A_381 : i32 to vector<16xi32>
          %and3A_383 = arith.andi %add3A_380, %and3A_382 : vector<16xi32>
          %add3A_384 = arith.constant 0 : i32
          %add3A_385 = vector.broadcast %add3A_384 : i32 to vector<16xi32>
          %add3A_386 = arith.addi %add3A_385, %and3A_383 : vector<16xi32>
          %mul3A_387 = arith.constant 32 : i32
          %mul3A_388 = arith.muli %select_n3A, %mul3A_387 : i32
          %add3A_389 = vector.broadcast %mul3A_388 : i32 to vector<16xi32>
          %add3A_390 = arith.addi %add3A_389, %add3A_386 : vector<16xi32>
          %gather3A_391 = tpu.vector_load_idx %arg8[%add3A_390, %add3A_266] : memref<128x128xf32, #tpu.memory_space<vmem>>[vector<16xi32>, vector<16xi32>], vector<16xf32>,
          %add3A_392 = arith.addi %shift_left3A_6, %add3A_386 : vector<16xi32>
          tpu.vector_store_idx %arg10[%add3A_273, %add3A_392], %gather3A_391 : memref<128x128xf32, #tpu.memory_space<vmem>>[vector<16xi32>, vector<16xi32>], vector<16xf32>,
          %add3A_393 = arith.constant 8 : i32
          %add3A_394 = vector.broadcast %add3A_393 : i32 to vector<16xi32>
          %add3A_395 = arith.addi %iota3A, %add3A_394 : vector<16xi32>
          %and3A_396 = arith.constant 15 : i32
          %and3A_397 = vector.broadcast %and3A_396 : i32 to vector<16xi32>
          %and3A_398 = arith.andi %add3A_395, %and3A_397 : vector<16xi32>
          %add3A_399 = arith.constant 0 : i32
          %add3A_400 = vector.broadcast %add3A_399 : i32 to vector<16xi32>
          %add3A_401 = arith.addi %add3A_400, %and3A_398 : vector<16xi32>
          %mul3A_402 = arith.constant 32 : i32
          %mul3A_403 = arith.muli %select_n3A, %mul3A_402 : i32
          %add3A_404 = vector.broadcast %mul3A_403 : i32 to vector<16xi32>
          %add3A_405 = arith.addi %add3A_404, %add3A_401 : vector<16xi32>
          %gather3A_406 = tpu.vector_load_idx %arg8[%add3A_405, %add3A_266] : memref<128x128xf32, #tpu.memory_space<vmem>>[vector<16xi32>, vector<16xi32>], vector<16xf32>,
          %add3A_407 = arith.addi %shift_left3A_6, %add3A_401 : vector<16xi32>
          tpu.vector_store_idx %arg10[%add3A_273, %add3A_407], %gather3A_406 : memref<128x128xf32, #tpu.memory_space<vmem>>[vector<16xi32>, vector<16xi32>], vector<16xf32>,
          %add3A_408 = arith.constant 9 : i32
          %add3A_409 = vector.broadcast %add3A_408 : i32 to vector<16xi32>
          %add3A_410 = arith.addi %iota3A, %add3A_409 : vector<16xi32>
          %and3A_411 = arith.constant 15 : i32
          %and3A_412 = vector.broadcast %and3A_411 : i32 to vector<16xi32>
          %and3A_413 = arith.andi %add3A_410, %and3A_412 : vector<16xi32>
          %add3A_414 = arith.constant 0 : i32
          %add3A_415 = vector.broadcast %add3A_414 : i32 to vector<16xi32>
          %add3A_416 = arith.addi %add3A_415, %and3A_413 : vector<16xi32>
          %mul3A_417 = arith.constant 32 : i32
          %mul3A_418 = arith.muli %select_n3A, %mul3A_417 : i32
          %add3A_419 = vector.broadcast %mul3A_418 : i32 to vector<16xi32>
          %add3A_420 = arith.addi %add3A_419, %add3A_416 : vector<16xi32>
          %gather3A_421 = tpu.vector_load_idx %arg8[%add3A_420, %add3A_266] : memref<128x128xf32, #tpu.memory_space<vmem>>[vector<16xi32>, vector<16xi32>], vector<16xf32>,
          %add3A_422 = arith.addi %shift_left3A_6, %add3A_416 : vector<16xi32>
          tpu.vector_store_idx %arg10[%add3A_273, %add3A_422], %gather3A_421 : memref<128x128xf32, #tpu.memory_space<vmem>>[vector<16xi32>, vector<16xi32>], vector<16xf32>,
          %add3A_423 = arith.constant 10 : i32
          %add3A_424 = vector.broadcast %add3A_423 : i32 to vector<16xi32>
          %add3A_425 = arith.addi %iota3A, %add3A_424 : vector<16xi32>
          %and3A_426 = arith.constant 15 : i32
          %and3A_427 = vector.broadcast %and3A_426 : i32 to vector<16xi32>
          %and3A_428 = arith.andi %add3A_425, %and3A_427 : vector<16xi32>
          %add3A_429 = arith.constant 0 : i32
          %add3A_430 = vector.broadcast %add3A_429 : i32 to vector<16xi32>
          %add3A_431 = arith.addi %add3A_430, %and3A_428 : vector<16xi32>
          %mul3A_432 = arith.constant 32 : i32
          %mul3A_433 = arith.muli %select_n3A, %mul3A_432 : i32
          %add3A_434 = vector.broadcast %mul3A_433 : i32 to vector<16xi32>
          %add3A_435 = arith.addi %add3A_434, %add3A_431 : vector<16xi32>
          %gather3A_436 = tpu.vector_load_idx %arg8[%add3A_435, %add3A_266] : memref<128x128xf32, #tpu.memory_space<vmem>>[vector<16xi32>, vector<16xi32>], vector<16xf32>,
          %add3A_437 = arith.addi %shift_left3A_6, %add3A_431 : vector<16xi32>
          tpu.vector_store_idx %arg10[%add3A_273, %add3A_437], %gather3A_436 : memref<128x128xf32, #tpu.memory_space<vmem>>[vector<16xi32>, vector<16xi32>], vector<16xf32>,
          %add3A_438 = arith.constant 11 : i32
          %add3A_439 = vector.broadcast %add3A_438 : i32 to vector<16xi32>
          %add3A_440 = arith.addi %iota3A, %add3A_439 : vector<16xi32>
          %and3A_441 = arith.constant 15 : i32
          %and3A_442 = vector.broadcast %and3A_441 : i32 to vector<16xi32>
          %and3A_443 = arith.andi %add3A_440, %and3A_442 : vector<16xi32>
          %add3A_444 = arith.constant 0 : i32
          %add3A_445 = vector.broadcast %add3A_444 : i32 to vector<16xi32>
          %add3A_446 = arith.addi %add3A_445, %and3A_443 : vector<16xi32>
          %mul3A_447 = arith.constant 32 : i32
          %mul3A_448 = arith.muli %select_n3A, %mul3A_447 : i32
          %add3A_449 = vector.broadcast %mul3A_448 : i32 to vector<16xi32>
          %add3A_450 = arith.addi %add3A_449, %add3A_446 : vector<16xi32>
          %gather3A_451 = tpu.vector_load_idx %arg8[%add3A_450, %add3A_266] : memref<128x128xf32, #tpu.memory_space<vmem>>[vector<16xi32>, vector<16xi32>], vector<16xf32>,
          %add3A_452 = arith.addi %shift_left3A_6, %add3A_446 : vector<16xi32>
          tpu.vector_store_idx %arg10[%add3A_273, %add3A_452], %gather3A_451 : memref<128x128xf32, #tpu.memory_space<vmem>>[vector<16xi32>, vector<16xi32>], vector<16xf32>,
          %add3A_453 = arith.constant 12 : i32
          %add3A_454 = vector.broadcast %add3A_453 : i32 to vector<16xi32>
          %add3A_455 = arith.addi %iota3A, %add3A_454 : vector<16xi32>
          %and3A_456 = arith.constant 15 : i32
          %and3A_457 = vector.broadcast %and3A_456 : i32 to vector<16xi32>
          %and3A_458 = arith.andi %add3A_455, %and3A_457 : vector<16xi32>
          %add3A_459 = arith.constant 0 : i32
          %add3A_460 = vector.broadcast %add3A_459 : i32 to vector<16xi32>
          %add3A_461 = arith.addi %add3A_460, %and3A_458 : vector<16xi32>
          %mul3A_462 = arith.constant 32 : i32
          %mul3A_463 = arith.muli %select_n3A, %mul3A_462 : i32
          %add3A_464 = vector.broadcast %mul3A_463 : i32 to vector<16xi32>
          %add3A_465 = arith.addi %add3A_464, %add3A_461 : vector<16xi32>
          %gather3A_466 = tpu.vector_load_idx %arg8[%add3A_465, %add3A_266] : memref<128x128xf32, #tpu.memory_space<vmem>>[vector<16xi32>, vector<16xi32>], vector<16xf32>,
          %add3A_467 = arith.addi %shift_left3A_6, %add3A_461 : vector<16xi32>
          tpu.vector_store_idx %arg10[%add3A_273, %add3A_467], %gather3A_466 : memref<128x128xf32, #tpu.memory_space<vmem>>[vector<16xi32>, vector<16xi32>], vector<16xf32>,
          %add3A_468 = arith.constant 13 : i32
          %add3A_469 = vector.broadcast %add3A_468 : i32 to vector<16xi32>
          %add3A_470 = arith.addi %iota3A, %add3A_469 : vector<16xi32>
          %and3A_471 = arith.constant 15 : i32
          %and3A_472 = vector.broadcast %and3A_471 : i32 to vector<16xi32>
          %and3A_473 = arith.andi %add3A_470, %and3A_472 : vector<16xi32>
          %add3A_474 = arith.constant 0 : i32
          %add3A_475 = vector.broadcast %add3A_474 : i32 to vector<16xi32>
          %add3A_476 = arith.addi %add3A_475, %and3A_473 : vector<16xi32>
          %mul3A_477 = arith.constant 32 : i32
          %mul3A_478 = arith.muli %select_n3A, %mul3A_477 : i32
          %add3A_479 = vector.broadcast %mul3A_478 : i32 to vector<16xi32>
          %add3A_480 = arith.addi %add3A_479, %add3A_476 : vector<16xi32>
          %gather3A_481 = tpu.vector_load_idx %arg8[%add3A_480, %add3A_266] : memref<128x128xf32, #tpu.memory_space<vmem>>[vector<16xi32>, vector<16xi32>], vector<16xf32>,
          %add3A_482 = arith.addi %shift_left3A_6, %add3A_476 : vector<16xi32>
          tpu.vector_store_idx %arg10[%add3A_273, %add3A_482], %gather3A_481 : memref<128x128xf32, #tpu.memory_space<vmem>>[vector<16xi32>, vector<16xi32>], vector<16xf32>,
          %add3A_483 = arith.constant 14 : i32
          %add3A_484 = vector.broadcast %add3A_483 : i32 to vector<16xi32>
          %add3A_485 = arith.addi %iota3A, %add3A_484 : vector<16xi32>
          %and3A_486 = arith.constant 15 : i32
          %and3A_487 = vector.broadcast %and3A_486 : i32 to vector<16xi32>
          %and3A_488 = arith.andi %add3A_485, %and3A_487 : vector<16xi32>
          %add3A_489 = arith.constant 0 : i32
          %add3A_490 = vector.broadcast %add3A_489 : i32 to vector<16xi32>
          %add3A_491 = arith.addi %add3A_490, %and3A_488 : vector<16xi32>
          %mul3A_492 = arith.constant 32 : i32
          %mul3A_493 = arith.muli %select_n3A, %mul3A_492 : i32
          %add3A_494 = vector.broadcast %mul3A_493 : i32 to vector<16xi32>
          %add3A_495 = arith.addi %add3A_494, %add3A_491 : vector<16xi32>
          %gather3A_496 = tpu.vector_load_idx %arg8[%add3A_495, %add3A_266] : memref<128x128xf32, #tpu.memory_space<vmem>>[vector<16xi32>, vector<16xi32>], vector<16xf32>,
          %add3A_497 = arith.addi %shift_left3A_6, %add3A_491 : vector<16xi32>
          tpu.vector_store_idx %arg10[%add3A_273, %add3A_497], %gather3A_496 : memref<128x128xf32, #tpu.memory_space<vmem>>[vector<16xi32>, vector<16xi32>], vector<16xf32>,
          %add3A_498 = arith.constant 15 : i32
          %add3A_499 = vector.broadcast %add3A_498 : i32 to vector<16xi32>
          %add3A_500 = arith.addi %iota3A, %add3A_499 : vector<16xi32>
          %and3A_501 = arith.constant 15 : i32
          %and3A_502 = vector.broadcast %and3A_501 : i32 to vector<16xi32>
          %and3A_503 = arith.andi %add3A_500, %and3A_502 : vector<16xi32>
          %add3A_504 = arith.constant 0 : i32
          %add3A_505 = vector.broadcast %add3A_504 : i32 to vector<16xi32>
          %add3A_506 = arith.addi %add3A_505, %and3A_503 : vector<16xi32>
          %mul3A_507 = arith.constant 32 : i32
          %mul3A_508 = arith.muli %select_n3A, %mul3A_507 : i32
          %add3A_509 = vector.broadcast %mul3A_508 : i32 to vector<16xi32>
          %add3A_510 = arith.addi %add3A_509, %add3A_506 : vector<16xi32>
          %gather3A_511 = tpu.vector_load_idx %arg8[%add3A_510, %add3A_266] : memref<128x128xf32, #tpu.memory_space<vmem>>[vector<16xi32>, vector<16xi32>], vector<16xf32>,
          %add3A_512 = arith.addi %shift_left3A_6, %add3A_506 : vector<16xi32>
          tpu.vector_store_idx %arg10[%add3A_273, %add3A_512], %gather3A_511 : memref<128x128xf32, #tpu.memory_space<vmem>>[vector<16xi32>, vector<16xi32>], vector<16xf32>,
          %add3A_513 = arith.constant 0 : i32
          %add3A_514 = vector.broadcast %add3A_513 : i32 to vector<16xi32>
          %add3A_515 = arith.addi %iota3A, %add3A_514 : vector<16xi32>
          %and3A_516 = arith.constant 15 : i32
          %and3A_517 = vector.broadcast %and3A_516 : i32 to vector<16xi32>
          %and3A_518 = arith.andi %add3A_515, %and3A_517 : vector<16xi32>
          %add3A_519 = arith.constant 16 : i32
          %add3A_520 = vector.broadcast %add3A_519 : i32 to vector<16xi32>
          %add3A_521 = arith.addi %add3A_520, %and3A_518 : vector<16xi32>
          %mul3A_522 = arith.constant 32 : i32
          %mul3A_523 = arith.muli %select_n3A, %mul3A_522 : i32
          %add3A_524 = vector.broadcast %mul3A_523 : i32 to vector<16xi32>
          %add3A_525 = arith.addi %add3A_524, %add3A_521 : vector<16xi32>
          %gather3A_526 = tpu.vector_load_idx %arg8[%add3A_525, %add3A_266] : memref<128x128xf32, #tpu.memory_space<vmem>>[vector<16xi32>, vector<16xi32>], vector<16xf32>,
          %add3A_527 = arith.addi %shift_left3A_6, %add3A_521 : vector<16xi32>
          tpu.vector_store_idx %arg10[%add3A_273, %add3A_527], %gather3A_526 : memref<128x128xf32, #tpu.memory_space<vmem>>[vector<16xi32>, vector<16xi32>], vector<16xf32>,
          %add3A_528 = arith.constant 1 : i32
          %add3A_529 = vector.broadcast %add3A_528 : i32 to vector<16xi32>
          %add3A_530 = arith.addi %iota3A, %add3A_529 : vector<16xi32>
          %and3A_531 = arith.constant 15 : i32
          %and3A_532 = vector.broadcast %and3A_531 : i32 to vector<16xi32>
          %and3A_533 = arith.andi %add3A_530, %and3A_532 : vector<16xi32>
          %add3A_534 = arith.constant 16 : i32
          %add3A_535 = vector.broadcast %add3A_534 : i32 to vector<16xi32>
          %add3A_536 = arith.addi %add3A_535, %and3A_533 : vector<16xi32>
          %mul3A_537 = arith.constant 32 : i32
          %mul3A_538 = arith.muli %select_n3A, %mul3A_537 : i32
          %add3A_539 = vector.broadcast %mul3A_538 : i32 to vector<16xi32>
          %add3A_540 = arith.addi %add3A_539, %add3A_536 : vector<16xi32>
          %gather3A_541 = tpu.vector_load_idx %arg8[%add3A_540, %add3A_266] : memref<128x128xf32, #tpu.memory_space<vmem>>[vector<16xi32>, vector<16xi32>], vector<16xf32>,
          %add3A_542 = arith.addi %shift_left3A_6, %add3A_536 : vector<16xi32>
          tpu.vector_store_idx %arg10[%add3A_273, %add3A_542], %gather3A_541 : memref<128x128xf32, #tpu.memory_space<vmem>>[vector<16xi32>, vector<16xi32>], vector<16xf32>,
          %add3A_543 = arith.constant 2 : i32
          %add3A_544 = vector.broadcast %add3A_543 : i32 to vector<16xi32>
          %add3A_545 = arith.addi %iota3A, %add3A_544 : vector<16xi32>
          %and3A_546 = arith.constant 15 : i32
          %and3A_547 = vector.broadcast %and3A_546 : i32 to vector<16xi32>
          %and3A_548 = arith.andi %add3A_545, %and3A_547 : vector<16xi32>
          %add3A_549 = arith.constant 16 : i32
          %add3A_550 = vector.broadcast %add3A_549 : i32 to vector<16xi32>
          %add3A_551 = arith.addi %add3A_550, %and3A_548 : vector<16xi32>
          %mul3A_552 = arith.constant 32 : i32
          %mul3A_553 = arith.muli %select_n3A, %mul3A_552 : i32
          %add3A_554 = vector.broadcast %mul3A_553 : i32 to vector<16xi32>
          %add3A_555 = arith.addi %add3A_554, %add3A_551 : vector<16xi32>
          %gather3A_556 = tpu.vector_load_idx %arg8[%add3A_555, %add3A_266] : memref<128x128xf32, #tpu.memory_space<vmem>>[vector<16xi32>, vector<16xi32>], vector<16xf32>,
          %add3A_557 = arith.addi %shift_left3A_6, %add3A_551 : vector<16xi32>
          tpu.vector_store_idx %arg10[%add3A_273, %add3A_557], %gather3A_556 : memref<128x128xf32, #tpu.memory_space<vmem>>[vector<16xi32>, vector<16xi32>], vector<16xf32>,
          %add3A_558 = arith.constant 3 : i32
          %add3A_559 = vector.broadcast %add3A_558 : i32 to vector<16xi32>
          %add3A_560 = arith.addi %iota3A, %add3A_559 : vector<16xi32>
          %and3A_561 = arith.constant 15 : i32
          %and3A_562 = vector.broadcast %and3A_561 : i32 to vector<16xi32>
          %and3A_563 = arith.andi %add3A_560, %and3A_562 : vector<16xi32>
          %add3A_564 = arith.constant 16 : i32
          %add3A_565 = vector.broadcast %add3A_564 : i32 to vector<16xi32>
          %add3A_566 = arith.addi %add3A_565, %and3A_563 : vector<16xi32>
          %mul3A_567 = arith.constant 32 : i32
          %mul3A_568 = arith.muli %select_n3A, %mul3A_567 : i32
          %add3A_569 = vector.broadcast %mul3A_568 : i32 to vector<16xi32>
          %add3A_570 = arith.addi %add3A_569, %add3A_566 : vector<16xi32>
          %gather3A_571 = tpu.vector_load_idx %arg8[%add3A_570, %add3A_266] : memref<128x128xf32, #tpu.memory_space<vmem>>[vector<16xi32>, vector<16xi32>], vector<16xf32>,
          %add3A_572 = arith.addi %shift_left3A_6, %add3A_566 : vector<16xi32>
          tpu.vector_store_idx %arg10[%add3A_273, %add3A_572], %gather3A_571 : memref<128x128xf32, #tpu.memory_space<vmem>>[vector<16xi32>, vector<16xi32>], vector<16xf32>,
          %add3A_573 = arith.constant 4 : i32
          %add3A_574 = vector.broadcast %add3A_573 : i32 to vector<16xi32>
          %add3A_575 = arith.addi %iota3A, %add3A_574 : vector<16xi32>
          %and3A_576 = arith.constant 15 : i32
          %and3A_577 = vector.broadcast %and3A_576 : i32 to vector<16xi32>
          %and3A_578 = arith.andi %add3A_575, %and3A_577 : vector<16xi32>
          %add3A_579 = arith.constant 16 : i32
          %add3A_580 = vector.broadcast %add3A_579 : i32 to vector<16xi32>
          %add3A_581 = arith.addi %add3A_580, %and3A_578 : vector<16xi32>
          %mul3A_582 = arith.constant 32 : i32
          %mul3A_583 = arith.muli %select_n3A, %mul3A_582 : i32
          %add3A_584 = vector.broadcast %mul3A_583 : i32 to vector<16xi32>
          %add3A_585 = arith.addi %add3A_584, %add3A_581 : vector<16xi32>
          %gather3A_586 = tpu.vector_load_idx %arg8[%add3A_585, %add3A_266] : memref<128x128xf32, #tpu.memory_space<vmem>>[vector<16xi32>, vector<16xi32>], vector<16xf32>,
          %add3A_587 = arith.addi %shift_left3A_6, %add3A_581 : vector<16xi32>
          tpu.vector_store_idx %arg10[%add3A_273, %add3A_587], %gather3A_586 : memref<128x128xf32, #tpu.memory_space<vmem>>[vector<16xi32>, vector<16xi32>], vector<16xf32>,
          %add3A_588 = arith.constant 5 : i32
          %add3A_589 = vector.broadcast %add3A_588 : i32 to vector<16xi32>
          %add3A_590 = arith.addi %iota3A, %add3A_589 : vector<16xi32>
          %and3A_591 = arith.constant 15 : i32
          %and3A_592 = vector.broadcast %and3A_591 : i32 to vector<16xi32>
          %and3A_593 = arith.andi %add3A_590, %and3A_592 : vector<16xi32>
          %add3A_594 = arith.constant 16 : i32
          %add3A_595 = vector.broadcast %add3A_594 : i32 to vector<16xi32>
          %add3A_596 = arith.addi %add3A_595, %and3A_593 : vector<16xi32>
          %mul3A_597 = arith.constant 32 : i32
          %mul3A_598 = arith.muli %select_n3A, %mul3A_597 : i32
          %add3A_599 = vector.broadcast %mul3A_598 : i32 to vector<16xi32>
          %add3A_600 = arith.addi %add3A_599, %add3A_596 : vector<16xi32>
          %gather3A_601 = tpu.vector_load_idx %arg8[%add3A_600, %add3A_266] : memref<128x128xf32, #tpu.memory_space<vmem>>[vector<16xi32>, vector<16xi32>], vector<16xf32>,
          %add3A_602 = arith.addi %shift_left3A_6, %add3A_596 : vector<16xi32>
          tpu.vector_store_idx %arg10[%add3A_273, %add3A_602], %gather3A_601 : memref<128x128xf32, #tpu.memory_space<vmem>>[vector<16xi32>, vector<16xi32>], vector<16xf32>,
          %add3A_603 = arith.constant 6 : i32
          %add3A_604 = vector.broadcast %add3A_603 : i32 to vector<16xi32>
          %add3A_605 = arith.addi %iota3A, %add3A_604 : vector<16xi32>
          %and3A_606 = arith.constant 15 : i32
          %and3A_607 = vector.broadcast %and3A_606 : i32 to vector<16xi32>
          %and3A_608 = arith.andi %add3A_605, %and3A_607 : vector<16xi32>
          %add3A_609 = arith.constant 16 : i32
          %add3A_610 = vector.broadcast %add3A_609 : i32 to vector<16xi32>
          %add3A_611 = arith.addi %add3A_610, %and3A_608 : vector<16xi32>
          %mul3A_612 = arith.constant 32 : i32
          %mul3A_613 = arith.muli %select_n3A, %mul3A_612 : i32
          %add3A_614 = vector.broadcast %mul3A_613 : i32 to vector<16xi32>
          %add3A_615 = arith.addi %add3A_614, %add3A_611 : vector<16xi32>
          %gather3A_616 = tpu.vector_load_idx %arg8[%add3A_615, %add3A_266] : memref<128x128xf32, #tpu.memory_space<vmem>>[vector<16xi32>, vector<16xi32>], vector<16xf32>,
          %add3A_617 = arith.addi %shift_left3A_6, %add3A_611 : vector<16xi32>
          tpu.vector_store_idx %arg10[%add3A_273, %add3A_617], %gather3A_616 : memref<128x128xf32, #tpu.memory_space<vmem>>[vector<16xi32>, vector<16xi32>], vector<16xf32>,
          %add3A_618 = arith.constant 7 : i32
          %add3A_619 = vector.broadcast %add3A_618 : i32 to vector<16xi32>
          %add3A_620 = arith.addi %iota3A, %add3A_619 : vector<16xi32>
          %and3A_621 = arith.constant 15 : i32
          %and3A_622 = vector.broadcast %and3A_621 : i32 to vector<16xi32>
          %and3A_623 = arith.andi %add3A_620, %and3A_622 : vector<16xi32>
          %add3A_624 = arith.constant 16 : i32
          %add3A_625 = vector.broadcast %add3A_624 : i32 to vector<16xi32>
          %add3A_626 = arith.addi %add3A_625, %and3A_623 : vector<16xi32>
          %mul3A_627 = arith.constant 32 : i32
          %mul3A_628 = arith.muli %select_n3A, %mul3A_627 : i32
          %add3A_629 = vector.broadcast %mul3A_628 : i32 to vector<16xi32>
          %add3A_630 = arith.addi %add3A_629, %add3A_626 : vector<16xi32>
          %gather3A_631 = tpu.vector_load_idx %arg8[%add3A_630, %add3A_266] : memref<128x128xf32, #tpu.memory_space<vmem>>[vector<16xi32>, vector<16xi32>], vector<16xf32>,
          %add3A_632 = arith.addi %shift_left3A_6, %add3A_626 : vector<16xi32>
          tpu.vector_store_idx %arg10[%add3A_273, %add3A_632], %gather3A_631 : memref<128x128xf32, #tpu.memory_space<vmem>>[vector<16xi32>, vector<16xi32>], vector<16xf32>,
          %add3A_633 = arith.constant 8 : i32
          %add3A_634 = vector.broadcast %add3A_633 : i32 to vector<16xi32>
          %add3A_635 = arith.addi %iota3A, %add3A_634 : vector<16xi32>
          %and3A_636 = arith.constant 15 : i32
          %and3A_637 = vector.broadcast %and3A_636 : i32 to vector<16xi32>
          %and3A_638 = arith.andi %add3A_635, %and3A_637 : vector<16xi32>
          %add3A_639 = arith.constant 16 : i32
          %add3A_640 = vector.broadcast %add3A_639 : i32 to vector<16xi32>
          %add3A_641 = arith.addi %add3A_640, %and3A_638 : vector<16xi32>
          %mul3A_642 = arith.constant 32 : i32
          %mul3A_643 = arith.muli %select_n3A, %mul3A_642 : i32
          %add3A_644 = vector.broadcast %mul3A_643 : i32 to vector<16xi32>
          %add3A_645 = arith.addi %add3A_644, %add3A_641 : vector<16xi32>
          %gather3A_646 = tpu.vector_load_idx %arg8[%add3A_645, %add3A_266] : memref<128x128xf32, #tpu.memory_space<vmem>>[vector<16xi32>, vector<16xi32>], vector<16xf32>,
          %add3A_647 = arith.addi %shift_left3A_6, %add3A_641 : vector<16xi32>
          tpu.vector_store_idx %arg10[%add3A_273, %add3A_647], %gather3A_646 : memref<128x128xf32, #tpu.memory_space<vmem>>[vector<16xi32>, vector<16xi32>], vector<16xf32>,
          %add3A_648 = arith.constant 9 : i32
          %add3A_649 = vector.broadcast %add3A_648 : i32 to vector<16xi32>
          %add3A_650 = arith.addi %iota3A, %add3A_649 : vector<16xi32>
          %and3A_651 = arith.constant 15 : i32
          %and3A_652 = vector.broadcast %and3A_651 : i32 to vector<16xi32>
          %and3A_653 = arith.andi %add3A_650, %and3A_652 : vector<16xi32>
          %add3A_654 = arith.constant 16 : i32
          %add3A_655 = vector.broadcast %add3A_654 : i32 to vector<16xi32>
          %add3A_656 = arith.addi %add3A_655, %and3A_653 : vector<16xi32>
          %mul3A_657 = arith.constant 32 : i32
          %mul3A_658 = arith.muli %select_n3A, %mul3A_657 : i32
          %add3A_659 = vector.broadcast %mul3A_658 : i32 to vector<16xi32>
          %add3A_660 = arith.addi %add3A_659, %add3A_656 : vector<16xi32>
          %gather3A_661 = tpu.vector_load_idx %arg8[%add3A_660, %add3A_266] : memref<128x128xf32, #tpu.memory_space<vmem>>[vector<16xi32>, vector<16xi32>], vector<16xf32>,
          %add3A_662 = arith.addi %shift_left3A_6, %add3A_656 : vector<16xi32>
          tpu.vector_store_idx %arg10[%add3A_273, %add3A_662], %gather3A_661 : memref<128x128xf32, #tpu.memory_space<vmem>>[vector<16xi32>, vector<16xi32>], vector<16xf32>,
          %add3A_663 = arith.constant 10 : i32
          %add3A_664 = vector.broadcast %add3A_663 : i32 to vector<16xi32>
          %add3A_665 = arith.addi %iota3A, %add3A_664 : vector<16xi32>
          %and3A_666 = arith.constant 15 : i32
          %and3A_667 = vector.broadcast %and3A_666 : i32 to vector<16xi32>
          %and3A_668 = arith.andi %add3A_665, %and3A_667 : vector<16xi32>
          %add3A_669 = arith.constant 16 : i32
          %add3A_670 = vector.broadcast %add3A_669 : i32 to vector<16xi32>
          %add3A_671 = arith.addi %add3A_670, %and3A_668 : vector<16xi32>
          %mul3A_672 = arith.constant 32 : i32
          %mul3A_673 = arith.muli %select_n3A, %mul3A_672 : i32
          %add3A_674 = vector.broadcast %mul3A_673 : i32 to vector<16xi32>
          %add3A_675 = arith.addi %add3A_674, %add3A_671 : vector<16xi32>
          %gather3A_676 = tpu.vector_load_idx %arg8[%add3A_675, %add3A_266] : memref<128x128xf32, #tpu.memory_space<vmem>>[vector<16xi32>, vector<16xi32>], vector<16xf32>,
          %add3A_677 = arith.addi %shift_left3A_6, %add3A_671 : vector<16xi32>
          tpu.vector_store_idx %arg10[%add3A_273, %add3A_677], %gather3A_676 : memref<128x128xf32, #tpu.memory_space<vmem>>[vector<16xi32>, vector<16xi32>], vector<16xf32>,
          %add3A_678 = arith.constant 11 : i32
          %add3A_679 = vector.broadcast %add3A_678 : i32 to vector<16xi32>
          %add3A_680 = arith.addi %iota3A, %add3A_679 : vector<16xi32>
          %and3A_681 = arith.constant 15 : i32
          %and3A_682 = vector.broadcast %and3A_681 : i32 to vector<16xi32>
          %and3A_683 = arith.andi %add3A_680, %and3A_682 : vector<16xi32>
          %add3A_684 = arith.constant 16 : i32
          %add3A_685 = vector.broadcast %add3A_684 : i32 to vector<16xi32>
          %add3A_686 = arith.addi %add3A_685, %and3A_683 : vector<16xi32>
          %mul3A_687 = arith.constant 32 : i32
          %mul3A_688 = arith.muli %select_n3A, %mul3A_687 : i32
          %add3A_689 = vector.broadcast %mul3A_688 : i32 to vector<16xi32>
          %add3A_690 = arith.addi %add3A_689, %add3A_686 : vector<16xi32>
          %gather3A_691 = tpu.vector_load_idx %arg8[%add3A_690, %add3A_266] : memref<128x128xf32, #tpu.memory_space<vmem>>[vector<16xi32>, vector<16xi32>], vector<16xf32>,
          %add3A_692 = arith.addi %shift_left3A_6, %add3A_686 : vector<16xi32>
          tpu.vector_store_idx %arg10[%add3A_273, %add3A_692], %gather3A_691 : memref<128x128xf32, #tpu.memory_space<vmem>>[vector<16xi32>, vector<16xi32>], vector<16xf32>,
          %add3A_693 = arith.constant 12 : i32
          %add3A_694 = vector.broadcast %add3A_693 : i32 to vector<16xi32>
          %add3A_695 = arith.addi %iota3A, %add3A_694 : vector<16xi32>
          %and3A_696 = arith.constant 15 : i32
          %and3A_697 = vector.broadcast %and3A_696 : i32 to vector<16xi32>
          %and3A_698 = arith.andi %add3A_695, %and3A_697 : vector<16xi32>
          %add3A_699 = arith.constant 16 : i32
          %add3A_700 = vector.broadcast %add3A_699 : i32 to vector<16xi32>
          %add3A_701 = arith.addi %add3A_700, %and3A_698 : vector<16xi32>
          %mul3A_702 = arith.constant 32 : i32
          %mul3A_703 = arith.muli %select_n3A, %mul3A_702 : i32
          %add3A_704 = vector.broadcast %mul3A_703 : i32 to vector<16xi32>
          %add3A_705 = arith.addi %add3A_704, %add3A_701 : vector<16xi32>
          %gather3A_706 = tpu.vector_load_idx %arg8[%add3A_705, %add3A_266] : memref<128x128xf32, #tpu.memory_space<vmem>>[vector<16xi32>, vector<16xi32>], vector<16xf32>,
          %add3A_707 = arith.addi %shift_left3A_6, %add3A_701 : vector<16xi32>
          tpu.vector_store_idx %arg10[%add3A_273, %add3A_707], %gather3A_706 : memref<128x128xf32, #tpu.memory_space<vmem>>[vector<16xi32>, vector<16xi32>], vector<16xf32>,
          %add3A_708 = arith.constant 13 : i32
          %add3A_709 = vector.broadcast %add3A_708 : i32 to vector<16xi32>
          %add3A_710 = arith.addi %iota3A, %add3A_709 : vector<16xi32>
          %and3A_711 = arith.constant 15 : i32
          %and3A_712 = vector.broadcast %and3A_711 : i32 to vector<16xi32>
          %and3A_713 = arith.andi %add3A_710, %and3A_712 : vector<16xi32>
          %add3A_714 = arith.constant 16 : i32
          %add3A_715 = vector.broadcast %add3A_714 : i32 to vector<16xi32>
          %add3A_716 = arith.addi %add3A_715, %and3A_713 : vector<16xi32>
          %mul3A_717 = arith.constant 32 : i32
          %mul3A_718 = arith.muli %select_n3A, %mul3A_717 : i32
          %add3A_719 = vector.broadcast %mul3A_718 : i32 to vector<16xi32>
          %add3A_720 = arith.addi %add3A_719, %add3A_716 : vector<16xi32>
          %gather3A_721 = tpu.vector_load_idx %arg8[%add3A_720, %add3A_266] : memref<128x128xf32, #tpu.memory_space<vmem>>[vector<16xi32>, vector<16xi32>], vector<16xf32>,
          %add3A_722 = arith.addi %shift_left3A_6, %add3A_716 : vector<16xi32>
          tpu.vector_store_idx %arg10[%add3A_273, %add3A_722], %gather3A_721 : memref<128x128xf32, #tpu.memory_space<vmem>>[vector<16xi32>, vector<16xi32>], vector<16xf32>,
          %add3A_723 = arith.constant 14 : i32
          %add3A_724 = vector.broadcast %add3A_723 : i32 to vector<16xi32>
          %add3A_725 = arith.addi %iota3A, %add3A_724 : vector<16xi32>
          %and3A_726 = arith.constant 15 : i32
          %and3A_727 = vector.broadcast %and3A_726 : i32 to vector<16xi32>
          %and3A_728 = arith.andi %add3A_725, %and3A_727 : vector<16xi32>
          %add3A_729 = arith.constant 16 : i32
          %add3A_730 = vector.broadcast %add3A_729 : i32 to vector<16xi32>
          %add3A_731 = arith.addi %add3A_730, %and3A_728 : vector<16xi32>
          %mul3A_732 = arith.constant 32 : i32
          %mul3A_733 = arith.muli %select_n3A, %mul3A_732 : i32
          %add3A_734 = vector.broadcast %mul3A_733 : i32 to vector<16xi32>
          %add3A_735 = arith.addi %add3A_734, %add3A_731 : vector<16xi32>
          %gather3A_736 = tpu.vector_load_idx %arg8[%add3A_735, %add3A_266] : memref<128x128xf32, #tpu.memory_space<vmem>>[vector<16xi32>, vector<16xi32>], vector<16xf32>,
          %add3A_737 = arith.addi %shift_left3A_6, %add3A_731 : vector<16xi32>
          tpu.vector_store_idx %arg10[%add3A_273, %add3A_737], %gather3A_736 : memref<128x128xf32, #tpu.memory_space<vmem>>[vector<16xi32>, vector<16xi32>], vector<16xf32>,
          %add3A_738 = arith.constant 15 : i32
          %add3A_739 = vector.broadcast %add3A_738 : i32 to vector<16xi32>
          %add3A_740 = arith.addi %iota3A, %add3A_739 : vector<16xi32>
          %and3A_741 = arith.constant 15 : i32
          %and3A_742 = vector.broadcast %and3A_741 : i32 to vector<16xi32>
          %and3A_743 = arith.andi %add3A_740, %and3A_742 : vector<16xi32>
          %add3A_744 = arith.constant 16 : i32
          %add3A_745 = vector.broadcast %add3A_744 : i32 to vector<16xi32>
          %add3A_746 = arith.addi %add3A_745, %and3A_743 : vector<16xi32>
          %mul3A_747 = arith.constant 32 : i32
          %mul3A_748 = arith.muli %select_n3A, %mul3A_747 : i32
          %add3A_749 = vector.broadcast %mul3A_748 : i32 to vector<16xi32>
          %add3A_750 = arith.addi %add3A_749, %add3A_746 : vector<16xi32>
          %gather3A_751 = tpu.vector_load_idx %arg8[%add3A_750, %add3A_266] : memref<128x128xf32, #tpu.memory_space<vmem>>[vector<16xi32>, vector<16xi32>], vector<16xf32>,
          %add3A_752 = arith.addi %shift_left3A_6, %add3A_746 : vector<16xi32>
          tpu.vector_store_idx %arg10[%add3A_273, %add3A_752], %gather3A_751 : memref<128x128xf32, #tpu.memory_space<vmem>>[vector<16xi32>, vector<16xi32>], vector<16xf32>,
        }
        %scan3A_150 = arith.constant 32 : i32
        %mul3A_151 = arith.constant 128 : i32
        %mul3A_152 = arith.muli %add3A_32, %mul3A_151 : i32
        %dma_start3A_153 = arith.constant 0 : i32
        %dma_start3A_154 = tpu.memref_slice %arg6[%mul3A_152, %dma_start3A_153] : memref<250000x128xf32, #tpu.memory_space<hbm>> -> memref<128x128xf32, #tpu.memory_space<hbm>>
        %dma_start3A_155 = arith.constant 0 : i32
        %dma_start3A_156 = tpu.memref_slice %arg6[%mul3A_152, %dma_start3A_155] : memref<250000x128xf32, #tpu.memory_space<hbm>> -> memref<128x128xf32, #tpu.memory_space<hbm>>
        tpu.enqueue_dma source(%arg10 : memref<128x128xf32, #tpu.memory_space<vmem>>) target(%dma_start3A_156 : memref<128x128xf32, #tpu.memory_space<hbm>>) target_semaphore(%arg14 : memref<!tpu.dma_semaphore, #tpu.memory_space<semaphore_mem>>)
        %add3A_157 = arith.constant 32 : i32
        %add3A_158 = arith.addi %add3A_32, %add3A_157 : i32
        %lt3A_159 = arith.constant 1953 : i32
        %lt3A_160 = arith.cmpi slt, %add3A_158, %lt3A_159 : i32
        %convert_element_type3A_161 = arith.extui %lt3A_160 : i1 to i32
        %cond3A_162 = arith.constant 0 : i32
        %cond3A_163 = arith.cmpi ne, %convert_element_type3A_161, %cond3A_162 : i32
        scf.if %cond3A_163 {
          %add3A_229 = arith.constant 32 : i32
          %add3A_230 = arith.addi %add3A_32, %add3A_229 : i32
          %mul3A_231 = arith.constant 512 : i32
          %mul3A_232 = arith.muli %add3A_230, %mul3A_231 : i32
          %add3A_233 = arith.constant 0 : i32
          %add3A_234 = arith.addi %mul3A_232, %add3A_233 : i32
          %dma_start3A_235 = arith.constant 0 : i32
          %dma_start3A_236 = arith.constant 0 : i32
          %dma_start3A_237 = tpu.memref_slice %arg8[%dma_start3A_235, %dma_start3A_236] : memref<128x128xf32, #tpu.memory_space<vmem>> -> memref<32x128xf32, #tpu.memory_space<vmem>>
          %dma_start3A_238 = arith.constant 0 : i32
          %dma_start3A_239 = tpu.memref_slice %arg2[%dma_start3A_238, %add3A_234] : memref<32x1000000xf32, #tpu.memory_space<hbm>> -> memref<32x128xf32, #tpu.memory_space<hbm>>
          %dma_start3A_240 = arith.constant 0 : i32
          %dma_start3A_241 = arith.constant 0 : i32
          %dma_start3A_242 = tpu.memref_slice %arg8[%dma_start3A_240, %dma_start3A_241] : memref<128x128xf32, #tpu.memory_space<vmem>> -> memref<32x128xf32, #tpu.memory_space<vmem>>
          %dma_start3A_243 = arith.constant 0 : i32
          %dma_start3A_244 = tpu.memref_slice %arg2[%dma_start3A_243, %add3A_234] : memref<32x1000000xf32, #tpu.memory_space<hbm>> -> memref<32x128xf32, #tpu.memory_space<hbm>>
          tpu.enqueue_dma source(%dma_start3A_244 : memref<32x128xf32, #tpu.memory_space<hbm>>) target(%dma_start3A_242 : memref<32x128xf32, #tpu.memory_space<vmem>>) target_semaphore(%arg12 : memref<!tpu.dma_semaphore, #tpu.memory_space<semaphore_mem>>)
          %mul3A_245 = arith.constant 512 : i32
          %mul3A_246 = arith.muli %add3A_230, %mul3A_245 : i32
          %add3A_247 = arith.constant 128 : i32
          %add3A_248 = arith.addi %mul3A_246, %add3A_247 : i32
          %dma_start3A_249 = arith.constant 32 : i32
          %dma_start3A_250 = arith.constant 0 : i32
          %dma_start3A_251 = tpu.memref_slice %arg8[%dma_start3A_249, %dma_start3A_250] : memref<128x128xf32, #tpu.memory_space<vmem>> -> memref<32x128xf32, #tpu.memory_space<vmem>>
          %dma_start3A_252 = arith.constant 0 : i32
          %dma_start3A_253 = tpu.memref_slice %arg2[%dma_start3A_252, %add3A_248] : memref<32x1000000xf32, #tpu.memory_space<hbm>> -> memref<32x128xf32, #tpu.memory_space<hbm>>
          %dma_start3A_254 = arith.constant 32 : i32
          %dma_start3A_255 = arith.constant 0 : i32
          %dma_start3A_256 = tpu.memref_slice %arg8[%dma_start3A_254, %dma_start3A_255] : memref<128x128xf32, #tpu.memory_space<vmem>> -> memref<32x128xf32, #tpu.memory_space<vmem>>
          %dma_start3A_257 = arith.constant 0 : i32
          %dma_start3A_258 = tpu.memref_slice %arg2[%dma_start3A_257, %add3A_248] : memref<32x1000000xf32, #tpu.memory_space<hbm>> -> memref<32x128xf32, #tpu.memory_space<hbm>>
          tpu.enqueue_dma source(%dma_start3A_258 : memref<32x128xf32, #tpu.memory_space<hbm>>) target(%dma_start3A_256 : memref<32x128xf32, #tpu.memory_space<vmem>>) target_semaphore(%arg12 : memref<!tpu.dma_semaphore, #tpu.memory_space<semaphore_mem>>)
          %mul3A_259 = arith.constant 512 : i32
          %mul3A_260 = arith.muli %add3A_230, %mul3A_259 : i32
          %add3A_261 = arith.constant 256 : i32
          %add3A_262 = arith.addi %mul3A_260, %add3A_261 : i32
          %dma_start3A_263 = arith.constant 64 : i32
          %dma_start3A_264 = arith.constant 0 : i32
          %dma_start3A_265 = tpu.memref_slice %arg8[%dma_start3A_263, %dma_start3A_264] : memref<128x128xf32, #tpu.memory_space<vmem>> -> memref<32x128xf32, #tpu.memory_space<vmem>>
          %dma_start3A_266 = arith.constant 0 : i32
          %dma_start3A_267 = tpu.memref_slice %arg2[%dma_start3A_266, %add3A_262] : memref<32x1000000xf32, #tpu.memory_space<hbm>> -> memref<32x128xf32, #tpu.memory_space<hbm>>
          %dma_start3A_268 = arith.constant 64 : i32
          %dma_start3A_269 = arith.constant 0 : i32
          %dma_start3A_270 = tpu.memref_slice %arg8[%dma_start3A_268, %dma_start3A_269] : memref<128x128xf32, #tpu.memory_space<vmem>> -> memref<32x128xf32, #tpu.memory_space<vmem>>
          %dma_start3A_271 = arith.constant 0 : i32
          %dma_start3A_272 = tpu.memref_slice %arg2[%dma_start3A_271, %add3A_262] : memref<32x1000000xf32, #tpu.memory_space<hbm>> -> memref<32x128xf32, #tpu.memory_space<hbm>>
          tpu.enqueue_dma source(%dma_start3A_272 : memref<32x128xf32, #tpu.memory_space<hbm>>) target(%dma_start3A_270 : memref<32x128xf32, #tpu.memory_space<vmem>>) target_semaphore(%arg12 : memref<!tpu.dma_semaphore, #tpu.memory_space<semaphore_mem>>)
          %mul3A_273 = arith.constant 512 : i32
          %mul3A_274 = arith.muli %add3A_230, %mul3A_273 : i32
          %add3A_275 = arith.constant 384 : i32
          %add3A_276 = arith.addi %mul3A_274, %add3A_275 : i32
          %dma_start3A_277 = arith.constant 96 : i32
          %dma_start3A_278 = arith.constant 0 : i32
          %dma_start3A_279 = tpu.memref_slice %arg8[%dma_start3A_277, %dma_start3A_278] : memref<128x128xf32, #tpu.memory_space<vmem>> -> memref<32x128xf32, #tpu.memory_space<vmem>>
          %dma_start3A_280 = arith.constant 0 : i32
          %dma_start3A_281 = tpu.memref_slice %arg2[%dma_start3A_280, %add3A_276] : memref<32x1000000xf32, #tpu.memory_space<hbm>> -> memref<32x128xf32, #tpu.memory_space<hbm>>
          %dma_start3A_282 = arith.constant 96 : i32
          %dma_start3A_283 = arith.constant 0 : i32
          %dma_start3A_284 = tpu.memref_slice %arg8[%dma_start3A_282, %dma_start3A_283] : memref<128x128xf32, #tpu.memory_space<vmem>> -> memref<32x128xf32, #tpu.memory_space<vmem>>
          %dma_start3A_285 = arith.constant 0 : i32
          %dma_start3A_286 = tpu.memref_slice %arg2[%dma_start3A_285, %add3A_276] : memref<32x1000000xf32, #tpu.memory_space<hbm>> -> memref<32x128xf32, #tpu.memory_space<hbm>>
          tpu.enqueue_dma source(%dma_start3A_286 : memref<32x128xf32, #tpu.memory_space<hbm>>) target(%dma_start3A_284 : memref<32x128xf32, #tpu.memory_space<vmem>>) target_semaphore(%arg12 : memref<!tpu.dma_semaphore, #tpu.memory_space<semaphore_mem>>)
        } else {
        }
        %dma_wait3A_164 = arith.constant 0 : i32
        %dma_wait3A_165 = arith.constant 0 : i32
        %dma_wait3A_166 = tpu.memref_slice %arg9[%dma_wait3A_164, %dma_wait3A_165] : memref<128x128xf32, #tpu.memory_space<vmem>> -> memref<32x128xf32, #tpu.memory_space<vmem>>
        %dma_wait3A_167 = arith.constant 0 : i32
        %dma_wait3A_168 = arith.constant 0 : i32
        %dma_wait3A_169 = tpu.memref_slice %arg2[%dma_wait3A_167, %dma_wait3A_168] : memref<32x1000000xf32, #tpu.memory_space<hbm>> -> memref<32x128xf32, #tpu.memory_space<hbm>>
        %dma_wait3A_170 = arith.constant 0 : i32
        %dma_wait3A_171 = arith.constant 0 : i32
        %dma_wait3A_172 = tpu.memref_slice %arg9[%dma_wait3A_170, %dma_wait3A_171] : memref<128x128xf32, #tpu.memory_space<vmem>> -> memref<32x128xf32, #tpu.memory_space<vmem>>
        %dma_wait3A_173 = arith.constant 0 : i32
        %dma_wait3A_174 = arith.constant 0 : i32
        %dma_wait3A_175 = tpu.memref_slice %arg2[%dma_wait3A_173, %dma_wait3A_174] : memref<32x1000000xf32, #tpu.memory_space<hbm>> -> memref<32x128xf32, #tpu.memory_space<hbm>>
        tpu.wait_dma2 semaphore(%arg13 : memref<!tpu.dma_semaphore, #tpu.memory_space<semaphore_mem>>) src(%dma_wait3A_175 : memref<32x128xf32, #tpu.memory_space<hbm>>) dst(%dma_wait3A_172 : memref<32x128xf32, #tpu.memory_space<vmem>>)
        %dma_wait3A_176 = arith.constant 0 : i32
        %dma_wait3A_177 = arith.constant 0 : i32
        %dma_wait3A_178 = tpu.memref_slice %arg9[%dma_wait3A_176, %dma_wait3A_177] : memref<128x128xf32, #tpu.memory_space<vmem>> -> memref<32x128xf32, #tpu.memory_space<vmem>>
        %dma_wait3A_179 = arith.constant 0 : i32
        %dma_wait3A_180 = arith.constant 0 : i32
        %dma_wait3A_181 = tpu.memref_slice %arg2[%dma_wait3A_179, %dma_wait3A_180] : memref<32x1000000xf32, #tpu.memory_space<hbm>> -> memref<32x128xf32, #tpu.memory_space<hbm>>
        %dma_wait3A_182 = arith.constant 0 : i32
        %dma_wait3A_183 = arith.constant 0 : i32
        %dma_wait3A_184 = tpu.memref_slice %arg9[%dma_wait3A_182, %dma_wait3A_183] : memref<128x128xf32, #tpu.memory_space<vmem>> -> memref<32x128xf32, #tpu.memory_space<vmem>>
        %dma_wait3A_185 = arith.constant 0 : i32
        %dma_wait3A_186 = arith.constant 0 : i32
        %dma_wait3A_187 = tpu.memref_slice %arg2[%dma_wait3A_185, %dma_wait3A_186] : memref<32x1000000xf32, #tpu.memory_space<hbm>> -> memref<32x128xf32, #tpu.memory_space<hbm>>
        tpu.wait_dma2 semaphore(%arg13 : memref<!tpu.dma_semaphore, #tpu.memory_space<semaphore_mem>>) src(%dma_wait3A_187 : memref<32x128xf32, #tpu.memory_space<hbm>>) dst(%dma_wait3A_184 : memref<32x128xf32, #tpu.memory_space<vmem>>)
        %dma_wait3A_188 = arith.constant 0 : i32
        %dma_wait3A_189 = arith.constant 0 : i32
        %dma_wait3A_190 = tpu.memref_slice %arg9[%dma_wait3A_188, %dma_wait3A_189] : memref<128x128xf32, #tpu.memory_space<vmem>> -> memref<32x128xf32, #tpu.memory_space<vmem>>
        %dma_wait3A_191 = arith.constant 0 : i32
        %dma_wait3A_192 = arith.constant 0 : i32
        %dma_wait3A_193 = tpu.memref_slice %arg2[%dma_wait3A_191, %dma_wait3A_192] : memref<32x1000000xf32, #tpu.memory_space<hbm>> -> memref<32x128xf32, #tpu.memory_space<hbm>>
        %dma_wait3A_194 = arith.constant 0 : i32
        %dma_wait3A_195 = arith.constant 0 : i32
        %dma_wait3A_196 = tpu.memref_slice %arg9[%dma_wait3A_194, %dma_wait3A_195] : memref<128x128xf32, #tpu.memory_space<vmem>> -> memref<32x128xf32, #tpu.memory_space<vmem>>
        %dma_wait3A_197 = arith.constant 0 : i32
        %dma_wait3A_198 = arith.constant 0 : i32
        %dma_wait3A_199 = tpu.memref_slice %arg2[%dma_wait3A_197, %dma_wait3A_198] : memref<32x1000000xf32, #tpu.memory_space<hbm>> -> memref<32x128xf32, #tpu.memory_space<hbm>>
        tpu.wait_dma2 semaphore(%arg13 : memref<!tpu.dma_semaphore, #tpu.memory_space<semaphore_mem>>) src(%dma_wait3A_199 : memref<32x128xf32, #tpu.memory_space<hbm>>) dst(%dma_wait3A_196 : memref<32x128xf32, #tpu.memory_space<vmem>>)
        %dma_wait3A_200 = arith.constant 0 : i32
        %dma_wait3A_201 = arith.constant 0 : i32
        %dma_wait3A_202 = tpu.memref_slice %arg9[%dma_wait3A_200, %dma_wait3A_201] : memref<128x128xf32, #tpu.memory_space<vmem>> -> memref<32x128xf32, #tpu.memory_space<vmem>>
        %dma_wait3A_203 = arith.constant 0 : i32
        %dma_wait3A_204 = arith.constant 0 : i32
        %dma_wait3A_205 = tpu.memref_slice %arg2[%dma_wait3A_203, %dma_wait3A_204] : memref<32x1000000xf32, #tpu.memory_space<hbm>> -> memref<32x128xf32, #tpu.memory_space<hbm>>
        %dma_wait3A_206 = arith.constant 0 : i32
        %dma_wait3A_207 = arith.constant 0 : i32
        %dma_wait3A_208 = tpu.memref_slice %arg9[%dma_wait3A_206, %dma_wait3A_207] : memref<128x128xf32, #tpu.memory_space<vmem>> -> memref<32x128xf32, #tpu.memory_space<vmem>>
        %dma_wait3A_209 = arith.constant 0 : i32
        %dma_wait3A_210 = arith.constant 0 : i32
        %dma_wait3A_211 = tpu.memref_slice %arg2[%dma_wait3A_209, %dma_wait3A_210] : memref<32x1000000xf32, #tpu.memory_space<hbm>> -> memref<32x128xf32, #tpu.memory_space<hbm>>
        tpu.wait_dma2 semaphore(%arg13 : memref<!tpu.dma_semaphore, #tpu.memory_space<semaphore_mem>>) src(%dma_wait3A_211 : memref<32x128xf32, #tpu.memory_space<hbm>>) dst(%dma_wait3A_208 : memref<32x128xf32, #tpu.memory_space<vmem>>)
        %gt3A_212 = arith.constant 0 : i32
        %gt3A_213 = arith.cmpi sgt, %scan3A_29, %gt3A_212 : i32
        %convert_element_type3A_214 = arith.extui %gt3A_213 : i1 to i32
        %cond3A_215 = arith.constant 0 : i32
        %cond3A_216 = arith.cmpi ne, %convert_element_type3A_214, %cond3A_215 : i32
        scf.if %cond3A_216 {
          %dma_wait3A_229 = arith.constant 0 : i32
          %dma_wait3A_230 = arith.constant 0 : i32
          %dma_wait3A_231 = tpu.memref_slice %arg7[%dma_wait3A_229, %dma_wait3A_230] : memref<250000x128xf32, #tpu.memory_space<hbm>> -> memref<128x128xf32, #tpu.memory_space<hbm>>
          %dma_wait3A_232 = arith.constant 0 : i32
          %dma_wait3A_233 = arith.constant 0 : i32
          %dma_wait3A_234 = tpu.memref_slice %arg7[%dma_wait3A_232, %dma_wait3A_233] : memref<250000x128xf32, #tpu.memory_space<hbm>> -> memref<128x128xf32, #tpu.memory_space<hbm>>
          tpu.wait_dma2 semaphore(%arg15 : memref<!tpu.dma_semaphore, #tpu.memory_space<semaphore_mem>>) src(%arg11 : memref<128x128xf32, #tpu.memory_space<vmem>>) dst(%dma_wait3A_234 : memref<128x128xf32, #tpu.memory_space<hbm>>)
        } else {
        }
        %scan3A_217 = arith.constant 0 : i32
        %scan3A_218 = arith.constant 0 : i32
        %scan3A_219 = arith.constant 32 : i32
        %scan3A_220 = arith.addi %scan3A_218, %scan3A_219 : i32
        %scan3A_221 = arith.constant 1 : i32
        scf.for %scan3A_229 = %scan3A_218 to %scan3A_220 step %scan3A_221  : i32 {
          %jit3A = arith.constant 8 : i32
          %div3A = arith.divsi %scan3A_229, %jit3A : i32
          %sign3A = arith.constant 0 : i32
          %sign3A_230 = arith.cmpi sgt, %scan3A_229, %sign3A : i32
          %sign3A_231 = arith.extui %sign3A_230 : i1 to i32
          %sign3A_232 = arith.constant 0 : i32
          %sign3A_233 = arith.cmpi slt, %scan3A_229, %sign3A_232 : i32
          %sign3A_234 = arith.extui %sign3A_233 : i1 to i32
          %sign3A_235 = arith.subi %sign3A_231, %sign3A_234 : i32
          %sign3A_236 = arith.constant 0 : i32
          %sign3A_237 = arith.cmpi sgt, %jit3A, %sign3A_236 : i32
          %sign3A_238 = arith.extui %sign3A_237 : i1 to i32
          %sign3A_239 = arith.constant 0 : i32
          %sign3A_240 = arith.cmpi slt, %jit3A, %sign3A_239 : i32
          %sign3A_241 = arith.extui %sign3A_240 : i1 to i32
          %sign3A_242 = arith.subi %sign3A_238, %sign3A_241 : i32
          %ne3A = arith.cmpi ne, %sign3A_235, %sign3A_242 : i32
          %rem3A = arith.remsi %scan3A_229, %jit3A : i32
          %ne3A_243 = arith.constant 0 : i32
          %ne3A_244 = arith.cmpi ne, %rem3A, %ne3A_243 : i32
          %and3A_245 = arith.andi %ne3A, %ne3A_244 : i1
          %sub3A = arith.constant 1 : i32
          %sub3A_246 = arith.subi %div3A, %sub3A : i32
          %select_n3A = arith.select %and3A_245, %sub3A_246, %div3A : i32
          %jit3A_247 = arith.constant 8 : i32
          %eq3A_248 = arith.constant 0 : i32
          %eq3A_249 = arith.cmpi eq, %jit3A_247, %eq3A_248 : i32
          %jit3A_250 = arith.constant 1 : i32
          %select_n3A_251 = arith.select %eq3A_249, %jit3A_250, %jit3A_247 : i32
          %rem3A_252 = arith.remsi %scan3A_229, %select_n3A_251 : i32
          %ne3A_253 = arith.constant 0 : i32
          %ne3A_254 = arith.cmpi ne, %rem3A_252, %ne3A_253 : i32
          %lt3A_255 = arith.constant 0 : i32
          %lt3A_256 = arith.cmpi slt, %rem3A_252, %lt3A_255 : i32
          %lt3A_257 = arith.constant 0 : i32
          %lt3A_258 = arith.cmpi slt, %select_n3A_251, %lt3A_257 : i32
          %ne3A_259 = arith.xori %lt3A_256, %lt3A_258 : i1
          %and3A_260 = arith.andi %ne3A_259, %ne3A_254 : i1
          %add3A_261 = arith.addi %rem3A_252, %select_n3A_251 : i32
          %select_n3A_262 = arith.select %and3A_260, %add3A_261, %rem3A_252 : i32
          %mul3A_263 = arith.constant 16 : i32
          %mul3A_264 = arith.muli %select_n3A_262, %mul3A_263 : i32
          %add3A_265 = vector.broadcast %mul3A_264 : i32 to vector<16xi32>
          %add3A_266 = arith.addi %add3A_265, %iota3A : vector<16xi32>
          %mul3A_267 = arith.constant 32 : i32
          %mul3A_268 = arith.muli %select_n3A, %mul3A_267 : i32
          %mul3A_269 = arith.constant 4 : i32
          %mul3A_270 = arith.muli %select_n3A_262, %mul3A_269 : i32
          %add3A_271 = arith.addi %mul3A_268, %mul3A_270 : i32
          %add3A_272 = vector.broadcast %add3A_271 : i32 to vector<16xi32>
          %add3A_273 = arith.addi %add3A_272, %shift_right_logical3A_2 : vector<16xi32>
          %add3A_274 = arith.constant 0 : i32
          %add3A_275 = vector.broadcast %add3A_274 : i32 to vector<16xi32>
          %add3A_276 = arith.addi %iota3A, %add3A_275 : vector<16xi32>
          %and3A_277 = arith.constant 15 : i32
          %and3A_278 = vector.broadcast %and3A_277 : i32 to vector<16xi32>
          %and3A_279 = arith.andi %add3A_276, %and3A_278 : vector<16xi32>
          %add3A_280 = arith.constant 0 : i32
          %add3A_281 = vector.broadcast %add3A_280 : i32 to vector<16xi32>
          %add3A_282 = arith.addi %add3A_281, %and3A_279 : vector<16xi32>
          %mul3A_283 = arith.constant 32 : i32
          %mul3A_284 = arith.muli %select_n3A, %mul3A_283 : i32
          %add3A_285 = vector.broadcast %mul3A_284 : i32 to vector<16xi32>
          %add3A_286 = arith.addi %add3A_285, %add3A_282 : vector<16xi32>
          %gather3A = tpu.vector_load_idx %arg9[%add3A_286, %add3A_266] : memref<128x128xf32, #tpu.memory_space<vmem>>[vector<16xi32>, vector<16xi32>], vector<16xf32>,
          %add3A_287 = arith.addi %shift_left3A_6, %add3A_282 : vector<16xi32>
          tpu.vector_store_idx %arg11[%add3A_273, %add3A_287], %gather3A : memref<128x128xf32, #tpu.memory_space<vmem>>[vector<16xi32>, vector<16xi32>], vector<16xf32>,
          %add3A_288 = arith.constant 1 : i32
          %add3A_289 = vector.broadcast %add3A_288 : i32 to vector<16xi32>
          %add3A_290 = arith.addi %iota3A, %add3A_289 : vector<16xi32>
          %and3A_291 = arith.constant 15 : i32
          %and3A_292 = vector.broadcast %and3A_291 : i32 to vector<16xi32>
          %and3A_293 = arith.andi %add3A_290, %and3A_292 : vector<16xi32>
          %add3A_294 = arith.constant 0 : i32
          %add3A_295 = vector.broadcast %add3A_294 : i32 to vector<16xi32>
          %add3A_296 = arith.addi %add3A_295, %and3A_293 : vector<16xi32>
          %mul3A_297 = arith.constant 32 : i32
          %mul3A_298 = arith.muli %select_n3A, %mul3A_297 : i32
          %add3A_299 = vector.broadcast %mul3A_298 : i32 to vector<16xi32>
          %add3A_300 = arith.addi %add3A_299, %add3A_296 : vector<16xi32>
          %gather3A_301 = tpu.vector_load_idx %arg9[%add3A_300, %add3A_266] : memref<128x128xf32, #tpu.memory_space<vmem>>[vector<16xi32>, vector<16xi32>], vector<16xf32>,
          %add3A_302 = arith.addi %shift_left3A_6, %add3A_296 : vector<16xi32>
          tpu.vector_store_idx %arg11[%add3A_273, %add3A_302], %gather3A_301 : memref<128x128xf32, #tpu.memory_space<vmem>>[vector<16xi32>, vector<16xi32>], vector<16xf32>,
          %add3A_303 = arith.constant 2 : i32
          %add3A_304 = vector.broadcast %add3A_303 : i32 to vector<16xi32>
          %add3A_305 = arith.addi %iota3A, %add3A_304 : vector<16xi32>
          %and3A_306 = arith.constant 15 : i32
          %and3A_307 = vector.broadcast %and3A_306 : i32 to vector<16xi32>
          %and3A_308 = arith.andi %add3A_305, %and3A_307 : vector<16xi32>
          %add3A_309 = arith.constant 0 : i32
          %add3A_310 = vector.broadcast %add3A_309 : i32 to vector<16xi32>
          %add3A_311 = arith.addi %add3A_310, %and3A_308 : vector<16xi32>
          %mul3A_312 = arith.constant 32 : i32
          %mul3A_313 = arith.muli %select_n3A, %mul3A_312 : i32
          %add3A_314 = vector.broadcast %mul3A_313 : i32 to vector<16xi32>
          %add3A_315 = arith.addi %add3A_314, %add3A_311 : vector<16xi32>
          %gather3A_316 = tpu.vector_load_idx %arg9[%add3A_315, %add3A_266] : memref<128x128xf32, #tpu.memory_space<vmem>>[vector<16xi32>, vector<16xi32>], vector<16xf32>,
          %add3A_317 = arith.addi %shift_left3A_6, %add3A_311 : vector<16xi32>
          tpu.vector_store_idx %arg11[%add3A_273, %add3A_317], %gather3A_316 : memref<128x128xf32, #tpu.memory_space<vmem>>[vector<16xi32>, vector<16xi32>], vector<16xf32>,
          %add3A_318 = arith.constant 3 : i32
          %add3A_319 = vector.broadcast %add3A_318 : i32 to vector<16xi32>
          %add3A_320 = arith.addi %iota3A, %add3A_319 : vector<16xi32>
          %and3A_321 = arith.constant 15 : i32
          %and3A_322 = vector.broadcast %and3A_321 : i32 to vector<16xi32>
          %and3A_323 = arith.andi %add3A_320, %and3A_322 : vector<16xi32>
          %add3A_324 = arith.constant 0 : i32
          %add3A_325 = vector.broadcast %add3A_324 : i32 to vector<16xi32>
          %add3A_326 = arith.addi %add3A_325, %and3A_323 : vector<16xi32>
          %mul3A_327 = arith.constant 32 : i32
          %mul3A_328 = arith.muli %select_n3A, %mul3A_327 : i32
          %add3A_329 = vector.broadcast %mul3A_328 : i32 to vector<16xi32>
          %add3A_330 = arith.addi %add3A_329, %add3A_326 : vector<16xi32>
          %gather3A_331 = tpu.vector_load_idx %arg9[%add3A_330, %add3A_266] : memref<128x128xf32, #tpu.memory_space<vmem>>[vector<16xi32>, vector<16xi32>], vector<16xf32>,
          %add3A_332 = arith.addi %shift_left3A_6, %add3A_326 : vector<16xi32>
          tpu.vector_store_idx %arg11[%add3A_273, %add3A_332], %gather3A_331 : memref<128x128xf32, #tpu.memory_space<vmem>>[vector<16xi32>, vector<16xi32>], vector<16xf32>,
          %add3A_333 = arith.constant 4 : i32
          %add3A_334 = vector.broadcast %add3A_333 : i32 to vector<16xi32>
          %add3A_335 = arith.addi %iota3A, %add3A_334 : vector<16xi32>
          %and3A_336 = arith.constant 15 : i32
          %and3A_337 = vector.broadcast %and3A_336 : i32 to vector<16xi32>
          %and3A_338 = arith.andi %add3A_335, %and3A_337 : vector<16xi32>
          %add3A_339 = arith.constant 0 : i32
          %add3A_340 = vector.broadcast %add3A_339 : i32 to vector<16xi32>
          %add3A_341 = arith.addi %add3A_340, %and3A_338 : vector<16xi32>
          %mul3A_342 = arith.constant 32 : i32
          %mul3A_343 = arith.muli %select_n3A, %mul3A_342 : i32
          %add3A_344 = vector.broadcast %mul3A_343 : i32 to vector<16xi32>
          %add3A_345 = arith.addi %add3A_344, %add3A_341 : vector<16xi32>
          %gather3A_346 = tpu.vector_load_idx %arg9[%add3A_345, %add3A_266] : memref<128x128xf32, #tpu.memory_space<vmem>>[vector<16xi32>, vector<16xi32>], vector<16xf32>,
          %add3A_347 = arith.addi %shift_left3A_6, %add3A_341 : vector<16xi32>
          tpu.vector_store_idx %arg11[%add3A_273, %add3A_347], %gather3A_346 : memref<128x128xf32, #tpu.memory_space<vmem>>[vector<16xi32>, vector<16xi32>], vector<16xf32>,
          %add3A_348 = arith.constant 5 : i32
          %add3A_349 = vector.broadcast %add3A_348 : i32 to vector<16xi32>
          %add3A_350 = arith.addi %iota3A, %add3A_349 : vector<16xi32>
          %and3A_351 = arith.constant 15 : i32
          %and3A_352 = vector.broadcast %and3A_351 : i32 to vector<16xi32>
          %and3A_353 = arith.andi %add3A_350, %and3A_352 : vector<16xi32>
          %add3A_354 = arith.constant 0 : i32
          %add3A_355 = vector.broadcast %add3A_354 : i32 to vector<16xi32>
          %add3A_356 = arith.addi %add3A_355, %and3A_353 : vector<16xi32>
          %mul3A_357 = arith.constant 32 : i32
          %mul3A_358 = arith.muli %select_n3A, %mul3A_357 : i32
          %add3A_359 = vector.broadcast %mul3A_358 : i32 to vector<16xi32>
          %add3A_360 = arith.addi %add3A_359, %add3A_356 : vector<16xi32>
          %gather3A_361 = tpu.vector_load_idx %arg9[%add3A_360, %add3A_266] : memref<128x128xf32, #tpu.memory_space<vmem>>[vector<16xi32>, vector<16xi32>], vector<16xf32>,
          %add3A_362 = arith.addi %shift_left3A_6, %add3A_356 : vector<16xi32>
          tpu.vector_store_idx %arg11[%add3A_273, %add3A_362], %gather3A_361 : memref<128x128xf32, #tpu.memory_space<vmem>>[vector<16xi32>, vector<16xi32>], vector<16xf32>,
          %add3A_363 = arith.constant 6 : i32
          %add3A_364 = vector.broadcast %add3A_363 : i32 to vector<16xi32>
          %add3A_365 = arith.addi %iota3A, %add3A_364 : vector<16xi32>
          %and3A_366 = arith.constant 15 : i32
          %and3A_367 = vector.broadcast %and3A_366 : i32 to vector<16xi32>
          %and3A_368 = arith.andi %add3A_365, %and3A_367 : vector<16xi32>
          %add3A_369 = arith.constant 0 : i32
          %add3A_370 = vector.broadcast %add3A_369 : i32 to vector<16xi32>
          %add3A_371 = arith.addi %add3A_370, %and3A_368 : vector<16xi32>
          %mul3A_372 = arith.constant 32 : i32
          %mul3A_373 = arith.muli %select_n3A, %mul3A_372 : i32
          %add3A_374 = vector.broadcast %mul3A_373 : i32 to vector<16xi32>
          %add3A_375 = arith.addi %add3A_374, %add3A_371 : vector<16xi32>
          %gather3A_376 = tpu.vector_load_idx %arg9[%add3A_375, %add3A_266] : memref<128x128xf32, #tpu.memory_space<vmem>>[vector<16xi32>, vector<16xi32>], vector<16xf32>,
          %add3A_377 = arith.addi %shift_left3A_6, %add3A_371 : vector<16xi32>
          tpu.vector_store_idx %arg11[%add3A_273, %add3A_377], %gather3A_376 : memref<128x128xf32, #tpu.memory_space<vmem>>[vector<16xi32>, vector<16xi32>], vector<16xf32>,
          %add3A_378 = arith.constant 7 : i32
          %add3A_379 = vector.broadcast %add3A_378 : i32 to vector<16xi32>
          %add3A_380 = arith.addi %iota3A, %add3A_379 : vector<16xi32>
          %and3A_381 = arith.constant 15 : i32
          %and3A_382 = vector.broadcast %and3A_381 : i32 to vector<16xi32>
          %and3A_383 = arith.andi %add3A_380, %and3A_382 : vector<16xi32>
          %add3A_384 = arith.constant 0 : i32
          %add3A_385 = vector.broadcast %add3A_384 : i32 to vector<16xi32>
          %add3A_386 = arith.addi %add3A_385, %and3A_383 : vector<16xi32>
          %mul3A_387 = arith.constant 32 : i32
          %mul3A_388 = arith.muli %select_n3A, %mul3A_387 : i32
          %add3A_389 = vector.broadcast %mul3A_388 : i32 to vector<16xi32>
          %add3A_390 = arith.addi %add3A_389, %add3A_386 : vector<16xi32>
          %gather3A_391 = tpu.vector_load_idx %arg9[%add3A_390, %add3A_266] : memref<128x128xf32, #tpu.memory_space<vmem>>[vector<16xi32>, vector<16xi32>], vector<16xf32>,
          %add3A_392 = arith.addi %shift_left3A_6, %add3A_386 : vector<16xi32>
          tpu.vector_store_idx %arg11[%add3A_273, %add3A_392], %gather3A_391 : memref<128x128xf32, #tpu.memory_space<vmem>>[vector<16xi32>, vector<16xi32>], vector<16xf32>,
          %add3A_393 = arith.constant 8 : i32
          %add3A_394 = vector.broadcast %add3A_393 : i32 to vector<16xi32>
          %add3A_395 = arith.addi %iota3A, %add3A_394 : vector<16xi32>
          %and3A_396 = arith.constant 15 : i32
          %and3A_397 = vector.broadcast %and3A_396 : i32 to vector<16xi32>
          %and3A_398 = arith.andi %add3A_395, %and3A_397 : vector<16xi32>
          %add3A_399 = arith.constant 0 : i32
          %add3A_400 = vector.broadcast %add3A_399 : i32 to vector<16xi32>
          %add3A_401 = arith.addi %add3A_400, %and3A_398 : vector<16xi32>
          %mul3A_402 = arith.constant 32 : i32
          %mul3A_403 = arith.muli %select_n3A, %mul3A_402 : i32
          %add3A_404 = vector.broadcast %mul3A_403 : i32 to vector<16xi32>
          %add3A_405 = arith.addi %add3A_404, %add3A_401 : vector<16xi32>
          %gather3A_406 = tpu.vector_load_idx %arg9[%add3A_405, %add3A_266] : memref<128x128xf32, #tpu.memory_space<vmem>>[vector<16xi32>, vector<16xi32>], vector<16xf32>,
          %add3A_407 = arith.addi %shift_left3A_6, %add3A_401 : vector<16xi32>
          tpu.vector_store_idx %arg11[%add3A_273, %add3A_407], %gather3A_406 : memref<128x128xf32, #tpu.memory_space<vmem>>[vector<16xi32>, vector<16xi32>], vector<16xf32>,
          %add3A_408 = arith.constant 9 : i32
          %add3A_409 = vector.broadcast %add3A_408 : i32 to vector<16xi32>
          %add3A_410 = arith.addi %iota3A, %add3A_409 : vector<16xi32>
          %and3A_411 = arith.constant 15 : i32
          %and3A_412 = vector.broadcast %and3A_411 : i32 to vector<16xi32>
          %and3A_413 = arith.andi %add3A_410, %and3A_412 : vector<16xi32>
          %add3A_414 = arith.constant 0 : i32
          %add3A_415 = vector.broadcast %add3A_414 : i32 to vector<16xi32>
          %add3A_416 = arith.addi %add3A_415, %and3A_413 : vector<16xi32>
          %mul3A_417 = arith.constant 32 : i32
          %mul3A_418 = arith.muli %select_n3A, %mul3A_417 : i32
          %add3A_419 = vector.broadcast %mul3A_418 : i32 to vector<16xi32>
          %add3A_420 = arith.addi %add3A_419, %add3A_416 : vector<16xi32>
          %gather3A_421 = tpu.vector_load_idx %arg9[%add3A_420, %add3A_266] : memref<128x128xf32, #tpu.memory_space<vmem>>[vector<16xi32>, vector<16xi32>], vector<16xf32>,
          %add3A_422 = arith.addi %shift_left3A_6, %add3A_416 : vector<16xi32>
          tpu.vector_store_idx %arg11[%add3A_273, %add3A_422], %gather3A_421 : memref<128x128xf32, #tpu.memory_space<vmem>>[vector<16xi32>, vector<16xi32>], vector<16xf32>,
          %add3A_423 = arith.constant 10 : i32
          %add3A_424 = vector.broadcast %add3A_423 : i32 to vector<16xi32>
          %add3A_425 = arith.addi %iota3A, %add3A_424 : vector<16xi32>
          %and3A_426 = arith.constant 15 : i32
          %and3A_427 = vector.broadcast %and3A_426 : i32 to vector<16xi32>
          %and3A_428 = arith.andi %add3A_425, %and3A_427 : vector<16xi32>
          %add3A_429 = arith.constant 0 : i32
          %add3A_430 = vector.broadcast %add3A_429 : i32 to vector<16xi32>
          %add3A_431 = arith.addi %add3A_430, %and3A_428 : vector<16xi32>
          %mul3A_432 = arith.constant 32 : i32
          %mul3A_433 = arith.muli %select_n3A, %mul3A_432 : i32
          %add3A_434 = vector.broadcast %mul3A_433 : i32 to vector<16xi32>
          %add3A_435 = arith.addi %add3A_434, %add3A_431 : vector<16xi32>
          %gather3A_436 = tpu.vector_load_idx %arg9[%add3A_435, %add3A_266] : memref<128x128xf32, #tpu.memory_space<vmem>>[vector<16xi32>, vector<16xi32>], vector<16xf32>,
          %add3A_437 = arith.addi %shift_left3A_6, %add3A_431 : vector<16xi32>
          tpu.vector_store_idx %arg11[%add3A_273, %add3A_437], %gather3A_436 : memref<128x128xf32, #tpu.memory_space<vmem>>[vector<16xi32>, vector<16xi32>], vector<16xf32>,
          %add3A_438 = arith.constant 11 : i32
          %add3A_439 = vector.broadcast %add3A_438 : i32 to vector<16xi32>
          %add3A_440 = arith.addi %iota3A, %add3A_439 : vector<16xi32>
          %and3A_441 = arith.constant 15 : i32
          %and3A_442 = vector.broadcast %and3A_441 : i32 to vector<16xi32>
          %and3A_443 = arith.andi %add3A_440, %and3A_442 : vector<16xi32>
          %add3A_444 = arith.constant 0 : i32
          %add3A_445 = vector.broadcast %add3A_444 : i32 to vector<16xi32>
          %add3A_446 = arith.addi %add3A_445, %and3A_443 : vector<16xi32>
          %mul3A_447 = arith.constant 32 : i32
          %mul3A_448 = arith.muli %select_n3A, %mul3A_447 : i32
          %add3A_449 = vector.broadcast %mul3A_448 : i32 to vector<16xi32>
          %add3A_450 = arith.addi %add3A_449, %add3A_446 : vector<16xi32>
          %gather3A_451 = tpu.vector_load_idx %arg9[%add3A_450, %add3A_266] : memref<128x128xf32, #tpu.memory_space<vmem>>[vector<16xi32>, vector<16xi32>], vector<16xf32>,
          %add3A_452 = arith.addi %shift_left3A_6, %add3A_446 : vector<16xi32>
          tpu.vector_store_idx %arg11[%add3A_273, %add3A_452], %gather3A_451 : memref<128x128xf32, #tpu.memory_space<vmem>>[vector<16xi32>, vector<16xi32>], vector<16xf32>,
          %add3A_453 = arith.constant 12 : i32
          %add3A_454 = vector.broadcast %add3A_453 : i32 to vector<16xi32>
          %add3A_455 = arith.addi %iota3A, %add3A_454 : vector<16xi32>
          %and3A_456 = arith.constant 15 : i32
          %and3A_457 = vector.broadcast %and3A_456 : i32 to vector<16xi32>
          %and3A_458 = arith.andi %add3A_455, %and3A_457 : vector<16xi32>
          %add3A_459 = arith.constant 0 : i32
          %add3A_460 = vector.broadcast %add3A_459 : i32 to vector<16xi32>
          %add3A_461 = arith.addi %add3A_460, %and3A_458 : vector<16xi32>
          %mul3A_462 = arith.constant 32 : i32
          %mul3A_463 = arith.muli %select_n3A, %mul3A_462 : i32
          %add3A_464 = vector.broadcast %mul3A_463 : i32 to vector<16xi32>
          %add3A_465 = arith.addi %add3A_464, %add3A_461 : vector<16xi32>
          %gather3A_466 = tpu.vector_load_idx %arg9[%add3A_465, %add3A_266] : memref<128x128xf32, #tpu.memory_space<vmem>>[vector<16xi32>, vector<16xi32>], vector<16xf32>,
          %add3A_467 = arith.addi %shift_left3A_6, %add3A_461 : vector<16xi32>
          tpu.vector_store_idx %arg11[%add3A_273, %add3A_467], %gather3A_466 : memref<128x128xf32, #tpu.memory_space<vmem>>[vector<16xi32>, vector<16xi32>], vector<16xf32>,
          %add3A_468 = arith.constant 13 : i32
          %add3A_469 = vector.broadcast %add3A_468 : i32 to vector<16xi32>
          %add3A_470 = arith.addi %iota3A, %add3A_469 : vector<16xi32>
          %and3A_471 = arith.constant 15 : i32
          %and3A_472 = vector.broadcast %and3A_471 : i32 to vector<16xi32>
          %and3A_473 = arith.andi %add3A_470, %and3A_472 : vector<16xi32>
          %add3A_474 = arith.constant 0 : i32
          %add3A_475 = vector.broadcast %add3A_474 : i32 to vector<16xi32>
          %add3A_476 = arith.addi %add3A_475, %and3A_473 : vector<16xi32>
          %mul3A_477 = arith.constant 32 : i32
          %mul3A_478 = arith.muli %select_n3A, %mul3A_477 : i32
          %add3A_479 = vector.broadcast %mul3A_478 : i32 to vector<16xi32>
          %add3A_480 = arith.addi %add3A_479, %add3A_476 : vector<16xi32>
          %gather3A_481 = tpu.vector_load_idx %arg9[%add3A_480, %add3A_266] : memref<128x128xf32, #tpu.memory_space<vmem>>[vector<16xi32>, vector<16xi32>], vector<16xf32>,
          %add3A_482 = arith.addi %shift_left3A_6, %add3A_476 : vector<16xi32>
          tpu.vector_store_idx %arg11[%add3A_273, %add3A_482], %gather3A_481 : memref<128x128xf32, #tpu.memory_space<vmem>>[vector<16xi32>, vector<16xi32>], vector<16xf32>,
          %add3A_483 = arith.constant 14 : i32
          %add3A_484 = vector.broadcast %add3A_483 : i32 to vector<16xi32>
          %add3A_485 = arith.addi %iota3A, %add3A_484 : vector<16xi32>
          %and3A_486 = arith.constant 15 : i32
          %and3A_487 = vector.broadcast %and3A_486 : i32 to vector<16xi32>
          %and3A_488 = arith.andi %add3A_485, %and3A_487 : vector<16xi32>
          %add3A_489 = arith.constant 0 : i32
          %add3A_490 = vector.broadcast %add3A_489 : i32 to vector<16xi32>
          %add3A_491 = arith.addi %add3A_490, %and3A_488 : vector<16xi32>
          %mul3A_492 = arith.constant 32 : i32
          %mul3A_493 = arith.muli %select_n3A, %mul3A_492 : i32
          %add3A_494 = vector.broadcast %mul3A_493 : i32 to vector<16xi32>
          %add3A_495 = arith.addi %add3A_494, %add3A_491 : vector<16xi32>
          %gather3A_496 = tpu.vector_load_idx %arg9[%add3A_495, %add3A_266] : memref<128x128xf32, #tpu.memory_space<vmem>>[vector<16xi32>, vector<16xi32>], vector<16xf32>,
          %add3A_497 = arith.addi %shift_left3A_6, %add3A_491 : vector<16xi32>
          tpu.vector_store_idx %arg11[%add3A_273, %add3A_497], %gather3A_496 : memref<128x128xf32, #tpu.memory_space<vmem>>[vector<16xi32>, vector<16xi32>], vector<16xf32>,
          %add3A_498 = arith.constant 15 : i32
          %add3A_499 = vector.broadcast %add3A_498 : i32 to vector<16xi32>
          %add3A_500 = arith.addi %iota3A, %add3A_499 : vector<16xi32>
          %and3A_501 = arith.constant 15 : i32
          %and3A_502 = vector.broadcast %and3A_501 : i32 to vector<16xi32>
          %and3A_503 = arith.andi %add3A_500, %and3A_502 : vector<16xi32>
          %add3A_504 = arith.constant 0 : i32
          %add3A_505 = vector.broadcast %add3A_504 : i32 to vector<16xi32>
          %add3A_506 = arith.addi %add3A_505, %and3A_503 : vector<16xi32>
          %mul3A_507 = arith.constant 32 : i32
          %mul3A_508 = arith.muli %select_n3A, %mul3A_507 : i32
          %add3A_509 = vector.broadcast %mul3A_508 : i32 to vector<16xi32>
          %add3A_510 = arith.addi %add3A_509, %add3A_506 : vector<16xi32>
          %gather3A_511 = tpu.vector_load_idx %arg9[%add3A_510, %add3A_266] : memref<128x128xf32, #tpu.memory_space<vmem>>[vector<16xi32>, vector<16xi32>], vector<16xf32>,
          %add3A_512 = arith.addi %shift_left3A_6, %add3A_506 : vector<16xi32>
          tpu.vector_store_idx %arg11[%add3A_273, %add3A_512], %gather3A_511 : memref<128x128xf32, #tpu.memory_space<vmem>>[vector<16xi32>, vector<16xi32>], vector<16xf32>,
          %add3A_513 = arith.constant 0 : i32
          %add3A_514 = vector.broadcast %add3A_513 : i32 to vector<16xi32>
          %add3A_515 = arith.addi %iota3A, %add3A_514 : vector<16xi32>
          %and3A_516 = arith.constant 15 : i32
          %and3A_517 = vector.broadcast %and3A_516 : i32 to vector<16xi32>
          %and3A_518 = arith.andi %add3A_515, %and3A_517 : vector<16xi32>
          %add3A_519 = arith.constant 16 : i32
          %add3A_520 = vector.broadcast %add3A_519 : i32 to vector<16xi32>
          %add3A_521 = arith.addi %add3A_520, %and3A_518 : vector<16xi32>
          %mul3A_522 = arith.constant 32 : i32
          %mul3A_523 = arith.muli %select_n3A, %mul3A_522 : i32
          %add3A_524 = vector.broadcast %mul3A_523 : i32 to vector<16xi32>
          %add3A_525 = arith.addi %add3A_524, %add3A_521 : vector<16xi32>
          %gather3A_526 = tpu.vector_load_idx %arg9[%add3A_525, %add3A_266] : memref<128x128xf32, #tpu.memory_space<vmem>>[vector<16xi32>, vector<16xi32>], vector<16xf32>,
          %add3A_527 = arith.addi %shift_left3A_6, %add3A_521 : vector<16xi32>
          tpu.vector_store_idx %arg11[%add3A_273, %add3A_527], %gather3A_526 : memref<128x128xf32, #tpu.memory_space<vmem>>[vector<16xi32>, vector<16xi32>], vector<16xf32>,
          %add3A_528 = arith.constant 1 : i32
          %add3A_529 = vector.broadcast %add3A_528 : i32 to vector<16xi32>
          %add3A_530 = arith.addi %iota3A, %add3A_529 : vector<16xi32>
          %and3A_531 = arith.constant 15 : i32
          %and3A_532 = vector.broadcast %and3A_531 : i32 to vector<16xi32>
          %and3A_533 = arith.andi %add3A_530, %and3A_532 : vector<16xi32>
          %add3A_534 = arith.constant 16 : i32
          %add3A_535 = vector.broadcast %add3A_534 : i32 to vector<16xi32>
          %add3A_536 = arith.addi %add3A_535, %and3A_533 : vector<16xi32>
          %mul3A_537 = arith.constant 32 : i32
          %mul3A_538 = arith.muli %select_n3A, %mul3A_537 : i32
          %add3A_539 = vector.broadcast %mul3A_538 : i32 to vector<16xi32>
          %add3A_540 = arith.addi %add3A_539, %add3A_536 : vector<16xi32>
          %gather3A_541 = tpu.vector_load_idx %arg9[%add3A_540, %add3A_266] : memref<128x128xf32, #tpu.memory_space<vmem>>[vector<16xi32>, vector<16xi32>], vector<16xf32>,
          %add3A_542 = arith.addi %shift_left3A_6, %add3A_536 : vector<16xi32>
          tpu.vector_store_idx %arg11[%add3A_273, %add3A_542], %gather3A_541 : memref<128x128xf32, #tpu.memory_space<vmem>>[vector<16xi32>, vector<16xi32>], vector<16xf32>,
          %add3A_543 = arith.constant 2 : i32
          %add3A_544 = vector.broadcast %add3A_543 : i32 to vector<16xi32>
          %add3A_545 = arith.addi %iota3A, %add3A_544 : vector<16xi32>
          %and3A_546 = arith.constant 15 : i32
          %and3A_547 = vector.broadcast %and3A_546 : i32 to vector<16xi32>
          %and3A_548 = arith.andi %add3A_545, %and3A_547 : vector<16xi32>
          %add3A_549 = arith.constant 16 : i32
          %add3A_550 = vector.broadcast %add3A_549 : i32 to vector<16xi32>
          %add3A_551 = arith.addi %add3A_550, %and3A_548 : vector<16xi32>
          %mul3A_552 = arith.constant 32 : i32
          %mul3A_553 = arith.muli %select_n3A, %mul3A_552 : i32
          %add3A_554 = vector.broadcast %mul3A_553 : i32 to vector<16xi32>
          %add3A_555 = arith.addi %add3A_554, %add3A_551 : vector<16xi32>
          %gather3A_556 = tpu.vector_load_idx %arg9[%add3A_555, %add3A_266] : memref<128x128xf32, #tpu.memory_space<vmem>>[vector<16xi32>, vector<16xi32>], vector<16xf32>,
          %add3A_557 = arith.addi %shift_left3A_6, %add3A_551 : vector<16xi32>
          tpu.vector_store_idx %arg11[%add3A_273, %add3A_557], %gather3A_556 : memref<128x128xf32, #tpu.memory_space<vmem>>[vector<16xi32>, vector<16xi32>], vector<16xf32>,
          %add3A_558 = arith.constant 3 : i32
          %add3A_559 = vector.broadcast %add3A_558 : i32 to vector<16xi32>
          %add3A_560 = arith.addi %iota3A, %add3A_559 : vector<16xi32>
          %and3A_561 = arith.constant 15 : i32
          %and3A_562 = vector.broadcast %and3A_561 : i32 to vector<16xi32>
          %and3A_563 = arith.andi %add3A_560, %and3A_562 : vector<16xi32>
          %add3A_564 = arith.constant 16 : i32
          %add3A_565 = vector.broadcast %add3A_564 : i32 to vector<16xi32>
          %add3A_566 = arith.addi %add3A_565, %and3A_563 : vector<16xi32>
          %mul3A_567 = arith.constant 32 : i32
          %mul3A_568 = arith.muli %select_n3A, %mul3A_567 : i32
          %add3A_569 = vector.broadcast %mul3A_568 : i32 to vector<16xi32>
          %add3A_570 = arith.addi %add3A_569, %add3A_566 : vector<16xi32>
          %gather3A_571 = tpu.vector_load_idx %arg9[%add3A_570, %add3A_266] : memref<128x128xf32, #tpu.memory_space<vmem>>[vector<16xi32>, vector<16xi32>], vector<16xf32>,
          %add3A_572 = arith.addi %shift_left3A_6, %add3A_566 : vector<16xi32>
          tpu.vector_store_idx %arg11[%add3A_273, %add3A_572], %gather3A_571 : memref<128x128xf32, #tpu.memory_space<vmem>>[vector<16xi32>, vector<16xi32>], vector<16xf32>,
          %add3A_573 = arith.constant 4 : i32
          %add3A_574 = vector.broadcast %add3A_573 : i32 to vector<16xi32>
          %add3A_575 = arith.addi %iota3A, %add3A_574 : vector<16xi32>
          %and3A_576 = arith.constant 15 : i32
          %and3A_577 = vector.broadcast %and3A_576 : i32 to vector<16xi32>
          %and3A_578 = arith.andi %add3A_575, %and3A_577 : vector<16xi32>
          %add3A_579 = arith.constant 16 : i32
          %add3A_580 = vector.broadcast %add3A_579 : i32 to vector<16xi32>
          %add3A_581 = arith.addi %add3A_580, %and3A_578 : vector<16xi32>
          %mul3A_582 = arith.constant 32 : i32
          %mul3A_583 = arith.muli %select_n3A, %mul3A_582 : i32
          %add3A_584 = vector.broadcast %mul3A_583 : i32 to vector<16xi32>
          %add3A_585 = arith.addi %add3A_584, %add3A_581 : vector<16xi32>
          %gather3A_586 = tpu.vector_load_idx %arg9[%add3A_585, %add3A_266] : memref<128x128xf32, #tpu.memory_space<vmem>>[vector<16xi32>, vector<16xi32>], vector<16xf32>,
          %add3A_587 = arith.addi %shift_left3A_6, %add3A_581 : vector<16xi32>
          tpu.vector_store_idx %arg11[%add3A_273, %add3A_587], %gather3A_586 : memref<128x128xf32, #tpu.memory_space<vmem>>[vector<16xi32>, vector<16xi32>], vector<16xf32>,
          %add3A_588 = arith.constant 5 : i32
          %add3A_589 = vector.broadcast %add3A_588 : i32 to vector<16xi32>
          %add3A_590 = arith.addi %iota3A, %add3A_589 : vector<16xi32>
          %and3A_591 = arith.constant 15 : i32
          %and3A_592 = vector.broadcast %and3A_591 : i32 to vector<16xi32>
          %and3A_593 = arith.andi %add3A_590, %and3A_592 : vector<16xi32>
          %add3A_594 = arith.constant 16 : i32
          %add3A_595 = vector.broadcast %add3A_594 : i32 to vector<16xi32>
          %add3A_596 = arith.addi %add3A_595, %and3A_593 : vector<16xi32>
          %mul3A_597 = arith.constant 32 : i32
          %mul3A_598 = arith.muli %select_n3A, %mul3A_597 : i32
          %add3A_599 = vector.broadcast %mul3A_598 : i32 to vector<16xi32>
          %add3A_600 = arith.addi %add3A_599, %add3A_596 : vector<16xi32>
          %gather3A_601 = tpu.vector_load_idx %arg9[%add3A_600, %add3A_266] : memref<128x128xf32, #tpu.memory_space<vmem>>[vector<16xi32>, vector<16xi32>], vector<16xf32>,
          %add3A_602 = arith.addi %shift_left3A_6, %add3A_596 : vector<16xi32>
          tpu.vector_store_idx %arg11[%add3A_273, %add3A_602], %gather3A_601 : memref<128x128xf32, #tpu.memory_space<vmem>>[vector<16xi32>, vector<16xi32>], vector<16xf32>,
          %add3A_603 = arith.constant 6 : i32
          %add3A_604 = vector.broadcast %add3A_603 : i32 to vector<16xi32>
          %add3A_605 = arith.addi %iota3A, %add3A_604 : vector<16xi32>
          %and3A_606 = arith.constant 15 : i32
          %and3A_607 = vector.broadcast %and3A_606 : i32 to vector<16xi32>
          %and3A_608 = arith.andi %add3A_605, %and3A_607 : vector<16xi32>
          %add3A_609 = arith.constant 16 : i32
          %add3A_610 = vector.broadcast %add3A_609 : i32 to vector<16xi32>
          %add3A_611 = arith.addi %add3A_610, %and3A_608 : vector<16xi32>
          %mul3A_612 = arith.constant 32 : i32
          %mul3A_613 = arith.muli %select_n3A, %mul3A_612 : i32
          %add3A_614 = vector.broadcast %mul3A_613 : i32 to vector<16xi32>
          %add3A_615 = arith.addi %add3A_614, %add3A_611 : vector<16xi32>
          %gather3A_616 = tpu.vector_load_idx %arg9[%add3A_615, %add3A_266] : memref<128x128xf32, #tpu.memory_space<vmem>>[vector<16xi32>, vector<16xi32>], vector<16xf32>,
          %add3A_617 = arith.addi %shift_left3A_6, %add3A_611 : vector<16xi32>
          tpu.vector_store_idx %arg11[%add3A_273, %add3A_617], %gather3A_616 : memref<128x128xf32, #tpu.memory_space<vmem>>[vector<16xi32>, vector<16xi32>], vector<16xf32>,
          %add3A_618 = arith.constant 7 : i32
          %add3A_619 = vector.broadcast %add3A_618 : i32 to vector<16xi32>
          %add3A_620 = arith.addi %iota3A, %add3A_619 : vector<16xi32>
          %and3A_621 = arith.constant 15 : i32
          %and3A_622 = vector.broadcast %and3A_621 : i32 to vector<16xi32>
          %and3A_623 = arith.andi %add3A_620, %and3A_622 : vector<16xi32>
          %add3A_624 = arith.constant 16 : i32
          %add3A_625 = vector.broadcast %add3A_624 : i32 to vector<16xi32>
          %add3A_626 = arith.addi %add3A_625, %and3A_623 : vector<16xi32>
          %mul3A_627 = arith.constant 32 : i32
          %mul3A_628 = arith.muli %select_n3A, %mul3A_627 : i32
          %add3A_629 = vector.broadcast %mul3A_628 : i32 to vector<16xi32>
          %add3A_630 = arith.addi %add3A_629, %add3A_626 : vector<16xi32>
          %gather3A_631 = tpu.vector_load_idx %arg9[%add3A_630, %add3A_266] : memref<128x128xf32, #tpu.memory_space<vmem>>[vector<16xi32>, vector<16xi32>], vector<16xf32>,
          %add3A_632 = arith.addi %shift_left3A_6, %add3A_626 : vector<16xi32>
          tpu.vector_store_idx %arg11[%add3A_273, %add3A_632], %gather3A_631 : memref<128x128xf32, #tpu.memory_space<vmem>>[vector<16xi32>, vector<16xi32>], vector<16xf32>,
          %add3A_633 = arith.constant 8 : i32
          %add3A_634 = vector.broadcast %add3A_633 : i32 to vector<16xi32>
          %add3A_635 = arith.addi %iota3A, %add3A_634 : vector<16xi32>
          %and3A_636 = arith.constant 15 : i32
          %and3A_637 = vector.broadcast %and3A_636 : i32 to vector<16xi32>
          %and3A_638 = arith.andi %add3A_635, %and3A_637 : vector<16xi32>
          %add3A_639 = arith.constant 16 : i32
          %add3A_640 = vector.broadcast %add3A_639 : i32 to vector<16xi32>
          %add3A_641 = arith.addi %add3A_640, %and3A_638 : vector<16xi32>
          %mul3A_642 = arith.constant 32 : i32
          %mul3A_643 = arith.muli %select_n3A, %mul3A_642 : i32
          %add3A_644 = vector.broadcast %mul3A_643 : i32 to vector<16xi32>
          %add3A_645 = arith.addi %add3A_644, %add3A_641 : vector<16xi32>
          %gather3A_646 = tpu.vector_load_idx %arg9[%add3A_645, %add3A_266] : memref<128x128xf32, #tpu.memory_space<vmem>>[vector<16xi32>, vector<16xi32>], vector<16xf32>,
          %add3A_647 = arith.addi %shift_left3A_6, %add3A_641 : vector<16xi32>
          tpu.vector_store_idx %arg11[%add3A_273, %add3A_647], %gather3A_646 : memref<128x128xf32, #tpu.memory_space<vmem>>[vector<16xi32>, vector<16xi32>], vector<16xf32>,
          %add3A_648 = arith.constant 9 : i32
          %add3A_649 = vector.broadcast %add3A_648 : i32 to vector<16xi32>
          %add3A_650 = arith.addi %iota3A, %add3A_649 : vector<16xi32>
          %and3A_651 = arith.constant 15 : i32
          %and3A_652 = vector.broadcast %and3A_651 : i32 to vector<16xi32>
          %and3A_653 = arith.andi %add3A_650, %and3A_652 : vector<16xi32>
          %add3A_654 = arith.constant 16 : i32
          %add3A_655 = vector.broadcast %add3A_654 : i32 to vector<16xi32>
          %add3A_656 = arith.addi %add3A_655, %and3A_653 : vector<16xi32>
          %mul3A_657 = arith.constant 32 : i32
          %mul3A_658 = arith.muli %select_n3A, %mul3A_657 : i32
          %add3A_659 = vector.broadcast %mul3A_658 : i32 to vector<16xi32>
          %add3A_660 = arith.addi %add3A_659, %add3A_656 : vector<16xi32>
          %gather3A_661 = tpu.vector_load_idx %arg9[%add3A_660, %add3A_266] : memref<128x128xf32, #tpu.memory_space<vmem>>[vector<16xi32>, vector<16xi32>], vector<16xf32>,
          %add3A_662 = arith.addi %shift_left3A_6, %add3A_656 : vector<16xi32>
          tpu.vector_store_idx %arg11[%add3A_273, %add3A_662], %gather3A_661 : memref<128x128xf32, #tpu.memory_space<vmem>>[vector<16xi32>, vector<16xi32>], vector<16xf32>,
          %add3A_663 = arith.constant 10 : i32
          %add3A_664 = vector.broadcast %add3A_663 : i32 to vector<16xi32>
          %add3A_665 = arith.addi %iota3A, %add3A_664 : vector<16xi32>
          %and3A_666 = arith.constant 15 : i32
          %and3A_667 = vector.broadcast %and3A_666 : i32 to vector<16xi32>
          %and3A_668 = arith.andi %add3A_665, %and3A_667 : vector<16xi32>
          %add3A_669 = arith.constant 16 : i32
          %add3A_670 = vector.broadcast %add3A_669 : i32 to vector<16xi32>
          %add3A_671 = arith.addi %add3A_670, %and3A_668 : vector<16xi32>
          %mul3A_672 = arith.constant 32 : i32
          %mul3A_673 = arith.muli %select_n3A, %mul3A_672 : i32
          %add3A_674 = vector.broadcast %mul3A_673 : i32 to vector<16xi32>
          %add3A_675 = arith.addi %add3A_674, %add3A_671 : vector<16xi32>
          %gather3A_676 = tpu.vector_load_idx %arg9[%add3A_675, %add3A_266] : memref<128x128xf32, #tpu.memory_space<vmem>>[vector<16xi32>, vector<16xi32>], vector<16xf32>,
          %add3A_677 = arith.addi %shift_left3A_6, %add3A_671 : vector<16xi32>
          tpu.vector_store_idx %arg11[%add3A_273, %add3A_677], %gather3A_676 : memref<128x128xf32, #tpu.memory_space<vmem>>[vector<16xi32>, vector<16xi32>], vector<16xf32>,
          %add3A_678 = arith.constant 11 : i32
          %add3A_679 = vector.broadcast %add3A_678 : i32 to vector<16xi32>
          %add3A_680 = arith.addi %iota3A, %add3A_679 : vector<16xi32>
          %and3A_681 = arith.constant 15 : i32
          %and3A_682 = vector.broadcast %and3A_681 : i32 to vector<16xi32>
          %and3A_683 = arith.andi %add3A_680, %and3A_682 : vector<16xi32>
          %add3A_684 = arith.constant 16 : i32
          %add3A_685 = vector.broadcast %add3A_684 : i32 to vector<16xi32>
          %add3A_686 = arith.addi %add3A_685, %and3A_683 : vector<16xi32>
          %mul3A_687 = arith.constant 32 : i32
          %mul3A_688 = arith.muli %select_n3A, %mul3A_687 : i32
          %add3A_689 = vector.broadcast %mul3A_688 : i32 to vector<16xi32>
          %add3A_690 = arith.addi %add3A_689, %add3A_686 : vector<16xi32>
          %gather3A_691 = tpu.vector_load_idx %arg9[%add3A_690, %add3A_266] : memref<128x128xf32, #tpu.memory_space<vmem>>[vector<16xi32>, vector<16xi32>], vector<16xf32>,
          %add3A_692 = arith.addi %shift_left3A_6, %add3A_686 : vector<16xi32>
          tpu.vector_store_idx %arg11[%add3A_273, %add3A_692], %gather3A_691 : memref<128x128xf32, #tpu.memory_space<vmem>>[vector<16xi32>, vector<16xi32>], vector<16xf32>,
          %add3A_693 = arith.constant 12 : i32
          %add3A_694 = vector.broadcast %add3A_693 : i32 to vector<16xi32>
          %add3A_695 = arith.addi %iota3A, %add3A_694 : vector<16xi32>
          %and3A_696 = arith.constant 15 : i32
          %and3A_697 = vector.broadcast %and3A_696 : i32 to vector<16xi32>
          %and3A_698 = arith.andi %add3A_695, %and3A_697 : vector<16xi32>
          %add3A_699 = arith.constant 16 : i32
          %add3A_700 = vector.broadcast %add3A_699 : i32 to vector<16xi32>
          %add3A_701 = arith.addi %add3A_700, %and3A_698 : vector<16xi32>
          %mul3A_702 = arith.constant 32 : i32
          %mul3A_703 = arith.muli %select_n3A, %mul3A_702 : i32
          %add3A_704 = vector.broadcast %mul3A_703 : i32 to vector<16xi32>
          %add3A_705 = arith.addi %add3A_704, %add3A_701 : vector<16xi32>
          %gather3A_706 = tpu.vector_load_idx %arg9[%add3A_705, %add3A_266] : memref<128x128xf32, #tpu.memory_space<vmem>>[vector<16xi32>, vector<16xi32>], vector<16xf32>,
          %add3A_707 = arith.addi %shift_left3A_6, %add3A_701 : vector<16xi32>
          tpu.vector_store_idx %arg11[%add3A_273, %add3A_707], %gather3A_706 : memref<128x128xf32, #tpu.memory_space<vmem>>[vector<16xi32>, vector<16xi32>], vector<16xf32>,
          %add3A_708 = arith.constant 13 : i32
          %add3A_709 = vector.broadcast %add3A_708 : i32 to vector<16xi32>
          %add3A_710 = arith.addi %iota3A, %add3A_709 : vector<16xi32>
          %and3A_711 = arith.constant 15 : i32
          %and3A_712 = vector.broadcast %and3A_711 : i32 to vector<16xi32>
          %and3A_713 = arith.andi %add3A_710, %and3A_712 : vector<16xi32>
          %add3A_714 = arith.constant 16 : i32
          %add3A_715 = vector.broadcast %add3A_714 : i32 to vector<16xi32>
          %add3A_716 = arith.addi %add3A_715, %and3A_713 : vector<16xi32>
          %mul3A_717 = arith.constant 32 : i32
          %mul3A_718 = arith.muli %select_n3A, %mul3A_717 : i32
          %add3A_719 = vector.broadcast %mul3A_718 : i32 to vector<16xi32>
          %add3A_720 = arith.addi %add3A_719, %add3A_716 : vector<16xi32>
          %gather3A_721 = tpu.vector_load_idx %arg9[%add3A_720, %add3A_266] : memref<128x128xf32, #tpu.memory_space<vmem>>[vector<16xi32>, vector<16xi32>], vector<16xf32>,
          %add3A_722 = arith.addi %shift_left3A_6, %add3A_716 : vector<16xi32>
          tpu.vector_store_idx %arg11[%add3A_273, %add3A_722], %gather3A_721 : memref<128x128xf32, #tpu.memory_space<vmem>>[vector<16xi32>, vector<16xi32>], vector<16xf32>,
          %add3A_723 = arith.constant 14 : i32
          %add3A_724 = vector.broadcast %add3A_723 : i32 to vector<16xi32>
          %add3A_725 = arith.addi %iota3A, %add3A_724 : vector<16xi32>
          %and3A_726 = arith.constant 15 : i32
          %and3A_727 = vector.broadcast %and3A_726 : i32 to vector<16xi32>
          %and3A_728 = arith.andi %add3A_725, %and3A_727 : vector<16xi32>
          %add3A_729 = arith.constant 16 : i32
          %add3A_730 = vector.broadcast %add3A_729 : i32 to vector<16xi32>
          %add3A_731 = arith.addi %add3A_730, %and3A_728 : vector<16xi32>
          %mul3A_732 = arith.constant 32 : i32
          %mul3A_733 = arith.muli %select_n3A, %mul3A_732 : i32
          %add3A_734 = vector.broadcast %mul3A_733 : i32 to vector<16xi32>
          %add3A_735 = arith.addi %add3A_734, %add3A_731 : vector<16xi32>
          %gather3A_736 = tpu.vector_load_idx %arg9[%add3A_735, %add3A_266] : memref<128x128xf32, #tpu.memory_space<vmem>>[vector<16xi32>, vector<16xi32>], vector<16xf32>,
          %add3A_737 = arith.addi %shift_left3A_6, %add3A_731 : vector<16xi32>
          tpu.vector_store_idx %arg11[%add3A_273, %add3A_737], %gather3A_736 : memref<128x128xf32, #tpu.memory_space<vmem>>[vector<16xi32>, vector<16xi32>], vector<16xf32>,
          %add3A_738 = arith.constant 15 : i32
          %add3A_739 = vector.broadcast %add3A_738 : i32 to vector<16xi32>
          %add3A_740 = arith.addi %iota3A, %add3A_739 : vector<16xi32>
          %and3A_741 = arith.constant 15 : i32
          %and3A_742 = vector.broadcast %and3A_741 : i32 to vector<16xi32>
          %and3A_743 = arith.andi %add3A_740, %and3A_742 : vector<16xi32>
          %add3A_744 = arith.constant 16 : i32
          %add3A_745 = vector.broadcast %add3A_744 : i32 to vector<16xi32>
          %add3A_746 = arith.addi %add3A_745, %and3A_743 : vector<16xi32>
          %mul3A_747 = arith.constant 32 : i32
          %mul3A_748 = arith.muli %select_n3A, %mul3A_747 : i32
          %add3A_749 = vector.broadcast %mul3A_748 : i32 to vector<16xi32>
          %add3A_750 = arith.addi %add3A_749, %add3A_746 : vector<16xi32>
          %gather3A_751 = tpu.vector_load_idx %arg9[%add3A_750, %add3A_266] : memref<128x128xf32, #tpu.memory_space<vmem>>[vector<16xi32>, vector<16xi32>], vector<16xf32>,
          %add3A_752 = arith.addi %shift_left3A_6, %add3A_746 : vector<16xi32>
          tpu.vector_store_idx %arg11[%add3A_273, %add3A_752], %gather3A_751 : memref<128x128xf32, #tpu.memory_space<vmem>>[vector<16xi32>, vector<16xi32>], vector<16xf32>,
        }
        %scan3A_222 = arith.constant 32 : i32
        %mul3A_223 = arith.constant 128 : i32
        %mul3A_224 = arith.muli %add3A_32, %mul3A_223 : i32
        %dma_start3A_225 = arith.constant 0 : i32
        %dma_start3A_226 = tpu.memref_slice %arg7[%mul3A_224, %dma_start3A_225] : memref<250000x128xf32, #tpu.memory_space<hbm>> -> memref<128x128xf32, #tpu.memory_space<hbm>>
        %dma_start3A_227 = arith.constant 0 : i32
        %dma_start3A_228 = tpu.memref_slice %arg7[%mul3A_224, %dma_start3A_227] : memref<250000x128xf32, #tpu.memory_space<hbm>> -> memref<128x128xf32, #tpu.memory_space<hbm>>
        tpu.enqueue_dma source(%arg11 : memref<128x128xf32, #tpu.memory_space<vmem>>) target(%dma_start3A_228 : memref<128x128xf32, #tpu.memory_space<hbm>>) target_semaphore(%arg15 : memref<!tpu.dma_semaphore, #tpu.memory_space<semaphore_mem>>)
      } else {
      }
    }
    %scan3A_13 = arith.constant 62 : i32
    %dma_wait3A = arith.constant 0 : i32
    %dma_wait3A_14 = arith.constant 0 : i32
    %dma_wait3A_15 = tpu.memref_slice %arg6[%dma_wait3A, %dma_wait3A_14] : memref<250000x128xf32, #tpu.memory_space<hbm>> -> memref<128x128xf32, #tpu.memory_space<hbm>>
    %dma_wait3A_16 = arith.constant 0 : i32
    %dma_wait3A_17 = arith.constant 0 : i32
    %dma_wait3A_18 = tpu.memref_slice %arg6[%dma_wait3A_16, %dma_wait3A_17] : memref<250000x128xf32, #tpu.memory_space<hbm>> -> memref<128x128xf32, #tpu.memory_space<hbm>>
    tpu.wait_dma2 semaphore(%arg14 : memref<!tpu.dma_semaphore, #tpu.memory_space<semaphore_mem>>) src(%arg10 : memref<128x128xf32, #tpu.memory_space<vmem>>) dst(%dma_wait3A_18 : memref<128x128xf32, #tpu.memory_space<hbm>>)
    %dma_wait3A_19 = arith.constant 0 : i32
    %dma_wait3A_20 = arith.constant 0 : i32
    %dma_wait3A_21 = tpu.memref_slice %arg7[%dma_wait3A_19, %dma_wait3A_20] : memref<250000x128xf32, #tpu.memory_space<hbm>> -> memref<128x128xf32, #tpu.memory_space<hbm>>
    %dma_wait3A_22 = arith.constant 0 : i32
    %dma_wait3A_23 = arith.constant 0 : i32
    %dma_wait3A_24 = tpu.memref_slice %arg7[%dma_wait3A_22, %dma_wait3A_23] : memref<250000x128xf32, #tpu.memory_space<hbm>> -> memref<128x128xf32, #tpu.memory_space<hbm>>
    tpu.wait_dma2 semaphore(%arg15 : memref<!tpu.dma_semaphore, #tpu.memory_space<semaphore_mem>>) src(%arg11 : memref<128x128xf32, #tpu.memory_space<vmem>>) dst(%dma_wait3A_24 : memref<128x128xf32, #tpu.memory_space<hbm>>)
    %eq3A = arith.constant 31 : i32
    %eq3A_25 = arith.cmpi eq, %add3A, %eq3A : i32
    %convert_element_type3A_26 = arith.extui %eq3A_25 : i1 to i32
    %cond3A_27 = arith.constant 0 : i32
    %cond3A_28 = arith.cmpi ne, %convert_element_type3A_26, %cond3A_27 : i32
    scf.if %cond3A_28 {
      "tpu.region"() ({
        %run_scoped3A = tpu.sem_alloc : memref<!tpu.dma_semaphore, #tpu.memory_space<semaphore_mem>>
        %dma_start3A = arith.constant 0 : i32
        %dma_start3A_29 = arith.constant 0 : i32
        %dma_start3A_30 = tpu.memref_slice %arg8[%dma_start3A, %dma_start3A_29] : memref<128x128xf32, #tpu.memory_space<vmem>> -> memref<16x128xf32, #tpu.memory_space<vmem>>
        %dma_start3A_31 = arith.constant 0 : i32
        %dma_start3A_32 = arith.constant 0 : i32
        %dma_start3A_33 = tpu.memref_slice %arg8[%dma_start3A_31, %dma_start3A_32] : memref<128x128xf32, #tpu.memory_space<vmem>> -> memref<16x128xf32, #tpu.memory_space<vmem>>
        tpu.enqueue_dma source(%arg4 : memref<16x128xf32, #tpu.memory_space<hbm>>) target(%dma_start3A_33 : memref<16x128xf32, #tpu.memory_space<vmem>>) target_semaphore(%run_scoped3A : memref<!tpu.dma_semaphore, #tpu.memory_space<semaphore_mem>>)
        %dma_wait3A_34 = arith.constant 0 : i32
        %dma_wait3A_35 = arith.constant 0 : i32
        %dma_wait3A_36 = tpu.memref_slice %arg8[%dma_wait3A_34, %dma_wait3A_35] : memref<128x128xf32, #tpu.memory_space<vmem>> -> memref<16x128xf32, #tpu.memory_space<vmem>>
        %dma_wait3A_37 = arith.constant 0 : i32
        %dma_wait3A_38 = arith.constant 0 : i32
        %dma_wait3A_39 = tpu.memref_slice %arg8[%dma_wait3A_37, %dma_wait3A_38] : memref<128x128xf32, #tpu.memory_space<vmem>> -> memref<16x128xf32, #tpu.memory_space<vmem>>
        tpu.wait_dma2 semaphore(%run_scoped3A : memref<!tpu.dma_semaphore, #tpu.memory_space<semaphore_mem>>) src(%arg4 : memref<16x128xf32, #tpu.memory_space<hbm>>) dst(%dma_wait3A_39 : memref<16x128xf32, #tpu.memory_space<vmem>>)
        tpu.yield
      }) : () -> ()
      "tpu.region"() ({
        %run_scoped3A = tpu.sem_alloc : memref<!tpu.dma_semaphore, #tpu.memory_space<semaphore_mem>>
        %dma_start3A = arith.constant 0 : i32
        %dma_start3A_29 = arith.constant 0 : i32
        %dma_start3A_30 = tpu.memref_slice %arg8[%dma_start3A, %dma_start3A_29] : memref<128x128xf32, #tpu.memory_space<vmem>> -> memref<16x128xf32, #tpu.memory_space<vmem>>
        %dma_start3A_31 = arith.constant 249984 : i32
        %dma_start3A_32 = arith.constant 0 : i32
        %dma_start3A_33 = tpu.memref_slice %arg6[%dma_start3A_31, %dma_start3A_32] : memref<250000x128xf32, #tpu.memory_space<hbm>> -> memref<16x128xf32, #tpu.memory_space<hbm>>
        %dma_start3A_34 = arith.constant 249984 : i32
        %dma_start3A_35 = arith.constant 0 : i32
        %dma_start3A_36 = tpu.memref_slice %arg6[%dma_start3A_34, %dma_start3A_35] : memref<250000x128xf32, #tpu.memory_space<hbm>> -> memref<16x128xf32, #tpu.memory_space<hbm>>
        %dma_start3A_37 = arith.constant 0 : i32
        %dma_start3A_38 = arith.constant 0 : i32
        %dma_start3A_39 = tpu.memref_slice %arg8[%dma_start3A_37, %dma_start3A_38] : memref<128x128xf32, #tpu.memory_space<vmem>> -> memref<16x128xf32, #tpu.memory_space<vmem>>
        tpu.enqueue_dma source(%dma_start3A_39 : memref<16x128xf32, #tpu.memory_space<vmem>>) target(%dma_start3A_36 : memref<16x128xf32, #tpu.memory_space<hbm>>) target_semaphore(%run_scoped3A : memref<!tpu.dma_semaphore, #tpu.memory_space<semaphore_mem>>)
        %dma_wait3A_40 = arith.constant 0 : i32
        %dma_wait3A_41 = arith.constant 0 : i32
        %dma_wait3A_42 = tpu.memref_slice %arg8[%dma_wait3A_40, %dma_wait3A_41] : memref<128x128xf32, #tpu.memory_space<vmem>> -> memref<16x128xf32, #tpu.memory_space<vmem>>
        %dma_wait3A_43 = arith.constant 249984 : i32
        %dma_wait3A_44 = arith.constant 0 : i32
        %dma_wait3A_45 = tpu.memref_slice %arg6[%dma_wait3A_43, %dma_wait3A_44] : memref<250000x128xf32, #tpu.memory_space<hbm>> -> memref<16x128xf32, #tpu.memory_space<hbm>>
        %dma_wait3A_46 = arith.constant 249984 : i32
        %dma_wait3A_47 = arith.constant 0 : i32
        %dma_wait3A_48 = tpu.memref_slice %arg6[%dma_wait3A_46, %dma_wait3A_47] : memref<250000x128xf32, #tpu.memory_space<hbm>> -> memref<16x128xf32, #tpu.memory_space<hbm>>
        %dma_wait3A_49 = arith.constant 0 : i32
        %dma_wait3A_50 = arith.constant 0 : i32
        %dma_wait3A_51 = tpu.memref_slice %arg8[%dma_wait3A_49, %dma_wait3A_50] : memref<128x128xf32, #tpu.memory_space<vmem>> -> memref<16x128xf32, #tpu.memory_space<vmem>>
        tpu.wait_dma2 semaphore(%run_scoped3A : memref<!tpu.dma_semaphore, #tpu.memory_space<semaphore_mem>>) src(%dma_wait3A_51 : memref<16x128xf32, #tpu.memory_space<vmem>>) dst(%dma_wait3A_48 : memref<16x128xf32, #tpu.memory_space<hbm>>)
        tpu.yield
      }) : () -> ()
      "tpu.region"() ({
        %run_scoped3A = tpu.sem_alloc : memref<!tpu.dma_semaphore, #tpu.memory_space<semaphore_mem>>
        %dma_start3A = arith.constant 0 : i32
        %dma_start3A_29 = arith.constant 0 : i32
        %dma_start3A_30 = tpu.memref_slice %arg8[%dma_start3A, %dma_start3A_29] : memref<128x128xf32, #tpu.memory_space<vmem>> -> memref<16x128xf32, #tpu.memory_space<vmem>>
        %dma_start3A_31 = arith.constant 0 : i32
        %dma_start3A_32 = arith.constant 0 : i32
        %dma_start3A_33 = tpu.memref_slice %arg8[%dma_start3A_31, %dma_start3A_32] : memref<128x128xf32, #tpu.memory_space<vmem>> -> memref<16x128xf32, #tpu.memory_space<vmem>>
        tpu.enqueue_dma source(%arg5 : memref<16x128xf32, #tpu.memory_space<hbm>>) target(%dma_start3A_33 : memref<16x128xf32, #tpu.memory_space<vmem>>) target_semaphore(%run_scoped3A : memref<!tpu.dma_semaphore, #tpu.memory_space<semaphore_mem>>)
        %dma_wait3A_34 = arith.constant 0 : i32
        %dma_wait3A_35 = arith.constant 0 : i32
        %dma_wait3A_36 = tpu.memref_slice %arg8[%dma_wait3A_34, %dma_wait3A_35] : memref<128x128xf32, #tpu.memory_space<vmem>> -> memref<16x128xf32, #tpu.memory_space<vmem>>
        %dma_wait3A_37 = arith.constant 0 : i32
        %dma_wait3A_38 = arith.constant 0 : i32
        %dma_wait3A_39 = tpu.memref_slice %arg8[%dma_wait3A_37, %dma_wait3A_38] : memref<128x128xf32, #tpu.memory_space<vmem>> -> memref<16x128xf32, #tpu.memory_space<vmem>>
        tpu.wait_dma2 semaphore(%run_scoped3A : memref<!tpu.dma_semaphore, #tpu.memory_space<semaphore_mem>>) src(%arg5 : memref<16x128xf32, #tpu.memory_space<hbm>>) dst(%dma_wait3A_39 : memref<16x128xf32, #tpu.memory_space<vmem>>)
        tpu.yield
      }) : () -> ()
      "tpu.region"() ({
        %run_scoped3A = tpu.sem_alloc : memref<!tpu.dma_semaphore, #tpu.memory_space<semaphore_mem>>
        %dma_start3A = arith.constant 0 : i32
        %dma_start3A_29 = arith.constant 0 : i32
        %dma_start3A_30 = tpu.memref_slice %arg8[%dma_start3A, %dma_start3A_29] : memref<128x128xf32, #tpu.memory_space<vmem>> -> memref<16x128xf32, #tpu.memory_space<vmem>>
        %dma_start3A_31 = arith.constant 249984 : i32
        %dma_start3A_32 = arith.constant 0 : i32
        %dma_start3A_33 = tpu.memref_slice %arg7[%dma_start3A_31, %dma_start3A_32] : memref<250000x128xf32, #tpu.memory_space<hbm>> -> memref<16x128xf32, #tpu.memory_space<hbm>>
        %dma_start3A_34 = arith.constant 249984 : i32
        %dma_start3A_35 = arith.constant 0 : i32
        %dma_start3A_36 = tpu.memref_slice %arg7[%dma_start3A_34, %dma_start3A_35] : memref<250000x128xf32, #tpu.memory_space<hbm>> -> memref<16x128xf32, #tpu.memory_space<hbm>>
        %dma_start3A_37 = arith.constant 0 : i32
        %dma_start3A_38 = arith.constant 0 : i32
        %dma_start3A_39 = tpu.memref_slice %arg8[%dma_start3A_37, %dma_start3A_38] : memref<128x128xf32, #tpu.memory_space<vmem>> -> memref<16x128xf32, #tpu.memory_space<vmem>>
        tpu.enqueue_dma source(%dma_start3A_39 : memref<16x128xf32, #tpu.memory_space<vmem>>) target(%dma_start3A_36 : memref<16x128xf32, #tpu.memory_space<hbm>>) target_semaphore(%run_scoped3A : memref<!tpu.dma_semaphore, #tpu.memory_space<semaphore_mem>>)
        %dma_wait3A_40 = arith.constant 0 : i32
        %dma_wait3A_41 = arith.constant 0 : i32
        %dma_wait3A_42 = tpu.memref_slice %arg8[%dma_wait3A_40, %dma_wait3A_41] : memref<128x128xf32, #tpu.memory_space<vmem>> -> memref<16x128xf32, #tpu.memory_space<vmem>>
        %dma_wait3A_43 = arith.constant 249984 : i32
        %dma_wait3A_44 = arith.constant 0 : i32
        %dma_wait3A_45 = tpu.memref_slice %arg7[%dma_wait3A_43, %dma_wait3A_44] : memref<250000x128xf32, #tpu.memory_space<hbm>> -> memref<16x128xf32, #tpu.memory_space<hbm>>
        %dma_wait3A_46 = arith.constant 249984 : i32
        %dma_wait3A_47 = arith.constant 0 : i32
        %dma_wait3A_48 = tpu.memref_slice %arg7[%dma_wait3A_46, %dma_wait3A_47] : memref<250000x128xf32, #tpu.memory_space<hbm>> -> memref<16x128xf32, #tpu.memory_space<hbm>>
        %dma_wait3A_49 = arith.constant 0 : i32
        %dma_wait3A_50 = arith.constant 0 : i32
        %dma_wait3A_51 = tpu.memref_slice %arg8[%dma_wait3A_49, %dma_wait3A_50] : memref<128x128xf32, #tpu.memory_space<vmem>> -> memref<16x128xf32, #tpu.memory_space<vmem>>
        tpu.wait_dma2 semaphore(%run_scoped3A : memref<!tpu.dma_semaphore, #tpu.memory_space<semaphore_mem>>) src(%dma_wait3A_51 : memref<16x128xf32, #tpu.memory_space<vmem>>) dst(%dma_wait3A_48 : memref<16x128xf32, #tpu.memory_space<hbm>>)
        tpu.yield
      }) : () -> ()
    } else {
    }
    return
  }
}

#map = affine_map<(d0, d1) -> (0)>
#map1 = affine_map<(d0, d1) -> (0, 0)>
module attributes {stable_mosaic.version = 14 : i64} {
  func.func @_cml_body(%arg0: i32, %arg1: i32, %arg2: memref<327680xi32, #tpu.memory_space<hbm>>, %arg3: memref<327680xi32, #tpu.memory_space<hbm>>, %arg4: memref<250000x128xf32, #tpu.memory_space<hbm>>, %arg5: memref<250000x128xf32, #tpu.memory_space<hbm>>, %arg6: memref<327680xf32, #tpu.memory_space<hbm>>, %arg7: memref<10240xi32, #tpu.memory_space<vmem>>, %arg8: memref<10240xi32, #tpu.memory_space<vmem>>, %arg9: memref<10240xi32, #tpu.memory_space<vmem>>, %arg10: memref<10240xi32, #tpu.memory_space<vmem>>, %arg11: memref<128x128xf32, #tpu.memory_space<vmem>>, %arg12: memref<128x128xf32, #tpu.memory_space<vmem>>, %arg13: memref<128x128xf32, #tpu.memory_space<vmem>>, %arg14: memref<128x128xf32, #tpu.memory_space<vmem>>, %arg15: memref<10240xf32, #tpu.memory_space<vmem>>, %arg16: memref<!tpu.dma_semaphore, #tpu.memory_space<semaphore_mem>>, %arg17: memref<!tpu.dma_semaphore, #tpu.memory_space<semaphore_mem>>) attributes {dimension_semantics = [#tpu.dimension_semantics<core_parallel>, #tpu.dimension_semantics<subcore_parallel>], iteration_bounds = array<i64: 2, 16>, scalar_prefetch = 0 : i64, scratch_operands = 11 : i64, tpu.core_type = #tpu.core_type<sc_vector_subcore>, window_params = [{transform_indices = #map}, {transform_indices = #map}, {transform_indices = #map1}, {transform_indices = #map1}, {transform_indices = #map}]} {
    %mul3A = arith.constant 2 : i32
    %mul3A_0 = arith.muli %arg1, %mul3A : i32
    %add3A = arith.addi %mul3A_0, %arg0 : i32
    %mul3A_1 = arith.constant 10240 : i32
    %mul3A_2 = arith.muli %add3A, %mul3A_1 : i32
    %iota3A = tpu.iota {dimensions = array<i32: 0>} : vector<16xi32>
    "tpu.region"() ({
      %run_scoped3A = tpu.sem_alloc : memref<!tpu.dma_semaphore, #tpu.memory_space<semaphore_mem>>
      %dma_start3A_23 = tpu.memref_slice %arg2[%mul3A_2] : memref<327680xi32, #tpu.memory_space<hbm>> -> memref<10240xi32, #tpu.memory_space<hbm>>
      %dma_start3A_24 = tpu.memref_slice %arg2[%mul3A_2] : memref<327680xi32, #tpu.memory_space<hbm>> -> memref<10240xi32, #tpu.memory_space<hbm>>
      tpu.enqueue_dma source(%dma_start3A_24 : memref<10240xi32, #tpu.memory_space<hbm>>) target(%arg7 : memref<10240xi32, #tpu.memory_space<vmem>>) target_semaphore(%run_scoped3A : memref<!tpu.dma_semaphore, #tpu.memory_space<semaphore_mem>>)
      %dma_wait3A = tpu.memref_slice %arg2[%mul3A_2] : memref<327680xi32, #tpu.memory_space<hbm>> -> memref<10240xi32, #tpu.memory_space<hbm>>
      %dma_wait3A_25 = tpu.memref_slice %arg2[%mul3A_2] : memref<327680xi32, #tpu.memory_space<hbm>> -> memref<10240xi32, #tpu.memory_space<hbm>>
      tpu.wait_dma2 semaphore(%run_scoped3A : memref<!tpu.dma_semaphore, #tpu.memory_space<semaphore_mem>>) src(%dma_wait3A_25 : memref<10240xi32, #tpu.memory_space<hbm>>) dst(%arg7 : memref<10240xi32, #tpu.memory_space<vmem>>)
      tpu.yield
    }) : () -> ()
    "tpu.region"() ({
      %run_scoped3A = tpu.sem_alloc : memref<!tpu.dma_semaphore, #tpu.memory_space<semaphore_mem>>
      %dma_start3A_23 = tpu.memref_slice %arg3[%mul3A_2] : memref<327680xi32, #tpu.memory_space<hbm>> -> memref<10240xi32, #tpu.memory_space<hbm>>
      %dma_start3A_24 = tpu.memref_slice %arg3[%mul3A_2] : memref<327680xi32, #tpu.memory_space<hbm>> -> memref<10240xi32, #tpu.memory_space<hbm>>
      tpu.enqueue_dma source(%dma_start3A_24 : memref<10240xi32, #tpu.memory_space<hbm>>) target(%arg8 : memref<10240xi32, #tpu.memory_space<vmem>>) target_semaphore(%run_scoped3A : memref<!tpu.dma_semaphore, #tpu.memory_space<semaphore_mem>>)
      %dma_wait3A = tpu.memref_slice %arg3[%mul3A_2] : memref<327680xi32, #tpu.memory_space<hbm>> -> memref<10240xi32, #tpu.memory_space<hbm>>
      %dma_wait3A_25 = tpu.memref_slice %arg3[%mul3A_2] : memref<327680xi32, #tpu.memory_space<hbm>> -> memref<10240xi32, #tpu.memory_space<hbm>>
      tpu.wait_dma2 semaphore(%run_scoped3A : memref<!tpu.dma_semaphore, #tpu.memory_space<semaphore_mem>>) src(%dma_wait3A_25 : memref<10240xi32, #tpu.memory_space<hbm>>) dst(%arg8 : memref<10240xi32, #tpu.memory_space<vmem>>)
      tpu.yield
    }) : () -> ()
    %scan3A = arith.constant 0 : i32
    %scan3A_3 = arith.constant 0 : i32
    %scan3A_4 = arith.constant 640 : i32
    %scan3A_5 = arith.addi %scan3A_3, %scan3A_4 : i32
    %scan3A_6 = arith.constant 1 : i32
    scf.for %scan3A_23 = %scan3A_3 to %scan3A_5 step %scan3A_6  : i32 {
      %mul3A_24 = arith.constant 16 : i32
      %mul3A_25 = arith.muli %scan3A_23, %mul3A_24 : i32
      %get3A = arith.index_cast %mul3A_25 : i32 to index
      %get3A_26 = tpu.vector_load %arg7[%get3A] {strides = array<i32>} : memref<10240xi32, #tpu.memory_space<vmem>>, vector<16xi32>,
      %shift_right_logical3A = arith.constant 2 : i32
      %shift_right_logical3A_27 = vector.broadcast %shift_right_logical3A : i32 to vector<16xi32>
      %shift_right_logical3A_28 = arith.shrui %get3A_26, %shift_right_logical3A_27 : vector<16xi32>
      %swap3A = arith.index_cast %mul3A_25 : i32 to index
      %swap3A_29 = tpu.vector_load %arg9[%swap3A] {strides = array<i32>} : memref<10240xi32, #tpu.memory_space<vmem>>, vector<16xi32>,
      tpu.vector_store %arg9[%swap3A], %shift_right_logical3A_28 {strides = array<i32>} : memref<10240xi32, #tpu.memory_space<vmem>>, vector<16xi32>,
      %get3A_30 = arith.index_cast %mul3A_25 : i32 to index
      %get3A_31 = tpu.vector_load %arg8[%get3A_30] {strides = array<i32>} : memref<10240xi32, #tpu.memory_space<vmem>>, vector<16xi32>,
      %shift_right_logical3A_32 = arith.constant 2 : i32
      %shift_right_logical3A_33 = vector.broadcast %shift_right_logical3A_32 : i32 to vector<16xi32>
      %shift_right_logical3A_34 = arith.shrui %get3A_31, %shift_right_logical3A_33 : vector<16xi32>
      %swap3A_35 = arith.index_cast %mul3A_25 : i32 to index
      %swap3A_36 = tpu.vector_load %arg10[%swap3A_35] {strides = array<i32>} : memref<10240xi32, #tpu.memory_space<vmem>>, vector<16xi32>,
      tpu.vector_store %arg10[%swap3A_35], %shift_right_logical3A_34 {strides = array<i32>} : memref<10240xi32, #tpu.memory_space<vmem>>, vector<16xi32>,
    }
    %scan3A_7 = arith.constant 640 : i32
    %dma_start3A = arith.constant 0 : i32
    %dma_start3A_8 = tpu.memref_slice %arg9[%dma_start3A] : memref<10240xi32, #tpu.memory_space<vmem>> -> memref<128xi32, #tpu.memory_space<vmem>>
    %dma_start3A_9 = arith.constant 0 : i32
    %dma_start3A_10 = arith.constant 0 : i32
    %dma_start3A_11 = tpu.memref_slice %arg4[%dma_start3A_9, %dma_start3A_10] : memref<250000x128xf32, #tpu.memory_space<hbm>> -> memref<250000x128xf32, #tpu.memory_space<hbm>>
    tpu.enqueue_indirect_dma source(%dma_start3A_11 : memref<250000x128xf32, #tpu.memory_space<hbm>>) target(%arg11 : memref<128x128xf32, #tpu.memory_space<vmem>>) offsets(%dma_start3A_8 : memref<128xi32, #tpu.memory_space<vmem>>) semaphore(%arg16 : memref<!tpu.dma_semaphore, #tpu.memory_space<semaphore_mem>>)
    %dma_start3A_12 = arith.constant 0 : i32
    %dma_start3A_13 = tpu.memref_slice %arg10[%dma_start3A_12] : memref<10240xi32, #tpu.memory_space<vmem>> -> memref<128xi32, #tpu.memory_space<vmem>>
    %dma_start3A_14 = arith.constant 0 : i32
    %dma_start3A_15 = arith.constant 0 : i32
    %dma_start3A_16 = tpu.memref_slice %arg5[%dma_start3A_14, %dma_start3A_15] : memref<250000x128xf32, #tpu.memory_space<hbm>> -> memref<250000x128xf32, #tpu.memory_space<hbm>>
    tpu.enqueue_indirect_dma source(%dma_start3A_16 : memref<250000x128xf32, #tpu.memory_space<hbm>>) target(%arg12 : memref<128x128xf32, #tpu.memory_space<vmem>>) offsets(%dma_start3A_13 : memref<128xi32, #tpu.memory_space<vmem>>) semaphore(%arg16 : memref<!tpu.dma_semaphore, #tpu.memory_space<semaphore_mem>>)
    %scan3A_17 = arith.constant 0 : i32
    %scan3A_18 = arith.constant 0 : i32
    %scan3A_19 = arith.constant 40 : i32
    %scan3A_20 = arith.addi %scan3A_18, %scan3A_19 : i32
    %scan3A_21 = arith.constant 1 : i32
    scf.for %scan3A_23 = %scan3A_18 to %scan3A_20 step %scan3A_21  : i32 {
      %mul3A_24 = arith.constant 2 : i32
      %mul3A_25 = arith.muli %mul3A_24, %scan3A_23 : i32
      %add3A_26 = arith.constant 1 : i32
      %add3A_27 = arith.addi %mul3A_25, %add3A_26 : i32
      %mul3A_28 = arith.constant 128 : i32
      %mul3A_29 = arith.muli %add3A_27, %mul3A_28 : i32
      %dma_start3A_30 = tpu.memref_slice %arg9[%mul3A_29] : memref<10240xi32, #tpu.memory_space<vmem>> -> memref<128xi32, #tpu.memory_space<vmem>>
      %dma_start3A_31 = arith.constant 0 : i32
      %dma_start3A_32 = arith.constant 0 : i32
      %dma_start3A_33 = tpu.memref_slice %arg4[%dma_start3A_31, %dma_start3A_32] : memref<250000x128xf32, #tpu.memory_space<hbm>> -> memref<250000x128xf32, #tpu.memory_space<hbm>>
      tpu.enqueue_indirect_dma source(%dma_start3A_33 : memref<250000x128xf32, #tpu.memory_space<hbm>>) target(%arg13 : memref<128x128xf32, #tpu.memory_space<vmem>>) offsets(%dma_start3A_30 : memref<128xi32, #tpu.memory_space<vmem>>) semaphore(%arg17 : memref<!tpu.dma_semaphore, #tpu.memory_space<semaphore_mem>>)
      %mul3A_34 = arith.constant 128 : i32
      %mul3A_35 = arith.muli %add3A_27, %mul3A_34 : i32
      %dma_start3A_36 = tpu.memref_slice %arg10[%mul3A_35] : memref<10240xi32, #tpu.memory_space<vmem>> -> memref<128xi32, #tpu.memory_space<vmem>>
      %dma_start3A_37 = arith.constant 0 : i32
      %dma_start3A_38 = arith.constant 0 : i32
      %dma_start3A_39 = tpu.memref_slice %arg5[%dma_start3A_37, %dma_start3A_38] : memref<250000x128xf32, #tpu.memory_space<hbm>> -> memref<250000x128xf32, #tpu.memory_space<hbm>>
      tpu.enqueue_indirect_dma source(%dma_start3A_39 : memref<250000x128xf32, #tpu.memory_space<hbm>>) target(%arg14 : memref<128x128xf32, #tpu.memory_space<vmem>>) offsets(%dma_start3A_36 : memref<128xi32, #tpu.memory_space<vmem>>) semaphore(%arg17 : memref<!tpu.dma_semaphore, #tpu.memory_space<semaphore_mem>>)
      %dma_wait3A = arith.constant 0 : i32
      %dma_wait3A_40 = arith.constant 0 : i32
      %dma_wait3A_41 = tpu.memref_slice %arg4[%dma_wait3A, %dma_wait3A_40] : memref<250000x128xf32, #tpu.memory_space<hbm>> -> memref<128x128xf32, #tpu.memory_space<hbm>>
      %dma_wait3A_42 = arith.constant 0 : i32
      %dma_wait3A_43 = arith.constant 0 : i32
      %dma_wait3A_44 = tpu.memref_slice %arg4[%dma_wait3A_42, %dma_wait3A_43] : memref<250000x128xf32, #tpu.memory_space<hbm>> -> memref<128x128xf32, #tpu.memory_space<hbm>>
      tpu.wait_dma2 semaphore(%arg16 : memref<!tpu.dma_semaphore, #tpu.memory_space<semaphore_mem>>) src(%dma_wait3A_44 : memref<128x128xf32, #tpu.memory_space<hbm>>) dst(%arg11 : memref<128x128xf32, #tpu.memory_space<vmem>>)
      %dma_wait3A_45 = arith.constant 0 : i32
      %dma_wait3A_46 = arith.constant 0 : i32
      %dma_wait3A_47 = tpu.memref_slice %arg5[%dma_wait3A_45, %dma_wait3A_46] : memref<250000x128xf32, #tpu.memory_space<hbm>> -> memref<128x128xf32, #tpu.memory_space<hbm>>
      %dma_wait3A_48 = arith.constant 0 : i32
      %dma_wait3A_49 = arith.constant 0 : i32
      %dma_wait3A_50 = tpu.memref_slice %arg5[%dma_wait3A_48, %dma_wait3A_49] : memref<250000x128xf32, #tpu.memory_space<hbm>> -> memref<128x128xf32, #tpu.memory_space<hbm>>
      tpu.wait_dma2 semaphore(%arg16 : memref<!tpu.dma_semaphore, #tpu.memory_space<semaphore_mem>>) src(%dma_wait3A_50 : memref<128x128xf32, #tpu.memory_space<hbm>>) dst(%arg12 : memref<128x128xf32, #tpu.memory_space<vmem>>)
      %mul3A_51 = arith.constant 2 : i32
      %mul3A_52 = arith.muli %mul3A_51, %scan3A_23 : i32
      %scan3A_53 = arith.constant 0 : i32
      %scan3A_54 = arith.constant 0 : i32
      %scan3A_55 = arith.constant 8 : i32
      %scan3A_56 = arith.addi %scan3A_54, %scan3A_55 : i32
      %scan3A_57 = arith.constant 1 : i32
      scf.for %scan3A_83 = %scan3A_54 to %scan3A_56 step %scan3A_57  : i32 {
        %mul3A_84 = arith.constant 128 : i32
        %mul3A_85 = arith.muli %mul3A_52, %mul3A_84 : i32
        %mul3A_86 = arith.constant 16 : i32
        %mul3A_87 = arith.muli %scan3A_83, %mul3A_86 : i32
        %add3A_88 = arith.addi %mul3A_85, %mul3A_87 : i32
        %get3A = arith.index_cast %add3A_88 : i32 to index
        %get3A_89 = tpu.vector_load %arg7[%get3A] {strides = array<i32>} : memref<10240xi32, #tpu.memory_space<vmem>>, vector<16xi32>,
        %and3A = arith.constant 3 : i32
        %and3A_90 = vector.broadcast %and3A : i32 to vector<16xi32>
        %and3A_91 = arith.andi %get3A_89, %and3A_90 : vector<16xi32>
        %shift_left3A = arith.constant 5 : i32
        %shift_left3A_92 = vector.broadcast %shift_left3A : i32 to vector<16xi32>
        %shift_left3A_93 = arith.shli %and3A_91, %shift_left3A_92 : vector<16xi32>
        %get3A_94 = arith.index_cast %add3A_88 : i32 to index
        %get3A_95 = tpu.vector_load %arg8[%get3A_94] {strides = array<i32>} : memref<10240xi32, #tpu.memory_space<vmem>>, vector<16xi32>,
        %and3A_96 = arith.constant 3 : i32
        %and3A_97 = vector.broadcast %and3A_96 : i32 to vector<16xi32>
        %and3A_98 = arith.andi %get3A_95, %and3A_97 : vector<16xi32>
        %shift_left3A_99 = arith.constant 5 : i32
        %shift_left3A_100 = vector.broadcast %shift_left3A_99 : i32 to vector<16xi32>
        %shift_left3A_101 = arith.shli %and3A_98, %shift_left3A_100 : vector<16xi32>
        %mul3A_102 = arith.constant 16 : i32
        %mul3A_103 = arith.muli %scan3A_83, %mul3A_102 : i32
        %add3A_104 = vector.broadcast %mul3A_103 : i32 to vector<16xi32>
        %add3A_105 = arith.addi %iota3A, %add3A_104 : vector<16xi32>
        %broadcast_in_dim3A = arith.constant 0.000000e+00 : f32
        %broadcast_in_dim3A_106 = vector.broadcast %broadcast_in_dim3A : f32 to vector<16xf32>
        %broadcast_in_dim3A_107 = arith.constant 0.000000e+00 : f32
        %broadcast_in_dim3A_108 = vector.broadcast %broadcast_in_dim3A_107 : f32 to vector<16xf32>
        %broadcast_in_dim3A_109 = arith.constant 0.000000e+00 : f32
        %broadcast_in_dim3A_110 = vector.broadcast %broadcast_in_dim3A_109 : f32 to vector<16xf32>
        %broadcast_in_dim3A_111 = arith.constant 0.000000e+00 : f32
        %broadcast_in_dim3A_112 = vector.broadcast %broadcast_in_dim3A_111 : f32 to vector<16xf32>
        %add3A_113 = arith.constant 0 : i32
        %add3A_114 = vector.broadcast %add3A_113 : i32 to vector<16xi32>
        %add3A_115 = arith.addi %iota3A, %add3A_114 : vector<16xi32>
        %and3A_116 = arith.constant 31 : i32
        %and3A_117 = vector.broadcast %and3A_116 : i32 to vector<16xi32>
        %and3A_118 = arith.andi %add3A_115, %and3A_117 : vector<16xi32>
        %add3A_119 = arith.addi %shift_left3A_93, %and3A_118 : vector<16xi32>
        %gather3A = tpu.vector_load_idx %arg11[%add3A_105, %add3A_119] : memref<128x128xf32, #tpu.memory_space<vmem>>[vector<16xi32>, vector<16xi32>], vector<16xf32>,
        %add3A_120 = arith.addi %shift_left3A_101, %and3A_118 : vector<16xi32>
        %gather3A_121 = tpu.vector_load_idx %arg12[%add3A_105, %add3A_120] : memref<128x128xf32, #tpu.memory_space<vmem>>[vector<16xi32>, vector<16xi32>], vector<16xf32>,
        %sub3A = arith.subf %gather3A, %gather3A_121 : vector<16xf32>
        %mul3A_122 = arith.mulf %sub3A, %sub3A : vector<16xf32>
        %add3A_123 = arith.addf %broadcast_in_dim3A_106, %mul3A_122 : vector<16xf32>
        %add3A_124 = arith.constant 1 : i32
        %add3A_125 = vector.broadcast %add3A_124 : i32 to vector<16xi32>
        %add3A_126 = arith.addi %iota3A, %add3A_125 : vector<16xi32>
        %and3A_127 = arith.constant 31 : i32
        %and3A_128 = vector.broadcast %and3A_127 : i32 to vector<16xi32>
        %and3A_129 = arith.andi %add3A_126, %and3A_128 : vector<16xi32>
        %add3A_130 = arith.addi %shift_left3A_93, %and3A_129 : vector<16xi32>
        %gather3A_131 = tpu.vector_load_idx %arg11[%add3A_105, %add3A_130] : memref<128x128xf32, #tpu.memory_space<vmem>>[vector<16xi32>, vector<16xi32>], vector<16xf32>,
        %add3A_132 = arith.addi %shift_left3A_101, %and3A_129 : vector<16xi32>
        %gather3A_133 = tpu.vector_load_idx %arg12[%add3A_105, %add3A_132] : memref<128x128xf32, #tpu.memory_space<vmem>>[vector<16xi32>, vector<16xi32>], vector<16xf32>,
        %sub3A_134 = arith.subf %gather3A_131, %gather3A_133 : vector<16xf32>
        %mul3A_135 = arith.mulf %sub3A_134, %sub3A_134 : vector<16xf32>
        %add3A_136 = arith.addf %broadcast_in_dim3A_108, %mul3A_135 : vector<16xf32>
        %add3A_137 = arith.constant 2 : i32
        %add3A_138 = vector.broadcast %add3A_137 : i32 to vector<16xi32>
        %add3A_139 = arith.addi %iota3A, %add3A_138 : vector<16xi32>
        %and3A_140 = arith.constant 31 : i32
        %and3A_141 = vector.broadcast %and3A_140 : i32 to vector<16xi32>
        %and3A_142 = arith.andi %add3A_139, %and3A_141 : vector<16xi32>
        %add3A_143 = arith.addi %shift_left3A_93, %and3A_142 : vector<16xi32>
        %gather3A_144 = tpu.vector_load_idx %arg11[%add3A_105, %add3A_143] : memref<128x128xf32, #tpu.memory_space<vmem>>[vector<16xi32>, vector<16xi32>], vector<16xf32>,
        %add3A_145 = arith.addi %shift_left3A_101, %and3A_142 : vector<16xi32>
        %gather3A_146 = tpu.vector_load_idx %arg12[%add3A_105, %add3A_145] : memref<128x128xf32, #tpu.memory_space<vmem>>[vector<16xi32>, vector<16xi32>], vector<16xf32>,
        %sub3A_147 = arith.subf %gather3A_144, %gather3A_146 : vector<16xf32>
        %mul3A_148 = arith.mulf %sub3A_147, %sub3A_147 : vector<16xf32>
        %add3A_149 = arith.addf %broadcast_in_dim3A_110, %mul3A_148 : vector<16xf32>
        %add3A_150 = arith.constant 3 : i32
        %add3A_151 = vector.broadcast %add3A_150 : i32 to vector<16xi32>
        %add3A_152 = arith.addi %iota3A, %add3A_151 : vector<16xi32>
        %and3A_153 = arith.constant 31 : i32
        %and3A_154 = vector.broadcast %and3A_153 : i32 to vector<16xi32>
        %and3A_155 = arith.andi %add3A_152, %and3A_154 : vector<16xi32>
        %add3A_156 = arith.addi %shift_left3A_93, %and3A_155 : vector<16xi32>
        %gather3A_157 = tpu.vector_load_idx %arg11[%add3A_105, %add3A_156] : memref<128x128xf32, #tpu.memory_space<vmem>>[vector<16xi32>, vector<16xi32>], vector<16xf32>,
        %add3A_158 = arith.addi %shift_left3A_101, %and3A_155 : vector<16xi32>
        %gather3A_159 = tpu.vector_load_idx %arg12[%add3A_105, %add3A_158] : memref<128x128xf32, #tpu.memory_space<vmem>>[vector<16xi32>, vector<16xi32>], vector<16xf32>,
        %sub3A_160 = arith.subf %gather3A_157, %gather3A_159 : vector<16xf32>
        %mul3A_161 = arith.mulf %sub3A_160, %sub3A_160 : vector<16xf32>
        %add3A_162 = arith.addf %broadcast_in_dim3A_112, %mul3A_161 : vector<16xf32>
        %add3A_163 = arith.constant 4 : i32
        %add3A_164 = vector.broadcast %add3A_163 : i32 to vector<16xi32>
        %add3A_165 = arith.addi %iota3A, %add3A_164 : vector<16xi32>
        %and3A_166 = arith.constant 31 : i32
        %and3A_167 = vector.broadcast %and3A_166 : i32 to vector<16xi32>
        %and3A_168 = arith.andi %add3A_165, %and3A_167 : vector<16xi32>
        %add3A_169 = arith.addi %shift_left3A_93, %and3A_168 : vector<16xi32>
        %gather3A_170 = tpu.vector_load_idx %arg11[%add3A_105, %add3A_169] : memref<128x128xf32, #tpu.memory_space<vmem>>[vector<16xi32>, vector<16xi32>], vector<16xf32>,
        %add3A_171 = arith.addi %shift_left3A_101, %and3A_168 : vector<16xi32>
        %gather3A_172 = tpu.vector_load_idx %arg12[%add3A_105, %add3A_171] : memref<128x128xf32, #tpu.memory_space<vmem>>[vector<16xi32>, vector<16xi32>], vector<16xf32>,
        %sub3A_173 = arith.subf %gather3A_170, %gather3A_172 : vector<16xf32>
        %mul3A_174 = arith.mulf %sub3A_173, %sub3A_173 : vector<16xf32>
        %add3A_175 = arith.addf %add3A_123, %mul3A_174 : vector<16xf32>
        %add3A_176 = arith.constant 5 : i32
        %add3A_177 = vector.broadcast %add3A_176 : i32 to vector<16xi32>
        %add3A_178 = arith.addi %iota3A, %add3A_177 : vector<16xi32>
        %and3A_179 = arith.constant 31 : i32
        %and3A_180 = vector.broadcast %and3A_179 : i32 to vector<16xi32>
        %and3A_181 = arith.andi %add3A_178, %and3A_180 : vector<16xi32>
        %add3A_182 = arith.addi %shift_left3A_93, %and3A_181 : vector<16xi32>
        %gather3A_183 = tpu.vector_load_idx %arg11[%add3A_105, %add3A_182] : memref<128x128xf32, #tpu.memory_space<vmem>>[vector<16xi32>, vector<16xi32>], vector<16xf32>,
        %add3A_184 = arith.addi %shift_left3A_101, %and3A_181 : vector<16xi32>
        %gather3A_185 = tpu.vector_load_idx %arg12[%add3A_105, %add3A_184] : memref<128x128xf32, #tpu.memory_space<vmem>>[vector<16xi32>, vector<16xi32>], vector<16xf32>,
        %sub3A_186 = arith.subf %gather3A_183, %gather3A_185 : vector<16xf32>
        %mul3A_187 = arith.mulf %sub3A_186, %sub3A_186 : vector<16xf32>
        %add3A_188 = arith.addf %add3A_136, %mul3A_187 : vector<16xf32>
        %add3A_189 = arith.constant 6 : i32
        %add3A_190 = vector.broadcast %add3A_189 : i32 to vector<16xi32>
        %add3A_191 = arith.addi %iota3A, %add3A_190 : vector<16xi32>
        %and3A_192 = arith.constant 31 : i32
        %and3A_193 = vector.broadcast %and3A_192 : i32 to vector<16xi32>
        %and3A_194 = arith.andi %add3A_191, %and3A_193 : vector<16xi32>
        %add3A_195 = arith.addi %shift_left3A_93, %and3A_194 : vector<16xi32>
        %gather3A_196 = tpu.vector_load_idx %arg11[%add3A_105, %add3A_195] : memref<128x128xf32, #tpu.memory_space<vmem>>[vector<16xi32>, vector<16xi32>], vector<16xf32>,
        %add3A_197 = arith.addi %shift_left3A_101, %and3A_194 : vector<16xi32>
        %gather3A_198 = tpu.vector_load_idx %arg12[%add3A_105, %add3A_197] : memref<128x128xf32, #tpu.memory_space<vmem>>[vector<16xi32>, vector<16xi32>], vector<16xf32>,
        %sub3A_199 = arith.subf %gather3A_196, %gather3A_198 : vector<16xf32>
        %mul3A_200 = arith.mulf %sub3A_199, %sub3A_199 : vector<16xf32>
        %add3A_201 = arith.addf %add3A_149, %mul3A_200 : vector<16xf32>
        %add3A_202 = arith.constant 7 : i32
        %add3A_203 = vector.broadcast %add3A_202 : i32 to vector<16xi32>
        %add3A_204 = arith.addi %iota3A, %add3A_203 : vector<16xi32>
        %and3A_205 = arith.constant 31 : i32
        %and3A_206 = vector.broadcast %and3A_205 : i32 to vector<16xi32>
        %and3A_207 = arith.andi %add3A_204, %and3A_206 : vector<16xi32>
        %add3A_208 = arith.addi %shift_left3A_93, %and3A_207 : vector<16xi32>
        %gather3A_209 = tpu.vector_load_idx %arg11[%add3A_105, %add3A_208] : memref<128x128xf32, #tpu.memory_space<vmem>>[vector<16xi32>, vector<16xi32>], vector<16xf32>,
        %add3A_210 = arith.addi %shift_left3A_101, %and3A_207 : vector<16xi32>
        %gather3A_211 = tpu.vector_load_idx %arg12[%add3A_105, %add3A_210] : memref<128x128xf32, #tpu.memory_space<vmem>>[vector<16xi32>, vector<16xi32>], vector<16xf32>,
        %sub3A_212 = arith.subf %gather3A_209, %gather3A_211 : vector<16xf32>
        %mul3A_213 = arith.mulf %sub3A_212, %sub3A_212 : vector<16xf32>
        %add3A_214 = arith.addf %add3A_162, %mul3A_213 : vector<16xf32>
        %add3A_215 = arith.constant 8 : i32
        %add3A_216 = vector.broadcast %add3A_215 : i32 to vector<16xi32>
        %add3A_217 = arith.addi %iota3A, %add3A_216 : vector<16xi32>
        %and3A_218 = arith.constant 31 : i32
        %and3A_219 = vector.broadcast %and3A_218 : i32 to vector<16xi32>
        %and3A_220 = arith.andi %add3A_217, %and3A_219 : vector<16xi32>
        %add3A_221 = arith.addi %shift_left3A_93, %and3A_220 : vector<16xi32>
        %gather3A_222 = tpu.vector_load_idx %arg11[%add3A_105, %add3A_221] : memref<128x128xf32, #tpu.memory_space<vmem>>[vector<16xi32>, vector<16xi32>], vector<16xf32>,
        %add3A_223 = arith.addi %shift_left3A_101, %and3A_220 : vector<16xi32>
        %gather3A_224 = tpu.vector_load_idx %arg12[%add3A_105, %add3A_223] : memref<128x128xf32, #tpu.memory_space<vmem>>[vector<16xi32>, vector<16xi32>], vector<16xf32>,
        %sub3A_225 = arith.subf %gather3A_222, %gather3A_224 : vector<16xf32>
        %mul3A_226 = arith.mulf %sub3A_225, %sub3A_225 : vector<16xf32>
        %add3A_227 = arith.addf %add3A_175, %mul3A_226 : vector<16xf32>
        %add3A_228 = arith.constant 9 : i32
        %add3A_229 = vector.broadcast %add3A_228 : i32 to vector<16xi32>
        %add3A_230 = arith.addi %iota3A, %add3A_229 : vector<16xi32>
        %and3A_231 = arith.constant 31 : i32
        %and3A_232 = vector.broadcast %and3A_231 : i32 to vector<16xi32>
        %and3A_233 = arith.andi %add3A_230, %and3A_232 : vector<16xi32>
        %add3A_234 = arith.addi %shift_left3A_93, %and3A_233 : vector<16xi32>
        %gather3A_235 = tpu.vector_load_idx %arg11[%add3A_105, %add3A_234] : memref<128x128xf32, #tpu.memory_space<vmem>>[vector<16xi32>, vector<16xi32>], vector<16xf32>,
        %add3A_236 = arith.addi %shift_left3A_101, %and3A_233 : vector<16xi32>
        %gather3A_237 = tpu.vector_load_idx %arg12[%add3A_105, %add3A_236] : memref<128x128xf32, #tpu.memory_space<vmem>>[vector<16xi32>, vector<16xi32>], vector<16xf32>,
        %sub3A_238 = arith.subf %gather3A_235, %gather3A_237 : vector<16xf32>
        %mul3A_239 = arith.mulf %sub3A_238, %sub3A_238 : vector<16xf32>
        %add3A_240 = arith.addf %add3A_188, %mul3A_239 : vector<16xf32>
        %add3A_241 = arith.constant 10 : i32
        %add3A_242 = vector.broadcast %add3A_241 : i32 to vector<16xi32>
        %add3A_243 = arith.addi %iota3A, %add3A_242 : vector<16xi32>
        %and3A_244 = arith.constant 31 : i32
        %and3A_245 = vector.broadcast %and3A_244 : i32 to vector<16xi32>
        %and3A_246 = arith.andi %add3A_243, %and3A_245 : vector<16xi32>
        %add3A_247 = arith.addi %shift_left3A_93, %and3A_246 : vector<16xi32>
        %gather3A_248 = tpu.vector_load_idx %arg11[%add3A_105, %add3A_247] : memref<128x128xf32, #tpu.memory_space<vmem>>[vector<16xi32>, vector<16xi32>], vector<16xf32>,
        %add3A_249 = arith.addi %shift_left3A_101, %and3A_246 : vector<16xi32>
        %gather3A_250 = tpu.vector_load_idx %arg12[%add3A_105, %add3A_249] : memref<128x128xf32, #tpu.memory_space<vmem>>[vector<16xi32>, vector<16xi32>], vector<16xf32>,
        %sub3A_251 = arith.subf %gather3A_248, %gather3A_250 : vector<16xf32>
        %mul3A_252 = arith.mulf %sub3A_251, %sub3A_251 : vector<16xf32>
        %add3A_253 = arith.addf %add3A_201, %mul3A_252 : vector<16xf32>
        %add3A_254 = arith.constant 11 : i32
        %add3A_255 = vector.broadcast %add3A_254 : i32 to vector<16xi32>
        %add3A_256 = arith.addi %iota3A, %add3A_255 : vector<16xi32>
        %and3A_257 = arith.constant 31 : i32
        %and3A_258 = vector.broadcast %and3A_257 : i32 to vector<16xi32>
        %and3A_259 = arith.andi %add3A_256, %and3A_258 : vector<16xi32>
        %add3A_260 = arith.addi %shift_left3A_93, %and3A_259 : vector<16xi32>
        %gather3A_261 = tpu.vector_load_idx %arg11[%add3A_105, %add3A_260] : memref<128x128xf32, #tpu.memory_space<vmem>>[vector<16xi32>, vector<16xi32>], vector<16xf32>,
        %add3A_262 = arith.addi %shift_left3A_101, %and3A_259 : vector<16xi32>
        %gather3A_263 = tpu.vector_load_idx %arg12[%add3A_105, %add3A_262] : memref<128x128xf32, #tpu.memory_space<vmem>>[vector<16xi32>, vector<16xi32>], vector<16xf32>,
        %sub3A_264 = arith.subf %gather3A_261, %gather3A_263 : vector<16xf32>
        %mul3A_265 = arith.mulf %sub3A_264, %sub3A_264 : vector<16xf32>
        %add3A_266 = arith.addf %add3A_214, %mul3A_265 : vector<16xf32>
        %add3A_267 = arith.constant 12 : i32
        %add3A_268 = vector.broadcast %add3A_267 : i32 to vector<16xi32>
        %add3A_269 = arith.addi %iota3A, %add3A_268 : vector<16xi32>
        %and3A_270 = arith.constant 31 : i32
        %and3A_271 = vector.broadcast %and3A_270 : i32 to vector<16xi32>
        %and3A_272 = arith.andi %add3A_269, %and3A_271 : vector<16xi32>
        %add3A_273 = arith.addi %shift_left3A_93, %and3A_272 : vector<16xi32>
        %gather3A_274 = tpu.vector_load_idx %arg11[%add3A_105, %add3A_273] : memref<128x128xf32, #tpu.memory_space<vmem>>[vector<16xi32>, vector<16xi32>], vector<16xf32>,
        %add3A_275 = arith.addi %shift_left3A_101, %and3A_272 : vector<16xi32>
        %gather3A_276 = tpu.vector_load_idx %arg12[%add3A_105, %add3A_275] : memref<128x128xf32, #tpu.memory_space<vmem>>[vector<16xi32>, vector<16xi32>], vector<16xf32>,
        %sub3A_277 = arith.subf %gather3A_274, %gather3A_276 : vector<16xf32>
        %mul3A_278 = arith.mulf %sub3A_277, %sub3A_277 : vector<16xf32>
        %add3A_279 = arith.addf %add3A_227, %mul3A_278 : vector<16xf32>
        %add3A_280 = arith.constant 13 : i32
        %add3A_281 = vector.broadcast %add3A_280 : i32 to vector<16xi32>
        %add3A_282 = arith.addi %iota3A, %add3A_281 : vector<16xi32>
        %and3A_283 = arith.constant 31 : i32
        %and3A_284 = vector.broadcast %and3A_283 : i32 to vector<16xi32>
        %and3A_285 = arith.andi %add3A_282, %and3A_284 : vector<16xi32>
        %add3A_286 = arith.addi %shift_left3A_93, %and3A_285 : vector<16xi32>
        %gather3A_287 = tpu.vector_load_idx %arg11[%add3A_105, %add3A_286] : memref<128x128xf32, #tpu.memory_space<vmem>>[vector<16xi32>, vector<16xi32>], vector<16xf32>,
        %add3A_288 = arith.addi %shift_left3A_101, %and3A_285 : vector<16xi32>
        %gather3A_289 = tpu.vector_load_idx %arg12[%add3A_105, %add3A_288] : memref<128x128xf32, #tpu.memory_space<vmem>>[vector<16xi32>, vector<16xi32>], vector<16xf32>,
        %sub3A_290 = arith.subf %gather3A_287, %gather3A_289 : vector<16xf32>
        %mul3A_291 = arith.mulf %sub3A_290, %sub3A_290 : vector<16xf32>
        %add3A_292 = arith.addf %add3A_240, %mul3A_291 : vector<16xf32>
        %add3A_293 = arith.constant 14 : i32
        %add3A_294 = vector.broadcast %add3A_293 : i32 to vector<16xi32>
        %add3A_295 = arith.addi %iota3A, %add3A_294 : vector<16xi32>
        %and3A_296 = arith.constant 31 : i32
        %and3A_297 = vector.broadcast %and3A_296 : i32 to vector<16xi32>
        %and3A_298 = arith.andi %add3A_295, %and3A_297 : vector<16xi32>
        %add3A_299 = arith.addi %shift_left3A_93, %and3A_298 : vector<16xi32>
        %gather3A_300 = tpu.vector_load_idx %arg11[%add3A_105, %add3A_299] : memref<128x128xf32, #tpu.memory_space<vmem>>[vector<16xi32>, vector<16xi32>], vector<16xf32>,
        %add3A_301 = arith.addi %shift_left3A_101, %and3A_298 : vector<16xi32>
        %gather3A_302 = tpu.vector_load_idx %arg12[%add3A_105, %add3A_301] : memref<128x128xf32, #tpu.memory_space<vmem>>[vector<16xi32>, vector<16xi32>], vector<16xf32>,
        %sub3A_303 = arith.subf %gather3A_300, %gather3A_302 : vector<16xf32>
        %mul3A_304 = arith.mulf %sub3A_303, %sub3A_303 : vector<16xf32>
        %add3A_305 = arith.addf %add3A_253, %mul3A_304 : vector<16xf32>
        %add3A_306 = arith.constant 15 : i32
        %add3A_307 = vector.broadcast %add3A_306 : i32 to vector<16xi32>
        %add3A_308 = arith.addi %iota3A, %add3A_307 : vector<16xi32>
        %and3A_309 = arith.constant 31 : i32
        %and3A_310 = vector.broadcast %and3A_309 : i32 to vector<16xi32>
        %and3A_311 = arith.andi %add3A_308, %and3A_310 : vector<16xi32>
        %add3A_312 = arith.addi %shift_left3A_93, %and3A_311 : vector<16xi32>
        %gather3A_313 = tpu.vector_load_idx %arg11[%add3A_105, %add3A_312] : memref<128x128xf32, #tpu.memory_space<vmem>>[vector<16xi32>, vector<16xi32>], vector<16xf32>,
        %add3A_314 = arith.addi %shift_left3A_101, %and3A_311 : vector<16xi32>
        %gather3A_315 = tpu.vector_load_idx %arg12[%add3A_105, %add3A_314] : memref<128x128xf32, #tpu.memory_space<vmem>>[vector<16xi32>, vector<16xi32>], vector<16xf32>,
        %sub3A_316 = arith.subf %gather3A_313, %gather3A_315 : vector<16xf32>
        %mul3A_317 = arith.mulf %sub3A_316, %sub3A_316 : vector<16xf32>
        %add3A_318 = arith.addf %add3A_266, %mul3A_317 : vector<16xf32>
        %add3A_319 = arith.constant 16 : i32
        %add3A_320 = vector.broadcast %add3A_319 : i32 to vector<16xi32>
        %add3A_321 = arith.addi %iota3A, %add3A_320 : vector<16xi32>
        %and3A_322 = arith.constant 31 : i32
        %and3A_323 = vector.broadcast %and3A_322 : i32 to vector<16xi32>
        %and3A_324 = arith.andi %add3A_321, %and3A_323 : vector<16xi32>
        %add3A_325 = arith.addi %shift_left3A_93, %and3A_324 : vector<16xi32>
        %gather3A_326 = tpu.vector_load_idx %arg11[%add3A_105, %add3A_325] : memref<128x128xf32, #tpu.memory_space<vmem>>[vector<16xi32>, vector<16xi32>], vector<16xf32>,
        %add3A_327 = arith.addi %shift_left3A_101, %and3A_324 : vector<16xi32>
        %gather3A_328 = tpu.vector_load_idx %arg12[%add3A_105, %add3A_327] : memref<128x128xf32, #tpu.memory_space<vmem>>[vector<16xi32>, vector<16xi32>], vector<16xf32>,
        %sub3A_329 = arith.subf %gather3A_326, %gather3A_328 : vector<16xf32>
        %mul3A_330 = arith.mulf %sub3A_329, %sub3A_329 : vector<16xf32>
        %add3A_331 = arith.addf %add3A_279, %mul3A_330 : vector<16xf32>
        %add3A_332 = arith.constant 17 : i32
        %add3A_333 = vector.broadcast %add3A_332 : i32 to vector<16xi32>
        %add3A_334 = arith.addi %iota3A, %add3A_333 : vector<16xi32>
        %and3A_335 = arith.constant 31 : i32
        %and3A_336 = vector.broadcast %and3A_335 : i32 to vector<16xi32>
        %and3A_337 = arith.andi %add3A_334, %and3A_336 : vector<16xi32>
        %add3A_338 = arith.addi %shift_left3A_93, %and3A_337 : vector<16xi32>
        %gather3A_339 = tpu.vector_load_idx %arg11[%add3A_105, %add3A_338] : memref<128x128xf32, #tpu.memory_space<vmem>>[vector<16xi32>, vector<16xi32>], vector<16xf32>,
        %add3A_340 = arith.addi %shift_left3A_101, %and3A_337 : vector<16xi32>
        %gather3A_341 = tpu.vector_load_idx %arg12[%add3A_105, %add3A_340] : memref<128x128xf32, #tpu.memory_space<vmem>>[vector<16xi32>, vector<16xi32>], vector<16xf32>,
        %sub3A_342 = arith.subf %gather3A_339, %gather3A_341 : vector<16xf32>
        %mul3A_343 = arith.mulf %sub3A_342, %sub3A_342 : vector<16xf32>
        %add3A_344 = arith.addf %add3A_292, %mul3A_343 : vector<16xf32>
        %add3A_345 = arith.constant 18 : i32
        %add3A_346 = vector.broadcast %add3A_345 : i32 to vector<16xi32>
        %add3A_347 = arith.addi %iota3A, %add3A_346 : vector<16xi32>
        %and3A_348 = arith.constant 31 : i32
        %and3A_349 = vector.broadcast %and3A_348 : i32 to vector<16xi32>
        %and3A_350 = arith.andi %add3A_347, %and3A_349 : vector<16xi32>
        %add3A_351 = arith.addi %shift_left3A_93, %and3A_350 : vector<16xi32>
        %gather3A_352 = tpu.vector_load_idx %arg11[%add3A_105, %add3A_351] : memref<128x128xf32, #tpu.memory_space<vmem>>[vector<16xi32>, vector<16xi32>], vector<16xf32>,
        %add3A_353 = arith.addi %shift_left3A_101, %and3A_350 : vector<16xi32>
        %gather3A_354 = tpu.vector_load_idx %arg12[%add3A_105, %add3A_353] : memref<128x128xf32, #tpu.memory_space<vmem>>[vector<16xi32>, vector<16xi32>], vector<16xf32>,
        %sub3A_355 = arith.subf %gather3A_352, %gather3A_354 : vector<16xf32>
        %mul3A_356 = arith.mulf %sub3A_355, %sub3A_355 : vector<16xf32>
        %add3A_357 = arith.addf %add3A_305, %mul3A_356 : vector<16xf32>
        %add3A_358 = arith.constant 19 : i32
        %add3A_359 = vector.broadcast %add3A_358 : i32 to vector<16xi32>
        %add3A_360 = arith.addi %iota3A, %add3A_359 : vector<16xi32>
        %and3A_361 = arith.constant 31 : i32
        %and3A_362 = vector.broadcast %and3A_361 : i32 to vector<16xi32>
        %and3A_363 = arith.andi %add3A_360, %and3A_362 : vector<16xi32>
        %add3A_364 = arith.addi %shift_left3A_93, %and3A_363 : vector<16xi32>
        %gather3A_365 = tpu.vector_load_idx %arg11[%add3A_105, %add3A_364] : memref<128x128xf32, #tpu.memory_space<vmem>>[vector<16xi32>, vector<16xi32>], vector<16xf32>,
        %add3A_366 = arith.addi %shift_left3A_101, %and3A_363 : vector<16xi32>
        %gather3A_367 = tpu.vector_load_idx %arg12[%add3A_105, %add3A_366] : memref<128x128xf32, #tpu.memory_space<vmem>>[vector<16xi32>, vector<16xi32>], vector<16xf32>,
        %sub3A_368 = arith.subf %gather3A_365, %gather3A_367 : vector<16xf32>
        %mul3A_369 = arith.mulf %sub3A_368, %sub3A_368 : vector<16xf32>
        %add3A_370 = arith.addf %add3A_318, %mul3A_369 : vector<16xf32>
        %add3A_371 = arith.constant 20 : i32
        %add3A_372 = vector.broadcast %add3A_371 : i32 to vector<16xi32>
        %add3A_373 = arith.addi %iota3A, %add3A_372 : vector<16xi32>
        %and3A_374 = arith.constant 31 : i32
        %and3A_375 = vector.broadcast %and3A_374 : i32 to vector<16xi32>
        %and3A_376 = arith.andi %add3A_373, %and3A_375 : vector<16xi32>
        %add3A_377 = arith.addi %shift_left3A_93, %and3A_376 : vector<16xi32>
        %gather3A_378 = tpu.vector_load_idx %arg11[%add3A_105, %add3A_377] : memref<128x128xf32, #tpu.memory_space<vmem>>[vector<16xi32>, vector<16xi32>], vector<16xf32>,
        %add3A_379 = arith.addi %shift_left3A_101, %and3A_376 : vector<16xi32>
        %gather3A_380 = tpu.vector_load_idx %arg12[%add3A_105, %add3A_379] : memref<128x128xf32, #tpu.memory_space<vmem>>[vector<16xi32>, vector<16xi32>], vector<16xf32>,
        %sub3A_381 = arith.subf %gather3A_378, %gather3A_380 : vector<16xf32>
        %mul3A_382 = arith.mulf %sub3A_381, %sub3A_381 : vector<16xf32>
        %add3A_383 = arith.addf %add3A_331, %mul3A_382 : vector<16xf32>
        %add3A_384 = arith.constant 21 : i32
        %add3A_385 = vector.broadcast %add3A_384 : i32 to vector<16xi32>
        %add3A_386 = arith.addi %iota3A, %add3A_385 : vector<16xi32>
        %and3A_387 = arith.constant 31 : i32
        %and3A_388 = vector.broadcast %and3A_387 : i32 to vector<16xi32>
        %and3A_389 = arith.andi %add3A_386, %and3A_388 : vector<16xi32>
        %add3A_390 = arith.addi %shift_left3A_93, %and3A_389 : vector<16xi32>
        %gather3A_391 = tpu.vector_load_idx %arg11[%add3A_105, %add3A_390] : memref<128x128xf32, #tpu.memory_space<vmem>>[vector<16xi32>, vector<16xi32>], vector<16xf32>,
        %add3A_392 = arith.addi %shift_left3A_101, %and3A_389 : vector<16xi32>
        %gather3A_393 = tpu.vector_load_idx %arg12[%add3A_105, %add3A_392] : memref<128x128xf32, #tpu.memory_space<vmem>>[vector<16xi32>, vector<16xi32>], vector<16xf32>,
        %sub3A_394 = arith.subf %gather3A_391, %gather3A_393 : vector<16xf32>
        %mul3A_395 = arith.mulf %sub3A_394, %sub3A_394 : vector<16xf32>
        %add3A_396 = arith.addf %add3A_344, %mul3A_395 : vector<16xf32>
        %add3A_397 = arith.constant 22 : i32
        %add3A_398 = vector.broadcast %add3A_397 : i32 to vector<16xi32>
        %add3A_399 = arith.addi %iota3A, %add3A_398 : vector<16xi32>
        %and3A_400 = arith.constant 31 : i32
        %and3A_401 = vector.broadcast %and3A_400 : i32 to vector<16xi32>
        %and3A_402 = arith.andi %add3A_399, %and3A_401 : vector<16xi32>
        %add3A_403 = arith.addi %shift_left3A_93, %and3A_402 : vector<16xi32>
        %gather3A_404 = tpu.vector_load_idx %arg11[%add3A_105, %add3A_403] : memref<128x128xf32, #tpu.memory_space<vmem>>[vector<16xi32>, vector<16xi32>], vector<16xf32>,
        %add3A_405 = arith.addi %shift_left3A_101, %and3A_402 : vector<16xi32>
        %gather3A_406 = tpu.vector_load_idx %arg12[%add3A_105, %add3A_405] : memref<128x128xf32, #tpu.memory_space<vmem>>[vector<16xi32>, vector<16xi32>], vector<16xf32>,
        %sub3A_407 = arith.subf %gather3A_404, %gather3A_406 : vector<16xf32>
        %mul3A_408 = arith.mulf %sub3A_407, %sub3A_407 : vector<16xf32>
        %add3A_409 = arith.addf %add3A_357, %mul3A_408 : vector<16xf32>
        %add3A_410 = arith.constant 23 : i32
        %add3A_411 = vector.broadcast %add3A_410 : i32 to vector<16xi32>
        %add3A_412 = arith.addi %iota3A, %add3A_411 : vector<16xi32>
        %and3A_413 = arith.constant 31 : i32
        %and3A_414 = vector.broadcast %and3A_413 : i32 to vector<16xi32>
        %and3A_415 = arith.andi %add3A_412, %and3A_414 : vector<16xi32>
        %add3A_416 = arith.addi %shift_left3A_93, %and3A_415 : vector<16xi32>
        %gather3A_417 = tpu.vector_load_idx %arg11[%add3A_105, %add3A_416] : memref<128x128xf32, #tpu.memory_space<vmem>>[vector<16xi32>, vector<16xi32>], vector<16xf32>,
        %add3A_418 = arith.addi %shift_left3A_101, %and3A_415 : vector<16xi32>
        %gather3A_419 = tpu.vector_load_idx %arg12[%add3A_105, %add3A_418] : memref<128x128xf32, #tpu.memory_space<vmem>>[vector<16xi32>, vector<16xi32>], vector<16xf32>,
        %sub3A_420 = arith.subf %gather3A_417, %gather3A_419 : vector<16xf32>
        %mul3A_421 = arith.mulf %sub3A_420, %sub3A_420 : vector<16xf32>
        %add3A_422 = arith.addf %add3A_370, %mul3A_421 : vector<16xf32>
        %add3A_423 = arith.constant 24 : i32
        %add3A_424 = vector.broadcast %add3A_423 : i32 to vector<16xi32>
        %add3A_425 = arith.addi %iota3A, %add3A_424 : vector<16xi32>
        %and3A_426 = arith.constant 31 : i32
        %and3A_427 = vector.broadcast %and3A_426 : i32 to vector<16xi32>
        %and3A_428 = arith.andi %add3A_425, %and3A_427 : vector<16xi32>
        %add3A_429 = arith.addi %shift_left3A_93, %and3A_428 : vector<16xi32>
        %gather3A_430 = tpu.vector_load_idx %arg11[%add3A_105, %add3A_429] : memref<128x128xf32, #tpu.memory_space<vmem>>[vector<16xi32>, vector<16xi32>], vector<16xf32>,
        %add3A_431 = arith.addi %shift_left3A_101, %and3A_428 : vector<16xi32>
        %gather3A_432 = tpu.vector_load_idx %arg12[%add3A_105, %add3A_431] : memref<128x128xf32, #tpu.memory_space<vmem>>[vector<16xi32>, vector<16xi32>], vector<16xf32>,
        %sub3A_433 = arith.subf %gather3A_430, %gather3A_432 : vector<16xf32>
        %mul3A_434 = arith.mulf %sub3A_433, %sub3A_433 : vector<16xf32>
        %add3A_435 = arith.addf %add3A_383, %mul3A_434 : vector<16xf32>
        %add3A_436 = arith.constant 25 : i32
        %add3A_437 = vector.broadcast %add3A_436 : i32 to vector<16xi32>
        %add3A_438 = arith.addi %iota3A, %add3A_437 : vector<16xi32>
        %and3A_439 = arith.constant 31 : i32
        %and3A_440 = vector.broadcast %and3A_439 : i32 to vector<16xi32>
        %and3A_441 = arith.andi %add3A_438, %and3A_440 : vector<16xi32>
        %add3A_442 = arith.addi %shift_left3A_93, %and3A_441 : vector<16xi32>
        %gather3A_443 = tpu.vector_load_idx %arg11[%add3A_105, %add3A_442] : memref<128x128xf32, #tpu.memory_space<vmem>>[vector<16xi32>, vector<16xi32>], vector<16xf32>,
        %add3A_444 = arith.addi %shift_left3A_101, %and3A_441 : vector<16xi32>
        %gather3A_445 = tpu.vector_load_idx %arg12[%add3A_105, %add3A_444] : memref<128x128xf32, #tpu.memory_space<vmem>>[vector<16xi32>, vector<16xi32>], vector<16xf32>,
        %sub3A_446 = arith.subf %gather3A_443, %gather3A_445 : vector<16xf32>
        %mul3A_447 = arith.mulf %sub3A_446, %sub3A_446 : vector<16xf32>
        %add3A_448 = arith.addf %add3A_396, %mul3A_447 : vector<16xf32>
        %add3A_449 = arith.constant 26 : i32
        %add3A_450 = vector.broadcast %add3A_449 : i32 to vector<16xi32>
        %add3A_451 = arith.addi %iota3A, %add3A_450 : vector<16xi32>
        %and3A_452 = arith.constant 31 : i32
        %and3A_453 = vector.broadcast %and3A_452 : i32 to vector<16xi32>
        %and3A_454 = arith.andi %add3A_451, %and3A_453 : vector<16xi32>
        %add3A_455 = arith.addi %shift_left3A_93, %and3A_454 : vector<16xi32>
        %gather3A_456 = tpu.vector_load_idx %arg11[%add3A_105, %add3A_455] : memref<128x128xf32, #tpu.memory_space<vmem>>[vector<16xi32>, vector<16xi32>], vector<16xf32>,
        %add3A_457 = arith.addi %shift_left3A_101, %and3A_454 : vector<16xi32>
        %gather3A_458 = tpu.vector_load_idx %arg12[%add3A_105, %add3A_457] : memref<128x128xf32, #tpu.memory_space<vmem>>[vector<16xi32>, vector<16xi32>], vector<16xf32>,
        %sub3A_459 = arith.subf %gather3A_456, %gather3A_458 : vector<16xf32>
        %mul3A_460 = arith.mulf %sub3A_459, %sub3A_459 : vector<16xf32>
        %add3A_461 = arith.addf %add3A_409, %mul3A_460 : vector<16xf32>
        %add3A_462 = arith.constant 27 : i32
        %add3A_463 = vector.broadcast %add3A_462 : i32 to vector<16xi32>
        %add3A_464 = arith.addi %iota3A, %add3A_463 : vector<16xi32>
        %and3A_465 = arith.constant 31 : i32
        %and3A_466 = vector.broadcast %and3A_465 : i32 to vector<16xi32>
        %and3A_467 = arith.andi %add3A_464, %and3A_466 : vector<16xi32>
        %add3A_468 = arith.addi %shift_left3A_93, %and3A_467 : vector<16xi32>
        %gather3A_469 = tpu.vector_load_idx %arg11[%add3A_105, %add3A_468] : memref<128x128xf32, #tpu.memory_space<vmem>>[vector<16xi32>, vector<16xi32>], vector<16xf32>,
        %add3A_470 = arith.addi %shift_left3A_101, %and3A_467 : vector<16xi32>
        %gather3A_471 = tpu.vector_load_idx %arg12[%add3A_105, %add3A_470] : memref<128x128xf32, #tpu.memory_space<vmem>>[vector<16xi32>, vector<16xi32>], vector<16xf32>,
        %sub3A_472 = arith.subf %gather3A_469, %gather3A_471 : vector<16xf32>
        %mul3A_473 = arith.mulf %sub3A_472, %sub3A_472 : vector<16xf32>
        %add3A_474 = arith.addf %add3A_422, %mul3A_473 : vector<16xf32>
        %add3A_475 = arith.constant 28 : i32
        %add3A_476 = vector.broadcast %add3A_475 : i32 to vector<16xi32>
        %add3A_477 = arith.addi %iota3A, %add3A_476 : vector<16xi32>
        %and3A_478 = arith.constant 31 : i32
        %and3A_479 = vector.broadcast %and3A_478 : i32 to vector<16xi32>
        %and3A_480 = arith.andi %add3A_477, %and3A_479 : vector<16xi32>
        %add3A_481 = arith.addi %shift_left3A_93, %and3A_480 : vector<16xi32>
        %gather3A_482 = tpu.vector_load_idx %arg11[%add3A_105, %add3A_481] : memref<128x128xf32, #tpu.memory_space<vmem>>[vector<16xi32>, vector<16xi32>], vector<16xf32>,
        %add3A_483 = arith.addi %shift_left3A_101, %and3A_480 : vector<16xi32>
        %gather3A_484 = tpu.vector_load_idx %arg12[%add3A_105, %add3A_483] : memref<128x128xf32, #tpu.memory_space<vmem>>[vector<16xi32>, vector<16xi32>], vector<16xf32>,
        %sub3A_485 = arith.subf %gather3A_482, %gather3A_484 : vector<16xf32>
        %mul3A_486 = arith.mulf %sub3A_485, %sub3A_485 : vector<16xf32>
        %add3A_487 = arith.addf %add3A_435, %mul3A_486 : vector<16xf32>
        %add3A_488 = arith.constant 29 : i32
        %add3A_489 = vector.broadcast %add3A_488 : i32 to vector<16xi32>
        %add3A_490 = arith.addi %iota3A, %add3A_489 : vector<16xi32>
        %and3A_491 = arith.constant 31 : i32
        %and3A_492 = vector.broadcast %and3A_491 : i32 to vector<16xi32>
        %and3A_493 = arith.andi %add3A_490, %and3A_492 : vector<16xi32>
        %add3A_494 = arith.addi %shift_left3A_93, %and3A_493 : vector<16xi32>
        %gather3A_495 = tpu.vector_load_idx %arg11[%add3A_105, %add3A_494] : memref<128x128xf32, #tpu.memory_space<vmem>>[vector<16xi32>, vector<16xi32>], vector<16xf32>,
        %add3A_496 = arith.addi %shift_left3A_101, %and3A_493 : vector<16xi32>
        %gather3A_497 = tpu.vector_load_idx %arg12[%add3A_105, %add3A_496] : memref<128x128xf32, #tpu.memory_space<vmem>>[vector<16xi32>, vector<16xi32>], vector<16xf32>,
        %sub3A_498 = arith.subf %gather3A_495, %gather3A_497 : vector<16xf32>
        %mul3A_499 = arith.mulf %sub3A_498, %sub3A_498 : vector<16xf32>
        %add3A_500 = arith.addf %add3A_448, %mul3A_499 : vector<16xf32>
        %add3A_501 = arith.constant 30 : i32
        %add3A_502 = vector.broadcast %add3A_501 : i32 to vector<16xi32>
        %add3A_503 = arith.addi %iota3A, %add3A_502 : vector<16xi32>
        %and3A_504 = arith.constant 31 : i32
        %and3A_505 = vector.broadcast %and3A_504 : i32 to vector<16xi32>
        %and3A_506 = arith.andi %add3A_503, %and3A_505 : vector<16xi32>
        %add3A_507 = arith.addi %shift_left3A_93, %and3A_506 : vector<16xi32>
        %gather3A_508 = tpu.vector_load_idx %arg11[%add3A_105, %add3A_507] : memref<128x128xf32, #tpu.memory_space<vmem>>[vector<16xi32>, vector<16xi32>], vector<16xf32>,
        %add3A_509 = arith.addi %shift_left3A_101, %and3A_506 : vector<16xi32>
        %gather3A_510 = tpu.vector_load_idx %arg12[%add3A_105, %add3A_509] : memref<128x128xf32, #tpu.memory_space<vmem>>[vector<16xi32>, vector<16xi32>], vector<16xf32>,
        %sub3A_511 = arith.subf %gather3A_508, %gather3A_510 : vector<16xf32>
        %mul3A_512 = arith.mulf %sub3A_511, %sub3A_511 : vector<16xf32>
        %add3A_513 = arith.addf %add3A_461, %mul3A_512 : vector<16xf32>
        %add3A_514 = arith.constant 31 : i32
        %add3A_515 = vector.broadcast %add3A_514 : i32 to vector<16xi32>
        %add3A_516 = arith.addi %iota3A, %add3A_515 : vector<16xi32>
        %and3A_517 = arith.constant 31 : i32
        %and3A_518 = vector.broadcast %and3A_517 : i32 to vector<16xi32>
        %and3A_519 = arith.andi %add3A_516, %and3A_518 : vector<16xi32>
        %add3A_520 = arith.addi %shift_left3A_93, %and3A_519 : vector<16xi32>
        %gather3A_521 = tpu.vector_load_idx %arg11[%add3A_105, %add3A_520] : memref<128x128xf32, #tpu.memory_space<vmem>>[vector<16xi32>, vector<16xi32>], vector<16xf32>,
        %add3A_522 = arith.addi %shift_left3A_101, %and3A_519 : vector<16xi32>
        %gather3A_523 = tpu.vector_load_idx %arg12[%add3A_105, %add3A_522] : memref<128x128xf32, #tpu.memory_space<vmem>>[vector<16xi32>, vector<16xi32>], vector<16xf32>,
        %sub3A_524 = arith.subf %gather3A_521, %gather3A_523 : vector<16xf32>
        %mul3A_525 = arith.mulf %sub3A_524, %sub3A_524 : vector<16xf32>
        %add3A_526 = arith.addf %add3A_474, %mul3A_525 : vector<16xf32>
        %add3A_527 = arith.addf %add3A_487, %add3A_500 : vector<16xf32>
        %add3A_528 = arith.addf %add3A_513, %add3A_526 : vector<16xf32>
        %add3A_529 = arith.addf %add3A_527, %add3A_528 : vector<16xf32>
        %bitcast3A = vector.bitcast %add3A_529 : vector<16xf32> to vector<16xi32>
        %shift_right_logical3A = arith.constant 1 : i32
        %shift_right_logical3A_530 = vector.broadcast %shift_right_logical3A : i32 to vector<16xi32>
        %shift_right_logical3A_531 = arith.shrui %bitcast3A, %shift_right_logical3A_530 : vector<16xi32>
        %sub3A_532 = arith.constant 1597463007 : i32
        %sub3A_533 = vector.broadcast %sub3A_532 : i32 to vector<16xi32>
        %sub3A_534 = arith.subi %sub3A_533, %shift_right_logical3A_531 : vector<16xi32>
        %bitcast3A_535 = vector.bitcast %sub3A_534 : vector<16xi32> to vector<16xf32>
        %mul3A_536 = arith.constant 5.000000e-01 : f32
        %mul3A_537 = vector.broadcast %mul3A_536 : f32 to vector<16xf32>
        %mul3A_538 = arith.mulf %mul3A_537, %add3A_529 : vector<16xf32>
        %mul3A_539 = arith.mulf %mul3A_538, %bitcast3A_535 : vector<16xf32>
        %mul3A_540 = arith.mulf %mul3A_539, %bitcast3A_535 : vector<16xf32>
        %sub3A_541 = arith.constant 1.500000e+00 : f32
        %sub3A_542 = vector.broadcast %sub3A_541 : f32 to vector<16xf32>
        %sub3A_543 = arith.subf %sub3A_542, %mul3A_540 : vector<16xf32>
        %mul3A_544 = arith.mulf %bitcast3A_535, %sub3A_543 : vector<16xf32>
        %mul3A_545 = arith.constant 5.000000e-01 : f32
        %mul3A_546 = vector.broadcast %mul3A_545 : f32 to vector<16xf32>
        %mul3A_547 = arith.mulf %mul3A_546, %add3A_529 : vector<16xf32>
        %mul3A_548 = arith.mulf %mul3A_547, %mul3A_544 : vector<16xf32>
        %mul3A_549 = arith.mulf %mul3A_548, %mul3A_544 : vector<16xf32>
        %sub3A_550 = arith.constant 1.500000e+00 : f32
        %sub3A_551 = vector.broadcast %sub3A_550 : f32 to vector<16xf32>
        %sub3A_552 = arith.subf %sub3A_551, %mul3A_549 : vector<16xf32>
        %mul3A_553 = arith.mulf %mul3A_544, %sub3A_552 : vector<16xf32>
        %mul3A_554 = arith.constant 5.000000e-01 : f32
        %mul3A_555 = vector.broadcast %mul3A_554 : f32 to vector<16xf32>
        %mul3A_556 = arith.mulf %mul3A_555, %add3A_529 : vector<16xf32>
        %mul3A_557 = arith.mulf %mul3A_556, %mul3A_553 : vector<16xf32>
        %mul3A_558 = arith.mulf %mul3A_557, %mul3A_553 : vector<16xf32>
        %sub3A_559 = arith.constant 1.500000e+00 : f32
        %sub3A_560 = vector.broadcast %sub3A_559 : f32 to vector<16xf32>
        %sub3A_561 = arith.subf %sub3A_560, %mul3A_558 : vector<16xf32>
        %mul3A_562 = arith.mulf %mul3A_553, %sub3A_561 : vector<16xf32>
        %mul3A_563 = arith.mulf %add3A_529, %mul3A_562 : vector<16xf32>
        %mul3A_564 = arith.constant 128 : i32
        %mul3A_565 = arith.muli %mul3A_52, %mul3A_564 : i32
        %mul3A_566 = arith.constant 16 : i32
        %mul3A_567 = arith.muli %scan3A_83, %mul3A_566 : i32
        %add3A_568 = arith.addi %mul3A_565, %mul3A_567 : i32
        %swap3A = arith.index_cast %add3A_568 : i32 to index
        %swap3A_569 = tpu.vector_load %arg15[%swap3A] {strides = array<i32>} : memref<10240xf32, #tpu.memory_space<vmem>>, vector<16xf32>,
        tpu.vector_store %arg15[%swap3A], %mul3A_563 {strides = array<i32>} : memref<10240xf32, #tpu.memory_space<vmem>>, vector<16xf32>,
      }
      %scan3A_58 = arith.constant 8 : i32
      %lt3A = arith.constant 39 : i32
      %lt3A_59 = arith.cmpi slt, %scan3A_23, %lt3A : i32
      %convert_element_type3A = arith.extui %lt3A_59 : i1 to i32
      %cond3A = arith.constant 0 : i32
      %cond3A_60 = arith.cmpi ne, %convert_element_type3A, %cond3A : i32
      scf.if %cond3A_60 {
        %mul3A_83 = arith.constant 2 : i32
        %mul3A_84 = arith.muli %mul3A_83, %scan3A_23 : i32
        %add3A_85 = arith.constant 2 : i32
        %add3A_86 = arith.addi %mul3A_84, %add3A_85 : i32
        %mul3A_87 = arith.constant 128 : i32
        %mul3A_88 = arith.muli %add3A_86, %mul3A_87 : i32
        %dma_start3A_89 = tpu.memref_slice %arg9[%mul3A_88] : memref<10240xi32, #tpu.memory_space<vmem>> -> memref<128xi32, #tpu.memory_space<vmem>>
        %dma_start3A_90 = arith.constant 0 : i32
        %dma_start3A_91 = arith.constant 0 : i32
        %dma_start3A_92 = tpu.memref_slice %arg4[%dma_start3A_90, %dma_start3A_91] : memref<250000x128xf32, #tpu.memory_space<hbm>> -> memref<250000x128xf32, #tpu.memory_space<hbm>>
        tpu.enqueue_indirect_dma source(%dma_start3A_92 : memref<250000x128xf32, #tpu.memory_space<hbm>>) target(%arg11 : memref<128x128xf32, #tpu.memory_space<vmem>>) offsets(%dma_start3A_89 : memref<128xi32, #tpu.memory_space<vmem>>) semaphore(%arg16 : memref<!tpu.dma_semaphore, #tpu.memory_space<semaphore_mem>>)
        %mul3A_93 = arith.constant 128 : i32
        %mul3A_94 = arith.muli %add3A_86, %mul3A_93 : i32
        %dma_start3A_95 = tpu.memref_slice %arg10[%mul3A_94] : memref<10240xi32, #tpu.memory_space<vmem>> -> memref<128xi32, #tpu.memory_space<vmem>>
        %dma_start3A_96 = arith.constant 0 : i32
        %dma_start3A_97 = arith.constant 0 : i32
        %dma_start3A_98 = tpu.memref_slice %arg5[%dma_start3A_96, %dma_start3A_97] : memref<250000x128xf32, #tpu.memory_space<hbm>> -> memref<250000x128xf32, #tpu.memory_space<hbm>>
        tpu.enqueue_indirect_dma source(%dma_start3A_98 : memref<250000x128xf32, #tpu.memory_space<hbm>>) target(%arg12 : memref<128x128xf32, #tpu.memory_space<vmem>>) offsets(%dma_start3A_95 : memref<128xi32, #tpu.memory_space<vmem>>) semaphore(%arg16 : memref<!tpu.dma_semaphore, #tpu.memory_space<semaphore_mem>>)
      } else {
      }
      %dma_wait3A_61 = arith.constant 0 : i32
      %dma_wait3A_62 = arith.constant 0 : i32
      %dma_wait3A_63 = tpu.memref_slice %arg4[%dma_wait3A_61, %dma_wait3A_62] : memref<250000x128xf32, #tpu.memory_space<hbm>> -> memref<128x128xf32, #tpu.memory_space<hbm>>
      %dma_wait3A_64 = arith.constant 0 : i32
      %dma_wait3A_65 = arith.constant 0 : i32
      %dma_wait3A_66 = tpu.memref_slice %arg4[%dma_wait3A_64, %dma_wait3A_65] : memref<250000x128xf32, #tpu.memory_space<hbm>> -> memref<128x128xf32, #tpu.memory_space<hbm>>
      tpu.wait_dma2 semaphore(%arg17 : memref<!tpu.dma_semaphore, #tpu.memory_space<semaphore_mem>>) src(%dma_wait3A_66 : memref<128x128xf32, #tpu.memory_space<hbm>>) dst(%arg13 : memref<128x128xf32, #tpu.memory_space<vmem>>)
      %dma_wait3A_67 = arith.constant 0 : i32
      %dma_wait3A_68 = arith.constant 0 : i32
      %dma_wait3A_69 = tpu.memref_slice %arg5[%dma_wait3A_67, %dma_wait3A_68] : memref<250000x128xf32, #tpu.memory_space<hbm>> -> memref<128x128xf32, #tpu.memory_space<hbm>>
      %dma_wait3A_70 = arith.constant 0 : i32
      %dma_wait3A_71 = arith.constant 0 : i32
      %dma_wait3A_72 = tpu.memref_slice %arg5[%dma_wait3A_70, %dma_wait3A_71] : memref<250000x128xf32, #tpu.memory_space<hbm>> -> memref<128x128xf32, #tpu.memory_space<hbm>>
      tpu.wait_dma2 semaphore(%arg17 : memref<!tpu.dma_semaphore, #tpu.memory_space<semaphore_mem>>) src(%dma_wait3A_72 : memref<128x128xf32, #tpu.memory_space<hbm>>) dst(%arg14 : memref<128x128xf32, #tpu.memory_space<vmem>>)
      %mul3A_73 = arith.constant 2 : i32
      %mul3A_74 = arith.muli %mul3A_73, %scan3A_23 : i32
      %add3A_75 = arith.constant 1 : i32
      %add3A_76 = arith.addi %mul3A_74, %add3A_75 : i32
      %scan3A_77 = arith.constant 0 : i32
      %scan3A_78 = arith.constant 0 : i32
      %scan3A_79 = arith.constant 8 : i32
      %scan3A_80 = arith.addi %scan3A_78, %scan3A_79 : i32
      %scan3A_81 = arith.constant 1 : i32
      scf.for %scan3A_83 = %scan3A_78 to %scan3A_80 step %scan3A_81  : i32 {
        %mul3A_84 = arith.constant 128 : i32
        %mul3A_85 = arith.muli %add3A_76, %mul3A_84 : i32
        %mul3A_86 = arith.constant 16 : i32
        %mul3A_87 = arith.muli %scan3A_83, %mul3A_86 : i32
        %add3A_88 = arith.addi %mul3A_85, %mul3A_87 : i32
        %get3A = arith.index_cast %add3A_88 : i32 to index
        %get3A_89 = tpu.vector_load %arg7[%get3A] {strides = array<i32>} : memref<10240xi32, #tpu.memory_space<vmem>>, vector<16xi32>,
        %and3A = arith.constant 3 : i32
        %and3A_90 = vector.broadcast %and3A : i32 to vector<16xi32>
        %and3A_91 = arith.andi %get3A_89, %and3A_90 : vector<16xi32>
        %shift_left3A = arith.constant 5 : i32
        %shift_left3A_92 = vector.broadcast %shift_left3A : i32 to vector<16xi32>
        %shift_left3A_93 = arith.shli %and3A_91, %shift_left3A_92 : vector<16xi32>
        %get3A_94 = arith.index_cast %add3A_88 : i32 to index
        %get3A_95 = tpu.vector_load %arg8[%get3A_94] {strides = array<i32>} : memref<10240xi32, #tpu.memory_space<vmem>>, vector<16xi32>,
        %and3A_96 = arith.constant 3 : i32
        %and3A_97 = vector.broadcast %and3A_96 : i32 to vector<16xi32>
        %and3A_98 = arith.andi %get3A_95, %and3A_97 : vector<16xi32>
        %shift_left3A_99 = arith.constant 5 : i32
        %shift_left3A_100 = vector.broadcast %shift_left3A_99 : i32 to vector<16xi32>
        %shift_left3A_101 = arith.shli %and3A_98, %shift_left3A_100 : vector<16xi32>
        %mul3A_102 = arith.constant 16 : i32
        %mul3A_103 = arith.muli %scan3A_83, %mul3A_102 : i32
        %add3A_104 = vector.broadcast %mul3A_103 : i32 to vector<16xi32>
        %add3A_105 = arith.addi %iota3A, %add3A_104 : vector<16xi32>
        %broadcast_in_dim3A = arith.constant 0.000000e+00 : f32
        %broadcast_in_dim3A_106 = vector.broadcast %broadcast_in_dim3A : f32 to vector<16xf32>
        %broadcast_in_dim3A_107 = arith.constant 0.000000e+00 : f32
        %broadcast_in_dim3A_108 = vector.broadcast %broadcast_in_dim3A_107 : f32 to vector<16xf32>
        %broadcast_in_dim3A_109 = arith.constant 0.000000e+00 : f32
        %broadcast_in_dim3A_110 = vector.broadcast %broadcast_in_dim3A_109 : f32 to vector<16xf32>
        %broadcast_in_dim3A_111 = arith.constant 0.000000e+00 : f32
        %broadcast_in_dim3A_112 = vector.broadcast %broadcast_in_dim3A_111 : f32 to vector<16xf32>
        %add3A_113 = arith.constant 0 : i32
        %add3A_114 = vector.broadcast %add3A_113 : i32 to vector<16xi32>
        %add3A_115 = arith.addi %iota3A, %add3A_114 : vector<16xi32>
        %and3A_116 = arith.constant 31 : i32
        %and3A_117 = vector.broadcast %and3A_116 : i32 to vector<16xi32>
        %and3A_118 = arith.andi %add3A_115, %and3A_117 : vector<16xi32>
        %add3A_119 = arith.addi %shift_left3A_93, %and3A_118 : vector<16xi32>
        %gather3A = tpu.vector_load_idx %arg13[%add3A_105, %add3A_119] : memref<128x128xf32, #tpu.memory_space<vmem>>[vector<16xi32>, vector<16xi32>], vector<16xf32>,
        %add3A_120 = arith.addi %shift_left3A_101, %and3A_118 : vector<16xi32>
        %gather3A_121 = tpu.vector_load_idx %arg14[%add3A_105, %add3A_120] : memref<128x128xf32, #tpu.memory_space<vmem>>[vector<16xi32>, vector<16xi32>], vector<16xf32>,
        %sub3A = arith.subf %gather3A, %gather3A_121 : vector<16xf32>
        %mul3A_122 = arith.mulf %sub3A, %sub3A : vector<16xf32>
        %add3A_123 = arith.addf %broadcast_in_dim3A_106, %mul3A_122 : vector<16xf32>
        %add3A_124 = arith.constant 1 : i32
        %add3A_125 = vector.broadcast %add3A_124 : i32 to vector<16xi32>
        %add3A_126 = arith.addi %iota3A, %add3A_125 : vector<16xi32>
        %and3A_127 = arith.constant 31 : i32
        %and3A_128 = vector.broadcast %and3A_127 : i32 to vector<16xi32>
        %and3A_129 = arith.andi %add3A_126, %and3A_128 : vector<16xi32>
        %add3A_130 = arith.addi %shift_left3A_93, %and3A_129 : vector<16xi32>
        %gather3A_131 = tpu.vector_load_idx %arg13[%add3A_105, %add3A_130] : memref<128x128xf32, #tpu.memory_space<vmem>>[vector<16xi32>, vector<16xi32>], vector<16xf32>,
        %add3A_132 = arith.addi %shift_left3A_101, %and3A_129 : vector<16xi32>
        %gather3A_133 = tpu.vector_load_idx %arg14[%add3A_105, %add3A_132] : memref<128x128xf32, #tpu.memory_space<vmem>>[vector<16xi32>, vector<16xi32>], vector<16xf32>,
        %sub3A_134 = arith.subf %gather3A_131, %gather3A_133 : vector<16xf32>
        %mul3A_135 = arith.mulf %sub3A_134, %sub3A_134 : vector<16xf32>
        %add3A_136 = arith.addf %broadcast_in_dim3A_108, %mul3A_135 : vector<16xf32>
        %add3A_137 = arith.constant 2 : i32
        %add3A_138 = vector.broadcast %add3A_137 : i32 to vector<16xi32>
        %add3A_139 = arith.addi %iota3A, %add3A_138 : vector<16xi32>
        %and3A_140 = arith.constant 31 : i32
        %and3A_141 = vector.broadcast %and3A_140 : i32 to vector<16xi32>
        %and3A_142 = arith.andi %add3A_139, %and3A_141 : vector<16xi32>
        %add3A_143 = arith.addi %shift_left3A_93, %and3A_142 : vector<16xi32>
        %gather3A_144 = tpu.vector_load_idx %arg13[%add3A_105, %add3A_143] : memref<128x128xf32, #tpu.memory_space<vmem>>[vector<16xi32>, vector<16xi32>], vector<16xf32>,
        %add3A_145 = arith.addi %shift_left3A_101, %and3A_142 : vector<16xi32>
        %gather3A_146 = tpu.vector_load_idx %arg14[%add3A_105, %add3A_145] : memref<128x128xf32, #tpu.memory_space<vmem>>[vector<16xi32>, vector<16xi32>], vector<16xf32>,
        %sub3A_147 = arith.subf %gather3A_144, %gather3A_146 : vector<16xf32>
        %mul3A_148 = arith.mulf %sub3A_147, %sub3A_147 : vector<16xf32>
        %add3A_149 = arith.addf %broadcast_in_dim3A_110, %mul3A_148 : vector<16xf32>
        %add3A_150 = arith.constant 3 : i32
        %add3A_151 = vector.broadcast %add3A_150 : i32 to vector<16xi32>
        %add3A_152 = arith.addi %iota3A, %add3A_151 : vector<16xi32>
        %and3A_153 = arith.constant 31 : i32
        %and3A_154 = vector.broadcast %and3A_153 : i32 to vector<16xi32>
        %and3A_155 = arith.andi %add3A_152, %and3A_154 : vector<16xi32>
        %add3A_156 = arith.addi %shift_left3A_93, %and3A_155 : vector<16xi32>
        %gather3A_157 = tpu.vector_load_idx %arg13[%add3A_105, %add3A_156] : memref<128x128xf32, #tpu.memory_space<vmem>>[vector<16xi32>, vector<16xi32>], vector<16xf32>,
        %add3A_158 = arith.addi %shift_left3A_101, %and3A_155 : vector<16xi32>
        %gather3A_159 = tpu.vector_load_idx %arg14[%add3A_105, %add3A_158] : memref<128x128xf32, #tpu.memory_space<vmem>>[vector<16xi32>, vector<16xi32>], vector<16xf32>,
        %sub3A_160 = arith.subf %gather3A_157, %gather3A_159 : vector<16xf32>
        %mul3A_161 = arith.mulf %sub3A_160, %sub3A_160 : vector<16xf32>
        %add3A_162 = arith.addf %broadcast_in_dim3A_112, %mul3A_161 : vector<16xf32>
        %add3A_163 = arith.constant 4 : i32
        %add3A_164 = vector.broadcast %add3A_163 : i32 to vector<16xi32>
        %add3A_165 = arith.addi %iota3A, %add3A_164 : vector<16xi32>
        %and3A_166 = arith.constant 31 : i32
        %and3A_167 = vector.broadcast %and3A_166 : i32 to vector<16xi32>
        %and3A_168 = arith.andi %add3A_165, %and3A_167 : vector<16xi32>
        %add3A_169 = arith.addi %shift_left3A_93, %and3A_168 : vector<16xi32>
        %gather3A_170 = tpu.vector_load_idx %arg13[%add3A_105, %add3A_169] : memref<128x128xf32, #tpu.memory_space<vmem>>[vector<16xi32>, vector<16xi32>], vector<16xf32>,
        %add3A_171 = arith.addi %shift_left3A_101, %and3A_168 : vector<16xi32>
        %gather3A_172 = tpu.vector_load_idx %arg14[%add3A_105, %add3A_171] : memref<128x128xf32, #tpu.memory_space<vmem>>[vector<16xi32>, vector<16xi32>], vector<16xf32>,
        %sub3A_173 = arith.subf %gather3A_170, %gather3A_172 : vector<16xf32>
        %mul3A_174 = arith.mulf %sub3A_173, %sub3A_173 : vector<16xf32>
        %add3A_175 = arith.addf %add3A_123, %mul3A_174 : vector<16xf32>
        %add3A_176 = arith.constant 5 : i32
        %add3A_177 = vector.broadcast %add3A_176 : i32 to vector<16xi32>
        %add3A_178 = arith.addi %iota3A, %add3A_177 : vector<16xi32>
        %and3A_179 = arith.constant 31 : i32
        %and3A_180 = vector.broadcast %and3A_179 : i32 to vector<16xi32>
        %and3A_181 = arith.andi %add3A_178, %and3A_180 : vector<16xi32>
        %add3A_182 = arith.addi %shift_left3A_93, %and3A_181 : vector<16xi32>
        %gather3A_183 = tpu.vector_load_idx %arg13[%add3A_105, %add3A_182] : memref<128x128xf32, #tpu.memory_space<vmem>>[vector<16xi32>, vector<16xi32>], vector<16xf32>,
        %add3A_184 = arith.addi %shift_left3A_101, %and3A_181 : vector<16xi32>
        %gather3A_185 = tpu.vector_load_idx %arg14[%add3A_105, %add3A_184] : memref<128x128xf32, #tpu.memory_space<vmem>>[vector<16xi32>, vector<16xi32>], vector<16xf32>,
        %sub3A_186 = arith.subf %gather3A_183, %gather3A_185 : vector<16xf32>
        %mul3A_187 = arith.mulf %sub3A_186, %sub3A_186 : vector<16xf32>
        %add3A_188 = arith.addf %add3A_136, %mul3A_187 : vector<16xf32>
        %add3A_189 = arith.constant 6 : i32
        %add3A_190 = vector.broadcast %add3A_189 : i32 to vector<16xi32>
        %add3A_191 = arith.addi %iota3A, %add3A_190 : vector<16xi32>
        %and3A_192 = arith.constant 31 : i32
        %and3A_193 = vector.broadcast %and3A_192 : i32 to vector<16xi32>
        %and3A_194 = arith.andi %add3A_191, %and3A_193 : vector<16xi32>
        %add3A_195 = arith.addi %shift_left3A_93, %and3A_194 : vector<16xi32>
        %gather3A_196 = tpu.vector_load_idx %arg13[%add3A_105, %add3A_195] : memref<128x128xf32, #tpu.memory_space<vmem>>[vector<16xi32>, vector<16xi32>], vector<16xf32>,
        %add3A_197 = arith.addi %shift_left3A_101, %and3A_194 : vector<16xi32>
        %gather3A_198 = tpu.vector_load_idx %arg14[%add3A_105, %add3A_197] : memref<128x128xf32, #tpu.memory_space<vmem>>[vector<16xi32>, vector<16xi32>], vector<16xf32>,
        %sub3A_199 = arith.subf %gather3A_196, %gather3A_198 : vector<16xf32>
        %mul3A_200 = arith.mulf %sub3A_199, %sub3A_199 : vector<16xf32>
        %add3A_201 = arith.addf %add3A_149, %mul3A_200 : vector<16xf32>
        %add3A_202 = arith.constant 7 : i32
        %add3A_203 = vector.broadcast %add3A_202 : i32 to vector<16xi32>
        %add3A_204 = arith.addi %iota3A, %add3A_203 : vector<16xi32>
        %and3A_205 = arith.constant 31 : i32
        %and3A_206 = vector.broadcast %and3A_205 : i32 to vector<16xi32>
        %and3A_207 = arith.andi %add3A_204, %and3A_206 : vector<16xi32>
        %add3A_208 = arith.addi %shift_left3A_93, %and3A_207 : vector<16xi32>
        %gather3A_209 = tpu.vector_load_idx %arg13[%add3A_105, %add3A_208] : memref<128x128xf32, #tpu.memory_space<vmem>>[vector<16xi32>, vector<16xi32>], vector<16xf32>,
        %add3A_210 = arith.addi %shift_left3A_101, %and3A_207 : vector<16xi32>
        %gather3A_211 = tpu.vector_load_idx %arg14[%add3A_105, %add3A_210] : memref<128x128xf32, #tpu.memory_space<vmem>>[vector<16xi32>, vector<16xi32>], vector<16xf32>,
        %sub3A_212 = arith.subf %gather3A_209, %gather3A_211 : vector<16xf32>
        %mul3A_213 = arith.mulf %sub3A_212, %sub3A_212 : vector<16xf32>
        %add3A_214 = arith.addf %add3A_162, %mul3A_213 : vector<16xf32>
        %add3A_215 = arith.constant 8 : i32
        %add3A_216 = vector.broadcast %add3A_215 : i32 to vector<16xi32>
        %add3A_217 = arith.addi %iota3A, %add3A_216 : vector<16xi32>
        %and3A_218 = arith.constant 31 : i32
        %and3A_219 = vector.broadcast %and3A_218 : i32 to vector<16xi32>
        %and3A_220 = arith.andi %add3A_217, %and3A_219 : vector<16xi32>
        %add3A_221 = arith.addi %shift_left3A_93, %and3A_220 : vector<16xi32>
        %gather3A_222 = tpu.vector_load_idx %arg13[%add3A_105, %add3A_221] : memref<128x128xf32, #tpu.memory_space<vmem>>[vector<16xi32>, vector<16xi32>], vector<16xf32>,
        %add3A_223 = arith.addi %shift_left3A_101, %and3A_220 : vector<16xi32>
        %gather3A_224 = tpu.vector_load_idx %arg14[%add3A_105, %add3A_223] : memref<128x128xf32, #tpu.memory_space<vmem>>[vector<16xi32>, vector<16xi32>], vector<16xf32>,
        %sub3A_225 = arith.subf %gather3A_222, %gather3A_224 : vector<16xf32>
        %mul3A_226 = arith.mulf %sub3A_225, %sub3A_225 : vector<16xf32>
        %add3A_227 = arith.addf %add3A_175, %mul3A_226 : vector<16xf32>
        %add3A_228 = arith.constant 9 : i32
        %add3A_229 = vector.broadcast %add3A_228 : i32 to vector<16xi32>
        %add3A_230 = arith.addi %iota3A, %add3A_229 : vector<16xi32>
        %and3A_231 = arith.constant 31 : i32
        %and3A_232 = vector.broadcast %and3A_231 : i32 to vector<16xi32>
        %and3A_233 = arith.andi %add3A_230, %and3A_232 : vector<16xi32>
        %add3A_234 = arith.addi %shift_left3A_93, %and3A_233 : vector<16xi32>
        %gather3A_235 = tpu.vector_load_idx %arg13[%add3A_105, %add3A_234] : memref<128x128xf32, #tpu.memory_space<vmem>>[vector<16xi32>, vector<16xi32>], vector<16xf32>,
        %add3A_236 = arith.addi %shift_left3A_101, %and3A_233 : vector<16xi32>
        %gather3A_237 = tpu.vector_load_idx %arg14[%add3A_105, %add3A_236] : memref<128x128xf32, #tpu.memory_space<vmem>>[vector<16xi32>, vector<16xi32>], vector<16xf32>,
        %sub3A_238 = arith.subf %gather3A_235, %gather3A_237 : vector<16xf32>
        %mul3A_239 = arith.mulf %sub3A_238, %sub3A_238 : vector<16xf32>
        %add3A_240 = arith.addf %add3A_188, %mul3A_239 : vector<16xf32>
        %add3A_241 = arith.constant 10 : i32
        %add3A_242 = vector.broadcast %add3A_241 : i32 to vector<16xi32>
        %add3A_243 = arith.addi %iota3A, %add3A_242 : vector<16xi32>
        %and3A_244 = arith.constant 31 : i32
        %and3A_245 = vector.broadcast %and3A_244 : i32 to vector<16xi32>
        %and3A_246 = arith.andi %add3A_243, %and3A_245 : vector<16xi32>
        %add3A_247 = arith.addi %shift_left3A_93, %and3A_246 : vector<16xi32>
        %gather3A_248 = tpu.vector_load_idx %arg13[%add3A_105, %add3A_247] : memref<128x128xf32, #tpu.memory_space<vmem>>[vector<16xi32>, vector<16xi32>], vector<16xf32>,
        %add3A_249 = arith.addi %shift_left3A_101, %and3A_246 : vector<16xi32>
        %gather3A_250 = tpu.vector_load_idx %arg14[%add3A_105, %add3A_249] : memref<128x128xf32, #tpu.memory_space<vmem>>[vector<16xi32>, vector<16xi32>], vector<16xf32>,
        %sub3A_251 = arith.subf %gather3A_248, %gather3A_250 : vector<16xf32>
        %mul3A_252 = arith.mulf %sub3A_251, %sub3A_251 : vector<16xf32>
        %add3A_253 = arith.addf %add3A_201, %mul3A_252 : vector<16xf32>
        %add3A_254 = arith.constant 11 : i32
        %add3A_255 = vector.broadcast %add3A_254 : i32 to vector<16xi32>
        %add3A_256 = arith.addi %iota3A, %add3A_255 : vector<16xi32>
        %and3A_257 = arith.constant 31 : i32
        %and3A_258 = vector.broadcast %and3A_257 : i32 to vector<16xi32>
        %and3A_259 = arith.andi %add3A_256, %and3A_258 : vector<16xi32>
        %add3A_260 = arith.addi %shift_left3A_93, %and3A_259 : vector<16xi32>
        %gather3A_261 = tpu.vector_load_idx %arg13[%add3A_105, %add3A_260] : memref<128x128xf32, #tpu.memory_space<vmem>>[vector<16xi32>, vector<16xi32>], vector<16xf32>,
        %add3A_262 = arith.addi %shift_left3A_101, %and3A_259 : vector<16xi32>
        %gather3A_263 = tpu.vector_load_idx %arg14[%add3A_105, %add3A_262] : memref<128x128xf32, #tpu.memory_space<vmem>>[vector<16xi32>, vector<16xi32>], vector<16xf32>,
        %sub3A_264 = arith.subf %gather3A_261, %gather3A_263 : vector<16xf32>
        %mul3A_265 = arith.mulf %sub3A_264, %sub3A_264 : vector<16xf32>
        %add3A_266 = arith.addf %add3A_214, %mul3A_265 : vector<16xf32>
        %add3A_267 = arith.constant 12 : i32
        %add3A_268 = vector.broadcast %add3A_267 : i32 to vector<16xi32>
        %add3A_269 = arith.addi %iota3A, %add3A_268 : vector<16xi32>
        %and3A_270 = arith.constant 31 : i32
        %and3A_271 = vector.broadcast %and3A_270 : i32 to vector<16xi32>
        %and3A_272 = arith.andi %add3A_269, %and3A_271 : vector<16xi32>
        %add3A_273 = arith.addi %shift_left3A_93, %and3A_272 : vector<16xi32>
        %gather3A_274 = tpu.vector_load_idx %arg13[%add3A_105, %add3A_273] : memref<128x128xf32, #tpu.memory_space<vmem>>[vector<16xi32>, vector<16xi32>], vector<16xf32>,
        %add3A_275 = arith.addi %shift_left3A_101, %and3A_272 : vector<16xi32>
        %gather3A_276 = tpu.vector_load_idx %arg14[%add3A_105, %add3A_275] : memref<128x128xf32, #tpu.memory_space<vmem>>[vector<16xi32>, vector<16xi32>], vector<16xf32>,
        %sub3A_277 = arith.subf %gather3A_274, %gather3A_276 : vector<16xf32>
        %mul3A_278 = arith.mulf %sub3A_277, %sub3A_277 : vector<16xf32>
        %add3A_279 = arith.addf %add3A_227, %mul3A_278 : vector<16xf32>
        %add3A_280 = arith.constant 13 : i32
        %add3A_281 = vector.broadcast %add3A_280 : i32 to vector<16xi32>
        %add3A_282 = arith.addi %iota3A, %add3A_281 : vector<16xi32>
        %and3A_283 = arith.constant 31 : i32
        %and3A_284 = vector.broadcast %and3A_283 : i32 to vector<16xi32>
        %and3A_285 = arith.andi %add3A_282, %and3A_284 : vector<16xi32>
        %add3A_286 = arith.addi %shift_left3A_93, %and3A_285 : vector<16xi32>
        %gather3A_287 = tpu.vector_load_idx %arg13[%add3A_105, %add3A_286] : memref<128x128xf32, #tpu.memory_space<vmem>>[vector<16xi32>, vector<16xi32>], vector<16xf32>,
        %add3A_288 = arith.addi %shift_left3A_101, %and3A_285 : vector<16xi32>
        %gather3A_289 = tpu.vector_load_idx %arg14[%add3A_105, %add3A_288] : memref<128x128xf32, #tpu.memory_space<vmem>>[vector<16xi32>, vector<16xi32>], vector<16xf32>,
        %sub3A_290 = arith.subf %gather3A_287, %gather3A_289 : vector<16xf32>
        %mul3A_291 = arith.mulf %sub3A_290, %sub3A_290 : vector<16xf32>
        %add3A_292 = arith.addf %add3A_240, %mul3A_291 : vector<16xf32>
        %add3A_293 = arith.constant 14 : i32
        %add3A_294 = vector.broadcast %add3A_293 : i32 to vector<16xi32>
        %add3A_295 = arith.addi %iota3A, %add3A_294 : vector<16xi32>
        %and3A_296 = arith.constant 31 : i32
        %and3A_297 = vector.broadcast %and3A_296 : i32 to vector<16xi32>
        %and3A_298 = arith.andi %add3A_295, %and3A_297 : vector<16xi32>
        %add3A_299 = arith.addi %shift_left3A_93, %and3A_298 : vector<16xi32>
        %gather3A_300 = tpu.vector_load_idx %arg13[%add3A_105, %add3A_299] : memref<128x128xf32, #tpu.memory_space<vmem>>[vector<16xi32>, vector<16xi32>], vector<16xf32>,
        %add3A_301 = arith.addi %shift_left3A_101, %and3A_298 : vector<16xi32>
        %gather3A_302 = tpu.vector_load_idx %arg14[%add3A_105, %add3A_301] : memref<128x128xf32, #tpu.memory_space<vmem>>[vector<16xi32>, vector<16xi32>], vector<16xf32>,
        %sub3A_303 = arith.subf %gather3A_300, %gather3A_302 : vector<16xf32>
        %mul3A_304 = arith.mulf %sub3A_303, %sub3A_303 : vector<16xf32>
        %add3A_305 = arith.addf %add3A_253, %mul3A_304 : vector<16xf32>
        %add3A_306 = arith.constant 15 : i32
        %add3A_307 = vector.broadcast %add3A_306 : i32 to vector<16xi32>
        %add3A_308 = arith.addi %iota3A, %add3A_307 : vector<16xi32>
        %and3A_309 = arith.constant 31 : i32
        %and3A_310 = vector.broadcast %and3A_309 : i32 to vector<16xi32>
        %and3A_311 = arith.andi %add3A_308, %and3A_310 : vector<16xi32>
        %add3A_312 = arith.addi %shift_left3A_93, %and3A_311 : vector<16xi32>
        %gather3A_313 = tpu.vector_load_idx %arg13[%add3A_105, %add3A_312] : memref<128x128xf32, #tpu.memory_space<vmem>>[vector<16xi32>, vector<16xi32>], vector<16xf32>,
        %add3A_314 = arith.addi %shift_left3A_101, %and3A_311 : vector<16xi32>
        %gather3A_315 = tpu.vector_load_idx %arg14[%add3A_105, %add3A_314] : memref<128x128xf32, #tpu.memory_space<vmem>>[vector<16xi32>, vector<16xi32>], vector<16xf32>,
        %sub3A_316 = arith.subf %gather3A_313, %gather3A_315 : vector<16xf32>
        %mul3A_317 = arith.mulf %sub3A_316, %sub3A_316 : vector<16xf32>
        %add3A_318 = arith.addf %add3A_266, %mul3A_317 : vector<16xf32>
        %add3A_319 = arith.constant 16 : i32
        %add3A_320 = vector.broadcast %add3A_319 : i32 to vector<16xi32>
        %add3A_321 = arith.addi %iota3A, %add3A_320 : vector<16xi32>
        %and3A_322 = arith.constant 31 : i32
        %and3A_323 = vector.broadcast %and3A_322 : i32 to vector<16xi32>
        %and3A_324 = arith.andi %add3A_321, %and3A_323 : vector<16xi32>
        %add3A_325 = arith.addi %shift_left3A_93, %and3A_324 : vector<16xi32>
        %gather3A_326 = tpu.vector_load_idx %arg13[%add3A_105, %add3A_325] : memref<128x128xf32, #tpu.memory_space<vmem>>[vector<16xi32>, vector<16xi32>], vector<16xf32>,
        %add3A_327 = arith.addi %shift_left3A_101, %and3A_324 : vector<16xi32>
        %gather3A_328 = tpu.vector_load_idx %arg14[%add3A_105, %add3A_327] : memref<128x128xf32, #tpu.memory_space<vmem>>[vector<16xi32>, vector<16xi32>], vector<16xf32>,
        %sub3A_329 = arith.subf %gather3A_326, %gather3A_328 : vector<16xf32>
        %mul3A_330 = arith.mulf %sub3A_329, %sub3A_329 : vector<16xf32>
        %add3A_331 = arith.addf %add3A_279, %mul3A_330 : vector<16xf32>
        %add3A_332 = arith.constant 17 : i32
        %add3A_333 = vector.broadcast %add3A_332 : i32 to vector<16xi32>
        %add3A_334 = arith.addi %iota3A, %add3A_333 : vector<16xi32>
        %and3A_335 = arith.constant 31 : i32
        %and3A_336 = vector.broadcast %and3A_335 : i32 to vector<16xi32>
        %and3A_337 = arith.andi %add3A_334, %and3A_336 : vector<16xi32>
        %add3A_338 = arith.addi %shift_left3A_93, %and3A_337 : vector<16xi32>
        %gather3A_339 = tpu.vector_load_idx %arg13[%add3A_105, %add3A_338] : memref<128x128xf32, #tpu.memory_space<vmem>>[vector<16xi32>, vector<16xi32>], vector<16xf32>,
        %add3A_340 = arith.addi %shift_left3A_101, %and3A_337 : vector<16xi32>
        %gather3A_341 = tpu.vector_load_idx %arg14[%add3A_105, %add3A_340] : memref<128x128xf32, #tpu.memory_space<vmem>>[vector<16xi32>, vector<16xi32>], vector<16xf32>,
        %sub3A_342 = arith.subf %gather3A_339, %gather3A_341 : vector<16xf32>
        %mul3A_343 = arith.mulf %sub3A_342, %sub3A_342 : vector<16xf32>
        %add3A_344 = arith.addf %add3A_292, %mul3A_343 : vector<16xf32>
        %add3A_345 = arith.constant 18 : i32
        %add3A_346 = vector.broadcast %add3A_345 : i32 to vector<16xi32>
        %add3A_347 = arith.addi %iota3A, %add3A_346 : vector<16xi32>
        %and3A_348 = arith.constant 31 : i32
        %and3A_349 = vector.broadcast %and3A_348 : i32 to vector<16xi32>
        %and3A_350 = arith.andi %add3A_347, %and3A_349 : vector<16xi32>
        %add3A_351 = arith.addi %shift_left3A_93, %and3A_350 : vector<16xi32>
        %gather3A_352 = tpu.vector_load_idx %arg13[%add3A_105, %add3A_351] : memref<128x128xf32, #tpu.memory_space<vmem>>[vector<16xi32>, vector<16xi32>], vector<16xf32>,
        %add3A_353 = arith.addi %shift_left3A_101, %and3A_350 : vector<16xi32>
        %gather3A_354 = tpu.vector_load_idx %arg14[%add3A_105, %add3A_353] : memref<128x128xf32, #tpu.memory_space<vmem>>[vector<16xi32>, vector<16xi32>], vector<16xf32>,
        %sub3A_355 = arith.subf %gather3A_352, %gather3A_354 : vector<16xf32>
        %mul3A_356 = arith.mulf %sub3A_355, %sub3A_355 : vector<16xf32>
        %add3A_357 = arith.addf %add3A_305, %mul3A_356 : vector<16xf32>
        %add3A_358 = arith.constant 19 : i32
        %add3A_359 = vector.broadcast %add3A_358 : i32 to vector<16xi32>
        %add3A_360 = arith.addi %iota3A, %add3A_359 : vector<16xi32>
        %and3A_361 = arith.constant 31 : i32
        %and3A_362 = vector.broadcast %and3A_361 : i32 to vector<16xi32>
        %and3A_363 = arith.andi %add3A_360, %and3A_362 : vector<16xi32>
        %add3A_364 = arith.addi %shift_left3A_93, %and3A_363 : vector<16xi32>
        %gather3A_365 = tpu.vector_load_idx %arg13[%add3A_105, %add3A_364] : memref<128x128xf32, #tpu.memory_space<vmem>>[vector<16xi32>, vector<16xi32>], vector<16xf32>,
        %add3A_366 = arith.addi %shift_left3A_101, %and3A_363 : vector<16xi32>
        %gather3A_367 = tpu.vector_load_idx %arg14[%add3A_105, %add3A_366] : memref<128x128xf32, #tpu.memory_space<vmem>>[vector<16xi32>, vector<16xi32>], vector<16xf32>,
        %sub3A_368 = arith.subf %gather3A_365, %gather3A_367 : vector<16xf32>
        %mul3A_369 = arith.mulf %sub3A_368, %sub3A_368 : vector<16xf32>
        %add3A_370 = arith.addf %add3A_318, %mul3A_369 : vector<16xf32>
        %add3A_371 = arith.constant 20 : i32
        %add3A_372 = vector.broadcast %add3A_371 : i32 to vector<16xi32>
        %add3A_373 = arith.addi %iota3A, %add3A_372 : vector<16xi32>
        %and3A_374 = arith.constant 31 : i32
        %and3A_375 = vector.broadcast %and3A_374 : i32 to vector<16xi32>
        %and3A_376 = arith.andi %add3A_373, %and3A_375 : vector<16xi32>
        %add3A_377 = arith.addi %shift_left3A_93, %and3A_376 : vector<16xi32>
        %gather3A_378 = tpu.vector_load_idx %arg13[%add3A_105, %add3A_377] : memref<128x128xf32, #tpu.memory_space<vmem>>[vector<16xi32>, vector<16xi32>], vector<16xf32>,
        %add3A_379 = arith.addi %shift_left3A_101, %and3A_376 : vector<16xi32>
        %gather3A_380 = tpu.vector_load_idx %arg14[%add3A_105, %add3A_379] : memref<128x128xf32, #tpu.memory_space<vmem>>[vector<16xi32>, vector<16xi32>], vector<16xf32>,
        %sub3A_381 = arith.subf %gather3A_378, %gather3A_380 : vector<16xf32>
        %mul3A_382 = arith.mulf %sub3A_381, %sub3A_381 : vector<16xf32>
        %add3A_383 = arith.addf %add3A_331, %mul3A_382 : vector<16xf32>
        %add3A_384 = arith.constant 21 : i32
        %add3A_385 = vector.broadcast %add3A_384 : i32 to vector<16xi32>
        %add3A_386 = arith.addi %iota3A, %add3A_385 : vector<16xi32>
        %and3A_387 = arith.constant 31 : i32
        %and3A_388 = vector.broadcast %and3A_387 : i32 to vector<16xi32>
        %and3A_389 = arith.andi %add3A_386, %and3A_388 : vector<16xi32>
        %add3A_390 = arith.addi %shift_left3A_93, %and3A_389 : vector<16xi32>
        %gather3A_391 = tpu.vector_load_idx %arg13[%add3A_105, %add3A_390] : memref<128x128xf32, #tpu.memory_space<vmem>>[vector<16xi32>, vector<16xi32>], vector<16xf32>,
        %add3A_392 = arith.addi %shift_left3A_101, %and3A_389 : vector<16xi32>
        %gather3A_393 = tpu.vector_load_idx %arg14[%add3A_105, %add3A_392] : memref<128x128xf32, #tpu.memory_space<vmem>>[vector<16xi32>, vector<16xi32>], vector<16xf32>,
        %sub3A_394 = arith.subf %gather3A_391, %gather3A_393 : vector<16xf32>
        %mul3A_395 = arith.mulf %sub3A_394, %sub3A_394 : vector<16xf32>
        %add3A_396 = arith.addf %add3A_344, %mul3A_395 : vector<16xf32>
        %add3A_397 = arith.constant 22 : i32
        %add3A_398 = vector.broadcast %add3A_397 : i32 to vector<16xi32>
        %add3A_399 = arith.addi %iota3A, %add3A_398 : vector<16xi32>
        %and3A_400 = arith.constant 31 : i32
        %and3A_401 = vector.broadcast %and3A_400 : i32 to vector<16xi32>
        %and3A_402 = arith.andi %add3A_399, %and3A_401 : vector<16xi32>
        %add3A_403 = arith.addi %shift_left3A_93, %and3A_402 : vector<16xi32>
        %gather3A_404 = tpu.vector_load_idx %arg13[%add3A_105, %add3A_403] : memref<128x128xf32, #tpu.memory_space<vmem>>[vector<16xi32>, vector<16xi32>], vector<16xf32>,
        %add3A_405 = arith.addi %shift_left3A_101, %and3A_402 : vector<16xi32>
        %gather3A_406 = tpu.vector_load_idx %arg14[%add3A_105, %add3A_405] : memref<128x128xf32, #tpu.memory_space<vmem>>[vector<16xi32>, vector<16xi32>], vector<16xf32>,
        %sub3A_407 = arith.subf %gather3A_404, %gather3A_406 : vector<16xf32>
        %mul3A_408 = arith.mulf %sub3A_407, %sub3A_407 : vector<16xf32>
        %add3A_409 = arith.addf %add3A_357, %mul3A_408 : vector<16xf32>
        %add3A_410 = arith.constant 23 : i32
        %add3A_411 = vector.broadcast %add3A_410 : i32 to vector<16xi32>
        %add3A_412 = arith.addi %iota3A, %add3A_411 : vector<16xi32>
        %and3A_413 = arith.constant 31 : i32
        %and3A_414 = vector.broadcast %and3A_413 : i32 to vector<16xi32>
        %and3A_415 = arith.andi %add3A_412, %and3A_414 : vector<16xi32>
        %add3A_416 = arith.addi %shift_left3A_93, %and3A_415 : vector<16xi32>
        %gather3A_417 = tpu.vector_load_idx %arg13[%add3A_105, %add3A_416] : memref<128x128xf32, #tpu.memory_space<vmem>>[vector<16xi32>, vector<16xi32>], vector<16xf32>,
        %add3A_418 = arith.addi %shift_left3A_101, %and3A_415 : vector<16xi32>
        %gather3A_419 = tpu.vector_load_idx %arg14[%add3A_105, %add3A_418] : memref<128x128xf32, #tpu.memory_space<vmem>>[vector<16xi32>, vector<16xi32>], vector<16xf32>,
        %sub3A_420 = arith.subf %gather3A_417, %gather3A_419 : vector<16xf32>
        %mul3A_421 = arith.mulf %sub3A_420, %sub3A_420 : vector<16xf32>
        %add3A_422 = arith.addf %add3A_370, %mul3A_421 : vector<16xf32>
        %add3A_423 = arith.constant 24 : i32
        %add3A_424 = vector.broadcast %add3A_423 : i32 to vector<16xi32>
        %add3A_425 = arith.addi %iota3A, %add3A_424 : vector<16xi32>
        %and3A_426 = arith.constant 31 : i32
        %and3A_427 = vector.broadcast %and3A_426 : i32 to vector<16xi32>
        %and3A_428 = arith.andi %add3A_425, %and3A_427 : vector<16xi32>
        %add3A_429 = arith.addi %shift_left3A_93, %and3A_428 : vector<16xi32>
        %gather3A_430 = tpu.vector_load_idx %arg13[%add3A_105, %add3A_429] : memref<128x128xf32, #tpu.memory_space<vmem>>[vector<16xi32>, vector<16xi32>], vector<16xf32>,
        %add3A_431 = arith.addi %shift_left3A_101, %and3A_428 : vector<16xi32>
        %gather3A_432 = tpu.vector_load_idx %arg14[%add3A_105, %add3A_431] : memref<128x128xf32, #tpu.memory_space<vmem>>[vector<16xi32>, vector<16xi32>], vector<16xf32>,
        %sub3A_433 = arith.subf %gather3A_430, %gather3A_432 : vector<16xf32>
        %mul3A_434 = arith.mulf %sub3A_433, %sub3A_433 : vector<16xf32>
        %add3A_435 = arith.addf %add3A_383, %mul3A_434 : vector<16xf32>
        %add3A_436 = arith.constant 25 : i32
        %add3A_437 = vector.broadcast %add3A_436 : i32 to vector<16xi32>
        %add3A_438 = arith.addi %iota3A, %add3A_437 : vector<16xi32>
        %and3A_439 = arith.constant 31 : i32
        %and3A_440 = vector.broadcast %and3A_439 : i32 to vector<16xi32>
        %and3A_441 = arith.andi %add3A_438, %and3A_440 : vector<16xi32>
        %add3A_442 = arith.addi %shift_left3A_93, %and3A_441 : vector<16xi32>
        %gather3A_443 = tpu.vector_load_idx %arg13[%add3A_105, %add3A_442] : memref<128x128xf32, #tpu.memory_space<vmem>>[vector<16xi32>, vector<16xi32>], vector<16xf32>,
        %add3A_444 = arith.addi %shift_left3A_101, %and3A_441 : vector<16xi32>
        %gather3A_445 = tpu.vector_load_idx %arg14[%add3A_105, %add3A_444] : memref<128x128xf32, #tpu.memory_space<vmem>>[vector<16xi32>, vector<16xi32>], vector<16xf32>,
        %sub3A_446 = arith.subf %gather3A_443, %gather3A_445 : vector<16xf32>
        %mul3A_447 = arith.mulf %sub3A_446, %sub3A_446 : vector<16xf32>
        %add3A_448 = arith.addf %add3A_396, %mul3A_447 : vector<16xf32>
        %add3A_449 = arith.constant 26 : i32
        %add3A_450 = vector.broadcast %add3A_449 : i32 to vector<16xi32>
        %add3A_451 = arith.addi %iota3A, %add3A_450 : vector<16xi32>
        %and3A_452 = arith.constant 31 : i32
        %and3A_453 = vector.broadcast %and3A_452 : i32 to vector<16xi32>
        %and3A_454 = arith.andi %add3A_451, %and3A_453 : vector<16xi32>
        %add3A_455 = arith.addi %shift_left3A_93, %and3A_454 : vector<16xi32>
        %gather3A_456 = tpu.vector_load_idx %arg13[%add3A_105, %add3A_455] : memref<128x128xf32, #tpu.memory_space<vmem>>[vector<16xi32>, vector<16xi32>], vector<16xf32>,
        %add3A_457 = arith.addi %shift_left3A_101, %and3A_454 : vector<16xi32>
        %gather3A_458 = tpu.vector_load_idx %arg14[%add3A_105, %add3A_457] : memref<128x128xf32, #tpu.memory_space<vmem>>[vector<16xi32>, vector<16xi32>], vector<16xf32>,
        %sub3A_459 = arith.subf %gather3A_456, %gather3A_458 : vector<16xf32>
        %mul3A_460 = arith.mulf %sub3A_459, %sub3A_459 : vector<16xf32>
        %add3A_461 = arith.addf %add3A_409, %mul3A_460 : vector<16xf32>
        %add3A_462 = arith.constant 27 : i32
        %add3A_463 = vector.broadcast %add3A_462 : i32 to vector<16xi32>
        %add3A_464 = arith.addi %iota3A, %add3A_463 : vector<16xi32>
        %and3A_465 = arith.constant 31 : i32
        %and3A_466 = vector.broadcast %and3A_465 : i32 to vector<16xi32>
        %and3A_467 = arith.andi %add3A_464, %and3A_466 : vector<16xi32>
        %add3A_468 = arith.addi %shift_left3A_93, %and3A_467 : vector<16xi32>
        %gather3A_469 = tpu.vector_load_idx %arg13[%add3A_105, %add3A_468] : memref<128x128xf32, #tpu.memory_space<vmem>>[vector<16xi32>, vector<16xi32>], vector<16xf32>,
        %add3A_470 = arith.addi %shift_left3A_101, %and3A_467 : vector<16xi32>
        %gather3A_471 = tpu.vector_load_idx %arg14[%add3A_105, %add3A_470] : memref<128x128xf32, #tpu.memory_space<vmem>>[vector<16xi32>, vector<16xi32>], vector<16xf32>,
        %sub3A_472 = arith.subf %gather3A_469, %gather3A_471 : vector<16xf32>
        %mul3A_473 = arith.mulf %sub3A_472, %sub3A_472 : vector<16xf32>
        %add3A_474 = arith.addf %add3A_422, %mul3A_473 : vector<16xf32>
        %add3A_475 = arith.constant 28 : i32
        %add3A_476 = vector.broadcast %add3A_475 : i32 to vector<16xi32>
        %add3A_477 = arith.addi %iota3A, %add3A_476 : vector<16xi32>
        %and3A_478 = arith.constant 31 : i32
        %and3A_479 = vector.broadcast %and3A_478 : i32 to vector<16xi32>
        %and3A_480 = arith.andi %add3A_477, %and3A_479 : vector<16xi32>
        %add3A_481 = arith.addi %shift_left3A_93, %and3A_480 : vector<16xi32>
        %gather3A_482 = tpu.vector_load_idx %arg13[%add3A_105, %add3A_481] : memref<128x128xf32, #tpu.memory_space<vmem>>[vector<16xi32>, vector<16xi32>], vector<16xf32>,
        %add3A_483 = arith.addi %shift_left3A_101, %and3A_480 : vector<16xi32>
        %gather3A_484 = tpu.vector_load_idx %arg14[%add3A_105, %add3A_483] : memref<128x128xf32, #tpu.memory_space<vmem>>[vector<16xi32>, vector<16xi32>], vector<16xf32>,
        %sub3A_485 = arith.subf %gather3A_482, %gather3A_484 : vector<16xf32>
        %mul3A_486 = arith.mulf %sub3A_485, %sub3A_485 : vector<16xf32>
        %add3A_487 = arith.addf %add3A_435, %mul3A_486 : vector<16xf32>
        %add3A_488 = arith.constant 29 : i32
        %add3A_489 = vector.broadcast %add3A_488 : i32 to vector<16xi32>
        %add3A_490 = arith.addi %iota3A, %add3A_489 : vector<16xi32>
        %and3A_491 = arith.constant 31 : i32
        %and3A_492 = vector.broadcast %and3A_491 : i32 to vector<16xi32>
        %and3A_493 = arith.andi %add3A_490, %and3A_492 : vector<16xi32>
        %add3A_494 = arith.addi %shift_left3A_93, %and3A_493 : vector<16xi32>
        %gather3A_495 = tpu.vector_load_idx %arg13[%add3A_105, %add3A_494] : memref<128x128xf32, #tpu.memory_space<vmem>>[vector<16xi32>, vector<16xi32>], vector<16xf32>,
        %add3A_496 = arith.addi %shift_left3A_101, %and3A_493 : vector<16xi32>
        %gather3A_497 = tpu.vector_load_idx %arg14[%add3A_105, %add3A_496] : memref<128x128xf32, #tpu.memory_space<vmem>>[vector<16xi32>, vector<16xi32>], vector<16xf32>,
        %sub3A_498 = arith.subf %gather3A_495, %gather3A_497 : vector<16xf32>
        %mul3A_499 = arith.mulf %sub3A_498, %sub3A_498 : vector<16xf32>
        %add3A_500 = arith.addf %add3A_448, %mul3A_499 : vector<16xf32>
        %add3A_501 = arith.constant 30 : i32
        %add3A_502 = vector.broadcast %add3A_501 : i32 to vector<16xi32>
        %add3A_503 = arith.addi %iota3A, %add3A_502 : vector<16xi32>
        %and3A_504 = arith.constant 31 : i32
        %and3A_505 = vector.broadcast %and3A_504 : i32 to vector<16xi32>
        %and3A_506 = arith.andi %add3A_503, %and3A_505 : vector<16xi32>
        %add3A_507 = arith.addi %shift_left3A_93, %and3A_506 : vector<16xi32>
        %gather3A_508 = tpu.vector_load_idx %arg13[%add3A_105, %add3A_507] : memref<128x128xf32, #tpu.memory_space<vmem>>[vector<16xi32>, vector<16xi32>], vector<16xf32>,
        %add3A_509 = arith.addi %shift_left3A_101, %and3A_506 : vector<16xi32>
        %gather3A_510 = tpu.vector_load_idx %arg14[%add3A_105, %add3A_509] : memref<128x128xf32, #tpu.memory_space<vmem>>[vector<16xi32>, vector<16xi32>], vector<16xf32>,
        %sub3A_511 = arith.subf %gather3A_508, %gather3A_510 : vector<16xf32>
        %mul3A_512 = arith.mulf %sub3A_511, %sub3A_511 : vector<16xf32>
        %add3A_513 = arith.addf %add3A_461, %mul3A_512 : vector<16xf32>
        %add3A_514 = arith.constant 31 : i32
        %add3A_515 = vector.broadcast %add3A_514 : i32 to vector<16xi32>
        %add3A_516 = arith.addi %iota3A, %add3A_515 : vector<16xi32>
        %and3A_517 = arith.constant 31 : i32
        %and3A_518 = vector.broadcast %and3A_517 : i32 to vector<16xi32>
        %and3A_519 = arith.andi %add3A_516, %and3A_518 : vector<16xi32>
        %add3A_520 = arith.addi %shift_left3A_93, %and3A_519 : vector<16xi32>
        %gather3A_521 = tpu.vector_load_idx %arg13[%add3A_105, %add3A_520] : memref<128x128xf32, #tpu.memory_space<vmem>>[vector<16xi32>, vector<16xi32>], vector<16xf32>,
        %add3A_522 = arith.addi %shift_left3A_101, %and3A_519 : vector<16xi32>
        %gather3A_523 = tpu.vector_load_idx %arg14[%add3A_105, %add3A_522] : memref<128x128xf32, #tpu.memory_space<vmem>>[vector<16xi32>, vector<16xi32>], vector<16xf32>,
        %sub3A_524 = arith.subf %gather3A_521, %gather3A_523 : vector<16xf32>
        %mul3A_525 = arith.mulf %sub3A_524, %sub3A_524 : vector<16xf32>
        %add3A_526 = arith.addf %add3A_474, %mul3A_525 : vector<16xf32>
        %add3A_527 = arith.addf %add3A_487, %add3A_500 : vector<16xf32>
        %add3A_528 = arith.addf %add3A_513, %add3A_526 : vector<16xf32>
        %add3A_529 = arith.addf %add3A_527, %add3A_528 : vector<16xf32>
        %bitcast3A = vector.bitcast %add3A_529 : vector<16xf32> to vector<16xi32>
        %shift_right_logical3A = arith.constant 1 : i32
        %shift_right_logical3A_530 = vector.broadcast %shift_right_logical3A : i32 to vector<16xi32>
        %shift_right_logical3A_531 = arith.shrui %bitcast3A, %shift_right_logical3A_530 : vector<16xi32>
        %sub3A_532 = arith.constant 1597463007 : i32
        %sub3A_533 = vector.broadcast %sub3A_532 : i32 to vector<16xi32>
        %sub3A_534 = arith.subi %sub3A_533, %shift_right_logical3A_531 : vector<16xi32>
        %bitcast3A_535 = vector.bitcast %sub3A_534 : vector<16xi32> to vector<16xf32>
        %mul3A_536 = arith.constant 5.000000e-01 : f32
        %mul3A_537 = vector.broadcast %mul3A_536 : f32 to vector<16xf32>
        %mul3A_538 = arith.mulf %mul3A_537, %add3A_529 : vector<16xf32>
        %mul3A_539 = arith.mulf %mul3A_538, %bitcast3A_535 : vector<16xf32>
        %mul3A_540 = arith.mulf %mul3A_539, %bitcast3A_535 : vector<16xf32>
        %sub3A_541 = arith.constant 1.500000e+00 : f32
        %sub3A_542 = vector.broadcast %sub3A_541 : f32 to vector<16xf32>
        %sub3A_543 = arith.subf %sub3A_542, %mul3A_540 : vector<16xf32>
        %mul3A_544 = arith.mulf %bitcast3A_535, %sub3A_543 : vector<16xf32>
        %mul3A_545 = arith.constant 5.000000e-01 : f32
        %mul3A_546 = vector.broadcast %mul3A_545 : f32 to vector<16xf32>
        %mul3A_547 = arith.mulf %mul3A_546, %add3A_529 : vector<16xf32>
        %mul3A_548 = arith.mulf %mul3A_547, %mul3A_544 : vector<16xf32>
        %mul3A_549 = arith.mulf %mul3A_548, %mul3A_544 : vector<16xf32>
        %sub3A_550 = arith.constant 1.500000e+00 : f32
        %sub3A_551 = vector.broadcast %sub3A_550 : f32 to vector<16xf32>
        %sub3A_552 = arith.subf %sub3A_551, %mul3A_549 : vector<16xf32>
        %mul3A_553 = arith.mulf %mul3A_544, %sub3A_552 : vector<16xf32>
        %mul3A_554 = arith.constant 5.000000e-01 : f32
        %mul3A_555 = vector.broadcast %mul3A_554 : f32 to vector<16xf32>
        %mul3A_556 = arith.mulf %mul3A_555, %add3A_529 : vector<16xf32>
        %mul3A_557 = arith.mulf %mul3A_556, %mul3A_553 : vector<16xf32>
        %mul3A_558 = arith.mulf %mul3A_557, %mul3A_553 : vector<16xf32>
        %sub3A_559 = arith.constant 1.500000e+00 : f32
        %sub3A_560 = vector.broadcast %sub3A_559 : f32 to vector<16xf32>
        %sub3A_561 = arith.subf %sub3A_560, %mul3A_558 : vector<16xf32>
        %mul3A_562 = arith.mulf %mul3A_553, %sub3A_561 : vector<16xf32>
        %mul3A_563 = arith.mulf %add3A_529, %mul3A_562 : vector<16xf32>
        %mul3A_564 = arith.constant 128 : i32
        %mul3A_565 = arith.muli %add3A_76, %mul3A_564 : i32
        %mul3A_566 = arith.constant 16 : i32
        %mul3A_567 = arith.muli %scan3A_83, %mul3A_566 : i32
        %add3A_568 = arith.addi %mul3A_565, %mul3A_567 : i32
        %swap3A = arith.index_cast %add3A_568 : i32 to index
        %swap3A_569 = tpu.vector_load %arg15[%swap3A] {strides = array<i32>} : memref<10240xf32, #tpu.memory_space<vmem>>, vector<16xf32>,
        tpu.vector_store %arg15[%swap3A], %mul3A_563 {strides = array<i32>} : memref<10240xf32, #tpu.memory_space<vmem>>, vector<16xf32>,
      }
      %scan3A_82 = arith.constant 8 : i32
    }
    %scan3A_22 = arith.constant 40 : i32
    "tpu.region"() ({
      %run_scoped3A = tpu.sem_alloc : memref<!tpu.dma_semaphore, #tpu.memory_space<semaphore_mem>>
      %dma_start3A_23 = tpu.memref_slice %arg6[%mul3A_2] : memref<327680xf32, #tpu.memory_space<hbm>> -> memref<10240xf32, #tpu.memory_space<hbm>>
      %dma_start3A_24 = tpu.memref_slice %arg6[%mul3A_2] : memref<327680xf32, #tpu.memory_space<hbm>> -> memref<10240xf32, #tpu.memory_space<hbm>>
      tpu.enqueue_dma source(%arg15 : memref<10240xf32, #tpu.memory_space<vmem>>) target(%dma_start3A_24 : memref<10240xf32, #tpu.memory_space<hbm>>) target_semaphore(%run_scoped3A : memref<!tpu.dma_semaphore, #tpu.memory_space<semaphore_mem>>)
      %dma_wait3A = tpu.memref_slice %arg6[%mul3A_2] : memref<327680xf32, #tpu.memory_space<hbm>> -> memref<10240xf32, #tpu.memory_space<hbm>>
      %dma_wait3A_25 = tpu.memref_slice %arg6[%mul3A_2] : memref<327680xf32, #tpu.memory_space<hbm>> -> memref<10240xf32, #tpu.memory_space<hbm>>
      tpu.wait_dma2 semaphore(%run_scoped3A : memref<!tpu.dma_semaphore, #tpu.memory_space<semaphore_mem>>) src(%arg15 : memref<10240xf32, #tpu.memory_space<vmem>>) dst(%dma_wait3A_25 : memref<10240xf32, #tpu.memory_space<hbm>>)
      tpu.yield
    }) : () -> ()
    return
  }
}

</mosaic_0001>

<sc_bundles>
// kernel: _cml.4.cloned.1.call-start
scs
__scs_entry_jumppad:
0x0: {  	(pc) =	sbr.rel $0x88, $3  }
0x1: {  	(tag) =	ssettag $0x0;
	lr =	simm.s32 $0x1  }
0x2: {  	[smem:$0x3F9D] =	sst lr;
	_ =	strace $0xD0000000  }
0x3: {  	_ = 	snop  }
0x4: {  	_ = 	snop  }
0x5: {  	_ = 	snop  }
0x6: {  	_ = 	snop  }
0x7: {  	_ = 	snop  }
__scs_overlays_trampoline_lowered:
0x8: {  	[smem:$0x3FAC] =	sst s0  }
0x9: {  	[smem:$0x3FAD] =	sst s1  }
0xa: {  	[smem:$0x3FAE] =	sst s2  }
0xb: {  	[smem:$0x3FAF] =	sst s3  }
0xc: {  	[smem:$0x3FB0] =	sst s4  }
0xd: {  	[smem:$0x3FB1] =	sst s5  }
0xe: {  	[smem:$0x3FB2] =	sst s6  }
0xf: {  	[smem:$0x3FB3] =	sst s7  }
0x10: {  	[smem:$0x3FB4] =	sst s8  }
0x11: {  	[smem:$0x3FB5] =	sst s9;
	s0 =	simm.s32 @!p0 $0x0  }
0x12: {  	s1 =	sld [smem:$0x3F9B];
	s0 =	simm.s32 @p0 $0x1  }
0x13: {  	[smem:$0x3FB6] =	sst s0;
	s0 =	simm.s32 @!p1 $0x0  }
0x14: {  	s2 =	sld [smem:$0x3F9A];
	s0 =	simm.s32 @p1 $0x1  }
0x15: {  	[smem:$0x3FB7] =	sst s0;
	s0 =	simm.s32 @!p2 $0x0  }
0x16: {  	s3 =	sld [smem:$0x3FDB];
	s0 =	simm.s32 @p2 $0x1  }
0x17: {  	s4 =	simm.s32 $0x1BF5;
	[smem:$0x3FB9] =	sst s0  }
0x18: {  	s0 =	sld [smem:$0x3F9C];
	_ =	swait.ge [sflag:s4], $0x0  }
0x19: {  	s7 =	sld [smem:$0x3F9D]  }
0x1a: {  	s8 =	sadd.s32 $0xFFFFE003, lr  }
0x1b: {  	s9 =	sadd.s32 $0xFFFFFEF7, lr;
	s5 =	simm.s32 $0xFFFFFFFF;
	p2 =	slt.u32 s8, $0xFFFFF086  }
0x1c: {  	p1 =	slt.u32 s9, $0xF7A;
	s5 =	simm.s32 @!p2 $0x0  }
0x1d: {  	s5 =	simm.s32 @p1 $0x1;
	p0 =	seq.s32 s7, s2  }
0x1e: {  	s7 =	smul.u32 @!p0 $0xF7A, s2;
	p2 =	seq.s32 @!p0 s5, $0x0  }
0x1f: {  	s9 =	smul.u32 $0xF7A, s1;
	s8 =	simm.s32 @!p0 $0x1BF5;
	p2 =	por !p2, p0  }
0x20: {  	[sflag:s8] =	ssyncset.s32 @!p0 $0xFFFFF086;
	s6 =	sadd.s32 @!p0 s3, s7;
	s7 =	simm.s32 @!p0 $0x108  }
0x21: {  	s3 =	sadd.s32 s3, s9;
	s6 =	sadd.s32 @!p0 $0x88, s6;
	s7 =	simm.s32 @p2 $0x1082  }
0x22: {  	[simem:s7], [sflag:s8] =	dma.local @!p0 [hbm:s6], $0xF7A  }
0x23: {  	s9 =	sor.u32 $0xD0000000, s2;
	s6 =	simm.s32 $0x108;
	_ =	swait.ge @!p0 [sflag:s8], $0x0  }
0x24: {  	s3 =	sadd.s32 $0x88, s3;
	s6 =	simm.s32 @!p1 $0x1082;
	[sflag:s4] =	ssyncset.s32 $0xFFFFF086  }
0x25: {  	[simem:s6], [sflag:s4] =	dma.local [hbm:s3], $0xF7A  }
0x26: {  	[smem:$0x3F9D] =	sst s1;
	(tag) =	ssettag s2;
	_ =	strace s9  }
0x27: {  	s1 =	sld [smem:$0x3FAD]  }
0x28: {  	s2 =	sld [smem:$0x3FAE]  }
0x29: {  	s4 =	sld [smem:$0x3FB0]  }
0x2a: {  	p0 =	seq.s32 s5, $0x0;
	s5 =	sld [smem:$0x3FB1]  }
0x2b: {  	s6 =	sld [smem:$0x3FB2]  }
0x2c: {  	s7 =	sld [smem:$0x3FB3]  }
0x2d: {  	s3 =	simm.s32 $0x108;
	s8 =	sld [smem:$0x3FB4]  }
0x2e: {  	s3 =	simm.s32 @!p0 $0x1082;
	s9 =	sld [smem:$0x3FB5]  }
0x2f: {  	lr =	sadd.s32 s0, s3;
	s0 =	sld [smem:$0x3FAC]  }
0x30: {  	s3 =	sld [smem:$0x3FAF]  }
0x31: {  	[smem:$0x3FB8] =	sst s10  }
0x32: {  	s10 =	sld [smem:$0x3FB6];
	_ =	sdelay $0x3  }
0x33: {  	p0 =	seq.s32 s10, $0x1;
	s10 =	sld [smem:$0x3FB8];
	_ =	sdelay $0x3  }
0x34: {  	[smem:$0x3FB8] =	sst s10  }
0x35: {  	s10 =	sld [smem:$0x3FB7];
	_ =	sdelay $0x3  }
0x36: {  	p1 =	seq.s32 s10, $0x1;
	s10 =	sld [smem:$0x3FB8];
	_ =	sdelay $0x3  }
0x37: {  	[smem:$0x3FB8] =	sst s10  }
0x38: {  	s10 =	sld [smem:$0x3FB9]  }
0x39: {  	_ = 	snop;
	(pc) =	sbr.ind lr, $3  }
0x3a: {  	_ = 	snop  }
0x3b: {  	_ = 	snop  }
0x3c: {  	p2 =	seq.s32 s10, $0x1;
	s10 =	sld [smem:$0x3FB8]  }
0x3d: {  	_ =	shalt  }
0x3e: {  	_ =	shalt  }
0x3f: {  	_ =	shalt  }
0x40: {  	_ =	shalt  }
0x41: {  	_ =	shalt  }
0x42: {  	_ =	shalt  }
0x43: {  	_ =	shalt  }
0x44: {  	_ =	shalt  }
0x45: {  	_ =	shalt  }
0x46: {  	_ =	shalt  }
0x47: {  	_ =	shalt  }
0x48: {  	_ =	shalt  }
0x49: {  	_ =	shalt  }
0x4a: {  	_ =	shalt  }
0x4b: {  	_ =	shalt  }
0x4c: {  	_ =	shalt  }
0x4d: {  	_ =	shalt  }
0x4e: {  	_ =	shalt  }
0x4f: {  	_ =	shalt  }
0x50: {  	_ =	shalt  }
0x51: {  	_ =	shalt  }
0x52: {  	_ =	shalt  }
0x53: {  	_ =	shalt  }
0x54: {  	_ =	shalt  }
0x55: {  	_ =	shalt  }
0x56: {  	_ =	shalt  }
0x57: {  	_ =	shalt  }
0x58: {  	_ =	shalt  }
0x59: {  	_ =	shalt  }
0x5a: {  	_ =	shalt  }
0x5b: {  	_ =	shalt  }
0x5c: {  	_ =	shalt  }
0x5d: {  	_ =	shalt  }
0x5e: {  	_ =	shalt  }
0x5f: {  	_ =	shalt  }
0x60: {  	_ =	shalt  }
0x61: {  	_ =	shalt  }
0x62: {  	_ =	shalt  }
0x63: {  	_ =	shalt  }
0x64: {  	_ =	shalt  }
0x65: {  	_ =	shalt  }
0x66: {  	_ =	shalt  }
0x67: {  	_ =	shalt  }
0x68: {  	_ =	shalt  }
0x69: {  	_ =	shalt  }
0x6a: {  	_ =	shalt  }
0x6b: {  	_ =	shalt  }
0x6c: {  	_ =	shalt  }
0x6d: {  	_ =	shalt  }
0x6e: {  	_ =	shalt  }
0x6f: {  	_ =	shalt  }
0x70: {  	_ =	shalt  }
0x71: {  	_ =	shalt  }
0x72: {  	_ =	shalt  }
0x73: {  	_ =	shalt  }
0x74: {  	_ =	shalt  }
0x75: {  	_ =	shalt  }
0x76: {  	_ =	shalt  }
0x77: {  	_ =	shalt  }
0x78: {  	_ =	shalt  }
0x79: {  	_ =	shalt  }
0x7a: {  	_ =	shalt  }
0x7b: {  	_ =	shalt  }
0x7c: {  	_ =	shalt  }
0x7d: {  	_ =	shalt  }
0x7e: {  	_ =	shalt  }
0x7f: {  	_ =	shalt  }
0x80: {  	_ =	shalt  }
0x81: {  	_ =	shalt  }
0x82: {  	_ =	shalt  }
0x83: {  	_ =	shalt  }
0x84: {  	_ =	shalt  }
0x85: {  	_ =	shalt  }
0x86: {  	_ =	shalt  }
0x87: {  	_ =	shalt  }
.Lfunc_end0:
.L_simem_size_0:
called_computation_lowered:
.L_overlay_start_0:
0x88: {  	s2 =	sld [smem:$0x3FD9]  }
0x89: {  	s3 =	sld [smem:$0x3FFE];
	_ =	sdelay $0x1  }
0x8a: {  	s1 =	srdreg.scid  }
0x8b: {  	s0 =	sand.u32 $0x1, s1  }
0x8c: {  	s17 =	sshll.u32 s0, $0xA;
	s2 =	sadd.s32 s3, s2  }
0x8d: {  	s2 =	sadd.s32 s2, s17  }
0x8e: {  	[smem:$0x3FC4] =	sst s2  }
0x8f: {  	_ = 	snop  }
0x90: {  	s2 =	sld [smem:$0x3FC7]  }
0x91: {  	s18 =	sld [smem:$0x3FC6]  }
0x92: {  	s4 =	sld [smem:$0x3FD0];
	(tm) =	ssettm $0x1  }
0x93: {  	s5 =	sld [smem:$0x3FFB];
	_ =	sdelay $0x3  }
0x94: {  	_ =	strace s5  }
0x95: {  	s5 =	sld [smem:$0x3FFC];
	_ =	sdelay $0x3  }
0x96: {  	_ =	strace s5  }
0x97: {  	s5 =	sld [smem:$0x3FFD];
	_ =	sdelay $0x3  }
0x98: {  	_ =	strace s5  }
0x99: {  	_ =	strace $0x8FFFFFFF  }
0x9a: {  	s19 =	sld [smem:$0x3FDB];
	_ =	sdelay $0x1  }
0x9b: {  	s6 =	simm.s32 $_scs_section_size  }
0x9c: {  	s7 =	simm.s32 $_size__tile_overlayer_lowered;
	s8 =	simm.s32 $_tile_overlayer_lowered  }
0x9d: {  	s22 =	simm.s32 $0x1BFF;
	s21 =	sshll.u32 s8, $0x1;
	s5 =	sadd.s32 s6, s19  }
0x9e: {  	s9 =	simm.s32 $0x0;
	s20 =	sshll.u32 s7, $0x1;
	s7 =	sadd.s32 s21, s5  }
0x9f: {  	[timem:s9], [sflag:s22] =	dma.local [hbm:s7], s20  }
0xa0: {  	_ =	swait.ge [sflag:s22], s20  }
0xa1: {  	s6 =	ssub.s32 $0x0, s20;
	[sflag:s22] =	ssyncset.done $0x0  }
0xa2: {  	[sflag:s22] =	ssyncadd.s32 s6;
	_ =	sdelay $0x1  }
0xa3: {  	s23 =	simm.s32 $0x1B8B  }
0xa4: {  	_ =	swait.ge [sflag:s23], $0x1  }
0xa5: {  	[sflag:s23] =	ssyncset.done $0x0  }
0xa6: {  	s25 =	simm.s32 $0x1B8E;
	s24 =	sld [smem:$0x3FFE];
	[sflag:s23] =	ssyncadd.s32 $0xFFFFFFFF  }
0xa7: {  	s26 =	simm.s32 $execute0_lowered;
	[smem:$0x3FD2] =	sst s25  }
0xa8: {  	s7 =	sshll.u32 s26, $0x1;
	_ =	strace $0x80000046;
	[dreg:$0x1] =	wrdreg $0xFFFFFFFF  }
0xa9: {  	s28 =	simm.s32 $_size_execute0_lowered;
	s5 =	sadd.s32 s5, s7;
	[dreg:$0x0] =	wrdreg $0x0  }
0xaa: {  	s7 =	sshll.u32 s28, $0x1;
	[dreg:$0x2] =	wrdreg s5  }
0xab: {  	[dreg:$0x3] =	wrdreg s7  }
0xac: {  	[dreg:$0x4] =	wrdreg $0xC0  }
0xad: {  	_ =	task [dreg:s9], $0x5FFFF  }
0xae: {  	[dreg:$0x1] =	wrdreg $0xFFFFFFFF  }
0xaf: {  	[dreg:$0x0] =	wrdreg $0x60  }
0xb0: {  	[dreg:$0x2] =	wrdreg s2  }
0xb1: {  	[dreg:$0x3] =	wrdreg s18  }
0xb2: {  	[dreg:$0x4] =	wrdreg s4  }
0xb3: {  	[dreg:$0x5] =	wrdreg s24  }
0xb4: {  	[dreg:$0x6] =	wrdreg $0x9  }
0xb5: {  	_ =	task.clear_ibuf [dreg:s9], $0x7FFFF;
	_ =	strace $0x90000046  }
0xb6: {  	s29 =	simm.s32 $0x9;
	_ =	strace $0x80000048  }
0xb7: {  	_ =	swait.ge [sflag:s29], $0x1  }
0xb8: {  	[sflag:s29] =	ssyncadd.s32 $0xFFFFFFFF  }
0xb9: {  	_ =	strace $0x90000048  }
0xba: {  	_ =	sfence  }
0xbb: {  	s30 =	sld [smem:$0x0];
	_ =	sdelay $0x2  }
0xbc: {  	s31 =	sshll.u32 s1, $0xD;
	s1 =	sshrl.u32 s1, $0x2  }
0xbd: {  	s3 =	sand.u32 $0x4000, s31;
	s1 =	sadd.s32 s1, s30  }
0xbe: {  	s0 =	sor.u32 s3, s0;
	s1 =	sshll.u32 s1, $0x11  }
0xbf: {  	s0 =	sor.u32 s1, s0  }
0xc0: {  	s0 =	sadd.s32 $0x8F2B, s0  }
0xc1: {  	[sflag:s0] =	ssyncadd.remote.s32 $0x1  }
0xc2: {  	_ =	sfence.sel $0xFFFF  }
0xc3: {  	[dreg:$0x0] =	wrdreg $0xFFFFFFFF;
	(pc) =	sbr.abs _section_cstart, $3  }
0xc4: {  	[dreg:$0x1] =	wrdreg $0xFFFFFFFF  }
0xc5: {  	_ =	task.clear_ibuf [dreg:s9], $0x2FFFF;
	_ =	strace $0x9FFFFFFF  }
0xc6: {  	(tm) =	ssettm $0x7FFFFFFF  }
0xc7: {  	_ =	shalt  }
tec
execute0_lowered:
.L_overlay_start_1:
0x0: {  	(tag) =	ssettag $0x1  }
0x1: {  	v0 =	vimm.s32 $0xF00;
	vm10 =	vcmask $0x300  }
0x2: {  	vm8 =	vcmask $0x704;
	vm7 =	vcmask $0xB08;
	vm6 =	vcmask $0xF0C  }
0x3: {  	vm4 =	vcmask $0x1310;
	vm2 =	vcmask $0x1714;
	vm3 =	vcmask $0x1B18  }
0x4: {  	vm0 =	vcmask $0x1F1C;
	v1 =	vimm.s32 $0xE80;
	vm1 =	vcmask $0x2320  }
0x5: {  	v2 =	vimm.s32 $0xE00;
	vm5 =	vcmask $0x2724;
	vm9 =	vcmask $0x2B28  }
0x6: {  	vm11 =	vcmask $0x2F2C;
	vm12 =	vcmask $0x3330;
	v0 =	vsel vm10, $0xF80, v0  }
0x7: {  	vm14 =	vcmask $0x3734;
	v1 =	vsel vm10, $0xF00, v1;
	v0 =	vsel vm8, $0x800, v0  }
0x8: {  	vm13 =	vcmask $0x3B38;
	v1 =	vsel vm8, $0xF80, v1;
	v0 =	vsel vm7, $0x880, v0  }
0x9: {  	v2 =	vsel vm10, $0xE80, v2;
	v1 =	vsel vm7, $0x800, v1;
	v0 =	vsel vm6, $0x900, v0  }
0xa: {  	v2 =	vsel vm8, $0xF00, v2;
	v1 =	vsel vm6, $0x880, v1;
	v0 =	vsel vm4, $0x980, v0  }
0xb: {  	v2 =	vsel vm7, $0xF80, v2;
	v1 =	vsel vm4, $0x900, v1;
	v0 =	vsel vm2, $0xA00, v0  }
0xc: {  	v2 =	vsel vm6, $0x800, v2;
	v1 =	vsel vm2, $0x980, v1;
	v0 =	vsel vm3, $0xA80, v0  }
0xd: {  	v2 =	vsel vm4, $0x880, v2;
	v1 =	vsel vm3, $0xA00, v1;
	v0 =	vsel vm0, $0xB00, v0  }
0xe: {  	v2 =	vsel vm2, $0x900, v2;
	v1 =	vsel vm0, $0xA80, v1;
	v0 =	vsel vm1, $0xB80, v0  }
0xf: {  	v2 =	vsel vm3, $0x980, v2;
	v1 =	vsel vm1, $0xB00, v1;
	v0 =	vsel vm5, $0xC00, v0  }
0x10: {  	v2 =	vsel vm0, $0xA00, v2;
	v1 =	vsel vm5, $0xB80, v1;
	v0 =	vsel vm9, $0xC80, v0  }
0x11: {  	v2 =	vsel vm1, $0xA80, v2;
	v1 =	vsel vm9, $0xC00, v1;
	v0 =	vsel vm11, $0xD00, v0  }
0x12: {  	v2 =	vsel vm5, $0xB00, v2;
	v1 =	vsel vm11, $0xC80, v1;
	v0 =	vsel vm12, $0xD80, v0  }
0x13: {  	v2 =	vsel vm9, $0xB80, v2;
	v1 =	vsel vm12, $0xD00, v1;
	v0 =	vsel vm14, $0xE00, v0  }
0x14: {  	v56 =	vsel vm13, $0xE80, v0;
	v0 =	vsel vm14, $0xD80, v1;
	v1 =	vsel vm11, $0xC00, v2  }
0x15: {  	v23 =	vsel vm13, $0xE00, v0;
	v0 =	vsel vm12, $0xC80, v1;
	v1 =	vimm.s32 $0xD80  }
0x16: {  	v2 =	vimm.s32 $0xD00;
	v0 =	vsel vm14, $0xD00, v0;
	v1 =	vsel vm10, $0xE00, v1  }
0x17: {  	v25 =	vsel vm13, $0xD80, v0;
	v0 =	vsel vm8, $0xE80, v1;
	v1 =	vsel vm10, $0xD80, v2  }
0x18: {  	v2 =	vimm.s32 $0xC80;
	v0 =	vsel vm7, $0xF00, v0;
	v1 =	vsel vm8, $0xE00, v1  }
0x19: {  	v2 =	vsel vm10, $0xD00, v2;
	v0 =	vsel vm6, $0xF80, v0;
	v1 =	vsel vm7, $0xE80, v1  }
0x1a: {  	v2 =	vsel vm8, $0xD80, v2;
	v0 =	vsel vm4, $0x800, v0;
	v1 =	vsel vm6, $0xF00, v1  }
0x1b: {  	v2 =	vsel vm7, $0xE00, v2;
	v0 =	vsel vm2, $0x880, v0;
	v1 =	vsel vm4, $0xF80, v1  }
0x1c: {  	v2 =	vsel vm6, $0xE80, v2;
	v0 =	vsel vm3, $0x900, v0;
	v1 =	vsel vm2, $0x800, v1  }
0x1d: {  	v2 =	vsel vm4, $0xF00, v2;
	v0 =	vsel vm0, $0x980, v0;
	v1 =	vsel vm3, $0x880, v1  }
0x1e: {  	v2 =	vsel vm2, $0xF80, v2;
	v0 =	vsel vm1, $0xA00, v0;
	v1 =	vsel vm0, $0x900, v1  }
0x1f: {  	v2 =	vsel vm3, $0x800, v2;
	v0 =	vsel vm5, $0xA80, v0;
	v1 =	vsel vm1, $0x980, v1  }
0x20: {  	v2 =	vsel vm0, $0x880, v2;
	v0 =	vsel vm9, $0xB00, v0;
	v1 =	vsel vm5, $0xA00, v1  }
0x21: {  	v2 =	vsel vm1, $0x900, v2;
	v0 =	vsel vm11, $0xB80, v0;
	v1 =	vsel vm9, $0xA80, v1  }
0x22: {  	v2 =	vsel vm5, $0x980, v2;
	v0 =	vsel vm12, $0xC00, v0;
	v1 =	vsel vm11, $0xB00, v1  }
0x23: {  	v2 =	vsel vm9, $0xA00, v2;
	v0 =	vsel vm14, $0xC80, v0;
	v1 =	vsel vm12, $0xB80, v1  }
0x24: {  	v10 =	vsel vm13, $0xD00, v0;
	v0 =	vsel vm14, $0xC00, v1;
	v1 =	vsel vm11, $0xA80, v2  }
0x25: {  	v59 =	vsel vm13, $0xC80, v0;
	v0 =	vsel vm12, $0xB00, v1;
	v1 =	vimm.s32 $0xC00  }
0x26: {  	v2 =	vimm.s32 $0xB80;
	v0 =	vsel vm14, $0xB80, v0;
	v1 =	vsel vm10, $0xC80, v1  }
0x27: {  	v12 =	vsel vm13, $0xC00, v0;
	v0 =	vsel vm8, $0xD00, v1;
	v1 =	vsel vm10, $0xC00, v2  }
0x28: {  	v2 =	vimm.s32 $0xB00;
	v0 =	vsel vm7, $0xD80, v0;
	v1 =	vsel vm8, $0xC80, v1  }
0x29: {  	v2 =	vsel vm10, $0xB80, v2;
	v0 =	vsel vm6, $0xE00, v0;
	v1 =	vsel vm7, $0xD00, v1  }
0x2a: {  	v2 =	vsel vm8, $0xC00, v2;
	v0 =	vsel vm4, $0xE80, v0;
	v1 =	vsel vm6, $0xD80, v1  }
0x2b: {  	v2 =	vsel vm7, $0xC80, v2;
	v0 =	vsel vm2, $0xF00, v0;
	v1 =	vsel vm4, $0xE00, v1  }
0x2c: {  	v2 =	vsel vm6, $0xD00, v2;
	v0 =	vsel vm3, $0xF80, v0;
	v1 =	vsel vm2, $0xE80, v1  }
0x2d: {  	v2 =	vsel vm4, $0xD80, v2;
	v0 =	vsel vm0, $0x800, v0;
	v1 =	vsel vm3, $0xF00, v1  }
0x2e: {  	v2 =	vsel vm2, $0xE00, v2;
	v0 =	vsel vm1, $0x880, v0;
	v1 =	vsel vm0, $0xF80, v1  }
0x2f: {  	v2 =	vsel vm3, $0xE80, v2;
	v0 =	vsel vm5, $0x900, v0;
	v1 =	vsel vm1, $0x800, v1  }
0x30: {  	v2 =	vsel vm0, $0xF00, v2;
	v0 =	vsel vm9, $0x980, v0;
	v1 =	vsel vm5, $0x880, v1  }
0x31: {  	v2 =	vsel vm1, $0xF80, v2;
	v0 =	vsel vm11, $0xA00, v0;
	v1 =	vsel vm9, $0x900, v1  }
0x32: {  	v2 =	vsel vm5, $0x800, v2;
	v0 =	vsel vm12, $0xA80, v0;
	v1 =	vsel vm11, $0x980, v1  }
0x33: {  	v2 =	vsel vm9, $0x880, v2;
	v0 =	vsel vm14, $0xB00, v0;
	v1 =	vsel vm12, $0xA00, v1  }
0x34: {  	v60 =	vsel vm13, $0xB80, v0;
	v0 =	vsel vm14, $0xA80, v1;
	v1 =	vsel vm11, $0x900, v2  }
0x35: {  	v14 =	vsel vm13, $0xB00, v0;
	v0 =	vsel vm12, $0x980, v1;
	v1 =	vimm.s32 $0xA80  }
0x36: {  	v2 =	vimm.s32 $0xA00;
	v0 =	vsel vm14, $0xA00, v0;
	v1 =	vsel vm10, $0xB00, v1  }
0x37: {  	v15 =	vsel vm13, $0xA80, v0;
	v0 =	vsel vm8, $0xB80, v1;
	v1 =	vsel vm10, $0xA80, v2  }
0x38: {  	v2 =	vimm.s32 $0x980;
	v0 =	vsel vm7, $0xC00, v0;
	v1 =	vsel vm8, $0xB00, v1  }
0x39: {  	v2 =	vsel vm10, $0xA00, v2;
	v0 =	vsel vm6, $0xC80, v0;
	v1 =	vsel vm7, $0xB80, v1  }
0x3a: {  	v2 =	vsel vm8, $0xA80, v2;
	v0 =	vsel vm4, $0xD00, v0;
	v1 =	vsel vm6, $0xC00, v1  }
0x3b: {  	v2 =	vsel vm7, $0xB00, v2;
	v0 =	vsel vm2, $0xD80, v0;
	v1 =	vsel vm4, $0xC80, v1  }
0x3c: {  	v2 =	vsel vm6, $0xB80, v2;
	v0 =	vsel vm3, $0xE00, v0;
	v1 =	vsel vm2, $0xD00, v1  }
0x3d: {  	v2 =	vsel vm4, $0xC00, v2;
	v0 =	vsel vm0, $0xE80, v0;
	v1 =	vsel vm3, $0xD80, v1  }
0x3e: {  	v2 =	vsel vm2, $0xC80, v2;
	v0 =	vsel vm1, $0xF00, v0;
	v1 =	vsel vm0, $0xE00, v1  }
0x3f: {  	v2 =	vsel vm3, $0xD00, v2;
	v0 =	vsel vm5, $0xF80, v0;
	v1 =	vsel vm1, $0xE80, v1  }
0x40: {  	v2 =	vsel vm0, $0xD80, v2;
	v0 =	vsel vm9, $0x800, v0;
	v1 =	vsel vm5, $0xF00, v1  }
0x41: {  	v2 =	vsel vm1, $0xE00, v2;
	v0 =	vsel vm11, $0x880, v0;
	v1 =	vsel vm9, $0xF80, v1  }
0x42: {  	v2 =	vsel vm5, $0xE80, v2;
	v0 =	vsel vm12, $0x900, v0;
	v1 =	vsel vm11, $0x800, v1  }
0x43: {  	v2 =	vsel vm9, $0xF00, v2;
	v0 =	vsel vm14, $0x980, v0;
	v1 =	vsel vm12, $0x880, v1  }
0x44: {  	v16 =	vsel vm13, $0xA00, v0;
	v0 =	vsel vm14, $0x900, v1;
	v1 =	vsel vm11, $0xF80, v2  }
0x45: {  	v61 =	vsel vm13, $0x980, v0;
	v0 =	vsel vm12, $0x800, v1;
	v1 =	vimm.s32 $0x900  }
0x46: {  	v2 =	vimm.s32 $0x880;
	v0 =	vsel vm14, $0x880, v0;
	v1 =	vsel vm10, $0x980, v1  }
0x47: {  	v18 =	vsel vm13, $0x900, v0;
	v0 =	vsel vm8, $0xA00, v1;
	v1 =	vsel vm10, $0x900, v2  }
0x48: {  	v2 =	vimm.s32 $0x800;
	v0 =	vsel vm7, $0xA80, v0;
	v1 =	vsel vm8, $0x980, v1  }
0x49: {  	v2 =	vsel vm10, $0x880, v2;
	v0 =	vsel vm6, $0xB00, v0;
	v1 =	vsel vm7, $0xA00, v1  }
0x4a: {  	v2 =	vsel vm8, $0x900, v2;
	v0 =	vsel vm4, $0xB80, v0;
	v1 =	vsel vm6, $0xA80, v1  }
0x4b: {  	v2 =	vsel vm7, $0x980, v2;
	v0 =	vsel vm2, $0xC00, v0;
	v1 =	vsel vm4, $0xB00, v1  }
0x4c: {  	v2 =	vsel vm6, $0xA00, v2;
	v0 =	vsel vm3, $0xC80, v0;
	v1 =	vsel vm2, $0xB80, v1  }
0x4d: {  	v2 =	vsel vm4, $0xA80, v2;
	v0 =	vsel vm0, $0xD00, v0;
	v1 =	vsel vm3, $0xC00, v1  }
0x4e: {  	v2 =	vsel vm2, $0xB00, v2;
	v0 =	vsel vm1, $0xD80, v0;
	v1 =	vsel vm0, $0xC80, v1  }
0x4f: {  	v2 =	vsel vm3, $0xB80, v2;
	v0 =	vsel vm5, $0xE00, v0;
	v1 =	vsel vm1, $0xD00, v1  }
0x50: {  	v2 =	vsel vm0, $0xC00, v2;
	v0 =	vsel vm9, $0xE80, v0;
	v1 =	vsel vm5, $0xD80, v1  }
0x51: {  	v2 =	vsel vm1, $0xC80, v2;
	v0 =	vsel vm11, $0xF00, v0;
	v1 =	vsel vm9, $0xE00, v1  }
0x52: {  	v2 =	vsel vm5, $0xD00, v2;
	v0 =	vsel vm12, $0xF80, v0;
	v1 =	vsel vm11, $0xE80, v1  }
0x53: {  	v2 =	vsel vm9, $0xD80, v2;
	v0 =	vsel vm14, $0x800, v0;
	v1 =	vsel vm12, $0xF00, v1  }
0x54: {  	v62 =	vsel vm13, $0x880, v0;
	v0 =	vsel vm14, $0xF80, v1;
	v1 =	vsel vm11, $0xE00, v2  }
0x55: {  	v20 =	vsel vm13, $0x800, v0;
	v0 =	vsel vm12, $0xE80, v1;
	v1 =	vimm.s32 $0x700  }
0x56: {  	v2 =	vimm.s32 $0x680;
	v0 =	vsel vm14, $0xF00, v0;
	v1 =	vsel vm10, $0x780, v1  }
0x57: {  	v21 =	vsel vm13, $0xF80, v0;
	v0 =	vsel vm8, $0x0, v1;
	v1 =	vsel vm10, $0x700, v2  }
0x58: {  	v2 =	vimm.s32 $0x600;
	v0 =	vsel vm7, $0x80, v0;
	v1 =	vsel vm8, $0x780, v1  }
0x59: {  	v2 =	vsel vm10, $0x680, v2;
	v0 =	vsel vm6, $0x100, v0;
	v1 =	vsel vm7, $0x0, v1  }
0x5a: {  	v2 =	vsel vm8, $0x700, v2;
	v0 =	vsel vm4, $0x180, v0;
	v1 =	vsel vm6, $0x80, v1  }
0x5b: {  	v2 =	vsel vm7, $0x780, v2;
	v0 =	vsel vm2, $0x200, v0;
	v1 =	vsel vm4, $0x100, v1  }
0x5c: {  	v2 =	vsel vm6, $0x0, v2;
	v0 =	vsel vm3, $0x280, v0;
	v1 =	vsel vm2, $0x180, v1  }
0x5d: {  	v2 =	vsel vm4, $0x80, v2;
	v0 =	vsel vm0, $0x300, v0;
	v1 =	vsel vm3, $0x200, v1  }
0x5e: {  	v2 =	vsel vm2, $0x100, v2;
	v0 =	vsel vm1, $0x380, v0;
	v1 =	vsel vm0, $0x280, v1  }
0x5f: {  	v2 =	vsel vm3, $0x180, v2;
	v0 =	vsel vm5, $0x400, v0;
	v1 =	vsel vm1, $0x300, v1  }
0x60: {  	v2 =	vsel vm0, $0x200, v2;
	v0 =	vsel vm9, $0x480, v0;
	v1 =	vsel vm5, $0x380, v1  }
0x61: {  	v2 =	vsel vm1, $0x280, v2;
	v0 =	vsel vm11, $0x500, v0;
	v1 =	vsel vm9, $0x400, v1  }
0x62: {  	v2 =	vsel vm5, $0x300, v2;
	v0 =	vsel vm12, $0x580, v0;
	v1 =	vsel vm11, $0x480, v1  }
0x63: {  	v2 =	vsel vm9, $0x380, v2;
	v0 =	vsel vm14, $0x600, v0;
	v1 =	vsel vm12, $0x500, v1  }
0x64: {  	v22 =	vsel vm13, $0x680, v0;
	v0 =	vsel vm14, $0x580, v1;
	v1 =	vsel vm11, $0x400, v2  }
0x65: {  	v31 =	vsel vm13, $0x600, v0;
	v0 =	vsel vm12, $0x480, v1;
	v1 =	vimm.s32 $0x580  }
0x66: {  	v2 =	vimm.s32 $0x500;
	v0 =	vsel vm14, $0x500, v0;
	v1 =	vsel vm10, $0x600, v1  }
0x67: {  	v24 =	vsel vm13, $0x580, v0;
	v0 =	vsel vm8, $0x680, v1;
	v1 =	vsel vm10, $0x580, v2  }
0x68: {  	v2 =	vimm.s32 $0x480;
	v0 =	vsel vm7, $0x700, v0;
	v1 =	vsel vm8, $0x600, v1  }
0x69: {  	v2 =	vsel vm10, $0x500, v2;
	v0 =	vsel vm6, $0x780, v0;
	v1 =	vsel vm7, $0x680, v1  }
0x6a: {  	v2 =	vsel vm8, $0x580, v2;
	v0 =	vsel vm4, $0x0, v0;
	v1 =	vsel vm6, $0x700, v1  }
0x6b: {  	v2 =	vsel vm7, $0x600, v2;
	v0 =	vsel vm2, $0x80, v0;
	v1 =	vsel vm4, $0x780, v1  }
0x6c: {  	v2 =	vsel vm6, $0x680, v2;
	v0 =	vsel vm3, $0x100, v0;
	v1 =	vsel vm2, $0x0, v1  }
0x6d: {  	v2 =	vsel vm4, $0x700, v2;
	v0 =	vsel vm0, $0x180, v0;
	v1 =	vsel vm3, $0x80, v1  }
0x6e: {  	v2 =	vsel vm2, $0x780, v2;
	v0 =	vsel vm1, $0x200, v0;
	v1 =	vsel vm0, $0x100, v1  }
0x6f: {  	v2 =	vsel vm3, $0x0, v2;
	v0 =	vsel vm5, $0x280, v0;
	v1 =	vsel vm1, $0x180, v1  }
0x70: {  	v2 =	vsel vm0, $0x80, v2;
	v0 =	vsel vm9, $0x300, v0;
	v1 =	vsel vm5, $0x200, v1  }
0x71: {  	v2 =	vsel vm1, $0x100, v2;
	v0 =	vsel vm11, $0x380, v0;
	v1 =	vsel vm9, $0x280, v1  }
0x72: {  	v2 =	vsel vm5, $0x180, v2;
	v0 =	vsel vm12, $0x400, v0;
	v1 =	vsel vm11, $0x300, v1  }
0x73: {  	v2 =	vsel vm9, $0x200, v2;
	v0 =	vsel vm14, $0x480, v0;
	v1 =	vsel vm12, $0x380, v1  }
0x74: {  	v32 =	vsel vm13, $0x500, v0;
	v0 =	vsel vm14, $0x400, v1;
	v1 =	vsel vm11, $0x280, v2  }
0x75: {  	v26 =	vsel vm13, $0x480, v0;
	v0 =	vsel vm12, $0x300, v1;
	v1 =	vimm.s32 $0x400  }
0x76: {  	v2 =	vimm.s32 $0x380;
	v0 =	vsel vm14, $0x380, v0;
	v1 =	vsel vm10, $0x480, v1  }
0x77: {  	v27 =	vsel vm13, $0x400, v0;
	v0 =	vsel vm8, $0x500, v1;
	v1 =	vsel vm10, $0x400, v2  }
0x78: {  	v2 =	vimm.s32 $0x300;
	v0 =	vsel vm7, $0x580, v0;
	v1 =	vsel vm8, $0x480, v1  }
0x79: {  	v2 =	vsel vm10, $0x380, v2;
	v0 =	vsel vm6, $0x600, v0;
	v1 =	vsel vm7, $0x500, v1  }
0x7a: {  	v2 =	vsel vm8, $0x400, v2;
	v0 =	vsel vm4, $0x680, v0;
	v1 =	vsel vm6, $0x580, v1  }
0x7b: {  	v2 =	vsel vm7, $0x480, v2;
	v0 =	vsel vm2, $0x700, v0;
	v1 =	vsel vm4, $0x600, v1  }
0x7c: {  	v2 =	vsel vm6, $0x500, v2;
	v0 =	vsel vm3, $0x780, v0;
	v1 =	vsel vm2, $0x680, v1  }
0x7d: {  	v2 =	vsel vm4, $0x580, v2;
	v0 =	vsel vm0, $0x0, v0;
	v1 =	vsel vm3, $0x700, v1  }
0x7e: {  	v2 =	vsel vm2, $0x600, v2;
	v0 =	vsel vm1, $0x80, v0;
	v1 =	vsel vm0, $0x780, v1  }
0x7f: {  	v2 =	vsel vm3, $0x680, v2;
	v0 =	vsel vm5, $0x100, v0;
	v1 =	vsel vm1, $0x0, v1  }
0x80: {  	v2 =	vsel vm0, $0x700, v2;
	v0 =	vsel vm9, $0x180, v0;
	v1 =	vsel vm5, $0x80, v1  }
0x81: {  	v2 =	vsel vm1, $0x780, v2;
	v0 =	vsel vm11, $0x200, v0;
	v1 =	vsel vm9, $0x100, v1  }
0x82: {  	v2 =	vsel vm5, $0x0, v2;
	v0 =	vsel vm12, $0x280, v0;
	v1 =	vsel vm11, $0x180, v1  }
0x83: {  	v2 =	vsel vm9, $0x80, v2;
	v0 =	vsel vm14, $0x300, v0;
	v1 =	vsel vm12, $0x200, v1  }
0x84: {  	v28 =	vsel vm13, $0x380, v0;
	v0 =	vsel vm14, $0x280, v1;
	v1 =	vsel vm11, $0x100, v2  }
0x85: {  	v63 =	vsel vm13, $0x300, v0;
	v0 =	vsel vm12, $0x180, v1;
	v1 =	vimm.s32 $0x280  }
0x86: {  	v2 =	vimm.s32 $0x200;
	v0 =	vsel vm14, $0x200, v0;
	v1 =	vsel vm10, $0x300, v1  }
0x87: {  	v30 =	vsel vm13, $0x280, v0;
	v0 =	vsel vm8, $0x380, v1;
	v1 =	vsel vm10, $0x280, v2  }
0x88: {  	v2 =	vimm.s32 $0x180;
	v0 =	vsel vm7, $0x400, v0;
	v1 =	vsel vm8, $0x300, v1  }
0x89: {  	v2 =	vsel vm10, $0x200, v2;
	v0 =	vsel vm6, $0x480, v0;
	v1 =	vsel vm7, $0x380, v1  }
0x8a: {  	v2 =	vsel vm8, $0x280, v2;
	v0 =	vsel vm4, $0x500, v0;
	v1 =	vsel vm6, $0x400, v1  }
0x8b: {  	v2 =	vsel vm7, $0x300, v2;
	v0 =	vsel vm2, $0x580, v0;
	v1 =	vsel vm4, $0x480, v1  }
0x8c: {  	v2 =	vsel vm6, $0x380, v2;
	v0 =	vsel vm3, $0x600, v0;
	v1 =	vsel vm2, $0x500, v1  }
0x8d: {  	v2 =	vsel vm4, $0x400, v2;
	v0 =	vsel vm0, $0x680, v0;
	v1 =	vsel vm3, $0x580, v1  }
0x8e: {  	v2 =	vsel vm2, $0x480, v2;
	v0 =	vsel vm1, $0x700, v0;
	v1 =	vsel vm0, $0x600, v1  }
0x8f: {  	s0 =	rddreg [dreg:$0x0];
	v2 =	vsel vm3, $0x500, v2;
	v0 =	vsel vm5, $0x780, v0;
	v1 =	vsel vm1, $0x680, v1  }
0x90: {  	s1 =	rddreg [dreg:$0x1];
	s4 =	simm.s32 $0x0;
	v2 =	vsel vm0, $0x580, v2;
	v0 =	vsel vm9, $0x0, v0;
	v1 =	vsel vm5, $0x700, v1  }
0x91: {  	[smem:$0x7FF] =	sst s4;
	v2 =	vsel vm1, $0x600, v2;
	v0 =	vsel vm11, $0x80, v0;
	v1 =	vsel vm9, $0x780, v1  }
0x92: {  	s2 =	rddreg [dreg:$0x3];
	_ =	strace $0x80000047;
	[tilespmem:$0x1FFF0] =	vst v56;
	v2 =	vsel vm5, $0x680, v2;
	v0 =	vsel vm12, $0x100, v0;
	v1 =	vsel vm11, $0x0, v1  }
0x93: {  	[tilespmem:$0x1FEC0] =	vst v23;
	v2 =	vsel vm9, $0x700, v2;
	v0 =	vsel vm14, $0x180, v0;
	v1 =	vsel vm12, $0x80, v1  }
0x94: {  	[tilespmem:$0x1FE70] =	vst v25;
	v57 =	vsel vm13, $0x200, v0;
	v0 =	vsel vm14, $0x100, v1;
	v1 =	vsel vm11, $0x780, v2  }
0x95: {  	[tilespmem:$0x1FED0] =	vst v10;
	v17 =	vsel vm13, $0x180, v0;
	v0 =	vsel vm12, $0x0, v1;
	v1 =	vimm.s32 $0x100  }
0x96: {  	[tilespmem:$0x1FE80] =	vst v59;
	v2 =	vimm.s32 $0x80;
	v0 =	vsel vm14, $0x80, v0;
	v1 =	vsel vm10, $0x180, v1  }
0x97: {  	[tilespmem:$0x1FEE0] =	vst v12;
	v53 =	vsel vm13, $0x100, v0;
	v0 =	vsel vm8, $0x200, v1;
	v1 =	vsel vm10, $0x100, v2  }
0x98: {  	[tilespmem:$0x1FE90] =	vst v60;
	v2 =	vimm.s32 $0x0;
	v0 =	vsel vm7, $0x280, v0;
	v1 =	vsel vm8, $0x180, v1  }
0x99: {  	[tilespmem:$0x1FEF0] =	vst v14;
	v2 =	vsel vm10, $0x80, v2;
	v0 =	vsel vm6, $0x300, v0;
	v1 =	vsel vm7, $0x200, v1  }
0x9a: {  	[tilespmem:$0x1FEA0] =	vst v15;
	v2 =	vsel vm8, $0x100, v2;
	v0 =	vsel vm4, $0x380, v0;
	v1 =	vsel vm6, $0x280, v1  }
0x9b: {  	[tilespmem:$0x1FF00] =	vst v16;
	v2 =	vsel vm7, $0x180, v2;
	v0 =	vsel vm2, $0x400, v0;
	v1 =	vsel vm4, $0x300, v1  }
0x9c: {  	[tilespmem:$0x1FEB0] =	vst v61;
	v2 =	vsel vm6, $0x200, v2;
	v0 =	vsel vm3, $0x480, v0;
	v1 =	vsel vm2, $0x380, v1  }
0x9d: {  	[tilespmem:$0x1FF10] =	vst v18;
	v2 =	vsel vm4, $0x280, v2;
	v0 =	vsel vm0, $0x500, v0;
	v1 =	vsel vm3, $0x400, v1  }
0x9e: {  	[tilespmem:$0x1FF20] =	vst v62;
	v2 =	vsel vm2, $0x300, v2;
	v0 =	vsel vm1, $0x580, v0;
	v1 =	vsel vm0, $0x480, v1  }
0x9f: {  	[tilespmem:$0x1FF30] =	vst v20;
	v2 =	vsel vm3, $0x380, v2;
	v0 =	vsel vm5, $0x600, v0;
	v1 =	vsel vm1, $0x500, v1  }
0xa0: {  	[tilespmem:$0x1FF40] =	vst v21;
	v2 =	vsel vm0, $0x400, v2;
	v0 =	vsel vm9, $0x680, v0;
	v1 =	vsel vm5, $0x580, v1  }
0xa1: {  	[tilespmem:$0x1FF50] =	vst v22;
	v2 =	vsel vm1, $0x480, v2;
	v0 =	vsel vm11, $0x700, v0;
	v1 =	vsel vm9, $0x600, v1  }
0xa2: {  	[tilespmem:$0x1FF60] =	vst v31;
	v2 =	vsel vm5, $0x500, v2;
	v0 =	vsel vm12, $0x780, v0;
	v1 =	vsel vm11, $0x680, v1  }
0xa3: {  	[tilespmem:$0x1FF70] =	vst v24;
	v2 =	vsel vm9, $0x580, v2;
	v0 =	vsel vm14, $0x0, v0;
	v1 =	vsel vm12, $0x700, v1  }
0xa4: {  	[tilespmem:$0x1FF80] =	vst v32;
	v54 =	vsel vm13, $0x80, v0;
	v0 =	vsel vm14, $0x780, v1;
	v1 =	vsel vm11, $0x600, v2  }
0xa5: {  	[tilespmem:$0x1FF90] =	vst v26;
	v55 =	vsel vm13, $0x0, v0;
	v0 =	vsel vm12, $0x680, v1  }
0xa6: {  	v8 =	vlaneseq.u32;
	v4 =	vimm.s32 $0x63422100;
	[tilespmem:$0x1FFA0] =	vst v27;
	v0 =	vsel vm14, $0x700, v0  }
0xa7: {  	v5 =	vimm.s32 $0x67462504;
	[tilespmem:$0x1FFB0] =	vst v28;
	v11 =	vsel vm13, $0x780, v0;
	v0 =	vimm.s32 $0x6C4B2A09  }
0xa8: {  	v4 =	vunpack.c.0.s8.s32 v4;
	[tilespmem:$0x1FFC0] =	vst v63;
	v37 =	vunpack.c.0.s8.s32 v0;
	v0 =	vimm.s32 $0x604F2E0D  }
0xa9: {  	v5 =	vunpack.c.0.s8.s32 v5;
	[tilespmem:$0x1FFD0] =	vst v30;
	v38 =	vunpack.c.0.s8.s32 v0;
	v0 =	vimm.s32 $0x68472605  }
0xaa: {  	[tilespmem:$0x1FFE0] =	vst v57;
	vm0 =	vcmask $0x1F10;
	v40 =	vunpack.c.0.s8.s32 v0;
	v0 =	vimm.s32 $0x6D4C2B0A  }
0xab: {  	[tilespmem:$0x1FDC0] =	vst v17;
	v34 =	vsel vm0, v5, v4;
	v44 =	vunpack.c.0.s8.s32 v0;
	v0 =	vimm.s32 $0x65442302  }
0xac: {  	[tilespmem:$0x1FDE0] =	vst v53;
	v2 =	vshrl.u32 v8, $0x2;
	v46 =	vunpack.c.0.s8.s32 v0;
	v0 =	vimm.s32 $0x69482706  }
0xad: {  	[tilespmem:$0x1FCC0] =	vst v34;
	v13 =	vmul.u32 $0x80, v2;
	v47 =	vunpack.c.0.s8.s32 v0;
	v0 =	vimm.s32 $0x6241200F  }
0xae: {  	v2 =	vimm.s32 $0x64432201;
	[tilespmem:$0x1FDF0] =	vst v54;
	v49 =	vunpack.c.0.s8.s32 v0;
	v0 =	vimm.s32 $0x66452403  }
0xaf: {  	v39 =	vunpack.c.0.s8.s32 v2;
	[tilespmem:$0x1FE30] =	vst v55;
	v50 =	vunpack.c.0.s8.s32 v0;
	v0 =	vimm.s32 $0x7B5A3918  }
0xb0: {  	v3 =	vimm.s32 $0x6F4E2D0C;
	v1 =	vimm.s32 $0x6B4A2908;
	[tilespmem:$0x1FE50] =	vst v13;
	v0 =	vunpack.c.0.s8.s32 v0  }
0xb1: {  	v3 =	vunpack.c.0.s8.s32 v3;
	v1 =	vunpack.c.0.s8.s32 v1;
	v2 =	vimm.s32 $0x61402F0E;
	[tilespmem:$0x1FC90] =	vst v39  }
0xb2: {  	v45 =	vunpack.c.0.s8.s32 v2;
	v2 =	vimm.s32 $0x6E4D2C0B;
	[tilespmem:$0x1FB70] =	vst v0;
	v0 =	vimm.s32 $0x7F5E3D1C  }
0xb3: {  	v33 =	vsel vm0, v3, v1;
	v1 =	vsel vm0, v1, v5;
	[tilespmem:$0x1FE40] =	vst v11;
	v0 =	vunpack.c.0.s8.s32 v0  }
0xb4: {  	v48 =	vunpack.c.0.s8.s32 v2;
	v2 =	vimm.s32 $0x6A492807;
	[tilespmem:$0x1FB60] =	vst v1;
	v1 =	vimm.s32 $0x73523110  }
0xb5: {  	v51 =	vunpack.c.0.s8.s32 v2;
	v2 =	vsel vm0, v4, v3;
	[tilespmem:$0x1FB80] =	vst v0;
	v0 =	vunpack.c.0.s8.s32 v1  }
0xb6: {  	[tilespmem:$0x1FB50] =	vst v2;
	v2 =	vimm.s32 $0x77563514  }
0xb7: {  	[tilespmem:$0x1FB90] =	vst v0;
	v0 =	vunpack.c.0.s8.s32 v2  }
0xb8: {  	[tilespmem:$0x1FCB0] =	vst v33  }
0xb9: {  	[tilespmem:$0x1FBA0] =	vst v0;
	v0 =	vimm.s32 $0x7C5B3A19  }
0xba: {  	[tilespmem:$0x1FD00] =	vst v45;
	v0 =	vunpack.c.0.s8.s32 v0  }
0xbb: {  	[tilespmem:$0x1FC70] =	vst v37;
	v1 =	vimm.s32 $0x705F3E1D  }
0xbc: {  	[tilespmem:$0x1FBB0] =	vst v0;
	v0 =	vunpack.c.0.s8.s32 v1  }
0xbd: {  	[tilespmem:$0x1FD30] =	vst v48;
	v2 =	vimm.s32 $0x74533211  }
0xbe: {  	[tilespmem:$0x1FBC0] =	vst v0;
	v0 =	vunpack.c.0.s8.s32 v2  }
0xbf: {  	[tilespmem:$0x1FC80] =	vst v38  }
0xc0: {  	v3 =	vcombine.low v34, v33;
	[tilespmem:$0x1FBD0] =	vst v0;
	v0 =	vimm.s32 $0x78573615  }
0xc1: {  	[tilespmem:$0x1FD60] =	vst v51;
	v0 =	vunpack.c.0.s8.s32 v0  }
0xc2: {  	[tilespmem:$0x1FDB0] =	vst v3;
	v1 =	vimm.s32 $0x7D5C3B1A  }
0xc3: {  	[tilespmem:$0x1FBE0] =	vst v0;
	v0 =	vunpack.c.0.s8.s32 v1  }
0xc4: {  	[tilespmem:$0x1FCA0] =	vst v40;
	v2 =	vimm.s32 $0x71503F1E  }
0xc5: {  	[tilespmem:$0x1FBF0] =	vst v0;
	v0 =	vunpack.c.0.s8.s32 v2  }
0xc6: {  	[tilespmem:$0x1FCF0] =	vst v44  }
0xc7: {  	[tilespmem:$0x1FC00] =	vst v0;
	v0 =	vimm.s32 $0x75543312  }
0xc8: {  	[tilespmem:$0x1FD10] =	vst v46;
	v0 =	vunpack.c.0.s8.s32 v0  }
0xc9: {  	[tilespmem:$0x1FD20] =	vst v47;
	v1 =	vimm.s32 $0x79583716  }
0xca: {  	[tilespmem:$0x1FC10] =	vst v0;
	v0 =	vunpack.c.0.s8.s32 v1  }
0xcb: {  	[tilespmem:$0x1FD40] =	vst v49;
	v2 =	vimm.s32 $0x7E5D3C1B  }
0xcc: {  	[tilespmem:$0x1FC20] =	vst v0;
	v0 =	vunpack.c.0.s8.s32 v2  }
0xcd: {  	s18 =	srdreg.scid;
	[tilespmem:$0x1FD50] =	vst v50  }
0xce: {  	s6 =	stileid.u32;
	s20 =	simm.s32 $0x400;
	s21 =	simm.s32 $0x7A1400;
	v4 =	vsel vm0, v49, v48;
	[tilespmem:$0x1FC30] =	vst v0;
	v0 =	vimm.s32 $0x7251301F  }
0xcf: {  	s29 =	simm.s32 $0x4000;
	s30 =	simm.s32 $0x5000;
	s31 =	simm.s32 $0x6000;
	v5 =	vsel vm0, v51, v50;
	[tilespmem:$0x1FD90] =	vst v4;
	v0 =	vunpack.c.0.s8.s32 v0  }
0xd0: {  	s15 =	simm.s32 $0x0;
	s3 =	sadd.s32 $0xC00, s2;
	s7 =	sadd.s32 $0xE00, s2;
	[tilespmem:$0x1FDA0] =	vst v5;
	v34 =	vcombine.low v5, v4;
	v1 =	vimm.s32 $0x76553413  }
0xd1: {  	s6 =	sshll.u32 s6, $0x1;
	s9 =	sadd.s32 $0x3D1800, s2;
	s11 =	sadd.s32 $0x80, s0;
	[tilespmem:$0x1FC40] =	vst v0;
	v0 =	vunpack.c.0.s8.s32 v1  }
0xd2: {  	s12 =	sadd.s32 $0x100, s0;
	s24 =	sadd.s32 $0x3D1600, s2;
	[dreg:$0x5] =	wrdreg s3;
	[tilespmem:$0x1FE10] =	vst v34;
	v1 =	vmul.u32 $0x80, v8  }
0xd3: {  	s13 =	sadd.s32 $0x180, s0;
	s2 =	sadd.s32 $0x7A2000, s2;
	[dreg:$0x7] =	wrdreg s24;
	v2 =	vimm.s32 $0x7A593817;
	[tilespmem:$0x1FC50] =	vst v0  }
0xd4: {  	s14 =	sadd.s32 $0x180, s1;
	s3 =	sand.u32 $0x1, s18;
	[dreg:$0xb] =	wrdreg s2;
	v0 =	vunpack.c.0.s8.s32 v2;
	v2 =	vsel vm0, v40, v39;
	[tilespmem:$0x1FDD0] =	vst v1  }
0xd5: {  	s2 =	simm.s32 $0x8000;
	s5 =	ssub.s32 $0x2, s3;
	s8 =	sor.u32 s3, s6;
	[tilespmem:$0x1FCE0] =	vst v2  }
0xd6: {  	s3 =	simm.s32 $0x7000;
	s6 =	simm.s32 $0x1;
	s22 =	sshll.u32 s8, $0x9;
	[tilespmem:$0x1FC60] =	vst v0;
	v0 =	vsel vm0, v38, v37  }
0xd7: {  	s10 =	sshrl.u32 s5, $0x1;
	p0 =	sne.s32 s8, $0x1F;
	s23 =	sadd.s32 s0, s22;
	v38 =	vor.u32 $0x800, v1;
	[tilespmem:$0x1FCD0] =	vst v0  }
.Ltmp0:
0xd8: {  	s25 =	sadd.s32 s22, s11;
	[dreg:$0x6] =	wrdreg s23;
	v42 =	vcombine.low v2, v0;
	v0 =	vsel vm0, v45, v44;
	[tilespmem:$0x1FE60] =	vst v38;
	(pc) =	sbr.rel .LBB2_1-.Ltmp0, $4  }
0xd9: {  	s19 =	ssub.s32 s5, s10;
	s26 =	sadd.s32 s22, s12;
	[dreg:$0x8] =	wrdreg s25;
	v2 =	vsel vm0, v47, v46;
	[tilespmem:$0x1FD70] =	vst v0  }
0xda: {  	s5 =	sadd.s32 s22, s13;
	s22 =	sadd.s32 $0x80, s1;
	[dreg:$0x9] =	wrdreg s26;
	[tilespmem:$0x1FD80] =	vst v2;
	v19 =	vcombine.low v2, v0  }
0xdb: {  	[dreg:$0xa] =	wrdreg s5;
	s23 =	sadd.s32 $0x100, s1;
	s28 =	smax.u32 s19, $0x1;
	[tilespmem:$0x1FE00] =	vst v42  }
0xdc: {  	s25 =	simm.s32 $0x2;
	s26 =	simm.s32 $0xC000;
	[dreg:$0xc] =	wrdreg s28;
	[tilespmem:$0x1FE20] =	vst v19  }
.LBB2_9:
0xdd: {  	s5 =	simm.s32 $0x3  }
0xde: {  	_ =	swait.ge [sflag:s5], $0x4000  }
0xdf: {  	[sflag:s5] =	ssyncset.done $0x0  }
0xe0: {  	s19 =	simm.s32 $0x4;
	[sflag:s5] =	ssyncadd.s32 $0xFFFFC000  }
0xe1: {  	_ =	swait.ge [sflag:s19], $0x4000  }
0xe2: {  	[sflag:s19] =	ssyncset.done $0x0  }
0xe3: {  	[sflag:s19] =	ssyncadd.s32 $0xFFFFC000  }
0xe4: {  	s5 =	simm.s32 @!p0 $0x0;
	s10 =	rddreg [dreg:$0x2]  }
0xe5: {  	[tilespmem:s5], [sflag:$0x5] =	stream.linear.gather @!p0 [hbm4b:s10+s5], $0x800, $0x38;
	[tilespmem:$0x10000] =	vst v63  }
0xe6: {  	s10 =	simm.s32 @!p0 $0x5  }
0xe7: {  	_ =	swait.ge @!p0 [sflag:s10], $0x800  }
0xe8: {  	[sflag:s10] =	ssyncset.done @!p0 $0x0  }
0xe9: {  	s15 =	rddreg [dreg:$0x7];
	[sflag:s10] =	ssyncadd.s32 @!p0 $0xFFFFF800  }
0xea: {  	[hbm4b:s15+s5] =	stream.linear.scatter @!p0 [tilespmem:s5], [sflag:$0x5], $0x800, $0x38;
	[tilespmem:$0x10000] =	vst v63  }
0xeb: {  	_ =	swait.ge @!p0 [sflag:s10], $0x800  }
0xec: {  	[sflag:s10] =	ssyncset.done @!p0 $0x0  }
0xed: {  	s15 =	rddreg [dreg:$0x5];
	[sflag:s10] =	ssyncadd.s32 @!p0 $0xFFFFF800  }
0xee: {  	[tilespmem:s5], [sflag:$0x5] =	stream.linear.gather @!p0 [hbm4b:s15+s5], $0x800, $0x38;
	[tilespmem:$0x10000] =	vst v63  }
0xef: {  	_ =	swait.ge @!p0 [sflag:s10], $0x800  }
0xf0: {  	[sflag:s10] =	ssyncset.done @!p0 $0x0  }
0xf1: {  	s15 =	rddreg [dreg:$0xb];
	[sflag:s10] =	ssyncadd.s32 @!p0 $0xFFFFF800  }
0xf2: {  	[hbm4b:s15+s5] =	stream.linear.scatter @!p0 [tilespmem:s5], [sflag:$0x5], $0x800, $0x38;
	[tilespmem:$0x10000] =	vst v63  }
0xf3: {  	_ =	swait.ge @!p0 [sflag:s10], $0x800  }
0xf4: {  	s24 =	rddreg [dreg:$0xd]  }
0xf5: {  	s28 =	rddreg [dreg:$0xc];
	s15 =	sadd.s32 $0x1, s24  }
0xf6: {  	p1 =	sne.s32 s15, s28  }
.Ltmp1:
0xf7: {  	_ = 	snop;
	(pc) =	sbr.rel @!p1 .LBB2_10-.Ltmp1, $3  }
0xf8: {  	_ =	sdelay $0x1  }
0xf9: {  	[sflag:s10] =	ssyncset.done @!p0 $0x0  }
0xfa: {  	[sflag:s10] =	ssyncadd.s32 @!p0 $0xFFFFF800  }
.LBB2_1:
0xfb: {  	s5 =	rddreg [dreg:$0x6]  }
0xfc: {  	[tilespmem:s4], [sflag:$0x1] =	stream.strided.gather [hbm4b:s5+s20], $0x1000, s21, s20, $0x38;
	[tilespmem:$0x10000] =	vst v63  }
0xfd: {  	s17 =	rddreg [dreg:$0x8];
	s10 =	simm.s32 $0x1000  }
0xfe: {  	[tilespmem:s10], [sflag:$0x1] =	stream.strided.gather [hbm4b:s17+s20], $0x1000, s21, s20, $0x38;
	[tilespmem:$0x10000] =	vst v63  }
.Ltmp2:
0xff: {  	[dreg:$0xd] =	wrdreg s15;
	(pc) =	sbr.rel .LBB2_2-.Ltmp2, $4  }
0x100: {  	s18 =	rddreg [dreg:$0x9];
	s19 =	simm.s32 $0x2000  }
0x101: {  	[tilespmem:s19], [sflag:$0x1] =	stream.strided.gather [hbm4b:s18+s20], $0x1000, s21, s20, $0x38;
	[tilespmem:$0x10000] =	vst v63  }
0x102: {  	s24 =	rddreg [dreg:$0xa];
	s28 =	simm.s32 $0x3000;
	s15 =	simm.s32 $0x0  }
0x103: {  	[tilespmem:s28], [sflag:$0x1] =	stream.strided.gather [hbm4b:s24+s20], $0x1000, s21, s20, $0x38;
	[tilespmem:$0x10000] =	vst v63  }
.LBB2_8:
0x104: {  	s15 =	sadd.s32 $0x1, s15  }
0x105: {  	p1 =	sne.s32 s15, $0x3E  }
.Ltmp3:
0x106: {  	_ = 	snop;
	(pc) =	sbr.rel @!p1 .LBB2_9-.Ltmp3, $1  }
0x107: {  	_ =	sdelay $0x3  }
.LBB2_2:
0x108: {  	s16 =	sshll.u32 s15, $0x5  }
0x109: {  	s16 =	sor.u32 s8, s16  }
0x10a: {  	p1 =	sgt.u32 s16, $0x7A0  }
.Ltmp4:
0x10b: {  	_ = 	snop;
	(pc) =	sbr.rel @p1 .LBB2_8-.Ltmp4, $1  }
0x10c: {  	_ =	sdelay $0x3  }
0x10d: {  	s17 =	sshll.u32 s16, $0x9  }
0x10e: {  	s18 =	sadd.s32 s1, s17  }
0x10f: {  	[tilespmem:s29], [sflag:$0x2] =	stream.strided.gather [hbm4b:s18+s20], $0x1000, s21, s20, $0x38;
	[tilespmem:$0x10000] =	vst v63  }
0x110: {  	s5 =	sadd.s32 s17, s22  }
0x111: {  	[tilespmem:s30], [sflag:$0x2] =	stream.strided.gather [hbm4b:s5+s20], $0x1000, s21, s20, $0x38;
	[tilespmem:$0x10000] =	vst v63  }
0x112: {  	s10 =	sadd.s32 s17, s23  }
0x113: {  	[tilespmem:s31], [sflag:$0x2] =	stream.strided.gather [hbm4b:s10+s20], $0x1000, s21, s20, $0x38;
	[tilespmem:$0x10000] =	vst v63  }
0x114: {  	s19 =	sadd.s32 s17, s14  }
0x115: {  	[tilespmem:s3], [sflag:$0x2] =	stream.strided.gather [hbm4b:s19+s20], $0x1000, s21, s20, $0x38;
	[tilespmem:$0x10000] =	vst v63  }
0x116: {  	_ =	swait.ge [sflag:s6], $0x1000  }
0x117: {  	[sflag:s6] =	ssyncset.done $0x0  }
0x118: {  	[sflag:s6] =	ssyncadd.s32 $0xFFFFF000  }
0x119: {  	_ =	swait.ge [sflag:s6], $0x1000  }
0x11a: {  	[sflag:s6] =	ssyncset.done $0x0  }
0x11b: {  	s24 =	simm.s32 $0x0;
	[sflag:s6] =	ssyncadd.s32 $0xFFFFF000  }
0x11c: {  	s19 =	sand.u32 $0x60, s24;
	_ =	swait.ge [sflag:s6], $0x1000  }
0x11d: {  	s18 =	sand.u32 $0x7, s24;
	v0 =	vmov s19;
	[sflag:s6] =	ssyncset.done $0x0  }
0x11e: {  	s24 =	sshll.u32 s18, $0x4;
	v5 =	vshll.u32 v0, $0x7;
	[sflag:s6] =	ssyncadd.s32 $0xFFFFF000  }
0x11f: {  	v4 =	vor.u32 s24, v8;
	v0 =	vor.u32 v1, v5;
	_ =	swait.ge [sflag:s6], $0x1000  }
0x120: {  	p1 =	seq.s32 s15, $0x0;
	s18 =	sshll.u32 s18, $0x2;
	v0 =	vor.u32 v4, v0;
	[sflag:s6] =	ssyncset.done $0x0  }
0x121: {  	s24 =	simm.s32 @!p1 $0x3;
	s18 =	sor.u32 s18, s19;
	[sflag:s6] =	ssyncadd.s32 $0xFFFFF000  }
0x122: {  	v1 =	vmov s18;
	_ =	swait.ge @!p1 [sflag:s24], $0x4000  }
0x123: {  	v1 =	vshll.u32 v1, $0x7;
	[sflag:s24] =	ssyncset.done @!p1 $0x0  }
0x124: {  	v2 =	vor.u32 v13, v1;
	[sflag:s24] =	ssyncadd.s32 @!p1 $0xFFFFC000  }
0x125: {  	v1 =	vor.u32 v3, v2;
	v3 =	vor.u32 v11, v5;
	v0 =	vld.idx.msk [tilespmem:v0+s4+$0x0], $0xffff  }
0x126: {  	v3 =	vor.u32 v4, v3;
	_ =	sdelay $0x3  }
0x127: {  	[tilespmem:v1+s2+$0x0] =	vst.idx.msk $0xffff, v0  }
0x128: {  	v1 =	vor.u32 v42, v2;
	v0 =	vld.idx.msk [tilespmem:v3+s4+$0x0], $0xffff;
	v3 =	vor.u32 v55, v5  }
0x129: {  	v3 =	vor.u32 v4, v3;
	_ =	sdelay $0x3  }
0x12a: {  	[tilespmem:v1+s2+$0x0] =	vst.idx.msk $0xffff, v0  }
0x12b: {  	v1 =	vor.u32 v19, v2;
	v0 =	vld.idx.msk [tilespmem:v3+s4+$0x0], $0xffff;
	v3 =	vor.u32 v54, v5  }
0x12c: {  	v3 =	vor.u32 v4, v3;
	_ =	sdelay $0x2  }
0x12d: {  	v45 =	vld [tilespmem:$0x1FB50]  }
0x12e: {  	v58 =	vld [tilespmem:$0x1FB60];
	[tilespmem:v1+s2+$0x0] =	vst.idx.msk $0xffff, v0  }
0x12f: {  	v1 =	vor.u32 v34, v2;
	v0 =	vld.idx.msk [tilespmem:v3+s4+$0x0], $0xffff;
	v3 =	vor.u32 v53, v5  }
0x130: {  	v6 =	vld [tilespmem:$0x1FC80];
	v3 =	vor.u32 v4, v3  }
0x131: {  	v33 =	vld [tilespmem:$0x1FC90]  }
0x132: {  	v7 =	vld [tilespmem:$0x1FC70]  }
0x133: {  	v47 =	vld [tilespmem:$0x1FCA0];
	v9 =	vcombine.low v58, v45  }
0x134: {  	[tilespmem:v1+s2+$0x0] =	vst.idx.msk $0xffff, v0  }
0x135: {  	v1 =	vor.u32 v9, v2;
	v0 =	vld.idx.msk [tilespmem:v3+s4+$0x0], $0xffff;
	v3 =	vor.u32 v17, v5  }
0x136: {  	v48 =	vld [tilespmem:$0x1FD00];
	v3 =	vor.u32 v4, v3  }
0x137: {  	v49 =	vld [tilespmem:$0x1FD10]  }
0x138: {  	v50 =	vld [tilespmem:$0x1FCF0];
	v6 =	vsel vm0, v33, v6;
	v7 =	vsel vm0, v7, v47  }
0x139: {  	v51 =	vld [tilespmem:$0x1FD20];
	v17 =	vcombine.low v7, v6  }
0x13a: {  	[tilespmem:v1+s2+$0x0] =	vst.idx.msk $0xffff, v0  }
0x13b: {  	v1 =	vor.u32 v17, v2;
	v0 =	vld.idx.msk [tilespmem:v3+s4+$0x0], $0xffff;
	v3 =	vor.u32 v57, v5  }
0x13c: {  	v52 =	vld [tilespmem:$0x1FD40];
	v3 =	vor.u32 v4, v3  }
0x13d: {  	v37 =	vld [tilespmem:$0x1FD50]  }
0x13e: {  	v56 =	vld [tilespmem:$0x1FD60];
	v53 =	vsel vm0, v49, v48;
	v49 =	vsel vm0, v50, v51  }
0x13f: {  	v35 =	vmovc v55;
	v16 =	vmov v18;
	v18 =	vmov v28;
	v55 =	vld [tilespmem:$0x1FD30];
	v28 =	vcombine.low v49, v53  }
0x140: {  	[tilespmem:v1+s2+$0x0] =	vst.idx.msk $0xffff, v0  }
0x141: {  	v1 =	vor.u32 v28, v2;
	v0 =	vld.idx.msk [tilespmem:v3+s4+$0x0], $0xffff;
	v3 =	vor.u32 v30, v5  }
0x142: {  	v3 =	vor.u32 v4, v3;
	_ =	sdelay $0x1  }
0x143: {  	v33 =	vsel vm0, v37, v52;
	v41 =	vsel vm0, v55, v56  }
0x144: {  	v15 =	vmov v26;
	v59 =	vld [tilespmem:$0x1FCC0];
	v26 =	vcombine.low v41, v33  }
0x145: {  	v47 =	vmov v57;
	v57 =	vld [tilespmem:$0x1FCB0];
	[tilespmem:v1+s2+$0x0] =	vst.idx.msk $0xffff, v0  }
0x146: {  	v1 =	vor.u32 v26, v2;
	v0 =	vld.idx.msk [tilespmem:v3+s4+$0x0], $0xffff;
	v3 =	vor.u32 v63, v5  }
0x147: {  	v3 =	vor.u32 v4, v3;
	_ =	sdelay $0x2  }
0x148: {  	v60 =	vld [tilespmem:$0x1FCD0];
	[tilespmem:$0x1FA70] =	vst v9;
	v9 =	vmov v26;
	v26 =	vcombine.low v57, v59  }
0x149: {  	v39 =	vld [tilespmem:$0x1FCE0];
	[tilespmem:v1+s2+$0x0] =	vst.idx.msk $0xffff, v0  }
0x14a: {  	v1 =	vor.u32 v26, v2;
	v0 =	vld.idx.msk [tilespmem:v3+s4+$0x0], $0xffff;
	v3 =	vor.u32 v18, v5  }
0x14b: {  	v3 =	vor.u32 v4, v3;
	_ =	sdelay $0x2  }
0x14c: {  	v25 =	vmovc v61;
	v61 =	vld [tilespmem:$0x1FD70];
	v51 =	vmov v28;
	v28 =	vmov v18;
	v18 =	vcombine.low v60, v39  }
0x14d: {  	v40 =	vld [tilespmem:$0x1FD80];
	[tilespmem:v1+s2+$0x0] =	vst.idx.msk $0xffff, v0  }
0x14e: {  	v1 =	vor.u32 v18, v2;
	v0 =	vld.idx.msk [tilespmem:v3+s4+$0x0], $0xffff;
	v3 =	vor.u32 v27, v5  }
0x14f: {  	v3 =	vor.u32 v4, v3;
	_ =	sdelay $0x2  }
0x150: {  	v52 =	vld [tilespmem:$0x1FDA0];
	v50 =	vmov v18;
	v18 =	vcombine.low v61, v40  }
0x151: {  	v46 =	vmov v63;
	v63 =	vld [tilespmem:$0x1FD90];
	[tilespmem:v1+s2+$0x0] =	vst.idx.msk $0xffff, v0  }
0x152: {  	v1 =	vor.u32 v18, v2;
	v0 =	vld.idx.msk [tilespmem:v3+s4+$0x0], $0xffff;
	v3 =	vor.u32 v15, v5  }
0x153: {  	v3 =	vor.u32 v4, v3;
	_ =	sdelay $0x2  }
0x154: {  	v36 =	vmov v26;
	v26 =	vmov v15;
	v15 =	vcombine.low v63, v52  }
0x155: {  	[tilespmem:v1+s2+$0x0] =	vst.idx.msk $0xffff, v0  }
0x156: {  	v1 =	vor.u32 v15, v2;
	v0 =	vld.idx.msk [tilespmem:v3+s4+$0x0], $0xffff;
	v3 =	vor.u32 v32, v5  }
0x157: {  	v3 =	vor.u32 v4, v3;
	_ =	sdelay $0x2  }
0x158: {  	v54 =	vmov v38;
	v38 =	vmov v15;
	v15 =	vcombine.low v45, v58  }
0x159: {  	[tilespmem:v1+s2+$0x0] =	vst.idx.msk $0xffff, v0  }
0x15a: {  	v1 =	vor.u32 v15, v2;
	v0 =	vld.idx.msk [tilespmem:v3+s4+$0x0], $0xffff;
	v3 =	vor.u32 v24, v5  }
0x15b: {  	v3 =	vor.u32 v4, v3;
	_ =	sdelay $0x2  }
0x15c: {  	v6 =	vcombine.low v6, v7  }
0x15d: {  	[tilespmem:v1+s2+$0x0] =	vst.idx.msk $0xffff, v0  }
0x15e: {  	v1 =	vor.u32 v6, v2;
	v0 =	vld.idx.msk [tilespmem:v3+s4+$0x0], $0xffff;
	v3 =	vor.u32 v31, v5  }
0x15f: {  	v3 =	vor.u32 v4, v3;
	_ =	sdelay $0x2  }
0x160: {  	[tilespmem:$0x1FA90] =	vst v6;
	v6 =	vcombine.low v53, v49  }
0x161: {  	[tilespmem:v1+s2+$0x0] =	vst.idx.msk $0xffff, v0  }
0x162: {  	v1 =	vor.u32 v6, v2;
	v0 =	vld.idx.msk [tilespmem:v3+s4+$0x0], $0xffff;
	v3 =	vor.u32 v22, v5  }
0x163: {  	v3 =	vor.u32 v4, v3;
	_ =	sdelay $0x1  }
0x164: {  	v7 =	vld [tilespmem:$0x1FB80]  }
0x165: {  	[tilespmem:$0x1FA80] =	vst v17;
	v17 =	vmov v34;
	v34 =	vmov v31;
	v31 =	vld [tilespmem:$0x1FB70]  }
0x166: {  	v49 =	vmov v6;
	v6 =	vcombine.low v33, v41;
	v33 =	vld [tilespmem:$0x1FBA0];
	[tilespmem:v1+s2+$0x0] =	vst.idx.msk $0xffff, v0  }
0x167: {  	v0 =	vld.idx.msk [tilespmem:v3+s4+$0x0], $0xffff  }
0x168: {  	v53 =	vmov v54;
	v3 =	vor.u32 v54, v5;
	v54 =	vld [tilespmem:$0x1FB90];
	_ =	sdelay $0x1  }
0x169: {  	v1 =	vor.u32 v6, v2  }
0x16a: {  	v12 =	vld [tilespmem:$0x1FBB0];
	v3 =	vor.u32 v4, v3  }
0x16b: {  	v61 =	vld [tilespmem:$0x1FBC0]  }
0x16c: {  	v37 =	vmov v27;
	v63 =	vld [tilespmem:$0x1FBD0];
	v27 =	vsel vm0, v7, v31;
	v29 =	vsel vm0, v33, v54  }
0x16d: {  	v58 =	vld [tilespmem:$0x1FBE0];
	v41 =	vmov v6;
	v6 =	vcombine.low v29, v27  }
0x16e: {  	[tilespmem:v1+s2+$0x0] =	vst.idx.msk $0xffff, v0  }
0x16f: {  	v0 =	vld.idx.msk [tilespmem:v3+s4+$0x0], $0xffff;
	v3 =	vor.u32 v21, v5;
	v1 =	vor.u32 v6, v2  }
0x170: {  	v3 =	vor.u32 v4, v3;
	_ =	sdelay $0x1  }
0x171: {  	v23 =	vld [tilespmem:$0x1FBF0];
	v10 =	vsel vm0, v61, v12;
	v43 =	vmov v6;
	v6 =	vsel vm0, v58, v63  }
0x172: {  	v56 =	vld [tilespmem:$0x1FC00];
	[tilespmem:$0x1FAA0] =	vst v6;
	v6 =	vcombine.low v6, v10  }
0x173: {  	v59 =	vld [tilespmem:$0x1FC20];
	[tilespmem:v1+s2+$0x0] =	vst.idx.msk $0xffff, v0  }
0x174: {  	v1 =	vor.u32 v6, v2;
	v0 =	vld.idx.msk [tilespmem:v3+s4+$0x0], $0xffff;
	v3 =	vor.u32 v20, v5  }
0x175: {  	v52 =	vmov v6;
	v6 =	vld [tilespmem:$0x1FC10];
	v3 =	vor.u32 v4, v3;
	_ =	sdelay $0x1  }
0x176: {  	v14 =	vld [tilespmem:$0x1FC30]  }
0x177: {  	v57 =	vld [tilespmem:$0x1FC50]  }
0x178: {  	v60 =	vld [tilespmem:$0x1FC40];
	v44 =	vmov v18;
	[tilespmem:v1+s2+$0x0] =	vst.idx.msk $0xffff, v0  }
0x179: {  	[tilespmem:$0x1FAB0] =	vst v10;
	v40 =	vmov v15;
	v15 =	vsel vm0, v56, v23;
	v10 =	vsel vm0, v59, v6;
	v0 =	vld.idx.msk [tilespmem:v3+s4+$0x0], $0xffff  }
0x17a: {  	v45 =	vmovc v22;
	v22 =	vmovc v20;
	v20 =	vmov v62;
	v18 =	vcombine.low v10, v15;
	v3 =	vor.u32 v62, v5;
	v62 =	vld [tilespmem:$0x1FC60];
	_ =	sdelay $0x1  }
0x17b: {  	v1 =	vor.u32 v18, v2  }
0x17c: {  	v3 =	vor.u32 v4, v3;
	_ =	sdelay $0x1  }
0x17d: {  	v39 =	vmovc v24;
	v24 =	vmov v21;
	v21 =	vsel vm0, v60, v14;
	[tilespmem:$0x1FAC0] =	vst v10;
	v10 =	vsel vm0, v62, v57  }
0x17e: {  	[tilespmem:$0x1FAD0] =	vst v15;
	v15 =	vmov v18;
	v18 =	vcombine.low v10, v21  }
0x17f: {  	[tilespmem:v1+s2+$0x0] =	vst.idx.msk $0xffff, v0  }
0x180: {  	v0 =	vld.idx.msk [tilespmem:v3+s4+$0x0], $0xffff;
	v3 =	vor.u32 v16, v5;
	v1 =	vor.u32 v18, v2  }
0x181: {  	v3 =	vor.u32 v4, v3;
	_ =	sdelay $0x1  }
0x182: {  	v7 =	vsel vm0, v54, v7;
	v48 =	vmovc v18;
	v18 =	vmov v16;
	v16 =	vsel vm0, v31, v33  }
0x183: {  	v54 =	vcombine.low v16, v7  }
0x184: {  	[tilespmem:v1+s2+$0x0] =	vst.idx.msk $0xffff, v0  }
0x185: {  	v1 =	vor.u32 v54, v2;
	v0 =	vld.idx.msk [tilespmem:v3+s4+$0x0], $0xffff;
	v3 =	vor.u32 v25, v5  }
0x186: {  	v3 =	vor.u32 v4, v3;
	_ =	sdelay $0x3  }
0x187: {  	[tilespmem:v1+s2+$0x0] =	vst.idx.msk $0xffff, v0  }
0x188: {  	v0 =	vld.idx.msk [tilespmem:v3+s4+$0x0], $0xffff  }
0x189: {  	v3 =	vld [tilespmem:$0x1FF00];
	_ =	sdelay $0x1  }
0x18a: {  	[tilespmem:$0x1FB00] =	vst v7;
	v7 =	vsel vm0, v63, v61;
	v63 =	vsel vm0, v12, v58  }
0x18b: {  	v55 =	vcombine.low v63, v7;
	_ =	sdelay $0x1  }
0x18c: {  	[tilespmem:$0x1FAF0] =	vst v16;
	v1 =	vor.u32 v55, v2;
	v16 =	vmov v3;
	v3 =	vor.u32 v3, v5  }
0x18d: {  	v3 =	vor.u32 v4, v3;
	_ =	sdelay $0x1  }
0x18e: {  	v6 =	vsel vm0, v6, v56;
	[tilespmem:$0x1FB10] =	vst v7;
	v7 =	vsel vm0, v23, v59  }
0x18f: {  	[tilespmem:$0x1FB30] =	vst v6;
	v31 =	vcombine.low v7, v6  }
0x190: {  	[tilespmem:v1+s2+$0x0] =	vst.idx.msk $0xffff, v0;
	v0 =	vld [tilespmem:$0x1FEA0]  }
0x191: {  	[tilespmem:$0x1FB20] =	vst v7;
	v6 =	vor.u32 v31, v2;
	v7 =	vld.idx.msk [tilespmem:v3+s4+$0x0], $0xffff;
	_ =	sdelay $0x3  }
0x192: {  	[tilespmem:$0x1FAE0] =	vst v10;
	v1 =	vor.u32 v0, v5  }
0x193: {  	v10 =	vmov v21;
	v21 =	vmov v0;
	v0 =	vor.u32 v4, v1;
	[tilespmem:v6+s2+$0x0] =	vst.idx.msk $0xffff, v7;
	v7 =	vld [tilespmem:$0x1FEF0];
	_ =	sdelay $0x1  }
0x194: {  	v1 =	vsel vm0, v57, v60;
	v3 =	vsel vm0, v14, v62  }
0x195: {  	v57 =	vcombine.low v3, v1;
	_ =	sdelay $0x1  }
0x196: {  	v6 =	vor.u32 v57, v2;
	v0 =	vld.idx.msk [tilespmem:v0+s4+$0x0], $0xffff;
	v14 =	vmov v7;
	v7 =	vor.u32 v7, v5  }
0x197: {  	v7 =	vor.u32 v4, v7;
	_ =	sdelay $0x3  }
0x198: {  	[tilespmem:v6+s2+$0x0] =	vst.idx.msk $0xffff, v0  }
0x199: {  	v0 =	vld.idx.msk [tilespmem:v7+s4+$0x0], $0xffff  }
0x19a: {  	v7 =	vld [tilespmem:$0x1FE90];
	_ =	sdelay $0x2  }
0x19b: {  	v29 =	vcombine.low v27, v29;
	_ =	sdelay $0x1  }
0x19c: {  	v33 =	vmovc v25;
	v6 =	vor.u32 v29, v2;
	v25 =	vmov v7;
	v7 =	vor.u32 v7, v5  }
0x19d: {  	v7 =	vor.u32 v4, v7;
	_ =	sdelay $0x2  }
0x19e: {  	v12 =	vld [tilespmem:$0x1FAB0]  }
0x19f: {  	v23 =	vld [tilespmem:$0x1FAA0];
	[tilespmem:v6+s2+$0x0] =	vst.idx.msk $0xffff, v0  }
0x1a0: {  	v0 =	vld.idx.msk [tilespmem:v7+s4+$0x0], $0xffff  }
0x1a1: {  	v7 =	vld [tilespmem:$0x1FEE0];
	_ =	sdelay $0x2  }
0x1a2: {  	v27 =	vcombine.low v12, v23;
	_ =	sdelay $0x1  }
0x1a3: {  	v6 =	vor.u32 v27, v2;
	v12 =	vmov v7;
	v7 =	vor.u32 v7, v5  }
0x1a4: {  	v7 =	vor.u32 v4, v7;
	_ =	sdelay $0x2  }
0x1a5: {  	v61 =	vld [tilespmem:$0x1FAD0]  }
0x1a6: {  	v23 =	vld [tilespmem:$0x1FAC0];
	[tilespmem:v6+s2+$0x0] =	vst.idx.msk $0xffff, v0  }
0x1a7: {  	v0 =	vld.idx.msk [tilespmem:v7+s4+$0x0], $0xffff  }
0x1a8: {  	v7 =	vld [tilespmem:$0x1FE80];
	_ =	sdelay $0x2  }
0x1a9: {  	v60 =	vcombine.low v61, v23;
	_ =	sdelay $0x1  }
0x1aa: {  	v6 =	vor.u32 v60, v2;
	v59 =	vmov v7;
	v7 =	vor.u32 v7, v5  }
0x1ab: {  	v7 =	vor.u32 v4, v7;
	_ =	sdelay $0x3  }
0x1ac: {  	v23 =	vld [tilespmem:$0x1FAE0];
	[tilespmem:v6+s2+$0x0] =	vst.idx.msk $0xffff, v0  }
0x1ad: {  	v0 =	vld.idx.msk [tilespmem:v7+s4+$0x0], $0xffff  }
0x1ae: {  	v7 =	vld [tilespmem:$0x1FED0];
	_ =	sdelay $0x2  }
0x1af: {  	v61 =	vcombine.low v10, v23;
	_ =	sdelay $0x1  }
0x1b0: {  	v6 =	vor.u32 v61, v2;
	v10 =	vmov v7;
	v7 =	vor.u32 v7, v5  }
0x1b1: {  	v7 =	vor.u32 v4, v7  }
0x1b2: {  	v62 =	vld [tilespmem:$0x1FB00]  }
0x1b3: {  	v23 =	vld [tilespmem:$0x1FAF0];
	_ =	sdelay $0x1  }
0x1b4: {  	[tilespmem:v6+s2+$0x0] =	vst.idx.msk $0xffff, v0  }
0x1b5: {  	v0 =	vld.idx.msk [tilespmem:v7+s4+$0x0], $0xffff  }
0x1b6: {  	v7 =	vld [tilespmem:$0x1FE70]  }
0x1b7: {  	v62 =	vcombine.low v62, v23;
	_ =	sdelay $0x1  }
0x1b8: {  	v6 =	vor.u32 v62, v2  }
0x1b9: {  	v23 =	vld [tilespmem:$0x1FB10]  }
0x1ba: {  	v58 =	vmov v7;
	v7 =	vor.u32 v7, v5  }
0x1bb: {  	v7 =	vor.u32 v4, v7;
	_ =	sdelay $0x1  }
0x1bc: {  	[tilespmem:v6+s2+$0x0] =	vst.idx.msk $0xffff, v0;
	v0 =	vld [tilespmem:$0x1FEC0]  }
0x1bd: {  	v63 =	vcombine.low v23, v63;
	_ =	sdelay $0x1  }
0x1be: {  	v6 =	vld.idx.msk [tilespmem:v7+s4+$0x0], $0xffff;
	v7 =	vor.u32 v63, v2;
	_ =	sdelay $0x1  }
0x1bf: {  	v23 =	vmov v0;
	v0 =	vor.u32 v0, v5  }
0x1c0: {  	v56 =	vld [tilespmem:$0x1FB30];
	v0 =	vor.u32 v4, v0  }
0x1c1: {  	[tilespmem:$0x1FB40] =	vst v0;
	v0 =	vld [tilespmem:$0x1FB20]  }
0x1c2: {  	[tilespmem:v7+s2+$0x0] =	vst.idx.msk $0xffff, v6;
	v6 =	vld [tilespmem:$0x1FFF0];
	_ =	sdelay $0x4  }
0x1c3: {  	v0 =	vcombine.low v56, v0;
	v56 =	vmov v6;
	v5 =	vor.u32 v6, v5;
	v6 =	vld [tilespmem:$0x1FB40];
	_ =	sdelay $0x6  }
0x1c4: {  	s18 =	simm.s32 $0x4  }
0x1c5: {  	s19 =	simm.s32 $0x1;
	s28 =	sand.u32 $0x60, s18;
	s24 =	simm.s32 $0x2;
	v7 =	vor.u32 v0, v2;
	v5 =	vor.u32 v4, v5;
	v6 =	vld.idx.msk [tilespmem:v6+s4+$0x0], $0xffff  }
.LBB2_4:
0x1c6: {  	_ =	sdelay $0x3  }
0x1c7: {  	s5 =	sand.u32 $0x7, s19;
	[tilespmem:v7+s2+$0x0] =	vst.idx.msk $0xffff, v6  }
0x1c8: {  	s10 =	sshll.u32 s5, $0x4;
	v6 =	vcombine.low v1, v3;
	v7 =	vld.idx.msk [tilespmem:v5+s4+$0x0], $0xffff  }
0x1c9: {  	v5 =	vor.u32 s10, v8;
	v8 =	vld [tilespmem:$0x1FDD0]  }
0x1ca: {  	v2 =	vor.u32 v6, v2;
	_ =	sdelay $0x1  }
0x1cb: {  	v4 =	vmov s28  }
0x1cc: {  	v4 =	vshll.u32 v4, $0x7  }
0x1cd: {  	v8 =	vor.u32 v8, v4  }
0x1ce: {  	s5 =	sshll.u32 s5, $0x2;
	v6 =	vor.u32 v5, v8;
	[tilespmem:v2+s2+$0x0] =	vst.idx.msk $0xffff, v7;
	v7 =	vld [tilespmem:$0x1FDB0]  }
0x1cf: {  	s5 =	sor.u32 s5, s28  }
0x1d0: {  	v8 =	vmov s5  }
0x1d1: {  	v8 =	vshll.u32 v8, $0x7  }
0x1d2: {  	v2 =	vor.u32 v13, v8  }
0x1d3: {  	v8 =	vor.u32 v11, v4;
	v6 =	vld.idx.msk [tilespmem:v6+s4+$0x0], $0xffff;
	v7 =	vor.u32 v7, v2  }
0x1d4: {  	v8 =	vor.u32 v5, v8;
	_ =	sdelay $0x3  }
0x1d5: {  	[tilespmem:v7+s2+$0x0] =	vst.idx.msk $0xffff, v6  }
0x1d6: {  	v7 =	vor.u32 v42, v2;
	v6 =	vld.idx.msk [tilespmem:v8+s4+$0x0], $0xffff;
	v8 =	vor.u32 v35, v4  }
0x1d7: {  	v8 =	vor.u32 v5, v8;
	_ =	sdelay $0x3  }
0x1d8: {  	[tilespmem:v7+s2+$0x0] =	vst.idx.msk $0xffff, v6  }
0x1d9: {  	v6 =	vld.idx.msk [tilespmem:v8+s4+$0x0], $0xffff  }
0x1da: {  	v8 =	vld [tilespmem:$0x1FDF0];
	_ =	sdelay $0x4  }
0x1db: {  	v7 =	vor.u32 v19, v2;
	v8 =	vor.u32 v8, v4  }
0x1dc: {  	v8 =	vor.u32 v5, v8;
	_ =	sdelay $0x3  }
0x1dd: {  	[tilespmem:v7+s2+$0x0] =	vst.idx.msk $0xffff, v6  }
0x1de: {  	v6 =	vld.idx.msk [tilespmem:v8+s4+$0x0], $0xffff  }
0x1df: {  	v8 =	vld [tilespmem:$0x1FDE0];
	_ =	sdelay $0x2  }
0x1e0: {  	v7 =	vor.u32 v17, v2;
	_ =	sdelay $0x1  }
0x1e1: {  	v8 =	vor.u32 v8, v4  }
0x1e2: {  	v8 =	vor.u32 v5, v8;
	_ =	sdelay $0x1  }
0x1e3: {  	[tilespmem:v7+s2+$0x0] =	vst.idx.msk $0xffff, v6;
	v7 =	vld [tilespmem:$0x1FA70];
	_ =	sdelay $0x2  }
0x1e4: {  	v6 =	vld.idx.msk [tilespmem:v8+s4+$0x0], $0xffff  }
0x1e5: {  	v8 =	vld [tilespmem:$0x1FDC0]  }
0x1e6: {  	v7 =	vor.u32 v7, v2;
	_ =	sdelay $0x3  }
0x1e7: {  	v8 =	vor.u32 v8, v4  }
0x1e8: {  	[tilespmem:v7+s2+$0x0] =	vst.idx.msk $0xffff, v6;
	v7 =	vld [tilespmem:$0x1FA80];
	v8 =	vor.u32 v5, v8;
	_ =	sdelay $0x4  }
0x1e9: {  	v7 =	vor.u32 v7, v2;
	v6 =	vld.idx.msk [tilespmem:v8+s4+$0x0], $0xffff;
	v8 =	vor.u32 v47, v4  }
0x1ea: {  	v8 =	vor.u32 v5, v8;
	_ =	sdelay $0x3  }
0x1eb: {  	[tilespmem:v7+s2+$0x0] =	vst.idx.msk $0xffff, v6  }
0x1ec: {  	v7 =	vor.u32 v51, v2;
	v6 =	vld.idx.msk [tilespmem:v8+s4+$0x0], $0xffff;
	v8 =	vor.u32 v30, v4  }
0x1ed: {  	v8 =	vor.u32 v5, v8;
	_ =	sdelay $0x3  }
0x1ee: {  	[tilespmem:v7+s2+$0x0] =	vst.idx.msk $0xffff, v6  }
0x1ef: {  	v7 =	vor.u32 v9, v2;
	v6 =	vld.idx.msk [tilespmem:v8+s4+$0x0], $0xffff;
	v8 =	vor.u32 v46, v4  }
0x1f0: {  	v8 =	vor.u32 v5, v8;
	_ =	sdelay $0x3  }
0x1f1: {  	[tilespmem:v7+s2+$0x0] =	vst.idx.msk $0xffff, v6  }
0x1f2: {  	v7 =	vor.u32 v36, v2;
	v6 =	vld.idx.msk [tilespmem:v8+s4+$0x0], $0xffff;
	v8 =	vor.u32 v28, v4  }
0x1f3: {  	v8 =	vor.u32 v5, v8;
	_ =	sdelay $0x3  }
0x1f4: {  	[tilespmem:v7+s2+$0x0] =	vst.idx.msk $0xffff, v6  }
0x1f5: {  	v7 =	vor.u32 v50, v2;
	v6 =	vld.idx.msk [tilespmem:v8+s4+$0x0], $0xffff;
	v8 =	vor.u32 v37, v4  }
0x1f6: {  	v8 =	vor.u32 v5, v8;
	_ =	sdelay $0x3  }
0x1f7: {  	[tilespmem:v7+s2+$0x0] =	vst.idx.msk $0xffff, v6  }
0x1f8: {  	v7 =	vor.u32 v44, v2;
	v6 =	vld.idx.msk [tilespmem:v8+s4+$0x0], $0xffff;
	v8 =	vor.u32 v26, v4  }
0x1f9: {  	v8 =	vor.u32 v5, v8;
	_ =	sdelay $0x3  }
0x1fa: {  	[tilespmem:v7+s2+$0x0] =	vst.idx.msk $0xffff, v6  }
0x1fb: {  	v7 =	vor.u32 v38, v2;
	v6 =	vld.idx.msk [tilespmem:v8+s4+$0x0], $0xffff;
	v8 =	vor.u32 v32, v4  }
0x1fc: {  	v8 =	vor.u32 v5, v8;
	_ =	sdelay $0x3  }
0x1fd: {  	[tilespmem:v7+s2+$0x0] =	vst.idx.msk $0xffff, v6  }
0x1fe: {  	v7 =	vor.u32 v40, v2;
	v6 =	vld.idx.msk [tilespmem:v8+s4+$0x0], $0xffff;
	_ =	sdelay $0x3  }
0x1ff: {  	v8 =	vor.u32 v39, v4  }
0x200: {  	v8 =	vor.u32 v5, v8;
	[tilespmem:v7+s2+$0x0] =	vst.idx.msk $0xffff, v6;
	v7 =	vld [tilespmem:$0x1FA90];
	_ =	sdelay $0x4  }
0x201: {  	v6 =	vld.idx.msk [tilespmem:v8+s4+$0x0], $0xffff;
	v8 =	vor.u32 v34, v4;
	v7 =	vor.u32 v7, v2  }
0x202: {  	v8 =	vor.u32 v5, v8;
	_ =	sdelay $0x3  }
0x203: {  	[tilespmem:v7+s2+$0x0] =	vst.idx.msk $0xffff, v6  }
0x204: {  	v7 =	vor.u32 v49, v2;
	v6 =	vld.idx.msk [tilespmem:v8+s4+$0x0], $0xffff;
	v8 =	vor.u32 v45, v4  }
0x205: {  	v8 =	vor.u32 v5, v8;
	_ =	sdelay $0x3  }
0x206: {  	[tilespmem:v7+s2+$0x0] =	vst.idx.msk $0xffff, v6  }
0x207: {  	v7 =	vor.u32 v41, v2;
	v6 =	vld.idx.msk [tilespmem:v8+s4+$0x0], $0xffff;
	v8 =	vor.u32 v53, v4  }
0x208: {  	v8 =	vor.u32 v5, v8;
	_ =	sdelay $0x3  }
0x209: {  	[tilespmem:v7+s2+$0x0] =	vst.idx.msk $0xffff, v6  }
0x20a: {  	v7 =	vor.u32 v43, v2;
	v6 =	vld.idx.msk [tilespmem:v8+s4+$0x0], $0xffff;
	v8 =	vor.u32 v24, v4  }
0x20b: {  	v8 =	vor.u32 v5, v8;
	_ =	sdelay $0x3  }
0x20c: {  	[tilespmem:v7+s2+$0x0] =	vst.idx.msk $0xffff, v6  }
0x20d: {  	v7 =	vor.u32 v52, v2;
	v6 =	vld.idx.msk [tilespmem:v8+s4+$0x0], $0xffff;
	v8 =	vor.u32 v22, v4  }
0x20e: {  	v8 =	vor.u32 v5, v8;
	_ =	sdelay $0x3  }
0x20f: {  	[tilespmem:v7+s2+$0x0] =	vst.idx.msk $0xffff, v6  }
0x210: {  	v7 =	vor.u32 v15, v2;
	v6 =	vld.idx.msk [tilespmem:v8+s4+$0x0], $0xffff;
	v8 =	vor.u32 v20, v4  }
0x211: {  	v8 =	vor.u32 v5, v8;
	_ =	sdelay $0x3  }
0x212: {  	[tilespmem:v7+s2+$0x0] =	vst.idx.msk $0xffff, v6  }
0x213: {  	v7 =	vor.u32 v48, v2;
	v6 =	vld.idx.msk [tilespmem:v8+s4+$0x0], $0xffff;
	v8 =	vor.u32 v18, v4  }
0x214: {  	v8 =	vor.u32 v5, v8;
	_ =	sdelay $0x3  }
0x215: {  	[tilespmem:v7+s2+$0x0] =	vst.idx.msk $0xffff, v6  }
0x216: {  	v7 =	vor.u32 v54, v2;
	v6 =	vld.idx.msk [tilespmem:v8+s4+$0x0], $0xffff;
	v8 =	vor.u32 v33, v4  }
0x217: {  	v8 =	vor.u32 v5, v8;
	_ =	sdelay $0x3  }
0x218: {  	[tilespmem:v7+s2+$0x0] =	vst.idx.msk $0xffff, v6  }
0x219: {  	v7 =	vor.u32 v55, v2;
	v6 =	vld.idx.msk [tilespmem:v8+s4+$0x0], $0xffff;
	v8 =	vor.u32 v16, v4  }
0x21a: {  	v8 =	vor.u32 v5, v8;
	_ =	sdelay $0x3  }
0x21b: {  	[tilespmem:v7+s2+$0x0] =	vst.idx.msk $0xffff, v6  }
0x21c: {  	v7 =	vor.u32 v31, v2;
	v6 =	vld.idx.msk [tilespmem:v8+s4+$0x0], $0xffff;
	v8 =	vor.u32 v21, v4  }
0x21d: {  	v8 =	vor.u32 v5, v8;
	_ =	sdelay $0x3  }
0x21e: {  	[tilespmem:v7+s2+$0x0] =	vst.idx.msk $0xffff, v6  }
0x21f: {  	v7 =	vor.u32 v57, v2;
	v6 =	vld.idx.msk [tilespmem:v8+s4+$0x0], $0xffff;
	v8 =	vor.u32 v14, v4  }
0x220: {  	v8 =	vor.u32 v5, v8;
	_ =	sdelay $0x3  }
0x221: {  	[tilespmem:v7+s2+$0x0] =	vst.idx.msk $0xffff, v6  }
0x222: {  	v7 =	vor.u32 v29, v2;
	v6 =	vld.idx.msk [tilespmem:v8+s4+$0x0], $0xffff;
	v8 =	vor.u32 v25, v4  }
0x223: {  	v8 =	vor.u32 v5, v8;
	_ =	sdelay $0x3  }
0x224: {  	[tilespmem:v7+s2+$0x0] =	vst.idx.msk $0xffff, v6  }
0x225: {  	v7 =	vor.u32 v27, v2;
	v6 =	vld.idx.msk [tilespmem:v8+s4+$0x0], $0xffff;
	v8 =	vor.u32 v12, v4  }
0x226: {  	v8 =	vor.u32 v5, v8;
	_ =	sdelay $0x3  }
0x227: {  	[tilespmem:v7+s2+$0x0] =	vst.idx.msk $0xffff, v6  }
0x228: {  	v7 =	vor.u32 v60, v2;
	v6 =	vld.idx.msk [tilespmem:v8+s4+$0x0], $0xffff;
	v8 =	vor.u32 v59, v4  }
0x229: {  	v8 =	vor.u32 v5, v8;
	_ =	sdelay $0x3  }
0x22a: {  	[tilespmem:v7+s2+$0x0] =	vst.idx.msk $0xffff, v6  }
0x22b: {  	v7 =	vor.u32 v61, v2;
	v6 =	vld.idx.msk [tilespmem:v8+s4+$0x0], $0xffff;
	v8 =	vor.u32 v10, v4  }
0x22c: {  	v8 =	vor.u32 v5, v8;
	_ =	sdelay $0x3  }
0x22d: {  	[tilespmem:v7+s2+$0x0] =	vst.idx.msk $0xffff, v6  }
0x22e: {  	v7 =	vor.u32 v62, v2;
	v6 =	vld.idx.msk [tilespmem:v8+s4+$0x0], $0xffff;
	v8 =	vor.u32 v58, v4  }
0x22f: {  	v8 =	vor.u32 v5, v8;
	_ =	sdelay $0x3  }
0x230: {  	[tilespmem:v7+s2+$0x0] =	vst.idx.msk $0xffff, v6  }
0x231: {  	v7 =	vor.u32 v63, v2;
	v6 =	vld.idx.msk [tilespmem:v8+s4+$0x0], $0xffff;
	v8 =	vor.u32 v23, v4  }
0x232: {  	p2 =	sne.s32 s24, $0x1F;
	v8 =	vor.u32 v5, v8  }
.Ltmp5:
0x233: {  	_ = 	snop;
	(pc) =	sbr.rel @p2 .LBB2_4-.Ltmp5, $3  }
0x234: {  	_ =	sdelay $0x1  }
0x235: {  	s18 =	sadd.s32 $0x4, s18;
	v4 =	vor.u32 v56, v4;
	[tilespmem:v7+s2+$0x0] =	vst.idx.msk $0xffff, v6  }
0x236: {  	s19 =	smov.u32 s24;
	s24 =	sadd.s32 $0x1, s24;
	s28 =	sand.u32 $0x60, s18;
	v5 =	vor.u32 v5, v4;
	v7 =	vor.u32 v0, v2;
	v6 =	vld.idx.msk [tilespmem:v8+s4+$0x0], $0xffff;
	v8 =	vlaneseq.u32  }
0x237: {  	_ =	sdelay $0x3  }
0x238: {  	[tilespmem:v7+s2+$0x0] =	vst.idx.msk $0xffff, v6;
	v6 =	vld [tilespmem:$0x1FDD0];
	_ =	sdelay $0x2  }
0x239: {  	s5 =	sand.u32 $0x7, s19;
	v4 =	vmov s28;
	v1 =	vcombine.low v1, v3  }
0x23a: {  	s10 =	sshll.u32 s5, $0x4;
	v3 =	vshll.u32 v4, $0x7  }
0x23b: {  	v4 =	vor.u32 s10, v8;
	v2 =	vor.u32 v1, v2;
	v5 =	vld.idx.msk [tilespmem:v5+s4+$0x0], $0xffff;
	v6 =	vor.u32 v6, v3  }
0x23c: {  	v6 =	vor.u32 v4, v6;
	_ =	sdelay $0x3  }
0x23d: {  	[tilespmem:v2+s2+$0x0] =	vst.idx.msk $0xffff, v5  }
0x23e: {  	v5 =	vld.idx.msk [tilespmem:v6+s4+$0x0], $0xffff;
	_ =	sdelay $0x4  }
0x23f: {  	s5 =	sshll.u32 s5, $0x2;
	[tilespmem:$0x1F7C0] =	vst v5;
	v5 =	vld [tilespmem:$0x1FDB0]  }
0x240: {  	s5 =	sor.u32 s5, s28  }
0x241: {  	v7 =	vmov s5  }
0x242: {  	v7 =	vshll.u32 v7, $0x7  }
0x243: {  	v2 =	vor.u32 v13, v7  }
0x244: {  	v7 =	vor.u32 v11, v3;
	v6 =	vor.u32 v5, v2;
	v5 =	vld [tilespmem:$0x1F7C0]  }
0x245: {  	v7 =	vor.u32 v4, v7;
	_ =	sdelay $0x3  }
0x246: {  	[tilespmem:v6+s2+$0x0] =	vst.idx.msk $0xffff, v5  }
0x247: {  	v5 =	vld.idx.msk [tilespmem:v7+s4+$0x0], $0xffff;
	_ =	sdelay $0x4  }
0x248: {  	[tilespmem:$0x1F7D0] =	vst v5  }
0x249: {  	v6 =	vor.u32 v42, v2;
	v7 =	vor.u32 v35, v3;
	v5 =	vld [tilespmem:$0x1F7D0]  }
0x24a: {  	v7 =	vor.u32 v4, v7;
	_ =	sdelay $0x3  }
0x24b: {  	[tilespmem:v6+s2+$0x0] =	vst.idx.msk $0xffff, v5  }
0x24c: {  	v5 =	vld.idx.msk [tilespmem:v7+s4+$0x0], $0xffff;
	_ =	sdelay $0x4  }
0x24d: {  	[tilespmem:$0x1F7E0] =	vst v5;
	v5 =	vld [tilespmem:$0x1FDF0];
	_ =	sdelay $0x4  }
0x24e: {  	v6 =	vor.u32 v19, v2;
	v7 =	vor.u32 v5, v3;
	v5 =	vld [tilespmem:$0x1F7E0]  }
0x24f: {  	v7 =	vor.u32 v4, v7;
	_ =	sdelay $0x3  }
0x250: {  	[tilespmem:v6+s2+$0x0] =	vst.idx.msk $0xffff, v5  }
0x251: {  	v5 =	vld.idx.msk [tilespmem:v7+s4+$0x0], $0xffff;
	_ =	sdelay $0x4  }
0x252: {  	[tilespmem:$0x1F7F0] =	vst v5;
	v5 =	vld [tilespmem:$0x1FDE0];
	_ =	sdelay $0x4  }
0x253: {  	v6 =	vor.u32 v17, v2;
	v7 =	vor.u32 v5, v3;
	v5 =	vld [tilespmem:$0x1F7F0]  }
0x254: {  	v7 =	vor.u32 v4, v7;
	_ =	sdelay $0x3  }
0x255: {  	[tilespmem:v6+s2+$0x0] =	vst.idx.msk $0xffff, v5  }
0x256: {  	v5 =	vld.idx.msk [tilespmem:v7+s4+$0x0], $0xffff;
	_ =	sdelay $0x4  }
0x257: {  	[tilespmem:$0x1F800] =	vst v5;
	v5 =	vld [tilespmem:$0x1FA70];
	_ =	sdelay $0x4  }
0x258: {  	v6 =	vor.u32 v5, v2;
	v5 =	vld [tilespmem:$0x1FDC0];
	_ =	sdelay $0x4  }
0x259: {  	v7 =	vor.u32 v5, v3;
	v5 =	vld [tilespmem:$0x1F800]  }
0x25a: {  	v7 =	vor.u32 v4, v7;
	_ =	sdelay $0x3  }
0x25b: {  	[tilespmem:v6+s2+$0x0] =	vst.idx.msk $0xffff, v5  }
0x25c: {  	v5 =	vld.idx.msk [tilespmem:v7+s4+$0x0], $0xffff;
	_ =	sdelay $0x4  }
0x25d: {  	[tilespmem:$0x1F810] =	vst v5;
	v5 =	vld [tilespmem:$0x1FA80];
	_ =	sdelay $0x4  }
0x25e: {  	v7 =	vor.u32 v47, v3;
	v6 =	vor.u32 v5, v2;
	v5 =	vld [tilespmem:$0x1F810]  }
0x25f: {  	v7 =	vor.u32 v4, v7;
	_ =	sdelay $0x3  }
0x260: {  	[tilespmem:v6+s2+$0x0] =	vst.idx.msk $0xffff, v5  }
0x261: {  	v5 =	vld.idx.msk [tilespmem:v7+s4+$0x0], $0xffff;
	_ =	sdelay $0x4  }
0x262: {  	[tilespmem:$0x1F820] =	vst v5  }
0x263: {  	v6 =	vor.u32 v51, v2;
	v7 =	vor.u32 v30, v3;
	v5 =	vld [tilespmem:$0x1F820]  }
0x264: {  	v7 =	vor.u32 v4, v7;
	_ =	sdelay $0x3  }
0x265: {  	[tilespmem:v6+s2+$0x0] =	vst.idx.msk $0xffff, v5  }
0x266: {  	v5 =	vld.idx.msk [tilespmem:v7+s4+$0x0], $0xffff;
	_ =	sdelay $0x4  }
0x267: {  	[tilespmem:$0x1F830] =	vst v5  }
0x268: {  	v6 =	vor.u32 v9, v2;
	v7 =	vor.u32 v46, v3;
	v5 =	vld [tilespmem:$0x1F830]  }
0x269: {  	v7 =	vor.u32 v4, v7;
	_ =	sdelay $0x3  }
0x26a: {  	[tilespmem:v6+s2+$0x0] =	vst.idx.msk $0xffff, v5  }
0x26b: {  	v5 =	vld.idx.msk [tilespmem:v7+s4+$0x0], $0xffff;
	_ =	sdelay $0x4  }
0x26c: {  	[tilespmem:$0x1F840] =	vst v5  }
0x26d: {  	v6 =	vor.u32 v36, v2;
	v7 =	vor.u32 v28, v3;
	v5 =	vld [tilespmem:$0x1F840]  }
0x26e: {  	v7 =	vor.u32 v4, v7;
	_ =	sdelay $0x3  }
0x26f: {  	[tilespmem:v6+s2+$0x0] =	vst.idx.msk $0xffff, v5  }
0x270: {  	v5 =	vld.idx.msk [tilespmem:v7+s4+$0x0], $0xffff;
	_ =	sdelay $0x4  }
0x271: {  	[tilespmem:$0x1F850] =	vst v5  }
0x272: {  	v6 =	vor.u32 v50, v2;
	v7 =	vor.u32 v37, v3;
	v5 =	vld [tilespmem:$0x1F850]  }
0x273: {  	v7 =	vor.u32 v4, v7;
	_ =	sdelay $0x3  }
0x274: {  	[tilespmem:v6+s2+$0x0] =	vst.idx.msk $0xffff, v5  }
0x275: {  	v5 =	vld.idx.msk [tilespmem:v7+s4+$0x0], $0xffff;
	_ =	sdelay $0x4  }
0x276: {  	[tilespmem:$0x1F860] =	vst v5  }
0x277: {  	v6 =	vor.u32 v44, v2;
	v7 =	vor.u32 v26, v3;
	v5 =	vld [tilespmem:$0x1F860]  }
0x278: {  	v7 =	vor.u32 v4, v7;
	_ =	sdelay $0x3  }
0x279: {  	[tilespmem:v6+s2+$0x0] =	vst.idx.msk $0xffff, v5  }
0x27a: {  	v5 =	vld.idx.msk [tilespmem:v7+s4+$0x0], $0xffff;
	_ =	sdelay $0x4  }
0x27b: {  	[tilespmem:$0x1F870] =	vst v5  }
0x27c: {  	v6 =	vor.u32 v38, v2;
	v7 =	vor.u32 v32, v3;
	v5 =	vld [tilespmem:$0x1F870]  }
0x27d: {  	v7 =	vor.u32 v4, v7;
	_ =	sdelay $0x3  }
0x27e: {  	[tilespmem:v6+s2+$0x0] =	vst.idx.msk $0xffff, v5  }
0x27f: {  	v5 =	vld.idx.msk [tilespmem:v7+s4+$0x0], $0xffff;
	_ =	sdelay $0x4  }
0x280: {  	[tilespmem:$0x1F880] =	vst v5  }
0x281: {  	v6 =	vor.u32 v40, v2;
	v7 =	vor.u32 v39, v3;
	v5 =	vld [tilespmem:$0x1F880]  }
0x282: {  	v7 =	vor.u32 v4, v7;
	_ =	sdelay $0x3  }
0x283: {  	[tilespmem:v6+s2+$0x0] =	vst.idx.msk $0xffff, v5  }
0x284: {  	v5 =	vld.idx.msk [tilespmem:v7+s4+$0x0], $0xffff;
	_ =	sdelay $0x4  }
0x285: {  	[tilespmem:$0x1F890] =	vst v5;
	v5 =	vld [tilespmem:$0x1FA90];
	_ =	sdelay $0x4  }
0x286: {  	v7 =	vor.u32 v34, v3;
	v6 =	vor.u32 v5, v2;
	v5 =	vld [tilespmem:$0x1F890]  }
0x287: {  	v7 =	vor.u32 v4, v7;
	_ =	sdelay $0x3  }
0x288: {  	[tilespmem:v6+s2+$0x0] =	vst.idx.msk $0xffff, v5  }
0x289: {  	v5 =	vld.idx.msk [tilespmem:v7+s4+$0x0], $0xffff;
	_ =	sdelay $0x4  }
0x28a: {  	[tilespmem:$0x1F8A0] =	vst v5  }
0x28b: {  	v6 =	vor.u32 v49, v2;
	v7 =	vor.u32 v45, v3;
	v5 =	vld [tilespmem:$0x1F8A0]  }
0x28c: {  	v7 =	vor.u32 v4, v7;
	_ =	sdelay $0x3  }
0x28d: {  	[tilespmem:v6+s2+$0x0] =	vst.idx.msk $0xffff, v5  }
0x28e: {  	v5 =	vld.idx.msk [tilespmem:v7+s4+$0x0], $0xffff;
	_ =	sdelay $0x4  }
0x28f: {  	[tilespmem:$0x1F8B0] =	vst v5  }
0x290: {  	v6 =	vor.u32 v41, v2;
	v7 =	vor.u32 v53, v3;
	v5 =	vld [tilespmem:$0x1F8B0]  }
0x291: {  	v7 =	vor.u32 v4, v7;
	_ =	sdelay $0x3  }
0x292: {  	[tilespmem:v6+s2+$0x0] =	vst.idx.msk $0xffff, v5  }
0x293: {  	v5 =	vld.idx.msk [tilespmem:v7+s4+$0x0], $0xffff;
	_ =	sdelay $0x4  }
0x294: {  	[tilespmem:$0x1F8C0] =	vst v5  }
0x295: {  	v6 =	vor.u32 v43, v2;
	v7 =	vor.u32 v24, v3;
	v5 =	vld [tilespmem:$0x1F8C0]  }
0x296: {  	v7 =	vor.u32 v4, v7;
	_ =	sdelay $0x3  }
0x297: {  	[tilespmem:v6+s2+$0x0] =	vst.idx.msk $0xffff, v5  }
0x298: {  	v5 =	vld.idx.msk [tilespmem:v7+s4+$0x0], $0xffff;
	_ =	sdelay $0x4  }
0x299: {  	[tilespmem:$0x1F8D0] =	vst v5  }
0x29a: {  	v6 =	vor.u32 v52, v2;
	v7 =	vor.u32 v22, v3;
	v5 =	vld [tilespmem:$0x1F8D0]  }
0x29b: {  	v7 =	vor.u32 v4, v7;
	_ =	sdelay $0x3  }
0x29c: {  	[tilespmem:v6+s2+$0x0] =	vst.idx.msk $0xffff, v5  }
0x29d: {  	v5 =	vld.idx.msk [tilespmem:v7+s4+$0x0], $0xffff;
	_ =	sdelay $0x4  }
0x29e: {  	[tilespmem:$0x1F8E0] =	vst v5  }
0x29f: {  	v6 =	vor.u32 v15, v2;
	v7 =	vor.u32 v20, v3;
	v5 =	vld [tilespmem:$0x1F8E0]  }
0x2a0: {  	v7 =	vor.u32 v4, v7;
	_ =	sdelay $0x3  }
0x2a1: {  	[tilespmem:v6+s2+$0x0] =	vst.idx.msk $0xffff, v5  }
0x2a2: {  	v5 =	vld.idx.msk [tilespmem:v7+s4+$0x0], $0xffff;
	_ =	sdelay $0x4  }
0x2a3: {  	[tilespmem:$0x1F8F0] =	vst v5  }
0x2a4: {  	v6 =	vor.u32 v48, v2;
	v7 =	vor.u32 v18, v3;
	v5 =	vld [tilespmem:$0x1F8F0]  }
0x2a5: {  	v7 =	vor.u32 v4, v7;
	_ =	sdelay $0x3  }
0x2a6: {  	[tilespmem:v6+s2+$0x0] =	vst.idx.msk $0xffff, v5  }
0x2a7: {  	v5 =	vld.idx.msk [tilespmem:v7+s4+$0x0], $0xffff;
	_ =	sdelay $0x4  }
0x2a8: {  	[tilespmem:$0x1F900] =	vst v5  }
0x2a9: {  	v6 =	vor.u32 v54, v2;
	v7 =	vor.u32 v33, v3;
	v5 =	vld [tilespmem:$0x1F900]  }
0x2aa: {  	v7 =	vor.u32 v4, v7;
	_ =	sdelay $0x3  }
0x2ab: {  	[tilespmem:v6+s2+$0x0] =	vst.idx.msk $0xffff, v5  }
0x2ac: {  	v5 =	vld.idx.msk [tilespmem:v7+s4+$0x0], $0xffff;
	_ =	sdelay $0x4  }
0x2ad: {  	[tilespmem:$0x1F910] =	vst v5  }
0x2ae: {  	v6 =	vor.u32 v55, v2;
	v7 =	vor.u32 v16, v3;
	v5 =	vld [tilespmem:$0x1F910]  }
0x2af: {  	v7 =	vor.u32 v4, v7;
	_ =	sdelay $0x3  }
0x2b0: {  	[tilespmem:v6+s2+$0x0] =	vst.idx.msk $0xffff, v5  }
0x2b1: {  	v5 =	vld.idx.msk [tilespmem:v7+s4+$0x0], $0xffff;
	_ =	sdelay $0x4  }
0x2b2: {  	[tilespmem:$0x1F920] =	vst v5  }
0x2b3: {  	v6 =	vor.u32 v31, v2;
	v7 =	vor.u32 v21, v3;
	v5 =	vld [tilespmem:$0x1F920]  }
0x2b4: {  	v7 =	vor.u32 v4, v7;
	_ =	sdelay $0x3  }
0x2b5: {  	[tilespmem:v6+s2+$0x0] =	vst.idx.msk $0xffff, v5  }
0x2b6: {  	v5 =	vld.idx.msk [tilespmem:v7+s4+$0x0], $0xffff;
	_ =	sdelay $0x4  }
0x2b7: {  	[tilespmem:$0x1F930] =	vst v5  }
0x2b8: {  	v6 =	vor.u32 v57, v2;
	v7 =	vor.u32 v14, v3;
	v5 =	vld [tilespmem:$0x1F930]  }
0x2b9: {  	v7 =	vor.u32 v4, v7;
	_ =	sdelay $0x3  }
0x2ba: {  	[tilespmem:v6+s2+$0x0] =	vst.idx.msk $0xffff, v5  }
0x2bb: {  	v5 =	vld.idx.msk [tilespmem:v7+s4+$0x0], $0xffff;
	_ =	sdelay $0x4  }
0x2bc: {  	[tilespmem:$0x1F940] =	vst v5  }
0x2bd: {  	v6 =	vor.u32 v29, v2;
	v7 =	vor.u32 v25, v3;
	v5 =	vld [tilespmem:$0x1F940]  }
0x2be: {  	v7 =	vor.u32 v4, v7;
	_ =	sdelay $0x3  }
0x2bf: {  	[tilespmem:v6+s2+$0x0] =	vst.idx.msk $0xffff, v5  }
0x2c0: {  	v5 =	vld.idx.msk [tilespmem:v7+s4+$0x0], $0xffff;
	_ =	sdelay $0x4  }
0x2c1: {  	[tilespmem:$0x1F950] =	vst v5  }
0x2c2: {  	v6 =	vor.u32 v27, v2;
	v7 =	vor.u32 v12, v3;
	v5 =	vld [tilespmem:$0x1F950]  }
0x2c3: {  	v7 =	vor.u32 v4, v7;
	_ =	sdelay $0x3  }
0x2c4: {  	[tilespmem:v6+s2+$0x0] =	vst.idx.msk $0xffff, v5  }
0x2c5: {  	v5 =	vld.idx.msk [tilespmem:v7+s4+$0x0], $0xffff;
	_ =	sdelay $0x4  }
0x2c6: {  	[tilespmem:$0x1F960] =	vst v5  }
0x2c7: {  	v6 =	vor.u32 v60, v2;
	v7 =	vor.u32 v59, v3;
	v5 =	vld [tilespmem:$0x1F960]  }
0x2c8: {  	v7 =	vor.u32 v4, v7;
	_ =	sdelay $0x3  }
0x2c9: {  	[tilespmem:v6+s2+$0x0] =	vst.idx.msk $0xffff, v5  }
0x2ca: {  	v5 =	vld.idx.msk [tilespmem:v7+s4+$0x0], $0xffff;
	_ =	sdelay $0x4  }
0x2cb: {  	[tilespmem:$0x1F970] =	vst v5  }
0x2cc: {  	v6 =	vor.u32 v61, v2;
	v7 =	vor.u32 v10, v3;
	v5 =	vld [tilespmem:$0x1F970]  }
0x2cd: {  	v7 =	vor.u32 v4, v7;
	_ =	sdelay $0x3  }
0x2ce: {  	[tilespmem:v6+s2+$0x0] =	vst.idx.msk $0xffff, v5  }
0x2cf: {  	v5 =	vld.idx.msk [tilespmem:v7+s4+$0x0], $0xffff;
	_ =	sdelay $0x4  }
0x2d0: {  	[tilespmem:$0x1F980] =	vst v5  }
0x2d1: {  	v6 =	vor.u32 v62, v2;
	v7 =	vor.u32 v58, v3;
	v5 =	vld [tilespmem:$0x1F980]  }
0x2d2: {  	v7 =	vor.u32 v4, v7;
	_ =	sdelay $0x3  }
0x2d3: {  	[tilespmem:v6+s2+$0x0] =	vst.idx.msk $0xffff, v5  }
0x2d4: {  	v5 =	vld.idx.msk [tilespmem:v7+s4+$0x0], $0xffff;
	_ =	sdelay $0x4  }
0x2d5: {  	[tilespmem:$0x1F990] =	vst v5  }
0x2d6: {  	v6 =	vor.u32 v63, v2;
	v7 =	vor.u32 v23, v3;
	v5 =	vld [tilespmem:$0x1F990]  }
0x2d7: {  	v7 =	vor.u32 v4, v7;
	_ =	sdelay $0x3  }
0x2d8: {  	[tilespmem:v6+s2+$0x0] =	vst.idx.msk $0xffff, v5  }
0x2d9: {  	v3 =	vor.u32 v56, v3;
	v6 =	vor.u32 v0, v2;
	v5 =	vld.idx.msk [tilespmem:v7+s4+$0x0], $0xffff  }
0x2da: {  	[tilespmem:$0x1F9A0] =	vst v51;
	v3 =	vor.u32 v4, v3  }
0x2db: {  	[tilespmem:$0x1F9B0] =	vst v9  }
0x2dc: {  	[tilespmem:$0x1F9C0] =	vst v36  }
0x2dd: {  	[tilespmem:$0x1F9D0] =	vst v50  }
0x2de: {  	[tilespmem:v6+s2+$0x0] =	vst.idx.msk $0xffff, v5  }
0x2df: {  	[tilespmem:$0x1F9E0] =	vst v44;
	v2 =	vor.u32 v1, v2;
	v3 =	vld.idx.msk [tilespmem:v3+s4+$0x0], $0xffff  }
0x2e0: {  	[tilespmem:$0x1F9F0] =	vst v38  }
0x2e1: {  	[tilespmem:$0x1FA00] =	vst v40  }
0x2e2: {  	[tilespmem:$0x1FA10] =	vst v49  }
0x2e3: {  	[tilespmem:$0x1FA20] =	vst v41;
	s18 =	sshll.u32 s16, $0xB;
	p2 =	sgt.u32 s16, $0x780  }
0x2e4: {  	s16 =	simm.s32 @!p2 $0x400;
	s10 =	sadd.s32 s7, s18;
	s5 =	sadd.s32 @!p2 $0x4000, s17;
	[tilespmem:v2+s2+$0x0] =	vst.idx.msk $0xffff, v3  }
0x2e5: {  	[hbm4b:s10+s4] =	stream.linear.scatter [tilespmem:s2], [sflag:$0x3], $0x4000, $0x38;
	[tilespmem:$0x10000] =	vst v63  }
0x2e6: {  	[tilespmem:$0x1FA30] =	vst v43;
	s19 =	simm.s32 @!p2 $0x0;
	s17 =	simm.s32 @!p2 $0x7A1400;
	s10 =	sadd.s32 @!p2 s0, s5  }
0x2e7: {  	[tilespmem:s19], [sflag:$0x1] =	stream.strided.gather @!p2 [hbm4b:s10+s16], $0x1000, s17, s16, $0x38;
	[tilespmem:$0x10000] =	vst v63  }
0x2e8: {  	[tilespmem:$0x1FA40] =	vst v52;
	s10 =	sadd.s32 @!p2 s5, s11;
	s19 =	simm.s32 @!p2 $0x1000  }
0x2e9: {  	[tilespmem:s19], [sflag:$0x1] =	stream.strided.gather @!p2 [hbm4b:s10+s16], $0x1000, s17, s16, $0x38;
	[tilespmem:$0x10000] =	vst v63  }
0x2ea: {  	[tilespmem:$0x1FA50] =	vst v15;
	s10 =	sadd.s32 @!p2 s5, s12;
	s19 =	simm.s32 @!p2 $0x2000  }
0x2eb: {  	[tilespmem:s19], [sflag:$0x1] =	stream.strided.gather @!p2 [hbm4b:s10+s16], $0x1000, s17, s16, $0x38;
	[tilespmem:$0x10000] =	vst v63  }
0x2ec: {  	[tilespmem:$0x1FA60] =	vst v48;
	s5 =	sadd.s32 @!p2 s5, s13;
	s10 =	simm.s32 @!p2 $0x3000  }
0x2ed: {  	[tilespmem:s10], [sflag:$0x1] =	stream.strided.gather @!p2 [hbm4b:s5+s16], $0x1000, s17, s16, $0x38;
	[tilespmem:$0x10000] =	vst v63  }
0x2ee: {  	_ =	swait.ge [sflag:s25], $0x1000  }
0x2ef: {  	[sflag:s25] =	ssyncset.done $0x0  }
0x2f0: {  	[sflag:s25] =	ssyncadd.s32 $0xFFFFF000  }
0x2f1: {  	_ =	swait.ge [sflag:s25], $0x1000  }
0x2f2: {  	[sflag:s25] =	ssyncset.done $0x0  }
0x2f3: {  	[sflag:s25] =	ssyncadd.s32 $0xFFFFF000  }
0x2f4: {  	_ =	swait.ge [sflag:s25], $0x1000  }
0x2f5: {  	s19 =	simm.s32 $0x0;
	[sflag:s25] =	ssyncset.done $0x0  }
0x2f6: {  	s24 =	sand.u32 $0x60, s19;
	[sflag:s25] =	ssyncadd.s32 $0xFFFFF000  }
0x2f7: {  	v2 =	vmov s24;
	_ =	swait.ge [sflag:s25], $0x1000  }
0x2f8: {  	v4 =	vshll.u32 v2, $0x7;
	v2 =	vld [tilespmem:$0x1FDD0];
	[sflag:s25] =	ssyncset.done $0x0  }
0x2f9: {  	s16 =	simm.s32 @!p1 $0x4;
	[sflag:s25] =	ssyncadd.s32 $0xFFFFF000  }
0x2fa: {  	_ =	swait.ge @!p1 [sflag:s16], $0x4000  }
0x2fb: {  	s5 =	sand.u32 $0x7, s19;
	v6 =	vld [tilespmem:$0x1FE50]  }
0x2fc: {  	s28 =	sshll.u32 s5, $0x4;
	s5 =	sshll.u32 s5, $0x2  }
0x2fd: {  	v3 =	vor.u32 s28, v8;
	s5 =	sor.u32 s5, s24;
	v2 =	vor.u32 v2, v4  }
0x2fe: {  	v5 =	vor.u32 v3, v2;
	v2 =	vmov s5  }
0x2ff: {  	v7 =	vld [tilespmem:$0x1FE40];
	v2 =	vshll.u32 v2, $0x7  }
0x300: {  	v2 =	vor.u32 v6, v2;
	v6 =	vld [tilespmem:$0x1FDB0];
	_ =	sdelay $0x2  }
0x301: {  	[sflag:s16] =	ssyncset.done @!p1 $0x0  }
0x302: {  	[sflag:s16] =	ssyncadd.s32 @!p1 $0xFFFFC000  }
0x303: {  	v7 =	vor.u32 v7, v4;
	v5 =	vld.idx.msk [tilespmem:v5+s29+$0x0], $0xffff;
	v6 =	vor.u32 v6, v2  }
0x304: {  	v7 =	vor.u32 v3, v7;
	_ =	sdelay $0x3  }
0x305: {  	[tilespmem:v6+s26+$0x0] =	vst.idx.msk $0xffff, v5;
	v6 =	vld [tilespmem:$0x1FE00]  }
0x306: {  	v5 =	vld.idx.msk [tilespmem:v7+s29+$0x0], $0xffff  }
0x307: {  	v7 =	vld [tilespmem:$0x1FE30];
	_ =	sdelay $0x4  }
0x308: {  	v6 =	vor.u32 v6, v2;
	v7 =	vor.u32 v7, v4  }
0x309: {  	v7 =	vor.u32 v3, v7;
	_ =	sdelay $0x3  }
0x30a: {  	[tilespmem:v6+s26+$0x0] =	vst.idx.msk $0xffff, v5;
	v6 =	vld [tilespmem:$0x1FE20]  }
0x30b: {  	v5 =	vld.idx.msk [tilespmem:v7+s29+$0x0], $0xffff  }
0x30c: {  	v7 =	vld [tilespmem:$0x1FDF0];
	_ =	sdelay $0x4  }
0x30d: {  	v6 =	vor.u32 v6, v2;
	v7 =	vor.u32 v7, v4  }
0x30e: {  	v7 =	vor.u32 v3, v7;
	_ =	sdelay $0x3  }
0x30f: {  	[tilespmem:v6+s26+$0x0] =	vst.idx.msk $0xffff, v5;
	v6 =	vld [tilespmem:$0x1FE10]  }
0x310: {  	v5 =	vld.idx.msk [tilespmem:v7+s29+$0x0], $0xffff  }
0x311: {  	v7 =	vld [tilespmem:$0x1FDE0];
	_ =	sdelay $0x4  }
0x312: {  	v6 =	vor.u32 v6, v2;
	v7 =	vor.u32 v7, v4  }
0x313: {  	v7 =	vor.u32 v3, v7;
	_ =	sdelay $0x3  }
0x314: {  	[tilespmem:v6+s26+$0x0] =	vst.idx.msk $0xffff, v5;
	v6 =	vld [tilespmem:$0x1FA70]  }
0x315: {  	v5 =	vld.idx.msk [tilespmem:v7+s29+$0x0], $0xffff  }
0x316: {  	v7 =	vld [tilespmem:$0x1FDC0];
	_ =	sdelay $0x4  }
0x317: {  	v6 =	vor.u32 v6, v2;
	v7 =	vor.u32 v7, v4  }
0x318: {  	v7 =	vor.u32 v3, v7;
	_ =	sdelay $0x3  }
0x319: {  	[tilespmem:v6+s26+$0x0] =	vst.idx.msk $0xffff, v5;
	v6 =	vld [tilespmem:$0x1FA80]  }
0x31a: {  	v5 =	vld.idx.msk [tilespmem:v7+s29+$0x0], $0xffff  }
0x31b: {  	v7 =	vld [tilespmem:$0x1FFE0];
	_ =	sdelay $0x4  }
0x31c: {  	v6 =	vor.u32 v6, v2;
	v7 =	vor.u32 v7, v4  }
0x31d: {  	v7 =	vor.u32 v3, v7;
	_ =	sdelay $0x3  }
0x31e: {  	[tilespmem:v6+s26+$0x0] =	vst.idx.msk $0xffff, v5;
	v6 =	vld [tilespmem:$0x1F9A0]  }
0x31f: {  	v5 =	vld.idx.msk [tilespmem:v7+s29+$0x0], $0xffff  }
0x320: {  	v7 =	vld [tilespmem:$0x1FFD0];
	_ =	sdelay $0x4  }
0x321: {  	v6 =	vor.u32 v6, v2;
	v7 =	vor.u32 v7, v4  }
0x322: {  	v7 =	vor.u32 v3, v7;
	_ =	sdelay $0x3  }
0x323: {  	[tilespmem:v6+s26+$0x0] =	vst.idx.msk $0xffff, v5;
	v6 =	vld [tilespmem:$0x1F9B0]  }
0x324: {  	v5 =	vld.idx.msk [tilespmem:v7+s29+$0x0], $0xffff  }
0x325: {  	v7 =	vld [tilespmem:$0x1FFC0];
	_ =	sdelay $0x4  }
0x326: {  	v6 =	vor.u32 v6, v2;
	v7 =	vor.u32 v7, v4  }
0x327: {  	v7 =	vor.u32 v3, v7;
	_ =	sdelay $0x3  }
0x328: {  	[tilespmem:v6+s26+$0x0] =	vst.idx.msk $0xffff, v5;
	v6 =	vld [tilespmem:$0x1F9C0]  }
0x329: {  	v5 =	vld.idx.msk [tilespmem:v7+s29+$0x0], $0xffff  }
0x32a: {  	v7 =	vld [tilespmem:$0x1FFB0];
	_ =	sdelay $0x4  }
0x32b: {  	v6 =	vor.u32 v6, v2;
	v7 =	vor.u32 v7, v4  }
0x32c: {  	v7 =	vor.u32 v3, v7;
	_ =	sdelay $0x3  }
0x32d: {  	[tilespmem:v6+s26+$0x0] =	vst.idx.msk $0xffff, v5;
	v6 =	vld [tilespmem:$0x1F9D0]  }
0x32e: {  	v5 =	vld.idx.msk [tilespmem:v7+s29+$0x0], $0xffff  }
0x32f: {  	v7 =	vld [tilespmem:$0x1FFA0];
	_ =	sdelay $0x4  }
0x330: {  	v6 =	vor.u32 v6, v2;
	v7 =	vor.u32 v7, v4  }
0x331: {  	v7 =	vor.u32 v3, v7;
	_ =	sdelay $0x3  }
0x332: {  	[tilespmem:v6+s26+$0x0] =	vst.idx.msk $0xffff, v5;
	v6 =	vld [tilespmem:$0x1F9E0]  }
0x333: {  	v5 =	vld.idx.msk [tilespmem:v7+s29+$0x0], $0xffff  }
0x334: {  	v7 =	vld [tilespmem:$0x1FF90];
	_ =	sdelay $0x4  }
0x335: {  	v6 =	vor.u32 v6, v2;
	v7 =	vor.u32 v7, v4  }
0x336: {  	v7 =	vor.u32 v3, v7;
	_ =	sdelay $0x3  }
0x337: {  	[tilespmem:v6+s26+$0x0] =	vst.idx.msk $0xffff, v5;
	v6 =	vld [tilespmem:$0x1F9F0]  }
0x338: {  	v5 =	vld.idx.msk [tilespmem:v7+s29+$0x0], $0xffff  }
0x339: {  	v7 =	vld [tilespmem:$0x1FF80];
	_ =	sdelay $0x4  }
0x33a: {  	v6 =	vor.u32 v6, v2;
	v7 =	vor.u32 v7, v4  }
0x33b: {  	v7 =	vor.u32 v3, v7;
	_ =	sdelay $0x3  }
0x33c: {  	[tilespmem:v6+s26+$0x0] =	vst.idx.msk $0xffff, v5;
	v6 =	vld [tilespmem:$0x1FA00]  }
0x33d: {  	v5 =	vld.idx.msk [tilespmem:v7+s29+$0x0], $0xffff  }
0x33e: {  	v7 =	vld [tilespmem:$0x1FF70];
	_ =	sdelay $0x4  }
0x33f: {  	v6 =	vor.u32 v6, v2;
	v7 =	vor.u32 v7, v4  }
0x340: {  	v7 =	vor.u32 v3, v7;
	_ =	sdelay $0x3  }
0x341: {  	[tilespmem:v6+s26+$0x0] =	vst.idx.msk $0xffff, v5;
	v6 =	vld [tilespmem:$0x1FA90]  }
0x342: {  	v5 =	vld.idx.msk [tilespmem:v7+s29+$0x0], $0xffff  }
0x343: {  	v7 =	vld [tilespmem:$0x1FF60];
	_ =	sdelay $0x4  }
0x344: {  	v6 =	vor.u32 v6, v2;
	v7 =	vor.u32 v7, v4  }
0x345: {  	v7 =	vor.u32 v3, v7;
	_ =	sdelay $0x3  }
0x346: {  	[tilespmem:v6+s26+$0x0] =	vst.idx.msk $0xffff, v5;
	v6 =	vld [tilespmem:$0x1FA10]  }
0x347: {  	v5 =	vld.idx.msk [tilespmem:v7+s29+$0x0], $0xffff  }
0x348: {  	v7 =	vld [tilespmem:$0x1FF50];
	_ =	sdelay $0x4  }
0x349: {  	v6 =	vor.u32 v6, v2;
	v7 =	vor.u32 v7, v4  }
0x34a: {  	v7 =	vor.u32 v3, v7;
	_ =	sdelay $0x3  }
0x34b: {  	[tilespmem:v6+s26+$0x0] =	vst.idx.msk $0xffff, v5;
	v6 =	vld [tilespmem:$0x1FA20]  }
0x34c: {  	v5 =	vld.idx.msk [tilespmem:v7+s29+$0x0], $0xffff  }
0x34d: {  	v7 =	vld [tilespmem:$0x1FE60];
	_ =	sdelay $0x4  }
0x34e: {  	v6 =	vor.u32 v6, v2;
	v7 =	vor.u32 v7, v4  }
0x34f: {  	v7 =	vor.u32 v3, v7;
	_ =	sdelay $0x3  }
0x350: {  	[tilespmem:v6+s26+$0x0] =	vst.idx.msk $0xffff, v5;
	v6 =	vld [tilespmem:$0x1FA30]  }
0x351: {  	v5 =	vld.idx.msk [tilespmem:v7+s29+$0x0], $0xffff  }
0x352: {  	v7 =	vld [tilespmem:$0x1FF40];
	_ =	sdelay $0x4  }
0x353: {  	v6 =	vor.u32 v6, v2;
	v7 =	vor.u32 v7, v4  }
0x354: {  	v7 =	vor.u32 v3, v7;
	_ =	sdelay $0x3  }
0x355: {  	[tilespmem:v6+s26+$0x0] =	vst.idx.msk $0xffff, v5;
	v6 =	vld [tilespmem:$0x1FA40]  }
0x356: {  	v5 =	vld.idx.msk [tilespmem:v7+s29+$0x0], $0xffff  }
0x357: {  	v7 =	vld [tilespmem:$0x1FF30];
	_ =	sdelay $0x4  }
0x358: {  	v6 =	vor.u32 v6, v2;
	v7 =	vor.u32 v7, v4  }
0x359: {  	v7 =	vor.u32 v3, v7;
	_ =	sdelay $0x3  }
0x35a: {  	[tilespmem:v6+s26+$0x0] =	vst.idx.msk $0xffff, v5;
	v6 =	vld [tilespmem:$0x1FA50]  }
0x35b: {  	v5 =	vld.idx.msk [tilespmem:v7+s29+$0x0], $0xffff  }
0x35c: {  	v7 =	vld [tilespmem:$0x1FF20];
	_ =	sdelay $0x4  }
0x35d: {  	v6 =	vor.u32 v6, v2;
	v7 =	vor.u32 v7, v4  }
0x35e: {  	v7 =	vor.u32 v3, v7;
	_ =	sdelay $0x3  }
0x35f: {  	[tilespmem:v6+s26+$0x0] =	vst.idx.msk $0xffff, v5;
	v6 =	vld [tilespmem:$0x1FA60]  }
0x360: {  	v5 =	vld.idx.msk [tilespmem:v7+s29+$0x0], $0xffff  }
0x361: {  	v7 =	vld [tilespmem:$0x1FF10];
	_ =	sdelay $0x4  }
0x362: {  	v6 =	vor.u32 v6, v2;
	v7 =	vor.u32 v7, v4  }
0x363: {  	v7 =	vor.u32 v3, v7;
	_ =	sdelay $0x3  }
0x364: {  	[tilespmem:v6+s26+$0x0] =	vst.idx.msk $0xffff, v5  }
0x365: {  	v5 =	vld.idx.msk [tilespmem:v7+s29+$0x0], $0xffff  }
0x366: {  	v7 =	vld [tilespmem:$0x1FEB0];
	_ =	sdelay $0x4  }
0x367: {  	v6 =	vor.u32 v54, v2;
	v7 =	vor.u32 v7, v4  }
0x368: {  	v7 =	vor.u32 v3, v7;
	_ =	sdelay $0x3  }
0x369: {  	[tilespmem:v6+s26+$0x0] =	vst.idx.msk $0xffff, v5  }
0x36a: {  	v5 =	vld.idx.msk [tilespmem:v7+s29+$0x0], $0xffff  }
0x36b: {  	v7 =	vld [tilespmem:$0x1FF00];
	_ =	sdelay $0x4  }
0x36c: {  	v6 =	vor.u32 v55, v2;
	v7 =	vor.u32 v7, v4  }
0x36d: {  	v7 =	vor.u32 v3, v7;
	_ =	sdelay $0x3  }
0x36e: {  	[tilespmem:v6+s26+$0x0] =	vst.idx.msk $0xffff, v5  }
0x36f: {  	v5 =	vld.idx.msk [tilespmem:v7+s29+$0x0], $0xffff  }
0x370: {  	v7 =	vld [tilespmem:$0x1FEA0];
	_ =	sdelay $0x4  }
0x371: {  	v6 =	vor.u32 v31, v2;
	v7 =	vor.u32 v7, v4  }
0x372: {  	v7 =	vor.u32 v3, v7;
	_ =	sdelay $0x3  }
0x373: {  	[tilespmem:v6+s26+$0x0] =	vst.idx.msk $0xffff, v5  }
0x374: {  	v5 =	vld.idx.msk [tilespmem:v7+s29+$0x0], $0xffff  }
0x375: {  	v7 =	vld [tilespmem:$0x1FEF0];
	_ =	sdelay $0x4  }
0x376: {  	v6 =	vor.u32 v57, v2;
	v7 =	vor.u32 v7, v4  }
0x377: {  	v7 =	vor.u32 v3, v7;
	_ =	sdelay $0x3  }
0x378: {  	[tilespmem:v6+s26+$0x0] =	vst.idx.msk $0xffff, v5  }
0x379: {  	v5 =	vld.idx.msk [tilespmem:v7+s29+$0x0], $0xffff  }
0x37a: {  	v7 =	vld [tilespmem:$0x1FE90];
	_ =	sdelay $0x4  }
0x37b: {  	v6 =	vor.u32 v29, v2;
	v7 =	vor.u32 v7, v4  }
0x37c: {  	v7 =	vor.u32 v3, v7;
	_ =	sdelay $0x3  }
0x37d: {  	[tilespmem:v6+s26+$0x0] =	vst.idx.msk $0xffff, v5  }
0x37e: {  	v5 =	vld.idx.msk [tilespmem:v7+s29+$0x0], $0xffff  }
0x37f: {  	v7 =	vld [tilespmem:$0x1FEE0];
	_ =	sdelay $0x4  }
0x380: {  	v6 =	vor.u32 v27, v2;
	v7 =	vor.u32 v7, v4  }
0x381: {  	v7 =	vor.u32 v3, v7;
	_ =	sdelay $0x3  }
0x382: {  	[tilespmem:v6+s26+$0x0] =	vst.idx.msk $0xffff, v5  }
0x383: {  	v5 =	vld.idx.msk [tilespmem:v7+s29+$0x0], $0xffff  }
0x384: {  	v7 =	vld [tilespmem:$0x1FE80];
	_ =	sdelay $0x4  }
0x385: {  	v6 =	vor.u32 v60, v2;
	v7 =	vor.u32 v7, v4  }
0x386: {  	v7 =	vor.u32 v3, v7;
	_ =	sdelay $0x3  }
0x387: {  	[tilespmem:v6+s26+$0x0] =	vst.idx.msk $0xffff, v5  }
0x388: {  	v5 =	vld.idx.msk [tilespmem:v7+s29+$0x0], $0xffff  }
0x389: {  	v7 =	vld [tilespmem:$0x1FED0];
	_ =	sdelay $0x4  }
0x38a: {  	v6 =	vor.u32 v61, v2;
	v7 =	vor.u32 v7, v4  }
0x38b: {  	v7 =	vor.u32 v3, v7;
	_ =	sdelay $0x3  }
0x38c: {  	[tilespmem:v6+s26+$0x0] =	vst.idx.msk $0xffff, v5  }
0x38d: {  	v5 =	vld.idx.msk [tilespmem:v7+s29+$0x0], $0xffff  }
0x38e: {  	v7 =	vld [tilespmem:$0x1FE70];
	_ =	sdelay $0x4  }
0x38f: {  	v6 =	vor.u32 v62, v2;
	v7 =	vor.u32 v7, v4  }
0x390: {  	v7 =	vor.u32 v3, v7;
	_ =	sdelay $0x3  }
0x391: {  	[tilespmem:v6+s26+$0x0] =	vst.idx.msk $0xffff, v5  }
0x392: {  	v5 =	vld.idx.msk [tilespmem:v7+s29+$0x0], $0xffff  }
0x393: {  	v6 =	vor.u32 v63, v2;
	v7 =	vld [tilespmem:$0x1FEC0];
	_ =	sdelay $0x4  }
0x394: {  	v7 =	vor.u32 v7, v4;
	[tilespmem:v6+s26+$0x0] =	vst.idx.msk $0xffff, v5;
	v5 =	vld [tilespmem:$0x1FFF0]  }
0x395: {  	v7 =	vor.u32 v3, v7;
	_ =	sdelay $0x3  }
0x396: {  	s16 =	simm.s32 $0x4;
	v4 =	vor.u32 v5, v4  }
0x397: {  	s17 =	simm.s32 $0x1;
	s19 =	simm.s32 $0x2;
	s24 =	sand.u32 $0x60, s16;
	v6 =	vor.u32 v0, v2;
	v5 =	vld.idx.msk [tilespmem:v7+s29+$0x0], $0xffff;
	v4 =	vor.u32 v3, v4  }
.LBB2_6:
0x398: {  	_ =	sdelay $0x3  }
0x399: {  	[tilespmem:v6+s26+$0x0] =	vst.idx.msk $0xffff, v5;
	v6 =	vld [tilespmem:$0x1FDD0];
	_ =	sdelay $0x2  }
0x39a: {  	s5 =	sand.u32 $0x7, s17;
	v3 =	vmov s24  }
0x39b: {  	s10 =	sshll.u32 s5, $0x4;
	v3 =	vshll.u32 v3, $0x7  }
0x39c: {  	v2 =	vor.u32 v1, v2;
	v5 =	vld.idx.msk [tilespmem:v4+s29+$0x0], $0xffff;
	v4 =	vor.u32 s10, v8;
	v6 =	vor.u32 v6, v3  }
0x39d: {  	v6 =	vor.u32 v4, v6;
	_ =	sdelay $0x3  }
0x39e: {  	[tilespmem:v2+s26+$0x0] =	vst.idx.msk $0xffff, v5  }
0x39f: {  	v5 =	vld.idx.msk [tilespmem:v6+s29+$0x0], $0xffff  }
0x3a0: {  	s5 =	sshll.u32 s5, $0x2;
	v6 =	vld [tilespmem:$0x1FDB0]  }
0x3a1: {  	s5 =	sor.u32 s5, s24  }
0x3a2: {  	v7 =	vmov s5  }
0x3a3: {  	v7 =	vshll.u32 v7, $0x7  }
0x3a4: {  	v2 =	vor.u32 v13, v7  }
0x3a5: {  	v7 =	vor.u32 v11, v3;
	v6 =	vor.u32 v6, v2  }
0x3a6: {  	v7 =	vor.u32 v4, v7;
	_ =	sdelay $0x3  }
0x3a7: {  	[tilespmem:v6+s26+$0x0] =	vst.idx.msk $0xffff, v5  }
0x3a8: {  	v6 =	vor.u32 v42, v2;
	v5 =	vld.idx.msk [tilespmem:v7+s29+$0x0], $0xffff;
	v7 =	vor.u32 v35, v3  }
0x3a9: {  	v7 =	vor.u32 v4, v7;
	_ =	sdelay $0x3  }
0x3aa: {  	[tilespmem:v6+s26+$0x0] =	vst.idx.msk $0xffff, v5  }
0x3ab: {  	v5 =	vld.idx.msk [tilespmem:v7+s29+$0x0], $0xffff  }
0x3ac: {  	v7 =	vld [tilespmem:$0x1FDF0];
	_ =	sdelay $0x4  }
0x3ad: {  	v6 =	vor.u32 v19, v2;
	v7 =	vor.u32 v7, v3  }
0x3ae: {  	v7 =	vor.u32 v4, v7;
	_ =	sdelay $0x3  }
0x3af: {  	[tilespmem:v6+s26+$0x0] =	vst.idx.msk $0xffff, v5  }
0x3b0: {  	v5 =	vld.idx.msk [tilespmem:v7+s29+$0x0], $0xffff  }
0x3b1: {  	v7 =	vld [tilespmem:$0x1FDE0];
	_ =	sdelay $0x2  }
0x3b2: {  	v6 =	vor.u32 v17, v2;
	_ =	sdelay $0x1  }
0x3b3: {  	v7 =	vor.u32 v7, v3  }
0x3b4: {  	v7 =	vor.u32 v4, v7;
	_ =	sdelay $0x1  }
0x3b5: {  	[tilespmem:v6+s26+$0x0] =	vst.idx.msk $0xffff, v5;
	v6 =	vld [tilespmem:$0x1FA70];
	_ =	sdelay $0x2  }
0x3b6: {  	v5 =	vld.idx.msk [tilespmem:v7+s29+$0x0], $0xffff  }
0x3b7: {  	v7 =	vld [tilespmem:$0x1FDC0]  }
0x3b8: {  	v6 =	vor.u32 v6, v2;
	_ =	sdelay $0x3  }
0x3b9: {  	v7 =	vor.u32 v7, v3  }
0x3ba: {  	[tilespmem:v6+s26+$0x0] =	vst.idx.msk $0xffff, v5;
	v6 =	vld [tilespmem:$0x1FA80];
	v7 =	vor.u32 v4, v7;
	_ =	sdelay $0x4  }
0x3bb: {  	v6 =	vor.u32 v6, v2;
	v5 =	vld.idx.msk [tilespmem:v7+s29+$0x0], $0xffff;
	v7 =	vor.u32 v47, v3  }
0x3bc: {  	v7 =	vor.u32 v4, v7;
	_ =	sdelay $0x3  }
0x3bd: {  	[tilespmem:v6+s26+$0x0] =	vst.idx.msk $0xffff, v5  }
0x3be: {  	v6 =	vor.u32 v51, v2;
	v5 =	vld.idx.msk [tilespmem:v7+s29+$0x0], $0xffff;
	v7 =	vor.u32 v30, v3  }
0x3bf: {  	v7 =	vor.u32 v4, v7;
	_ =	sdelay $0x3  }
0x3c0: {  	[tilespmem:v6+s26+$0x0] =	vst.idx.msk $0xffff, v5  }
0x3c1: {  	v6 =	vor.u32 v9, v2;
	v5 =	vld.idx.msk [tilespmem:v7+s29+$0x0], $0xffff;
	v7 =	vor.u32 v46, v3  }
0x3c2: {  	v7 =	vor.u32 v4, v7;
	_ =	sdelay $0x3  }
0x3c3: {  	[tilespmem:v6+s26+$0x0] =	vst.idx.msk $0xffff, v5  }
0x3c4: {  	v6 =	vor.u32 v36, v2;
	v5 =	vld.idx.msk [tilespmem:v7+s29+$0x0], $0xffff;
	v7 =	vor.u32 v28, v3  }
0x3c5: {  	v7 =	vor.u32 v4, v7;
	_ =	sdelay $0x3  }
0x3c6: {  	[tilespmem:v6+s26+$0x0] =	vst.idx.msk $0xffff, v5  }
0x3c7: {  	v6 =	vor.u32 v50, v2;
	v5 =	vld.idx.msk [tilespmem:v7+s29+$0x0], $0xffff;
	v7 =	vor.u32 v37, v3  }
0x3c8: {  	v7 =	vor.u32 v4, v7;
	_ =	sdelay $0x3  }
0x3c9: {  	[tilespmem:v6+s26+$0x0] =	vst.idx.msk $0xffff, v5  }
0x3ca: {  	v6 =	vor.u32 v44, v2;
	v5 =	vld.idx.msk [tilespmem:v7+s29+$0x0], $0xffff;
	v7 =	vor.u32 v26, v3  }
0x3cb: {  	v7 =	vor.u32 v4, v7;
	_ =	sdelay $0x3  }
0x3cc: {  	[tilespmem:v6+s26+$0x0] =	vst.idx.msk $0xffff, v5  }
0x3cd: {  	v6 =	vor.u32 v38, v2;
	v5 =	vld.idx.msk [tilespmem:v7+s29+$0x0], $0xffff;
	v7 =	vor.u32 v32, v3  }
0x3ce: {  	v7 =	vor.u32 v4, v7;
	_ =	sdelay $0x3  }
0x3cf: {  	[tilespmem:v6+s26+$0x0] =	vst.idx.msk $0xffff, v5  }
0x3d0: {  	v6 =	vor.u32 v40, v2;
	v5 =	vld.idx.msk [tilespmem:v7+s29+$0x0], $0xffff;
	_ =	sdelay $0x3  }
0x3d1: {  	v7 =	vor.u32 v39, v3  }
0x3d2: {  	v7 =	vor.u32 v4, v7;
	[tilespmem:v6+s26+$0x0] =	vst.idx.msk $0xffff, v5;
	v6 =	vld [tilespmem:$0x1FA90];
	_ =	sdelay $0x4  }
0x3d3: {  	v5 =	vld.idx.msk [tilespmem:v7+s29+$0x0], $0xffff;
	v7 =	vor.u32 v34, v3;
	v6 =	vor.u32 v6, v2  }
0x3d4: {  	v7 =	vor.u32 v4, v7;
	_ =	sdelay $0x3  }
0x3d5: {  	[tilespmem:v6+s26+$0x0] =	vst.idx.msk $0xffff, v5  }
0x3d6: {  	v6 =	vor.u32 v49, v2;
	v5 =	vld.idx.msk [tilespmem:v7+s29+$0x0], $0xffff;
	v7 =	vor.u32 v45, v3  }
0x3d7: {  	v7 =	vor.u32 v4, v7;
	_ =	sdelay $0x3  }
0x3d8: {  	[tilespmem:v6+s26+$0x0] =	vst.idx.msk $0xffff, v5  }
0x3d9: {  	v6 =	vor.u32 v41, v2;
	v5 =	vld.idx.msk [tilespmem:v7+s29+$0x0], $0xffff;
	v7 =	vor.u32 v53, v3  }
0x3da: {  	v7 =	vor.u32 v4, v7;
	_ =	sdelay $0x3  }
0x3db: {  	[tilespmem:v6+s26+$0x0] =	vst.idx.msk $0xffff, v5  }
0x3dc: {  	v6 =	vor.u32 v43, v2;
	v5 =	vld.idx.msk [tilespmem:v7+s29+$0x0], $0xffff;
	v7 =	vor.u32 v24, v3  }
0x3dd: {  	v7 =	vor.u32 v4, v7;
	_ =	sdelay $0x3  }
0x3de: {  	[tilespmem:v6+s26+$0x0] =	vst.idx.msk $0xffff, v5  }
0x3df: {  	v6 =	vor.u32 v52, v2;
	v5 =	vld.idx.msk [tilespmem:v7+s29+$0x0], $0xffff;
	v7 =	vor.u32 v22, v3  }
0x3e0: {  	v7 =	vor.u32 v4, v7;
	_ =	sdelay $0x3  }
0x3e1: {  	[tilespmem:v6+s26+$0x0] =	vst.idx.msk $0xffff, v5  }
0x3e2: {  	v6 =	vor.u32 v15, v2;
	v5 =	vld.idx.msk [tilespmem:v7+s29+$0x0], $0xffff;
	v7 =	vor.u32 v20, v3  }
0x3e3: {  	v7 =	vor.u32 v4, v7;
	_ =	sdelay $0x3  }
0x3e4: {  	[tilespmem:v6+s26+$0x0] =	vst.idx.msk $0xffff, v5  }
0x3e5: {  	v6 =	vor.u32 v48, v2;
	v5 =	vld.idx.msk [tilespmem:v7+s29+$0x0], $0xffff;
	v7 =	vor.u32 v18, v3  }
0x3e6: {  	v7 =	vor.u32 v4, v7;
	_ =	sdelay $0x3  }
0x3e7: {  	[tilespmem:v6+s26+$0x0] =	vst.idx.msk $0xffff, v5  }
0x3e8: {  	v6 =	vor.u32 v54, v2;
	v5 =	vld.idx.msk [tilespmem:v7+s29+$0x0], $0xffff;
	v7 =	vor.u32 v33, v3  }
0x3e9: {  	v7 =	vor.u32 v4, v7;
	_ =	sdelay $0x3  }
0x3ea: {  	[tilespmem:v6+s26+$0x0] =	vst.idx.msk $0xffff, v5  }
0x3eb: {  	v6 =	vor.u32 v55, v2;
	v5 =	vld.idx.msk [tilespmem:v7+s29+$0x0], $0xffff;
	v7 =	vor.u32 v16, v3  }
0x3ec: {  	v7 =	vor.u32 v4, v7;
	_ =	sdelay $0x3  }
0x3ed: {  	[tilespmem:v6+s26+$0x0] =	vst.idx.msk $0xffff, v5  }
0x3ee: {  	v6 =	vor.u32 v31, v2;
	v5 =	vld.idx.msk [tilespmem:v7+s29+$0x0], $0xffff;
	v7 =	vor.u32 v21, v3  }
0x3ef: {  	v7 =	vor.u32 v4, v7;
	_ =	sdelay $0x3  }
0x3f0: {  	[tilespmem:v6+s26+$0x0] =	vst.idx.msk $0xffff, v5  }
0x3f1: {  	v6 =	vor.u32 v57, v2;
	v5 =	vld.idx.msk [tilespmem:v7+s29+$0x0], $0xffff;
	v7 =	vor.u32 v14, v3  }
0x3f2: {  	v7 =	vor.u32 v4, v7;
	_ =	sdelay $0x3  }
0x3f3: {  	[tilespmem:v6+s26+$0x0] =	vst.idx.msk $0xffff, v5  }
0x3f4: {  	v6 =	vor.u32 v29, v2;
	v5 =	vld.idx.msk [tilespmem:v7+s29+$0x0], $0xffff;
	v7 =	vor.u32 v25, v3  }
0x3f5: {  	v7 =	vor.u32 v4, v7;
	_ =	sdelay $0x3  }
0x3f6: {  	[tilespmem:v6+s26+$0x0] =	vst.idx.msk $0xffff, v5  }
0x3f7: {  	v6 =	vor.u32 v27, v2;
	v5 =	vld.idx.msk [tilespmem:v7+s29+$0x0], $0xffff;
	v7 =	vor.u32 v12, v3  }
0x3f8: {  	v7 =	vor.u32 v4, v7;
	_ =	sdelay $0x3  }
0x3f9: {  	[tilespmem:v6+s26+$0x0] =	vst.idx.msk $0xffff, v5  }
0x3fa: {  	v6 =	vor.u32 v60, v2;
	v5 =	vld.idx.msk [tilespmem:v7+s29+$0x0], $0xffff;
	v7 =	vor.u32 v59, v3  }
0x3fb: {  	v7 =	vor.u32 v4, v7;
	_ =	sdelay $0x3  }
0x3fc: {  	[tilespmem:v6+s26+$0x0] =	vst.idx.msk $0xffff, v5  }
0x3fd: {  	v6 =	vor.u32 v61, v2;
	v5 =	vld.idx.msk [tilespmem:v7+s29+$0x0], $0xffff;
	v7 =	vor.u32 v10, v3  }
0x3fe: {  	v7 =	vor.u32 v4, v7;
	_ =	sdelay $0x3  }
0x3ff: {  	[tilespmem:v6+s26+$0x0] =	vst.idx.msk $0xffff, v5  }
0x400: {  	v6 =	vor.u32 v62, v2;
	v5 =	vld.idx.msk [tilespmem:v7+s29+$0x0], $0xffff;
	v7 =	vor.u32 v58, v3  }
0x401: {  	v7 =	vor.u32 v4, v7;
	_ =	sdelay $0x3  }
0x402: {  	[tilespmem:v6+s26+$0x0] =	vst.idx.msk $0xffff, v5  }
0x403: {  	v6 =	vor.u32 v63, v2;
	v5 =	vld.idx.msk [tilespmem:v7+s29+$0x0], $0xffff;
	v7 =	vor.u32 v23, v3  }
0x404: {  	p1 =	sne.s32 s19, $0x1F;
	v7 =	vor.u32 v4, v7  }
.Ltmp6:
0x405: {  	_ = 	snop;
	(pc) =	sbr.rel @p1 .LBB2_6-.Ltmp6, $3  }
0x406: {  	_ =	sdelay $0x1  }
0x407: {  	s16 =	sadd.s32 $0x4, s16;
	v3 =	vor.u32 v56, v3;
	[tilespmem:v6+s26+$0x0] =	vst.idx.msk $0xffff, v5  }
0x408: {  	s17 =	smov.u32 s19;
	s19 =	sadd.s32 $0x1, s19;
	s24 =	sand.u32 $0x60, s16;
	v4 =	vor.u32 v4, v3;
	v6 =	vor.u32 v0, v2;
	v5 =	vld.idx.msk [tilespmem:v7+s29+$0x0], $0xffff  }
0x409: {  	_ =	sdelay $0x3  }
0x40a: {  	[tilespmem:v6+s26+$0x0] =	vst.idx.msk $0xffff, v5;
	v6 =	vld [tilespmem:$0x1FDD0];
	_ =	sdelay $0x2  }
0x40b: {  	s5 =	sand.u32 $0x7, s17;
	v3 =	vmov s24  }
0x40c: {  	s10 =	sshll.u32 s5, $0x4;
	v3 =	vshll.u32 v3, $0x7  }
0x40d: {  	v2 =	vor.u32 v1, v2;
	v5 =	vld.idx.msk [tilespmem:v4+s29+$0x0], $0xffff;
	v4 =	vor.u32 s10, v8;
	v6 =	vor.u32 v6, v3  }
0x40e: {  	v6 =	vor.u32 v4, v6;
	_ =	sdelay $0x3  }
0x40f: {  	[tilespmem:v2+s26+$0x0] =	vst.idx.msk $0xffff, v5  }
0x410: {  	v5 =	vld.idx.msk [tilespmem:v6+s29+$0x0], $0xffff  }
0x411: {  	s5 =	sshll.u32 s5, $0x2;
	v6 =	vld [tilespmem:$0x1FDB0]  }
0x412: {  	s5 =	sor.u32 s5, s24  }
0x413: {  	v7 =	vmov s5  }
0x414: {  	v7 =	vshll.u32 v7, $0x7  }
0x415: {  	v2 =	vor.u32 v13, v7  }
0x416: {  	v7 =	vor.u32 v11, v3;
	v6 =	vor.u32 v6, v2  }
0x417: {  	v7 =	vor.u32 v4, v7;
	_ =	sdelay $0x3  }
0x418: {  	[tilespmem:v6+s26+$0x0] =	vst.idx.msk $0xffff, v5  }
0x419: {  	v6 =	vor.u32 v42, v2;
	v5 =	vld.idx.msk [tilespmem:v7+s29+$0x0], $0xffff;
	v7 =	vor.u32 v35, v3  }
0x41a: {  	v42 =	vld [tilespmem:$0x1FDF0];
	v7 =	vor.u32 v4, v7;
	_ =	sdelay $0x3  }
0x41b: {  	[tilespmem:v6+s26+$0x0] =	vst.idx.msk $0xffff, v5  }
0x41c: {  	v6 =	vor.u32 v19, v2;
	v5 =	vld.idx.msk [tilespmem:v7+s29+$0x0], $0xffff;
	v7 =	vor.u32 v42, v3  }
0x41d: {  	v7 =	vor.u32 v4, v7;
	_ =	sdelay $0x3  }
0x41e: {  	v19 =	vld [tilespmem:$0x1FDE0];
	[tilespmem:v6+s26+$0x0] =	vst.idx.msk $0xffff, v5  }
0x41f: {  	v6 =	vor.u32 v17, v2;
	v5 =	vld.idx.msk [tilespmem:v7+s29+$0x0], $0xffff;
	_ =	sdelay $0x3  }
0x420: {  	v7 =	vor.u32 v19, v3  }
0x421: {  	v7 =	vor.u32 v4, v7;
	[tilespmem:v6+s26+$0x0] =	vst.idx.msk $0xffff, v5;
	v6 =	vld [tilespmem:$0x1FA70];
	_ =	sdelay $0x3  }
0x422: {  	v35 =	vmov v17;
	v17 =	vld [tilespmem:$0x1FDC0]  }
0x423: {  	v5 =	vld.idx.msk [tilespmem:v7+s29+$0x0], $0xffff;
	v6 =	vor.u32 v6, v2;
	_ =	sdelay $0x3  }
0x424: {  	v7 =	vor.u32 v17, v3  }
0x425: {  	v7 =	vor.u32 v4, v7;
	[tilespmem:v6+s26+$0x0] =	vst.idx.msk $0xffff, v5;
	v6 =	vld [tilespmem:$0x1FA80];
	_ =	sdelay $0x4  }
0x426: {  	v5 =	vld.idx.msk [tilespmem:v7+s29+$0x0], $0xffff;
	v7 =	vor.u32 v47, v3;
	v6 =	vor.u32 v6, v2  }
0x427: {  	v7 =	vor.u32 v4, v7;
	_ =	sdelay $0x3  }
0x428: {  	[tilespmem:v6+s26+$0x0] =	vst.idx.msk $0xffff, v5  }
0x429: {  	v6 =	vor.u32 v51, v2;
	v5 =	vld.idx.msk [tilespmem:v7+s29+$0x0], $0xffff;
	v7 =	vor.u32 v30, v3  }
0x42a: {  	v7 =	vor.u32 v4, v7;
	_ =	sdelay $0x3  }
0x42b: {  	[tilespmem:v6+s26+$0x0] =	vst.idx.msk $0xffff, v5  }
0x42c: {  	v6 =	vor.u32 v9, v2;
	v5 =	vld.idx.msk [tilespmem:v7+s29+$0x0], $0xffff;
	v7 =	vor.u32 v46, v3  }
0x42d: {  	v7 =	vor.u32 v4, v7;
	_ =	sdelay $0x3  }
0x42e: {  	[tilespmem:v6+s26+$0x0] =	vst.idx.msk $0xffff, v5  }
0x42f: {  	v6 =	vor.u32 v36, v2;
	v5 =	vld.idx.msk [tilespmem:v7+s29+$0x0], $0xffff;
	v7 =	vor.u32 v28, v3  }
0x430: {  	v7 =	vor.u32 v4, v7;
	_ =	sdelay $0x3  }
0x431: {  	[tilespmem:v6+s26+$0x0] =	vst.idx.msk $0xffff, v5  }
0x432: {  	v6 =	vor.u32 v50, v2;
	v5 =	vld.idx.msk [tilespmem:v7+s29+$0x0], $0xffff;
	v7 =	vor.u32 v37, v3  }
0x433: {  	v7 =	vor.u32 v4, v7;
	_ =	sdelay $0x3  }
0x434: {  	[tilespmem:v6+s26+$0x0] =	vst.idx.msk $0xffff, v5  }
0x435: {  	v6 =	vor.u32 v44, v2;
	v5 =	vld.idx.msk [tilespmem:v7+s29+$0x0], $0xffff;
	v7 =	vor.u32 v26, v3  }
0x436: {  	v7 =	vor.u32 v4, v7;
	_ =	sdelay $0x3  }
0x437: {  	[tilespmem:v6+s26+$0x0] =	vst.idx.msk $0xffff, v5  }
0x438: {  	v6 =	vor.u32 v38, v2;
	v5 =	vld.idx.msk [tilespmem:v7+s29+$0x0], $0xffff;
	v7 =	vor.u32 v32, v3  }
0x439: {  	v7 =	vor.u32 v4, v7;
	_ =	sdelay $0x3  }
0x43a: {  	[tilespmem:v6+s26+$0x0] =	vst.idx.msk $0xffff, v5  }
0x43b: {  	v6 =	vor.u32 v40, v2;
	v5 =	vld.idx.msk [tilespmem:v7+s29+$0x0], $0xffff;
	_ =	sdelay $0x3  }
0x43c: {  	v7 =	vor.u32 v39, v3  }
0x43d: {  	v7 =	vor.u32 v4, v7;
	[tilespmem:v6+s26+$0x0] =	vst.idx.msk $0xffff, v5;
	v6 =	vld [tilespmem:$0x1FA90];
	_ =	sdelay $0x4  }
0x43e: {  	v5 =	vld.idx.msk [tilespmem:v7+s29+$0x0], $0xffff;
	v7 =	vor.u32 v34, v3;
	v6 =	vor.u32 v6, v2  }
0x43f: {  	v7 =	vor.u32 v4, v7;
	_ =	sdelay $0x3  }
0x440: {  	[tilespmem:v6+s26+$0x0] =	vst.idx.msk $0xffff, v5  }
0x441: {  	v6 =	vor.u32 v49, v2;
	v5 =	vld.idx.msk [tilespmem:v7+s29+$0x0], $0xffff;
	v7 =	vor.u32 v45, v3  }
0x442: {  	v7 =	vor.u32 v4, v7;
	_ =	sdelay $0x3  }
0x443: {  	[tilespmem:v6+s26+$0x0] =	vst.idx.msk $0xffff, v5  }
0x444: {  	v6 =	vor.u32 v41, v2;
	v5 =	vld.idx.msk [tilespmem:v7+s29+$0x0], $0xffff;
	v7 =	vor.u32 v53, v3  }
0x445: {  	v7 =	vor.u32 v4, v7;
	_ =	sdelay $0x3  }
0x446: {  	[tilespmem:v6+s26+$0x0] =	vst.idx.msk $0xffff, v5  }
0x447: {  	v6 =	vor.u32 v43, v2;
	v5 =	vld.idx.msk [tilespmem:v7+s29+$0x0], $0xffff;
	v7 =	vor.u32 v24, v3  }
0x448: {  	v7 =	vor.u32 v4, v7;
	_ =	sdelay $0x3  }
0x449: {  	[tilespmem:v6+s26+$0x0] =	vst.idx.msk $0xffff, v5  }
0x44a: {  	v6 =	vor.u32 v52, v2;
	v5 =	vld.idx.msk [tilespmem:v7+s29+$0x0], $0xffff;
	v7 =	vor.u32 v22, v3  }
0x44b: {  	v7 =	vor.u32 v4, v7;
	_ =	sdelay $0x3  }
0x44c: {  	[tilespmem:v6+s26+$0x0] =	vst.idx.msk $0xffff, v5  }
0x44d: {  	v6 =	vor.u32 v15, v2;
	v5 =	vld.idx.msk [tilespmem:v7+s29+$0x0], $0xffff;
	v7 =	vor.u32 v20, v3  }
0x44e: {  	v7 =	vor.u32 v4, v7;
	_ =	sdelay $0x3  }
0x44f: {  	[tilespmem:v6+s26+$0x0] =	vst.idx.msk $0xffff, v5  }
0x450: {  	v6 =	vor.u32 v48, v2;
	v5 =	vld.idx.msk [tilespmem:v7+s29+$0x0], $0xffff;
	v7 =	vor.u32 v18, v3  }
0x451: {  	v7 =	vor.u32 v4, v7;
	_ =	sdelay $0x3  }
0x452: {  	[tilespmem:v6+s26+$0x0] =	vst.idx.msk $0xffff, v5  }
0x453: {  	v6 =	vor.u32 v54, v2;
	v5 =	vld.idx.msk [tilespmem:v7+s29+$0x0], $0xffff;
	v7 =	vor.u32 v33, v3  }
0x454: {  	v7 =	vor.u32 v4, v7;
	_ =	sdelay $0x3  }
0x455: {  	[tilespmem:v6+s26+$0x0] =	vst.idx.msk $0xffff, v5  }
0x456: {  	v6 =	vor.u32 v55, v2;
	v5 =	vld.idx.msk [tilespmem:v7+s29+$0x0], $0xffff;
	v7 =	vor.u32 v16, v3  }
0x457: {  	v7 =	vor.u32 v4, v7;
	_ =	sdelay $0x3  }
0x458: {  	[tilespmem:v6+s26+$0x0] =	vst.idx.msk $0xffff, v5  }
0x459: {  	v6 =	vor.u32 v31, v2;
	v5 =	vld.idx.msk [tilespmem:v7+s29+$0x0], $0xffff;
	v7 =	vor.u32 v21, v3  }
0x45a: {  	v7 =	vor.u32 v4, v7;
	_ =	sdelay $0x3  }
0x45b: {  	[tilespmem:v6+s26+$0x0] =	vst.idx.msk $0xffff, v5  }
0x45c: {  	v6 =	vor.u32 v57, v2;
	v5 =	vld.idx.msk [tilespmem:v7+s29+$0x0], $0xffff;
	v7 =	vor.u32 v14, v3  }
0x45d: {  	v7 =	vor.u32 v4, v7;
	_ =	sdelay $0x3  }
0x45e: {  	[tilespmem:v6+s26+$0x0] =	vst.idx.msk $0xffff, v5  }
0x45f: {  	v6 =	vor.u32 v29, v2;
	v5 =	vld.idx.msk [tilespmem:v7+s29+$0x0], $0xffff;
	v7 =	vor.u32 v25, v3  }
0x460: {  	v7 =	vor.u32 v4, v7;
	_ =	sdelay $0x3  }
0x461: {  	[tilespmem:v6+s26+$0x0] =	vst.idx.msk $0xffff, v5  }
0x462: {  	v6 =	vor.u32 v27, v2;
	v5 =	vld.idx.msk [tilespmem:v7+s29+$0x0], $0xffff;
	v7 =	vor.u32 v12, v3  }
0x463: {  	v7 =	vor.u32 v4, v7;
	_ =	sdelay $0x3  }
0x464: {  	[tilespmem:v6+s26+$0x0] =	vst.idx.msk $0xffff, v5  }
0x465: {  	v6 =	vor.u32 v60, v2;
	v5 =	vld.idx.msk [tilespmem:v7+s29+$0x0], $0xffff;
	v7 =	vor.u32 v59, v3  }
0x466: {  	v7 =	vor.u32 v4, v7;
	_ =	sdelay $0x3  }
0x467: {  	[tilespmem:v6+s26+$0x0] =	vst.idx.msk $0xffff, v5  }
0x468: {  	v6 =	vor.u32 v61, v2;
	v5 =	vld.idx.msk [tilespmem:v7+s29+$0x0], $0xffff;
	v7 =	vor.u32 v10, v3  }
0x469: {  	v7 =	vor.u32 v4, v7;
	_ =	sdelay $0x3  }
0x46a: {  	[tilespmem:v6+s26+$0x0] =	vst.idx.msk $0xffff, v5  }
0x46b: {  	v6 =	vor.u32 v62, v2;
	v5 =	vld.idx.msk [tilespmem:v7+s29+$0x0], $0xffff;
	v7 =	vor.u32 v58, v3  }
0x46c: {  	v7 =	vor.u32 v4, v7;
	_ =	sdelay $0x3  }
0x46d: {  	[tilespmem:v6+s26+$0x0] =	vst.idx.msk $0xffff, v5  }
0x46e: {  	v6 =	vor.u32 v63, v2;
	v5 =	vld.idx.msk [tilespmem:v7+s29+$0x0], $0xffff;
	v7 =	vor.u32 v23, v3  }
0x46f: {  	v7 =	vor.u32 v4, v7;
	_ =	sdelay $0x3  }
0x470: {  	[tilespmem:v6+s26+$0x0] =	vst.idx.msk $0xffff, v5  }
0x471: {  	v0 =	vor.u32 v0, v2;
	v3 =	vor.u32 v56, v3;
	v5 =	vld.idx.msk [tilespmem:v7+s29+$0x0], $0xffff  }
0x472: {  	v3 =	vor.u32 v4, v3;
	_ =	sdelay $0x3  }
0x473: {  	v11 =	vld [tilespmem:$0x1FE40];
	[tilespmem:v0+s26+$0x0] =	vst.idx.msk $0xffff, v5  }
0x474: {  	v0 =	vor.u32 v1, v2;
	v1 =	vld.idx.msk [tilespmem:v3+s29+$0x0], $0xffff  }
0x475: {  	v13 =	vld [tilespmem:$0x1FE50]  }
.Ltmp7:
0x476: {  	v38 =	vmov v53;
	v53 =	vmov v19;
	v19 =	vld [tilespmem:$0x1FE20];
	(pc) =	sbr.rel .LBB2_8-.Ltmp7, $4  }
0x477: {  	v54 =	vmov v42;
	v42 =	vld [tilespmem:$0x1FE00]  }
0x478: {  	v55 =	vld [tilespmem:$0x1FE30];
	v31 =	vmov v34  }
0x479: {  	s28 =	sadd.s32 s9, s18;
	v34 =	vmovc v35;
	v21 =	vmovc v24;
	v24 =	vmov v39;
	v57 =	vmov v47;
	v27 =	vmov v37;
	v3 =	vld [tilespmem:$0x1FDB0];
	[tilespmem:v0+s26+$0x0] =	vst.idx.msk $0xffff, v1  }
0x47a: {  	v61 =	vmovc v33;
	v62 =	vmovc v20;
	v20 =	vmov v22;
	v22 =	vmov v45;
	v63 =	vmov v46;
	v1 =	vld [tilespmem:$0x1FDD0];
	[hbm4b:s28+s4] =	stream.linear.scatter [tilespmem:s26], [sflag:$0x4], $0x4000, $0x38  }
.LBB2_10:
0x47b: {  	_ =	sfence.sel $0x180000  }
0x47c: {  	[bflag:$0x0] =	sbarrier.arrive $0xFFFF  }
0x47d: {  	_ =	strace $0x90000047  }
0x47e: {  	s0 =	stileid.u32;
	[bflag:$0x2] =	sbarrier.arrive $0xFFFF  }
0x47f: {  	p0 =	sne.s32 s0, $0x0;
	s0 =	rddreg [dreg:$0x4]  }
0x480: {  	s0 =	sadd.s32 @!p0 $0x100000, s0  }
0x481: {  	[sflag:s0] =	ssyncadd.tile.s32 @!p0 $0x1;
	_ =	shalt  }
.Lfunc_end2:
_tile_overlayer_lowered:
.L_overlay_start_2:
0x482: {  	(tag) =	ssettag $0x2  }
0x483: {  	s0 =	rddreg [dreg:$0x0];
	s2 =	stileid.u32  }
0x484: {  	s1 =	rddreg [dreg:$0x1];
	p0 =	sne.s32 s2, $0x0  }
0x485: {  	s3 =	rddreg [dreg:$0x2];
	[bflag:$0x3] =	sbarrier.arrive $0xFFFF;
	s2 =	simm.s32 @!p0 $0x1C05  }
0x486: {  	[timem:s3], [sflag:s2] =	dma.local @!p0 [hbm:s0], s1  }
0x487: {  	s0 =	simm.s32 @!p0 $0x5  }
0x488: {  	_ =	swait.ge @!p0 [sflag:s0], s1  }
0x489: {  	s1 =	ssub.s32 @!p0 $0x0, s1;
	[sflag:s0] =	ssyncset.done @!p0 $0x0  }
0x48a: {  	[sflag:s0] =	ssyncadd.s32 @!p0 s1  }
0x48b: {  	[bflag:$0x3] =	sbarrier.arrive $0xFFFF  }
0x48c: {  	_ =	shalt  }

// kernel: _cml.7.cloned.1.call-start
scs
__scs_entry_jumppad:
0x0: {  	(pc) =	sbr.rel $0x88, $3  }
0x1: {  	(tag) =	ssettag $0x0;
	lr =	simm.s32 $0x1  }
0x2: {  	[smem:$0x3F9D] =	sst lr;
	_ =	strace $0xD0000000  }
0x3: {  	_ = 	snop  }
0x4: {  	_ = 	snop  }
0x5: {  	_ = 	snop  }
0x6: {  	_ = 	snop  }
0x7: {  	_ = 	snop  }
__scs_overlays_trampoline_lowered:
0x8: {  	[smem:$0x3FAC] =	sst s0  }
0x9: {  	[smem:$0x3FAD] =	sst s1  }
0xa: {  	[smem:$0x3FAE] =	sst s2  }
0xb: {  	[smem:$0x3FAF] =	sst s3  }
0xc: {  	[smem:$0x3FB0] =	sst s4  }
0xd: {  	[smem:$0x3FB1] =	sst s5  }
0xe: {  	[smem:$0x3FB2] =	sst s6  }
0xf: {  	[smem:$0x3FB3] =	sst s7  }
0x10: {  	[smem:$0x3FB4] =	sst s8  }
0x11: {  	[smem:$0x3FB5] =	sst s9;
	s0 =	simm.s32 @!p0 $0x0  }
0x12: {  	s1 =	sld [smem:$0x3F9B];
	s0 =	simm.s32 @p0 $0x1  }
0x13: {  	[smem:$0x3FB6] =	sst s0;
	s0 =	simm.s32 @!p1 $0x0  }
0x14: {  	s2 =	sld [smem:$0x3F9A];
	s0 =	simm.s32 @p1 $0x1  }
0x15: {  	[smem:$0x3FB7] =	sst s0;
	s0 =	simm.s32 @!p2 $0x0  }
0x16: {  	s3 =	sld [smem:$0x3FDB];
	s0 =	simm.s32 @p2 $0x1  }
0x17: {  	s4 =	simm.s32 $0x1BF5;
	[smem:$0x3FB9] =	sst s0  }
0x18: {  	s0 =	sld [smem:$0x3F9C];
	_ =	swait.ge [sflag:s4], $0x0  }
0x19: {  	s7 =	sld [smem:$0x3F9D]  }
0x1a: {  	s8 =	sadd.s32 $0xFFFFE003, lr  }
0x1b: {  	s9 =	sadd.s32 $0xFFFFFEF7, lr;
	s5 =	simm.s32 $0xFFFFFFFF;
	p2 =	slt.u32 s8, $0xFFFFF086  }
0x1c: {  	p1 =	slt.u32 s9, $0xF7A;
	s5 =	simm.s32 @!p2 $0x0  }
0x1d: {  	s5 =	simm.s32 @p1 $0x1;
	p0 =	seq.s32 s7, s2  }
0x1e: {  	s7 =	smul.u32 @!p0 $0xF7A, s2;
	p2 =	seq.s32 @!p0 s5, $0x0  }
0x1f: {  	s9 =	smul.u32 $0xF7A, s1;
	s8 =	simm.s32 @!p0 $0x1BF5;
	p2 =	por !p2, p0  }
0x20: {  	[sflag:s8] =	ssyncset.s32 @!p0 $0xFFFFF086;
	s6 =	sadd.s32 @!p0 s3, s7;
	s7 =	simm.s32 @!p0 $0x108  }
0x21: {  	s3 =	sadd.s32 s3, s9;
	s6 =	sadd.s32 @!p0 $0x88, s6;
	s7 =	simm.s32 @p2 $0x1082  }
0x22: {  	[simem:s7], [sflag:s8] =	dma.local @!p0 [hbm:s6], $0xF7A  }
0x23: {  	s9 =	sor.u32 $0xD0000000, s2;
	s6 =	simm.s32 $0x108;
	_ =	swait.ge @!p0 [sflag:s8], $0x0  }
0x24: {  	s3 =	sadd.s32 $0x88, s3;
	s6 =	simm.s32 @!p1 $0x1082;
	[sflag:s4] =	ssyncset.s32 $0xFFFFF086  }
0x25: {  	[simem:s6], [sflag:s4] =	dma.local [hbm:s3], $0xF7A  }
0x26: {  	[smem:$0x3F9D] =	sst s1;
	(tag) =	ssettag s2;
	_ =	strace s9  }
0x27: {  	s1 =	sld [smem:$0x3FAD]  }
0x28: {  	s2 =	sld [smem:$0x3FAE]  }
0x29: {  	s4 =	sld [smem:$0x3FB0]  }
0x2a: {  	p0 =	seq.s32 s5, $0x0;
	s5 =	sld [smem:$0x3FB1]  }
0x2b: {  	s6 =	sld [smem:$0x3FB2]  }
0x2c: {  	s7 =	sld [smem:$0x3FB3]  }
0x2d: {  	s3 =	simm.s32 $0x108;
	s8 =	sld [smem:$0x3FB4]  }
0x2e: {  	s3 =	simm.s32 @!p0 $0x1082;
	s9 =	sld [smem:$0x3FB5]  }
0x2f: {  	lr =	sadd.s32 s0, s3;
	s0 =	sld [smem:$0x3FAC]  }
0x30: {  	s3 =	sld [smem:$0x3FAF]  }
0x31: {  	[smem:$0x3FB8] =	sst s10  }
0x32: {  	s10 =	sld [smem:$0x3FB6];
	_ =	sdelay $0x3  }
0x33: {  	p0 =	seq.s32 s10, $0x1;
	s10 =	sld [smem:$0x3FB8];
	_ =	sdelay $0x3  }
0x34: {  	[smem:$0x3FB8] =	sst s10  }
0x35: {  	s10 =	sld [smem:$0x3FB7];
	_ =	sdelay $0x3  }
0x36: {  	p1 =	seq.s32 s10, $0x1;
	s10 =	sld [smem:$0x3FB8];
	_ =	sdelay $0x3  }
0x37: {  	[smem:$0x3FB8] =	sst s10  }
0x38: {  	s10 =	sld [smem:$0x3FB9]  }
0x39: {  	_ = 	snop;
	(pc) =	sbr.ind lr, $3  }
0x3a: {  	_ = 	snop  }
0x3b: {  	_ = 	snop  }
0x3c: {  	p2 =	seq.s32 s10, $0x1;
	s10 =	sld [smem:$0x3FB8]  }
0x3d: {  	_ =	shalt  }
0x3e: {  	_ =	shalt  }
0x3f: {  	_ =	shalt  }
0x40: {  	_ =	shalt  }
0x41: {  	_ =	shalt  }
0x42: {  	_ =	shalt  }
0x43: {  	_ =	shalt  }
0x44: {  	_ =	shalt  }
0x45: {  	_ =	shalt  }
0x46: {  	_ =	shalt  }
0x47: {  	_ =	shalt  }
0x48: {  	_ =	shalt  }
0x49: {  	_ =	shalt  }
0x4a: {  	_ =	shalt  }
0x4b: {  	_ =	shalt  }
0x4c: {  	_ =	shalt  }
0x4d: {  	_ =	shalt  }
0x4e: {  	_ =	shalt  }
0x4f: {  	_ =	shalt  }
0x50: {  	_ =	shalt  }
0x51: {  	_ =	shalt  }
0x52: {  	_ =	shalt  }
0x53: {  	_ =	shalt  }
0x54: {  	_ =	shalt  }
0x55: {  	_ =	shalt  }
0x56: {  	_ =	shalt  }
0x57: {  	_ =	shalt  }
0x58: {  	_ =	shalt  }
0x59: {  	_ =	shalt  }
0x5a: {  	_ =	shalt  }
0x5b: {  	_ =	shalt  }
0x5c: {  	_ =	shalt  }
0x5d: {  	_ =	shalt  }
0x5e: {  	_ =	shalt  }
0x5f: {  	_ =	shalt  }
0x60: {  	_ =	shalt  }
0x61: {  	_ =	shalt  }
0x62: {  	_ =	shalt  }
0x63: {  	_ =	shalt  }
0x64: {  	_ =	shalt  }
0x65: {  	_ =	shalt  }
0x66: {  	_ =	shalt  }
0x67: {  	_ =	shalt  }
0x68: {  	_ =	shalt  }
0x69: {  	_ =	shalt  }
0x6a: {  	_ =	shalt  }
0x6b: {  	_ =	shalt  }
0x6c: {  	_ =	shalt  }
0x6d: {  	_ =	shalt  }
0x6e: {  	_ =	shalt  }
0x6f: {  	_ =	shalt  }
0x70: {  	_ =	shalt  }
0x71: {  	_ =	shalt  }
0x72: {  	_ =	shalt  }
0x73: {  	_ =	shalt  }
0x74: {  	_ =	shalt  }
0x75: {  	_ =	shalt  }
0x76: {  	_ =	shalt  }
0x77: {  	_ =	shalt  }
0x78: {  	_ =	shalt  }
0x79: {  	_ =	shalt  }
0x7a: {  	_ =	shalt  }
0x7b: {  	_ =	shalt  }
0x7c: {  	_ =	shalt  }
0x7d: {  	_ =	shalt  }
0x7e: {  	_ =	shalt  }
0x7f: {  	_ =	shalt  }
0x80: {  	_ =	shalt  }
0x81: {  	_ =	shalt  }
0x82: {  	_ =	shalt  }
0x83: {  	_ =	shalt  }
0x84: {  	_ =	shalt  }
0x85: {  	_ =	shalt  }
0x86: {  	_ =	shalt  }
0x87: {  	_ =	shalt  }
.Lfunc_end0:
.L_simem_size_0:
called_computation.1_lowered:
.L_overlay_start_0:
0x88: {  	s2 =	sld [smem:$0x3FD9]  }
0x89: {  	s3 =	sld [smem:$0x3FFE];
	_ =	sdelay $0x1  }
0x8a: {  	s1 =	srdreg.scid  }
0x8b: {  	s0 =	sand.u32 $0x1, s1  }
0x8c: {  	s17 =	sshll.u32 s0, $0xA;
	s2 =	sadd.s32 s3, s2  }
0x8d: {  	s2 =	sadd.s32 s2, s17  }
0x8e: {  	[smem:$0x3FC4] =	sst s2  }
0x8f: {  	_ = 	snop  }
0x90: {  	s2 =	sld [smem:$0x3FC9]  }
0x91: {  	s18 =	sld [smem:$0x3FC8]  }
0x92: {  	s4 =	sld [smem:$0x3FD0];
	(tm) =	ssettm $0x1  }
0x93: {  	s5 =	sld [smem:$0x3FFB];
	_ =	sdelay $0x3  }
0x94: {  	_ =	strace s5  }
0x95: {  	s5 =	sld [smem:$0x3FFC];
	_ =	sdelay $0x3  }
0x96: {  	_ =	strace s5  }
0x97: {  	s5 =	sld [smem:$0x3FFD];
	_ =	sdelay $0x3  }
0x98: {  	_ =	strace s5  }
0x99: {  	_ =	strace $0x8FFFFFFF  }
0x9a: {  	s19 =	sld [smem:$0x3FDB];
	_ =	sdelay $0x1  }
0x9b: {  	s6 =	simm.s32 $_scs_section_size  }
0x9c: {  	s7 =	simm.s32 $_size__tile_overlayer_lowered;
	s8 =	simm.s32 $_tile_overlayer_lowered  }
0x9d: {  	s22 =	simm.s32 $0x1BFF;
	s21 =	sshll.u32 s8, $0x1;
	s5 =	sadd.s32 s6, s19  }
0x9e: {  	s9 =	simm.s32 $0x0;
	s20 =	sshll.u32 s7, $0x1;
	s7 =	sadd.s32 s21, s5  }
0x9f: {  	[timem:s9], [sflag:s22] =	dma.local [hbm:s7], s20  }
0xa0: {  	_ =	swait.ge [sflag:s22], s20  }
0xa1: {  	s6 =	ssub.s32 $0x0, s20;
	[sflag:s22] =	ssyncset.done $0x0  }
0xa2: {  	[sflag:s22] =	ssyncadd.s32 s6;
	_ =	sdelay $0x1  }
0xa3: {  	s23 =	simm.s32 $0x1B8B  }
0xa4: {  	_ =	swait.ge [sflag:s23], $0x1  }
0xa5: {  	[sflag:s23] =	ssyncset.done $0x0  }
0xa6: {  	s25 =	simm.s32 $0x1B8E;
	s24 =	sld [smem:$0x3FFE];
	[sflag:s23] =	ssyncadd.s32 $0xFFFFFFFF  }
0xa7: {  	s26 =	simm.s32 $execute0_lowered;
	[smem:$0x3FD2] =	sst s25  }
0xa8: {  	s7 =	sshll.u32 s26, $0x1;
	_ =	strace $0x80000049;
	[dreg:$0x1] =	wrdreg $0xFFFFFFFF  }
0xa9: {  	s28 =	simm.s32 $_size_execute0_lowered;
	s5 =	sadd.s32 s5, s7;
	[dreg:$0x0] =	wrdreg $0x0  }
0xaa: {  	s7 =	sshll.u32 s28, $0x1;
	[dreg:$0x2] =	wrdreg s5  }
0xab: {  	[dreg:$0x3] =	wrdreg s7  }
0xac: {  	[dreg:$0x4] =	wrdreg $0xC0  }
0xad: {  	_ =	task [dreg:s9], $0x5FFFF  }
0xae: {  	[dreg:$0x1] =	wrdreg $0xFFFFFFFF  }
0xaf: {  	[dreg:$0x0] =	wrdreg $0x60  }
0xb0: {  	[dreg:$0x2] =	wrdreg s2  }
0xb1: {  	[dreg:$0x3] =	wrdreg s18  }
0xb2: {  	[dreg:$0x4] =	wrdreg s24  }
0xb3: {  	[dreg:$0x5] =	wrdreg s4  }
0xb4: {  	[dreg:$0x6] =	wrdreg $0x9  }
0xb5: {  	_ =	task.clear_ibuf [dreg:s9], $0x7FFFF;
	_ =	strace $0x90000049  }
0xb6: {  	s29 =	simm.s32 $0x9;
	_ =	strace $0x8000004B  }
0xb7: {  	_ =	swait.ge [sflag:s29], $0x1  }
0xb8: {  	[sflag:s29] =	ssyncadd.s32 $0xFFFFFFFF  }
0xb9: {  	_ =	strace $0x9000004B  }
0xba: {  	_ =	sfence  }
0xbb: {  	s30 =	sld [smem:$0x0];
	_ =	sdelay $0x2  }
0xbc: {  	s31 =	sshll.u32 s1, $0xD;
	s1 =	sshrl.u32 s1, $0x2  }
0xbd: {  	s3 =	sand.u32 $0x4000, s31;
	s1 =	sadd.s32 s1, s30  }
0xbe: {  	s0 =	sor.u32 s3, s0;
	s1 =	sshll.u32 s1, $0x11  }
0xbf: {  	s0 =	sor.u32 s1, s0  }
0xc0: {  	s0 =	sadd.s32 $0x8F2B, s0  }
0xc1: {  	[sflag:s0] =	ssyncadd.remote.s32 $0x1  }
0xc2: {  	_ =	sfence.sel $0xFFFF  }
0xc3: {  	[dreg:$0x0] =	wrdreg $0xFFFFFFFF;
	(pc) =	sbr.abs _section_cstart, $3  }
0xc4: {  	[dreg:$0x1] =	wrdreg $0xFFFFFFFF  }
0xc5: {  	_ =	task.clear_ibuf [dreg:s9], $0x2FFFF;
	_ =	strace $0x9FFFFFFF  }
0xc6: {  	(tm) =	ssettm $0x7FFFFFFF  }
0xc7: {  	_ =	shalt  }
tec
execute0_lowered:
.L_overlay_start_1:
0x0: {  	(tag) =	ssettag $0x1  }
0x1: {  	v19 =	vlaneseq.u32;
	v0 =	vimm.s32 $0x14131211;
	v1 =	vimm.s32 $0x18171615  }
0x2: {  	v2 =	vimm.s32 $0x1C1B1A19;
	v3 =	vimm.s32 $0x1F1E1D;
	v4 =	vimm.s32 $0x15141312  }
0x3: {  	v5 =	vimm.s32 $0x19181716;
	vm0 =	vcmask $0x1F10;
	v7 =	vimm.s32 $0x1D1C1B1A  }
0x4: {  	v8 =	vimm.s32 $0x16151413;
	v9 =	vimm.s32 $0x1A191817;
	v10 =	vimm.s32 $0x1E1D1C1B  }
0x5: {  	v11 =	vimm.s32 $0x201001F;
	v12 =	vimm.s32 $0x3020100;
	v13 =	vimm.s32 $0x1F1E1D1C  }
0x6: {  	v14 =	vimm.s32 $0x17161514;
	v15 =	vimm.s32 $0x1B1A1918;
	v18 =	vimm.s32 $0x4030201  }
0x7: {  	v54 =	vimm.s32 $0x76543210;
	v62 =	vimm.s32 $0x43218765;
	vm15 =	vcmask $0x2F10  }
0x8: {  	vm1 =	vcmask $0x3F30;
	v24 =	vmul.u32 $0x80, v19;
	v32 =	vadd.s32 $0x1, v19  }
0x9: {  	v28 =	vadd.s32 $0x2, v19;
	v25 =	vadd.s32 $0x3, v19;
	v29 =	vadd.s32 $0x4, v19  }
0xa: {  	v45 =	vadd.s32 $0x5, v19;
	v26 =	vadd.s32 $0x6, v19;
	v44 =	vadd.s32 $0x7, v19  }
0xb: {  	v31 =	vadd.s32 $0x8, v19;
	v30 =	vadd.s32 $0x9, v19;
	v43 =	vadd.s32 $0xA, v19  }
0xc: {  	s0 =	rddreg [dreg:$0x0];
	v42 =	vadd.s32 $0xB, v19;
	v20 =	vadd.s32 $0xC, v19;
	v21 =	vadd.s32 $0xD, v19  }
0xd: {  	s1 =	rddreg [dreg:$0x1];
	v33 =	vadd.s32 $0xE, v19;
	v34 =	vadd.s32 $0xF, v19;
	v0 =	vunpack.c.0.s8.s32 v0  }
0xe: {  	s4 =	rddreg [dreg:$0x2];
	s2 =	simm.s32 $0x0;
	v1 =	vunpack.c.0.s8.s32 v1;
	v2 =	vunpack.c.0.s8.s32 v2;
	v3 =	vunpack.c.0.s8.s32 v3  }
0xf: {  	v4 =	vunpack.c.0.s8.s32 v4;
	v5 =	vunpack.c.0.s8.s32 v5;
	v8 =	vunpack.c.0.s8.s32 v8;
	[smem:$0x7FF] =	sst s2  }
0x10: {  	s7 =	rddreg [dreg:$0x3];
	v9 =	vunpack.c.0.s8.s32 v9;
	v10 =	vunpack.c.0.s8.s32 v10;
	v11 =	vunpack.c.0.s8.s32 v11;
	_ =	strace $0x8000004A;
	[tilespmem:$0x1FEC0] =	vst v20  }
0x11: {  	v12 =	vunpack.c.0.s8.s32 v12;
	v13 =	vunpack.c.0.s8.s32 v13;
	v14 =	vunpack.c.0.s8.s32 v14;
	[tilespmem:$0x1FED0] =	vst v21  }
0x12: {  	v15 =	vunpack.c.0.s8.s32 v15;
	[tilespmem:$0x1FEE0] =	vst v31;
	v0 =	vsel vm0, v1, v0;
	v6 =	vsel vm0, v3, v2  }
0x13: {  	[tilespmem:$0x1FEF0] =	vst v30;
	v50 =	vsel vm0, v5, v4;
	v4 =	vunpack.c.0.s8.s32 v7;
	v7 =	vimm.s32 $0x1001F1E  }
0x14: {  	[tilespmem:$0x1FF00] =	vst v33;
	v8 =	vsel vm0, v9, v8;
	v17 =	vsel vm0, v11, v10;
	v12 =	vsel vm0, v12, v13  }
0x15: {  	[tilespmem:$0x1FF10] =	vst v34;
	v14 =	vsel vm0, v15, v14;
	v1 =	vsel vm0, v2, v1;
	v53 =	vsel vm0, v10, v9  }
0x16: {  	[tilespmem:$0x1FF60] =	vst v32;
	v55 =	vsel vm0, v13, v15;
	v35 =	vcombine.low v0, v6;
	v7 =	vunpack.c.0.s8.s32 v7  }
0x17: {  	[tilespmem:$0x1FF70] =	vst v43;
	v36 =	vcombine.low v14, v12;
	v12 =	vunpack.c.0.s8.s32 v18;
	v14 =	vimm.s32 $0x5040302  }
0x18: {  	[tilespmem:$0x1FF80] =	vst v42;
	v37 =	vcombine.low v8, v17;
	v51 =	vunpack.c.0.s8.s32 v14;
	v14 =	vimm.s32 $0x6050403  }
0x19: {  	[tilespmem:$0x1FF90] =	vst v45;
	v16 =	vsel vm0, v7, v4;
	v52 =	vunpack.c.0.s8.s32 v14;
	v8 =	vsel vm0, v12, v3  }
0x1a: {  	[tilespmem:$0x1FFA0] =	vst v29;
	v4 =	vsel vm0, v4, v5;
	v5 =	vimm.s32 $0x98765432;
	v18 =	vcombine.low v50, v16  }
0x1b: {  	[tilespmem:$0x1FFB0] =	vst v26;
	v2 =	vsel vm0, v51, v7;
	v12 =	vcombine.low v1, v8;
	v56 =	vunpack.c.l.s4.s8 v5  }
0x1c: {  	[tilespmem:$0x1FFC0] =	vst v44;
	v5 =	vimm.s32 $0xA9876543;
	v8 =	vimm.s32 $0x32107654;
	v14 =	vcombine.low v4, v2  }
0x1d: {  	[tilespmem:$0x1FFD0] =	vst v28;
	v0 =	vsel vm0, v52, v11;
	v4 =	vimm.s32 $0x87654321;
	v2 =	vunpack.c.l.s4.s8 v54  }
0x1e: {  	[tilespmem:$0x1FFE0] =	vst v25;
	v5 =	vunpack.c.l.s4.s8 v5;
	v58 =	vunpack.c.l.s4.s8 v8;
	v8 =	vimm.s32 $0xE0D0C0B  }
0x1f: {  	[tilespmem:$0x1FFF0] =	vst v24;
	v4 =	vunpack.c.l.s4.s8 v4;
	v63 =	vcombine.low v53, v0;
	v1 =	vunpack.c.0.s8.s32 v56  }
0x20: {  	[tilespmem:$0x1FF20] =	vst v35;
	v8 =	vunpack.c.0.s8.s32 v8;
	v2 =	vunpack.c.0.s8.s32 v2;
	v60 =	vunpack.c.0.s8.s32 v5  }
0x21: {  	[tilespmem:$0x1FF30] =	vst v36;
	v61 =	vunpack.c.0.s8.s32 v58;
	v5 =	vimm.s32 $0x6543A987;
	v4 =	vunpack.c.0.s8.s32 v4  }
0x22: {  	[tilespmem:$0x1FF40] =	vst v37;
	v59 =	vand.u32 $0xF, v1;
	v5 =	vunpack.c.l.s4.s8 v5;
	v9 =	vcombine.low v55, v2  }
0x23: {  	[tilespmem:$0x1FE70] =	vst v12;
	v15 =	vcombine.low v16, v59;
	v1 =	vand.u32 $0xF, v60;
	v2 =	vunpack.c.l.s4.s8 v62  }
0x24: {  	[tilespmem:$0x1FEB0] =	vst v18;
	v0 =	vand.u32 $0xF, v61;
	v16 =	vor.u32 $0x10, v19;
	v57 =	vand.u32 $0xF, v4  }
0x25: {  	[tilespmem:$0x1FE80] =	vst v14;
	v4 =	vimm.s32 $0x54329876;
	v5 =	vunpack.c.0.s8.s32 v5;
	v10 =	vcombine.low v6, v57  }
0x26: {  	[tilespmem:$0x1FF50] =	vst v63;
	v4 =	vunpack.c.l.s4.s8 v4;
	v2 =	vunpack.c.0.s8.s32 v2;
	v6 =	vimm.s32 $0xB0A0908  }
0x27: {  	s3 =	srdreg.scid;
	s5 =	stileid.u32;
	s10 =	simm.s32 $0x3;
	v0 =	vsel vm15, v0, v13;
	[tilespmem:$0x1FEA0] =	vst v16;
	v6 =	vunpack.c.0.s8.s32 v6;
	v5 =	vand.u32 $0xF, v5  }
0x28: {  	s12 =	simm.s32 $0xA000;
	s13 =	simm.s32 $0x7800;
	s14 =	simm.s32 $0xE000;
	[tilespmem:$0x1FE40] =	vst v9;
	v4 =	vunpack.c.0.s8.s32 v4;
	v2 =	vand.u32 $0xF, v2;
	v5 =	vsel vm15, v5, v11  }
0x29: {  	s15 =	simm.s32 $0x80;
	s16 =	simm.s32 $0x12000;
	s17 =	simm.s32 $0x16000;
	[tilespmem:$0x1FE90] =	vst v15;
	v11 =	vcombine.low v17, v1;
	v2 =	vsel vm15, v2, v3;
	v6 =	vsel vm1, v6, v0  }
0x2a: {  	s18 =	simm.s32 $0x1;
	s3 =	sand.u32 $0x1, s3;
	s5 =	sshll.u32 s5, $0x1;
	[tilespmem:$0x1FE50] =	vst v10;
	v27 =	vsel vm1, v8, v5;
	v3 =	vand.u32 $0xF, v4;
	v4 =	vimm.s32 $0xC0B0A09  }
0x2b: {  	s19 =	simm.s32 $0x2;
	s20 =	simm.s32 $0x1A000;
	s5 =	sor.u32 s3, s5;
	[tilespmem:$0x1FE10] =	vst v27;
	v3 =	vsel vm15, v3, v7;
	v7 =	vimm.s32 $0xD0C0B0A;
	v4 =	vunpack.c.0.s8.s32 v4  }
0x2c: {  	s21 =	simm.s32 $0x0;
	s6 =	ssub.s32 $0x2, s3;
	s8 =	smul.u32 $0x500, s5;
	[tilespmem:$0x1FE20] =	vst v6;
	v7 =	vunpack.c.0.s8.s32 v7  }
0x2d: {  	s23 =	simm.s32 $0x0;
	s3 =	sadd.s32 $0xE00, s4;
	s31 =	sshrl.u32 s6, $0x1;
	[tilespmem:$0x1FE60] =	vst v11;
	v4 =	vsel vm1, v4, v2  }
0x2e: {  	s4 =	sadd.s32 $0x3D1800, s4;
	s9 =	ssub.s32 s6, s31;
	s5 =	sadd.s32 s0, s8;
	v7 =	vsel vm1, v7, v3;
	[tilespmem:$0x1FE00] =	vst v4  }
0x2f: {  	s6 =	sadd.s32 s1, s8;
	s7 =	sadd.s32 s7, s8;
	s8 =	smax.u32 s9, $0x1;
	[tilespmem:$0x1FE30] =	vst v7  }
.LBB2_1:
0x30: {  	[tilespmem:s2], [sflag:$0x3] =	stream.linear.gather [hbm4b:s5+s2], $0x2800, $0x38;
	[tilespmem:$0x1C800] =	vst v63  }
0x31: {  	_ =	swait.ge [sflag:s10], $0x2800  }
0x32: {  	[sflag:s10] =	ssyncset.done $0x0  }
0x33: {  	s0 =	simm.s32 $0x2800;
	[sflag:s10] =	ssyncadd.s32 $0xFFFFD800  }
0x34: {  	[tilespmem:s0], [sflag:$0x3] =	stream.linear.gather [hbm4b:s6+s2], $0x2800, $0x38;
	[tilespmem:$0x1C800] =	vst v63  }
0x35: {  	_ =	swait.ge [sflag:s10], $0x2800  }
0x36: {  	[sflag:s10] =	ssyncset.done $0x0  }
0x37: {  	s0 =	simm.s32 $0x0;
	[sflag:s10] =	ssyncadd.s32 $0xFFFFD800  }
0x38: {  	v0 =	vld [tilespmem:s0+$0x2800]  }
0x39: {  	s1 =	simm.s32 $0x40;
	v1 =	vld [tilespmem:s0+$0x0]  }
.LBB2_2:
0x3a: {  	p0 =	sne.s32 s1, $0x9FC0  }
.Ltmp0:
0x3b: {  	_ = 	snop;
	(pc) =	sbr.rel @p0 .LBB2_2-.Ltmp0, $4  }
0x3c: {  	_ = 	snop  }
0x3d: {  	s9 =	sshra.s32 s1, $0x2;
	s1 =	sadd.s32 $0x40, s1;
	v2 =	vshrl.u32 v0, $0x2  }
0x3e: {  	v0 =	vld [tilespmem:s9+$0x2800];
	v3 =	vshrl.u32 v1, $0x2;
	[tilespmem:s0+$0x7800] =	vst v2  }
0x3f: {  	v1 =	vld [tilespmem:s9+$0x0];
	[tilespmem:s0+$0x5000] =	vst v3;
	s0 =	smov.u32 s9  }
0x40: {  	_ =	sdelay $0x2  }
0x41: {  	v0 =	vshrl.u32 v0, $0x2  }
0x42: {  	s22 =	simm.s32 $0x80;
	s31 =	simm.s32 $0x5000;
	v1 =	vshrl.u32 v1, $0x2;
	[tilespmem:s0+$0x7800] =	vst v0  }
0x43: {  	s24 =	simm.s32 $0x2800;
	s26 =	simm.s32 $0x2880;
	s28 =	simm.s32 $0x1A080;
	[tilespmem:s0+$0x5000] =	vst v1  }
0x44: {  	[tilespmem:s12], [sflag:$0x1] =	stream.indirect.gather [hbm4b:s3+s22], $0x80, s31, s22, $0xb8;
	[tilespmem:$0x1C800] =	vst v63  }
0x45: {  	s29 =	simm.s32 $0x0;
	s30 =	simm.s32 $0x0;
	s0 =	simm.s32 $0x1A000  }
0x46: {  	[tilespmem:s14], [sflag:$0x1] =	stream.indirect.gather [hbm4b:s4+s22], $0x80, s13, s22, $0xb8;
	[tilespmem:$0x1C800] =	vst v63  }
.LBB2_4:
0x47: {  	s31 =	sshll.u32 s30, $0x8  }
0x48: {  	s1 =	sadd.s32 $0x5080, s31  }
0x49: {  	[tilespmem:s16], [sflag:$0x2] =	stream.indirect.gather [hbm4b:s3+s15], $0x80, s1, s15, $0xb8;
	[tilespmem:$0x1C800] =	vst v63  }
0x4a: {  	s25 =	sadd.s32 $0x7880, s31  }
0x4b: {  	[tilespmem:s17], [sflag:$0x2] =	stream.indirect.gather [hbm4b:s4+s15], $0x80, s25, s15, $0xb8;
	[tilespmem:$0x1C800] =	vst v63  }
0x4c: {  	_ =	swait.ge [sflag:s18], $0x4000  }
0x4d: {  	[sflag:s18] =	ssyncset.done $0x0  }
0x4e: {  	[sflag:s18] =	ssyncadd.s32 $0xFFFFC000  }
0x4f: {  	_ =	swait.ge [sflag:s18], $0x4000  }
0x50: {  	[sflag:s18] =	ssyncset.done $0x0  }
0x51: {  	[sflag:s18] =	ssyncadd.s32 $0xFFFFC000  }
0x52: {  	v0 =	vld [tilespmem:s24+$0x0];
	_ =	sdelay $0x3  }
0x53: {  	v1 =	vmov s23  }
0x54: {  	v1 =	vshll.u32 v1, $0x7;
	v0 =	vshll.u32 v0, $0x5  }
0x55: {  	v2 =	vor.u32 v24, v1;
	v0 =	vand.u32 $0x60, v0  }
0x56: {  	v3 =	vor.u32 v2, v0  }
0x57: {  	v0 =	vor.u32 v6, v3;
	_ =	sdelay $0x4  }
0x58: {  	v8 =	vld.idx.msk [tilespmem:v0+s14+$0x0], $0xffff;
	v0 =	vor.u32 v15, v3;
	_ =	sdelay $0x2  }
0x59: {  	v1 =	vor.u32 v4, v3  }
0x5a: {  	v46 =	vmov v4;
	v4 =	vor.u32 v7, v3  }
0x5b: {  	v5 =	vor.u32 v27, v3;
	v0 =	vld.idx.msk [tilespmem:v0+s14+$0x0], $0xffff  }
0x5c: {  	v48 =	vmov v7;
	v7 =	vor.u32 v10, v3  }
0x5d: {  	v49 =	vmov v10;
	v10 =	vor.u32 v36, v3  }
0x5e: {  	v51 =	vmovc v6;
	v47 =	vmov v9;
	v6 =	vor.u32 v9, v3;
	v9 =	vld.idx.msk [tilespmem:v1+s14+$0x0], $0xffff;
	v1 =	vor.u32 v11, v3  }
0x5f: {  	v13 =	vor.u32 v63, v3;
	v4 =	vld.idx.msk [tilespmem:v4+s14+$0x0], $0xffff  }
0x60: {  	v40 =	vmov v28;
	v28 =	vld.idx.msk [tilespmem:v5+s14+$0x0], $0xffff;
	[tilespmem:$0x1FDD0] =	vst v0;
	v0 =	vor.u32 v16, v3  }
0x61: {  	v17 =	vor.u32 v37, v3;
	v7 =	vld.idx.msk [tilespmem:v7+s14+$0x0], $0xffff  }
0x62: {  	v19 =	vor.u32 v21, v3;
	v10 =	vld.idx.msk [tilespmem:v10+s14+$0x0], $0xffff  }
0x63: {  	v41 =	vmov v25;
	v25 =	vld.idx.msk [tilespmem:v1+s14+$0x0], $0xffff;
	v1 =	vor.u32 v35, v3  }
0x64: {  	v55 =	vmov v16;
	v57 =	vmov v18;
	v59 =	vmov v20;
	v13 =	vld.idx.msk [tilespmem:v13+s14+$0x0], $0xffff  }
0x65: {  	v16 =	vor.u32 v18, v3;
	v18 =	vor.u32 v20, v3;
	v20 =	vld.idx.msk [tilespmem:v0+s14+$0x0], $0xffff;
	v0 =	vor.u32 v33, v3  }
0x66: {  	v23 =	vor.u32 v30, v3;
	v17 =	vld.idx.msk [tilespmem:v17+s14+$0x0], $0xffff  }
0x67: {  	v38 =	vor.u32 v32, v3;
	v19 =	vld.idx.msk [tilespmem:v19+s14+$0x0], $0xffff  }
0x68: {  	v60 =	vmov v21;
	v21 =	vld.idx.msk [tilespmem:v1+s14+$0x0], $0xffff;
	v1 =	vor.u32 v34, v3  }
0x69: {  	[tilespmem:$0x1FDB0] =	vst v4;
	v4 =	vld.idx.msk [tilespmem:v6+s14+$0x0], $0xffff  }
0x6a: {  	v62 =	vmov v34;
	v34 =	vld.idx.msk [tilespmem:v0+s14+$0x0], $0xffff;
	v0 =	vor.u32 v42, v3  }
0x6b: {  	v50 =	vmov v11;
	v11 =	vor.u32 v12, v3;
	v23 =	vld.idx.msk [tilespmem:v23+s14+$0x0], $0xffff  }
0x6c: {  	v52 =	vmov v12;
	v12 =	vor.u32 v14, v3;
	v38 =	vld.idx.msk [tilespmem:v38+s14+$0x0], $0xffff  }
0x6d: {  	v56 =	vmov v35;
	v35 =	vld.idx.msk [tilespmem:v1+s14+$0x0], $0xffff  }
0x6e: {  	v61 =	vmov v33;
	v33 =	vor.u32 v43, v3;
	v1 =	vmov v36;
	v36 =	vld [tilespmem:s29+$0x0]  }
0x6f: {  	[tilespmem:$0x1FDC0] =	vst v4;
	v4 =	vlaneseq.u32;
	v0 =	vld.idx.msk [tilespmem:v0+s14+$0x0], $0xffff  }
0x70: {  	v11 =	vld.idx.msk [tilespmem:v11+s14+$0x0], $0xffff  }
0x71: {  	v39 =	vor.u32 v40, v3;
	v12 =	vld.idx.msk [tilespmem:v12+s14+$0x0], $0xffff;
	v24 =	vor.u32 v4, v3  }
0x72: {  	v5 =	vmovc v41;
	v4 =	vmov v40;
	v40 =	vor.u32 v41, v3;
	v41 =	vor.u32 v45, v3;
	v16 =	vld.idx.msk [tilespmem:v16+s14+$0x0], $0xffff  }
0x73: {  	v6 =	vld.idx.msk [tilespmem:v33+s14+$0x0], $0xffff;
	v36 =	vshll.u32 v36, $0x5  }
0x74: {  	v33 =	vor.u32 v29, v3;
	v36 =	vand.u32 $0x60, v36;
	[tilespmem:$0x1FDF0] =	vst v0;
	v0 =	vmovc v29;
	v29 =	vor.u32 v26, v3  }
0x75: {  	v18 =	vld.idx.msk [tilespmem:v18+s14+$0x0], $0xffff;
	v2 =	vor.u32 v2, v36  }
0x76: {  	v58 =	vmov v37;
	v37 =	vld.idx.msk [tilespmem:v24+s14+$0x0], $0xffff;
	v51 =	vor.u32 v51, v2  }
0x77: {  	v41 =	vld.idx.msk [tilespmem:v41+s14+$0x0], $0xffff  }
0x78: {  	v53 =	vmov v14;
	v14 =	vmov v43;
	v36 =	vld.idx.msk [tilespmem:v39+s14+$0x0], $0xffff;
	v43 =	vor.u32 v46, v2  }
0x79: {  	v54 =	vmov v15;
	v15 =	vmov v42;
	v42 =	vld.idx.msk [tilespmem:v29+s14+$0x0], $0xffff;
	v29 =	vor.u32 v47, v2  }
0x7a: {  	v24 =	vmov v45;
	v39 =	vld.idx.msk [tilespmem:v40+s14+$0x0], $0xffff;
	v45 =	vor.u32 v27, v2  }
0x7b: {  	v22 =	vor.u32 v31, v3;
	v40 =	vld.idx.msk [tilespmem:v51+s12+$0x0], $0xffff;
	v51 =	vor.u32 v52, v2  }
0x7c: {  	[tilespmem:$0x1FDE0] =	vst v6;
	v33 =	vld.idx.msk [tilespmem:v33+s14+$0x0], $0xffff;
	v6 =	vmov v44;
	v3 =	vor.u32 v44, v3;
	v44 =	vor.u32 v48, v2  }
0x7d: {  	v43 =	vld.idx.msk [tilespmem:v43+s12+$0x0], $0xffff;
	v48 =	vor.u32 v54, v2  }
0x7e: {  	v46 =	vld.idx.msk [tilespmem:v29+s12+$0x0], $0xffff;
	v29 =	vor.u32 v53, v2  }
0x7f: {  	v45 =	vld.idx.msk [tilespmem:v45+s12+$0x0], $0xffff  }
0x80: {  	v51 =	vld.idx.msk [tilespmem:v51+s12+$0x0], $0xffff;
	v47 =	vor.u32 v49, v2  }
0x81: {  	v49 =	vor.u32 v50, v2;
	v44 =	vld.idx.msk [tilespmem:v44+s12+$0x0], $0xffff  }
0x82: {  	v50 =	vor.u32 v1, v2;
	v48 =	vld.idx.msk [tilespmem:v48+s12+$0x0], $0xffff  }
0x83: {  	v52 =	vld.idx.msk [tilespmem:v29+s12+$0x0], $0xffff;
	v29 =	vor.u32 v59, v2  }
0x84: {  	v1 =	vld [tilespmem:$0x1FDB0]  }
0x85: {  	v47 =	vld.idx.msk [tilespmem:v47+s12+$0x0], $0xffff;
	v53 =	vor.u32 v63, v2  }
0x86: {  	v63 =	vor.u32 v55, v2;
	v49 =	vld.idx.msk [tilespmem:v49+s12+$0x0], $0xffff  }
0x87: {  	v55 =	vor.u32 v56, v2;
	v50 =	vld.idx.msk [tilespmem:v50+s12+$0x0], $0xffff;
	v56 =	vor.u32 v57, v2;
	v59 =	vor.u32 v60, v2  }
0x88: {  	v57 =	vor.u32 v58, v2;
	v60 =	vor.u32 v61, v2;
	v58 =	vld.idx.msk [tilespmem:v29+s12+$0x0], $0xffff;
	v29 =	vlaneseq.u32  }
0x89: {  	v8 =	vsub.f32 v40, v8;
	v40 =	vor.u32 v29, v2;
	v29 =	vsub.f32 v44, v1;
	v1 =	vld [tilespmem:$0x1FDC0]  }
0x8a: {  	v53 =	vld.idx.msk [tilespmem:v53+s12+$0x0], $0xffff  }
0x8b: {  	v54 =	vld.idx.msk [tilespmem:v63+s12+$0x0], $0xffff  }
0x8c: {  	v9 =	vsub.f32 v43, v9;
	v63 =	vor.u32 v30, v2;
	v43 =	vld.idx.msk [tilespmem:v59+s12+$0x0], $0xffff  }
0x8d: {  	v61 =	vor.u32 v62, v2;
	v59 =	vsub.f32 v45, v28;
	v45 =	vld.idx.msk [tilespmem:v60+s12+$0x0], $0xffff  }
0x8e: {  	v60 =	vmov v4;
	v1 =	vsub.f32 v46, v1;
	v46 =	vor.u32 v4, v2;
	v4 =	vld [tilespmem:$0x1FDD0]  }
0x8f: {  	v55 =	vld.idx.msk [tilespmem:v55+s12+$0x0], $0xffff;
	v10 =	vsub.f32 v50, v10;
	v50 =	vor.u32 v0, v2  }
0x90: {  	v56 =	vld.idx.msk [tilespmem:v56+s12+$0x0], $0xffff;
	v12 =	vsub.f32 v52, v12;
	v52 =	vor.u32 v24, v2  }
0x91: {  	v11 =	vsub.f32 v51, v11;
	v51 =	vld.idx.msk [tilespmem:v63+s12+$0x0], $0xffff;
	v63 =	vor.u32 v26, v2  }
0x92: {  	v7 =	vsub.f32 v47, v7;
	v47 =	vld.idx.msk [tilespmem:v61+s12+$0x0], $0xffff;
	v61 =	vmov v24;
	v24 =	vor.u32 v6, v2  }
0x93: {  	v57 =	vld.idx.msk [tilespmem:v57+s12+$0x0], $0xffff;
	v28 =	vsub.f32 v48, v4;
	v4 =	vsub.f32 v49, v25;
	v25 =	vor.u32 v5, v2  }
0x94: {  	v50 =	vld.idx.msk [tilespmem:v50+s12+$0x0], $0xffff  }
0x95: {  	v62 =	vor.u32 v31, v2;
	v52 =	vld.idx.msk [tilespmem:v52+s12+$0x0], $0xffff  }
0x96: {  	v18 =	vsub.f32 v58, v18;
	v58 =	vld.idx.msk [tilespmem:v63+s12+$0x0], $0xffff  }
0x97: {  	v63 =	vld.idx.msk [tilespmem:v24+s12+$0x0], $0xffff  }
0x98: {  	v19 =	vsub.f32 v43, v19;
	v43 =	vld.idx.msk [tilespmem:v25+s12+$0x0], $0xffff;
	v25 =	vor.u32 v14, v2  }
0x99: {  	v40 =	vld.idx.msk [tilespmem:v40+s12+$0x0], $0xffff  }
0x9a: {  	v8 =	vmul.f32 v8, v8;
	v9 =	vmul.f32 v9, v9;
	v44 =	vor.u32 v32, v2;
	v49 =	vld.idx.msk [tilespmem:v62+s12+$0x0], $0xffff  }
0x9b: {  	v11 =	vmul.f32 v11, v11;
	v7 =	vmul.f32 v7, v7;
	v46 =	vld.idx.msk [tilespmem:v46+s12+$0x0], $0xffff  }
0x9c: {  	v13 =	vsub.f32 v53, v13;
	v20 =	vsub.f32 v54, v20;
	v62 =	vmovc v0;
	v0 =	vld [tilespmem:$0x1FDE0];
	v2 =	vor.u32 v15, v2  }
0x9d: {  	v10 =	vmul.f32 v10, v10;
	v21 =	vsub.f32 v55, v21;
	v16 =	vsub.f32 v56, v16;
	v24 =	vld.idx.msk [tilespmem:v25+s12+$0x0], $0xffff  }
0x9e: {  	v3 =	vld.idx.msk [tilespmem:v3+s14+$0x0], $0xffff;
	v17 =	vsub.f32 v57, v17;
	v20 =	vmul.f32 v20, v20;
	v34 =	vsub.f32 v45, v34  }
0x9f: {  	v21 =	vmul.f32 v21, v21;
	v35 =	vsub.f32 v47, v35;
	v23 =	vsub.f32 v51, v23;
	v44 =	vld.idx.msk [tilespmem:v44+s12+$0x0], $0xffff  }
0xa0: {  	v22 =	vld.idx.msk [tilespmem:v22+s14+$0x0], $0xffff;
	v33 =	vsub.f32 v50, v33;
	v18 =	vmul.f32 v18, v18;
	v41 =	vsub.f32 v52, v41  }
0xa1: {  	v23 =	vmul.f32 v23, v23;
	v37 =	vsub.f32 v40, v37;
	v40 =	vsub.f32 v58, v42;
	v2 =	vld.idx.msk [tilespmem:v2+s12+$0x0], $0xffff  }
0xa2: {  	v56 =	vmovc v6;
	v6 =	vmul.f32 v1, v1;
	v36 =	vsub.f32 v46, v36;
	v1 =	vsub.f32 v24, v0;
	v0 =	vld [tilespmem:$0x1FDF0]  }
0xa3: {  	v33 =	vmul.f32 v33, v33;
	v3 =	vsub.f32 v63, v3;
	v41 =	vmul.f32 v41, v41  }
0xa4: {  	v38 =	vsub.f32 v44, v38;
	v40 =	vmul.f32 v40, v40;
	v36 =	vmul.f32 v36, v36  }
0xa5: {  	v3 =	vmul.f32 v3, v3;
	v37 =	vmul.f32 v37, v37;
	v39 =	vsub.f32 v43, v39  }
0xa6: {  	v38 =	vmul.f32 v38, v38;
	v22 =	vsub.f32 v49, v22;
	v36 =	vadd.f32 v40, v36  }
0xa7: {  	v39 =	vmul.f32 v39, v39;
	v1 =	vmul.f32 v1, v1;
	v0 =	vsub.f32 v2, v0  }
0xa8: {  	v22 =	vmul.f32 v22, v22;
	v25 =	vadd.f32 v41, v38;
	v2 =	vadd.f32 v33, v37  }
0xa9: {  	v3 =	vadd.f32 v3, v39;
	v1 =	vadd.f32 v1, v36;
	v0 =	vmul.f32 v0, v0  }
0xaa: {  	v19 =	vmul.f32 v19, v19;
	v2 =	vadd.f32 v22, v2;
	v22 =	vadd.f32 v23, v25  }
0xab: {  	v23 =	vmul.f32 v34, v34;
	v0 =	vadd.f32 v0, v3;
	v3 =	vmul.f32 v35, v35  }
0xac: {  	v16 =	vmul.f32 v16, v16;
	v2 =	vadd.f32 v18, v2;
	v18 =	vadd.f32 v19, v22  }
0xad: {  	v1 =	vadd.f32 v23, v1;
	v0 =	vadd.f32 v3, v0;
	v3 =	vmul.f32 v17, v17  }
0xae: {  	v12 =	vmul.f32 v12, v12;
	v2 =	vadd.f32 v20, v2;
	v17 =	vadd.f32 v21, v18  }
0xaf: {  	v1 =	vadd.f32 v16, v1;
	v0 =	vadd.f32 v3, v0;
	v3 =	vmul.f32 v13, v13  }
0xb0: {  	v2 =	vadd.f32 v10, v2;
	v10 =	vadd.f32 v11, v17;
	v11 =	vmul.f32 v28, v28  }
0xb1: {  	v1 =	vadd.f32 v12, v1;
	v0 =	vadd.f32 v3, v0;
	v3 =	vmul.f32 v4, v4  }
0xb2: {  	v2 =	vadd.f32 v6, v2;
	v6 =	vadd.f32 v7, v10;
	v4 =	vmul.f32 v29, v29  }
0xb3: {  	v1 =	vadd.f32 v11, v1;
	v0 =	vadd.f32 v3, v0;
	v3 =	vmul.f32 v59, v59  }
0xb4: {  	v2 =	vadd.f32 v8, v2;
	v5 =	vadd.f32 v9, v6  }
0xb5: {  	v1 =	vadd.f32 v4, v1;
	v0 =	vadd.f32 v3, v0;
	_ =	sdelay $0x1  }
0xb6: {  	v2 =	vadd.f32 v5, v2;
	v0 =	vadd.f32 v0, v1;
	_ =	sdelay $0x1  }
0xb7: {  	v0 =	vadd.f32 v0, v2;
	_ =	sdelay $0x1  }
0xb8: {  	v1 =	vshrl.u32 v0, $0x1;
	v2 =	vmul.f32 $5.000000000e-01, v0  }
0xb9: {  	v1 =	vsub.s32 $0x5F3759DF, v1  }
0xba: {  	v3 =	vmul.f32 v1, v2;
	_ =	sdelay $0x1  }
0xbb: {  	v3 =	vmul.f32 v1, v3;
	_ =	sdelay $0x1  }
0xbc: {  	v3 =	vsub.f32 $1.500000000e+00, v3;
	_ =	sdelay $0x1  }
0xbd: {  	v1 =	vmul.f32 v1, v3;
	_ =	sdelay $0x1  }
0xbe: {  	v3 =	vmul.f32 v1, v2;
	_ =	sdelay $0x1  }
0xbf: {  	v3 =	vmul.f32 v3, v1;
	_ =	sdelay $0x1  }
0xc0: {  	v3 =	vsub.f32 $1.500000000e+00, v3;
	_ =	sdelay $0x1  }
0xc1: {  	v1 =	vmul.f32 v3, v1;
	_ =	sdelay $0x1  }
0xc2: {  	v2 =	vmul.f32 v1, v2;
	_ =	sdelay $0x1  }
0xc3: {  	v2 =	vmul.f32 v2, v1  }
0xc4: {  	v55 =	vmov v15;
	v15 =	vld [tilespmem:$0x1FE30]  }
0xc5: {  	v57 =	vmov v14;
	v14 =	vld [tilespmem:$0x1FF30];
	v2 =	vsub.f32 $1.500000000e+00, v2  }
0xc6: {  	v24 =	vld [tilespmem:$0x1FF00]  }
0xc7: {  	v25 =	vld [tilespmem:$0x1FED0];
	v1 =	vmul.f32 v2, v1  }
0xc8: {  	v22 =	vld [tilespmem:$0x1FF50]  }
0xc9: {  	v19 =	vld [tilespmem:$0x1FEB0];
	v0 =	vmul.f32 v1, v0  }
0xca: {  	v23 =	vld [tilespmem:$0x1FEC0]  }
0xcb: {  	s1 =	sadd.s32 $0x10, s24;
	v18 =	vld [tilespmem:$0x1FE20];
	[tilespmem:s0+$0x0] =	vst v0  }
0xcc: {  	v0 =	vld [tilespmem:s1+$0x0]  }
0xcd: {  	v2 =	vld [tilespmem:$0x1FFF0]  }
0xce: {  	v16 =	vld [tilespmem:$0x1FE50]  }
0xcf: {  	s9 =	simm.s32 $0x10;
	v20 =	vld [tilespmem:$0x1FE90]  }
0xd0: {  	v9 =	vld [tilespmem:$0x1FE00];
	v1 =	vmov s9  }
0xd1: {  	v21 =	vld [tilespmem:$0x1FF20];
	v1 =	vshll.u32 v1, $0x7;
	v0 =	vshll.u32 v0, $0x5  }
0xd2: {  	v12 =	vld [tilespmem:$0x1FE60];
	v1 =	vor.u32 v2, v1;
	v0 =	vand.u32 $0x60, v0  }
0xd3: {  	v11 =	vld [tilespmem:$0x1FE40];
	v2 =	vor.u32 v1, v0  }
0xd4: {  	v13 =	vld [tilespmem:$0x1FE80];
	v0 =	vor.u32 v18, v2  }
0xd5: {  	v17 =	vld [tilespmem:$0x1FEA0];
	v3 =	vor.u32 v9, v2  }
0xd6: {  	v28 =	vld [tilespmem:$0x1FF10];
	v4 =	vor.u32 v15, v2  }
0xd7: {  	v10 =	vld [tilespmem:$0x1FE70];
	v5 =	vor.u32 v27, v2  }
0xd8: {  	v29 =	vld [tilespmem:$0x1FF40];
	v6 =	vor.u32 v11, v2  }
0xd9: {  	v7 =	vor.u32 v16, v2;
	v35 =	vld.idx.msk [tilespmem:v0+s14+$0x0], $0xffff  }
0xda: {  	v0 =	vor.u32 v20, v2;
	v38 =	vld.idx.msk [tilespmem:v3+s14+$0x0], $0xffff  }
0xdb: {  	v3 =	vor.u32 v12, v2;
	v36 =	vld.idx.msk [tilespmem:v4+s14+$0x0], $0xffff  }
0xdc: {  	v4 =	vor.u32 v14, v2;
	v40 =	vld.idx.msk [tilespmem:v5+s14+$0x0], $0xffff  }
0xdd: {  	v5 =	vor.u32 v10, v2;
	v37 =	vld.idx.msk [tilespmem:v6+s14+$0x0], $0xffff  }
0xde: {  	v6 =	vor.u32 v13, v2;
	v42 =	vld.idx.msk [tilespmem:v7+s14+$0x0], $0xffff  }
0xdf: {  	v7 =	vor.u32 v22, v2;
	v39 =	vld.idx.msk [tilespmem:v0+s14+$0x0], $0xffff  }
0xe0: {  	v0 =	vor.u32 v17, v2;
	v44 =	vld.idx.msk [tilespmem:v3+s14+$0x0], $0xffff  }
0xe1: {  	v3 =	vor.u32 v21, v2;
	v41 =	vld.idx.msk [tilespmem:v4+s14+$0x0], $0xffff  }
0xe2: {  	v4 =	vor.u32 v19, v2;
	v47 =	vld.idx.msk [tilespmem:v5+s14+$0x0], $0xffff  }
0xe3: {  	v5 =	vor.u32 v29, v2;
	v43 =	vld.idx.msk [tilespmem:v6+s14+$0x0], $0xffff  }
0xe4: {  	v6 =	vor.u32 v23, v2;
	v50 =	vld.idx.msk [tilespmem:v7+s14+$0x0], $0xffff  }
0xe5: {  	v7 =	vor.u32 v25, v2;
	v45 =	vld.idx.msk [tilespmem:v0+s14+$0x0], $0xffff  }
0xe6: {  	v0 =	vor.u32 v24, v2;
	v53 =	vld.idx.msk [tilespmem:v3+s14+$0x0], $0xffff  }
0xe7: {  	v3 =	vor.u32 v28, v2;
	v48 =	vld.idx.msk [tilespmem:v4+s14+$0x0], $0xffff  }
0xe8: {  	v51 =	vld.idx.msk [tilespmem:v5+s14+$0x0], $0xffff  }
0xe9: {  	v4 =	vor.u32 v31, v2;
	v46 =	vld.idx.msk [tilespmem:v6+s14+$0x0], $0xffff  }
0xea: {  	v5 =	vor.u32 v30, v2;
	v54 =	vld.idx.msk [tilespmem:v7+s14+$0x0], $0xffff  }
0xeb: {  	v49 =	vld.idx.msk [tilespmem:v0+s14+$0x0], $0xffff  }
0xec: {  	s9 =	sadd.s32 $0x10, s29;
	v0 =	vor.u32 v55, v2;
	v55 =	vld.idx.msk [tilespmem:v3+s14+$0x0], $0xffff  }
0xed: {  	v3 =	vld [tilespmem:s9+$0x0]  }
0xee: {  	v6 =	vor.u32 v57, v2;
	v57 =	vld.idx.msk [tilespmem:v4+s14+$0x0], $0xffff  }
0xef: {  	v8 =	vor.u32 v32, v2;
	v4 =	vor.u32 v60, v2;
	v60 =	vld.idx.msk [tilespmem:v5+s14+$0x0], $0xffff  }
0xf0: {  	v7 =	vlaneseq.u32;
	v5 =	vld [tilespmem:$0x1FFE0]  }
0xf1: {  	v7 =	vor.u32 v7, v2;
	_ =	sdelay $0x1  }
0xf2: {  	v34 =	vld.idx.msk [tilespmem:v6+s14+$0x0], $0xffff;
	v6 =	vor.u32 v62, v2  }
0xf3: {  	v63 =	vld.idx.msk [tilespmem:v8+s14+$0x0], $0xffff;
	v8 =	vor.u32 v26, v2  }
0xf4: {  	v5 =	vor.u32 v5, v2;
	v33 =	vld.idx.msk [tilespmem:v0+s14+$0x0], $0xffff;
	v3 =	vshll.u32 v3, $0x5  }
0xf5: {  	v0 =	vld.idx.msk [tilespmem:v7+s14+$0x0], $0xffff;
	v7 =	vor.u32 v61, v2;
	v3 =	vand.u32 $0x60, v3  }
0xf6: {  	v62 =	vld.idx.msk [tilespmem:v4+s14+$0x0], $0xffff;
	v2 =	vor.u32 v56, v2;
	v1 =	vor.u32 v1, v3  }
0xf7: {  	v59 =	vld.idx.msk [tilespmem:v6+s14+$0x0], $0xffff;
	v3 =	vor.u32 v18, v1  }
0xf8: {  	v56 =	vld.idx.msk [tilespmem:v8+s14+$0x0], $0xffff;
	v4 =	vor.u32 v9, v1  }
0xf9: {  	v6 =	vor.u32 v15, v1;
	v61 =	vld.idx.msk [tilespmem:v5+s14+$0x0], $0xffff  }
0xfa: {  	v8 =	vor.u32 v11, v1;
	v58 =	vld.idx.msk [tilespmem:v7+s14+$0x0], $0xffff  }
0xfb: {  	v9 =	vor.u32 v16, v1;
	v52 =	vld.idx.msk [tilespmem:v2+s14+$0x0], $0xffff  }
0xfc: {  	v11 =	vor.u32 v20, v1;
	v2 =	vld.idx.msk [tilespmem:v3+s12+$0x0], $0xffff  }
0xfd: {  	v12 =	vor.u32 v12, v1;
	v5 =	vld.idx.msk [tilespmem:v4+s12+$0x0], $0xffff  }
0xfe: {  	v14 =	vor.u32 v14, v1;
	v3 =	vld.idx.msk [tilespmem:v6+s12+$0x0], $0xffff  }
0xff: {  	v15 =	vor.u32 v10, v1;
	v4 =	vld.idx.msk [tilespmem:v8+s12+$0x0], $0xffff  }
0x100: {  	v16 =	vor.u32 v13, v1;
	v10 =	vld.idx.msk [tilespmem:v9+s12+$0x0], $0xffff  }
0x101: {  	v17 =	vor.u32 v17, v1;
	v6 =	vld.idx.msk [tilespmem:v11+s12+$0x0], $0xffff  }
0x102: {  	v18 =	vor.u32 v21, v1;
	v13 =	vld.idx.msk [tilespmem:v12+s12+$0x0], $0xffff  }
0x103: {  	v20 =	vor.u32 v29, v1;
	v8 =	vld.idx.msk [tilespmem:v14+s12+$0x0], $0xffff  }
0x104: {  	v32 =	vor.u32 v23, v1;
	v14 =	vld.idx.msk [tilespmem:v15+s12+$0x0], $0xffff  }
0x105: {  	v7 =	vor.u32 v27, v1;
	v11 =	vld.idx.msk [tilespmem:v16+s12+$0x0], $0xffff  }
0x106: {  	v9 =	vor.u32 v22, v1;
	v12 =	vld.idx.msk [tilespmem:v17+s12+$0x0], $0xffff  }
0x107: {  	v19 =	vor.u32 v19, v1;
	v15 =	vld.idx.msk [tilespmem:v18+s12+$0x0], $0xffff  }
0x108: {  	v17 =	vld.idx.msk [tilespmem:v20+s12+$0x0], $0xffff  }
0x109: {  	v18 =	vld.idx.msk [tilespmem:v32+s12+$0x0], $0xffff  }
0x10a: {  	v7 =	vld.idx.msk [tilespmem:v7+s12+$0x0], $0xffff  }
0x10b: {  	v23 =	vor.u32 v25, v1;
	v21 =	vor.u32 v28, v1;
	v16 =	vld.idx.msk [tilespmem:v9+s12+$0x0], $0xffff  }
0x10c: {  	s11 =	simm.s32 $0x20;
	s25 =	smov.u32 s0;
	v22 =	vor.u32 v24, v1;
	v20 =	vor.u32 v31, v1;
	v9 =	vld.idx.msk [tilespmem:v19+s12+$0x0], $0xffff;
	v19 =	vor.u32 v30, v1  }
.LBB2_5:
0x10d: {  	_ =	sdelay $0x3  }
0x10e: {  	v23 =	vld.idx.msk [tilespmem:v23+s12+$0x0], $0xffff  }
0x10f: {  	v25 =	vld [tilespmem:$0x1FF60]  }
0x110: {  	v22 =	vld.idx.msk [tilespmem:v22+s12+$0x0], $0xffff  }
0x111: {  	v20 =	vld.idx.msk [tilespmem:v20+s12+$0x0], $0xffff  }
0x112: {  	v28 =	vld [tilespmem:$0x1FFA0]  }
0x113: {  	v10 =	vsub.f32 v10, v42;
	v42 =	vld [tilespmem:$0x1FF90]  }
0x114: {  	v32 =	vld [tilespmem:$0x1FF70]  }
0x115: {  	v36 =	vsub.f32 v3, v36;
	v3 =	vld [tilespmem:$0x1FFD0];
	v31 =	vor.u32 v25, v1  }
0x116: {  	v2 =	vsub.f32 v2, v35;
	v35 =	vsub.f32 v7, v40;
	v7 =	vld.idx.msk [tilespmem:v21+s12+$0x0], $0xffff  }
0x117: {  	v24 =	vlaneseq.u32;
	v21 =	vld [tilespmem:$0x1FFE0]  }
0x118: {  	v24 =	vor.u32 v24, v1;
	v10 =	vmul.f32 v10, v10;
	v13 =	vsub.f32 v13, v44;
	v44 =	vld [tilespmem:$0x1FFB0]  }
0x119: {  	v5 =	vsub.f32 v5, v38;
	v14 =	vsub.f32 v14, v47;
	v47 =	vld [tilespmem:$0x1FFC0];
	v29 =	vor.u32 v28, v1  }
0x11a: {  	v4 =	vsub.f32 v4, v37;
	v6 =	vsub.f32 v6, v39;
	v39 =	vor.u32 v42, v1;
	v38 =	vld.idx.msk [tilespmem:v31+s12+$0x0], $0xffff  }
0x11b: {  	v8 =	vsub.f32 v8, v41;
	v11 =	vsub.f32 v11, v43;
	v3 =	vor.u32 v3, v1;
	v31 =	vld [tilespmem:$0x1FF80]  }
0x11c: {  	v19 =	vld.idx.msk [tilespmem:v19+s12+$0x0], $0xffff;
	v16 =	vsub.f32 v16, v50;
	v12 =	vsub.f32 v12, v45;
	v21 =	vor.u32 v21, v1  }
0x11d: {  	v15 =	vsub.f32 v15, v53;
	v9 =	vsub.f32 v9, v48;
	v24 =	vld.idx.msk [tilespmem:v24+s12+$0x0], $0xffff;
	v40 =	vor.u32 v44, v1  }
0x11e: {  	v17 =	vsub.f32 v17, v51;
	v18 =	vsub.f32 v18, v46;
	v50 =	vor.u32 v47, v1;
	v37 =	vld.idx.msk [tilespmem:v29+s12+$0x0], $0xffff  }
0x11f: {  	v53 =	vor.u32 v32, v1;
	v23 =	vsub.f32 v23, v54;
	v2 =	vmul.f32 v2, v2;
	v39 =	vld.idx.msk [tilespmem:v39+s12+$0x0], $0xffff  }
0x120: {  	v5 =	vmul.f32 v5, v5;
	v4 =	vmul.f32 v4, v4;
	v3 =	vld.idx.msk [tilespmem:v3+s12+$0x0], $0xffff;
	v1 =	vor.u32 v31, v1  }
0x121: {  	v20 =	vsub.f32 v20, v57;
	v8 =	vmul.f32 v8, v8;
	v14 =	vmul.f32 v14, v14;
	v21 =	vld.idx.msk [tilespmem:v21+s12+$0x0], $0xffff  }
0x122: {  	v19 =	vsub.f32 v19, v60;
	v12 =	vmul.f32 v12, v12;
	v15 =	vmul.f32 v15, v15;
	v60 =	vld.idx.msk [tilespmem:v40+s12+$0x0], $0xffff  }
0x123: {  	v22 =	vsub.f32 v22, v49;
	v18 =	vmul.f32 v18, v18;
	v23 =	vmul.f32 v23, v23;
	v28 =	vld.idx.msk [tilespmem:v50+s12+$0x0], $0xffff  }
0x124: {  	v20 =	vmul.f32 v20, v20;
	v29 =	vld.idx.msk [tilespmem:v53+s12+$0x0], $0xffff;
	v0 =	vsub.f32 v24, v0;
	v38 =	vsub.f32 v38, v63  }
0x125: {  	v19 =	vmul.f32 v19, v19;
	v7 =	vsub.f32 v7, v55;
	v37 =	vsub.f32 v37, v59;
	v1 =	vld.idx.msk [tilespmem:v1+s12+$0x0], $0xffff  }
0x126: {  	v0 =	vmul.f32 v0, v0;
	v39 =	vsub.f32 v39, v58;
	v38 =	vmul.f32 v38, v38  }
0x127: {  	v37 =	vmul.f32 v37, v37;
	v3 =	vsub.f32 v3, v62;
	v21 =	vsub.f32 v21, v61  }
0x128: {  	v39 =	vmul.f32 v39, v39;
	v24 =	vsub.f32 v60, v56;
	v40 =	vsub.f32 v28, v52  }
0x129: {  	v34 =	vsub.f32 v29, v34;
	v3 =	vmul.f32 v3, v3;
	v21 =	vmul.f32 v21, v21  }
0x12a: {  	v24 =	vmul.f32 v24, v24;
	v40 =	vmul.f32 v40, v40;
	v1 =	vsub.f32 v1, v33  }
0x12b: {  	v34 =	vmul.f32 v34, v34;
	v0 =	vadd.f32 v37, v0;
	v30 =	vadd.f32 v39, v38  }
0x12c: {  	v3 =	vadd.f32 v24, v3;
	v21 =	vadd.f32 v40, v21;
	v1 =	vmul.f32 v1, v1  }
0x12d: {  	v7 =	vmul.f32 v7, v7;
	v0 =	vadd.f32 v20, v0;
	v19 =	vadd.f32 v19, v30  }
0x12e: {  	v20 =	vmul.f32 v22, v22;
	v3 =	vadd.f32 v34, v3;
	v1 =	vadd.f32 v1, v21  }
0x12f: {  	v9 =	vmul.f32 v9, v9;
	v0 =	vadd.f32 v18, v0;
	v18 =	vadd.f32 v23, v19  }
0x130: {  	v3 =	vadd.f32 v20, v3;
	v1 =	vadd.f32 v7, v1;
	v7 =	vmul.f32 v17, v17  }
0x131: {  	v11 =	vmul.f32 v11, v11;
	v0 =	vadd.f32 v12, v0;
	v12 =	vadd.f32 v15, v18  }
0x132: {  	v3 =	vadd.f32 v9, v3;
	v1 =	vadd.f32 v7, v1;
	v7 =	vmul.f32 v16, v16  }
0x133: {  	v6 =	vmul.f32 v6, v6;
	v0 =	vadd.f32 v8, v0;
	v8 =	vadd.f32 v14, v12  }
0x134: {  	v3 =	vadd.f32 v11, v3;
	v1 =	vadd.f32 v7, v1;
	v7 =	vmul.f32 v13, v13  }
0x135: {  	v0 =	vadd.f32 v4, v0;
	v4 =	vadd.f32 v10, v8;
	v8 =	vmul.f32 v36, v36  }
0x136: {  	v3 =	vadd.f32 v6, v3;
	v6 =	vmul.f32 v35, v35;
	v1 =	vadd.f32 v7, v1  }
0x137: {  	v0 =	vadd.f32 v2, v0;
	v2 =	vadd.f32 v5, v4  }
0x138: {  	v3 =	vadd.f32 v8, v3;
	v1 =	vadd.f32 v6, v1;
	_ =	sdelay $0x1  }
0x139: {  	v0 =	vadd.f32 v2, v0;
	v1 =	vadd.f32 v1, v3;
	_ =	sdelay $0x1  }
0x13a: {  	v0 =	vadd.f32 v1, v0;
	_ =	sdelay $0x1  }
0x13b: {  	v1 =	vshrl.u32 v0, $0x1;
	v2 =	vmul.f32 $5.000000000e-01, v0  }
0x13c: {  	v1 =	vsub.s32 $0x5F3759DF, v1  }
0x13d: {  	v3 =	vmul.f32 v1, v2;
	_ =	sdelay $0x1  }
0x13e: {  	v3 =	vmul.f32 v1, v3;
	_ =	sdelay $0x1  }
0x13f: {  	v3 =	vsub.f32 $1.500000000e+00, v3;
	_ =	sdelay $0x1  }
0x140: {  	v1 =	vmul.f32 v1, v3;
	_ =	sdelay $0x1  }
0x141: {  	v3 =	vmul.f32 v1, v2;
	_ =	sdelay $0x1  }
0x142: {  	v3 =	vmul.f32 v3, v1;
	_ =	sdelay $0x1  }
0x143: {  	v3 =	vsub.f32 $1.500000000e+00, v3;
	_ =	sdelay $0x1  }
0x144: {  	v1 =	vmul.f32 v3, v1  }
0x145: {  	v27 =	vld [tilespmem:$0x1FEE0]  }
0x146: {  	v26 =	vld [tilespmem:$0x1FEF0];
	v2 =	vmul.f32 v1, v2  }
0x147: {  	v25 =	vld [tilespmem:$0x1FF40]  }
0x148: {  	v29 =	vld [tilespmem:$0x1FF10];
	v2 =	vmul.f32 v2, v1  }
0x149: {  	v28 =	vld [tilespmem:$0x1FF00]  }
0x14a: {  	v30 =	vld [tilespmem:$0x1FF50];
	v2 =	vsub.f32 $1.500000000e+00, v2  }
0x14b: {  	v22 =	vld [tilespmem:$0x1FED0]  }
0x14c: {  	v24 =	vld [tilespmem:$0x1FF30];
	v1 =	vmul.f32 v2, v1  }
0x14d: {  	v19 =	vld [tilespmem:$0x1FEA0]  }
0x14e: {  	v23 =	vld [tilespmem:$0x1FF20];
	v0 =	vmul.f32 v1, v0  }
0x14f: {  	s25 =	sadd.s32 $0x10, s25;
	v18 =	vld [tilespmem:$0x1FE90]  }
0x150: {  	s1 =	sadd.s32 $0x10, s1;
	v15 =	vld [tilespmem:$0x1FE60];
	[tilespmem:s25+$0x0] =	vst v0  }
0x151: {  	v0 =	vld [tilespmem:s1+$0x0]  }
0x152: {  	v2 =	vld [tilespmem:$0x1FFF0]  }
0x153: {  	v12 =	vld [tilespmem:$0x1FE30]  }
0x154: {  	v11 =	vld [tilespmem:$0x1FE20]  }
0x155: {  	v9 =	vld [tilespmem:$0x1FE00];
	v1 =	vmov s11  }
0x156: {  	v14 =	vld [tilespmem:$0x1FE50];
	v1 =	vshll.u32 v1, $0x7;
	v0 =	vshll.u32 v0, $0x5  }
0x157: {  	v10 =	vld [tilespmem:$0x1FE10];
	v1 =	vor.u32 v2, v1;
	v0 =	vand.u32 $0x60, v0  }
0x158: {  	v13 =	vld [tilespmem:$0x1FE40];
	v2 =	vor.u32 v1, v0  }
0x159: {  	v20 =	vld [tilespmem:$0x1FEB0];
	v0 =	vor.u32 v11, v2  }
0x15a: {  	v8 =	vld [tilespmem:$0x1FF60];
	v3 =	vor.u32 v9, v2  }
0x15b: {  	v21 =	vld [tilespmem:$0x1FEC0];
	v4 =	vor.u32 v12, v2  }
0x15c: {  	v17 =	vld [tilespmem:$0x1FE80];
	v5 =	vor.u32 v10, v2  }
0x15d: {  	v16 =	vld [tilespmem:$0x1FE70];
	v6 =	vor.u32 v13, v2  }
0x15e: {  	v7 =	vor.u32 v14, v2;
	v35 =	vld.idx.msk [tilespmem:v0+s14+$0x0], $0xffff  }
0x15f: {  	v8 =	vor.u32 v8, v2;
	v38 =	vld.idx.msk [tilespmem:v3+s14+$0x0], $0xffff  }
0x160: {  	v36 =	vld.idx.msk [tilespmem:v4+s14+$0x0], $0xffff  }
0x161: {  	v0 =	vor.u32 v18, v2;
	v40 =	vld.idx.msk [tilespmem:v5+s14+$0x0], $0xffff  }
0x162: {  	v3 =	vor.u32 v15, v2;
	v37 =	vld.idx.msk [tilespmem:v6+s14+$0x0], $0xffff  }
0x163: {  	v4 =	vor.u32 v24, v2;
	v42 =	vld.idx.msk [tilespmem:v7+s14+$0x0], $0xffff  }
0x164: {  	v5 =	vor.u32 v16, v2;
	v63 =	vld.idx.msk [tilespmem:v8+s14+$0x0], $0xffff  }
0x165: {  	v6 =	vor.u32 v17, v2;
	v8 =	vld [tilespmem:$0x1FFB0]  }
0x166: {  	v7 =	vor.u32 v30, v2;
	v39 =	vld.idx.msk [tilespmem:v0+s14+$0x0], $0xffff  }
0x167: {  	v0 =	vor.u32 v19, v2;
	v44 =	vld.idx.msk [tilespmem:v3+s14+$0x0], $0xffff  }
0x168: {  	v3 =	vor.u32 v23, v2;
	v41 =	vld.idx.msk [tilespmem:v4+s14+$0x0], $0xffff  }
0x169: {  	v4 =	vor.u32 v20, v2;
	v47 =	vld.idx.msk [tilespmem:v5+s14+$0x0], $0xffff  }
0x16a: {  	v5 =	vor.u32 v25, v2;
	v43 =	vld.idx.msk [tilespmem:v6+s14+$0x0], $0xffff  }
0x16b: {  	v6 =	vor.u32 v21, v2;
	v50 =	vld.idx.msk [tilespmem:v7+s14+$0x0], $0xffff  }
0x16c: {  	v7 =	vor.u32 v22, v2;
	v45 =	vld.idx.msk [tilespmem:v0+s14+$0x0], $0xffff  }
0x16d: {  	v0 =	vor.u32 v28, v2;
	v53 =	vld.idx.msk [tilespmem:v3+s14+$0x0], $0xffff  }
0x16e: {  	v3 =	vor.u32 v29, v2;
	v48 =	vld.idx.msk [tilespmem:v4+s14+$0x0], $0xffff  }
0x16f: {  	v51 =	vld.idx.msk [tilespmem:v5+s14+$0x0], $0xffff  }
0x170: {  	v4 =	vor.u32 v27, v2;
	v46 =	vld.idx.msk [tilespmem:v6+s14+$0x0], $0xffff  }
0x171: {  	v54 =	vld.idx.msk [tilespmem:v7+s14+$0x0], $0xffff  }
0x172: {  	v5 =	vor.u32 v26, v2;
	v49 =	vld.idx.msk [tilespmem:v0+s14+$0x0], $0xffff  }
0x173: {  	s9 =	sadd.s32 $0x10, s9;
	v55 =	vld.idx.msk [tilespmem:v3+s14+$0x0], $0xffff  }
0x174: {  	v6 =	vor.u32 v32, v2;
	v3 =	vld [tilespmem:s9+$0x0]  }
0x175: {  	v57 =	vld.idx.msk [tilespmem:v4+s14+$0x0], $0xffff  }
0x176: {  	v7 =	vlaneseq.u32;
	v0 =	vor.u32 v31, v2;
	v4 =	vld [tilespmem:$0x1FFD0]  }
0x177: {  	v7 =	vor.u32 v7, v2;
	v60 =	vld.idx.msk [tilespmem:v5+s14+$0x0], $0xffff  }
0x178: {  	v5 =	vld [tilespmem:$0x1FFE0]  }
0x179: {  	v34 =	vld.idx.msk [tilespmem:v6+s14+$0x0], $0xffff  }
0x17a: {  	v6 =	vld [tilespmem:$0x1FFA0]  }
0x17b: {  	v33 =	vld.idx.msk [tilespmem:v0+s14+$0x0], $0xffff  }
0x17c: {  	v0 =	vld.idx.msk [tilespmem:v7+s14+$0x0], $0xffff  }
0x17d: {  	v8 =	vor.u32 v8, v2;
	v7 =	vld [tilespmem:$0x1FF90]  }
0x17e: {  	v4 =	vor.u32 v4, v2;
	_ =	sdelay $0x1  }
0x17f: {  	v5 =	vor.u32 v5, v2;
	v3 =	vshll.u32 v3, $0x5  }
0x180: {  	v6 =	vor.u32 v6, v2;
	v3 =	vand.u32 $0x60, v3  }
0x181: {  	v56 =	vld.idx.msk [tilespmem:v8+s14+$0x0], $0xffff;
	v1 =	vor.u32 v1, v3;
	v7 =	vor.u32 v7, v2  }
0x182: {  	v62 =	vld.idx.msk [tilespmem:v4+s14+$0x0], $0xffff;
	v4 =	vor.u32 v9, v1  }
0x183: {  	v3 =	vld [tilespmem:$0x1FFC0];
	v8 =	vor.u32 v13, v1  }
0x184: {  	v61 =	vld.idx.msk [tilespmem:v5+s14+$0x0], $0xffff;
	v9 =	vor.u32 v14, v1  }
0x185: {  	v59 =	vld.idx.msk [tilespmem:v6+s14+$0x0], $0xffff;
	v6 =	vor.u32 v12, v1;
	v12 =	vor.u32 v15, v1  }
0x186: {  	v14 =	vor.u32 v24, v1;
	v58 =	vld.idx.msk [tilespmem:v7+s14+$0x0], $0xffff  }
0x187: {  	v15 =	vor.u32 v16, v1;
	v5 =	vld.idx.msk [tilespmem:v4+s12+$0x0], $0xffff  }
0x188: {  	v16 =	vor.u32 v17, v1;
	v17 =	vor.u32 v19, v1;
	v4 =	vld.idx.msk [tilespmem:v8+s12+$0x0], $0xffff  }
0x189: {  	v31 =	vor.u32 v25, v1;
	v7 =	vor.u32 v10, v1;
	v10 =	vld.idx.msk [tilespmem:v9+s12+$0x0], $0xffff  }
0x18a: {  	v2 =	vor.u32 v3, v2;
	v13 =	vld.idx.msk [tilespmem:v12+s12+$0x0], $0xffff  }
0x18b: {  	v3 =	vor.u32 v11, v1;
	v8 =	vld.idx.msk [tilespmem:v14+s12+$0x0], $0xffff  }
0x18c: {  	v14 =	vld.idx.msk [tilespmem:v15+s12+$0x0], $0xffff  }
0x18d: {  	v11 =	vor.u32 v18, v1;
	v12 =	vld.idx.msk [tilespmem:v17+s12+$0x0], $0xffff  }
0x18e: {  	v17 =	vld.idx.msk [tilespmem:v31+s12+$0x0], $0xffff  }
0x18f: {  	v18 =	vor.u32 v23, v1;
	v52 =	vld.idx.msk [tilespmem:v2+s14+$0x0], $0xffff  }
0x190: {  	v32 =	vor.u32 v21, v1;
	v2 =	vld.idx.msk [tilespmem:v3+s12+$0x0], $0xffff  }
0x191: {  	v3 =	vld.idx.msk [tilespmem:v6+s12+$0x0], $0xffff  }
0x192: {  	v9 =	vor.u32 v30, v1;
	v6 =	vld.idx.msk [tilespmem:v11+s12+$0x0], $0xffff  }
0x193: {  	p0 =	sne.s32 s11, $0x70;
	v19 =	vor.u32 v20, v1;
	v11 =	vld.idx.msk [tilespmem:v16+s12+$0x0], $0xffff  }
.Ltmp1:
0x194: {  	v15 =	vld.idx.msk [tilespmem:v18+s12+$0x0], $0xffff;
	(pc) =	sbr.rel @p0 .LBB2_5-.Ltmp1, $4  }
0x195: {  	v18 =	vld.idx.msk [tilespmem:v32+s12+$0x0], $0xffff  }
0x196: {  	v7 =	vld.idx.msk [tilespmem:v7+s12+$0x0], $0xffff  }
0x197: {  	v21 =	vor.u32 v29, v1;
	v20 =	vor.u32 v27, v1;
	v16 =	vld.idx.msk [tilespmem:v9+s12+$0x0], $0xffff  }
0x198: {  	s11 =	sadd.s32 $0x10, s11;
	v23 =	vor.u32 v22, v1;
	v22 =	vor.u32 v28, v1;
	v9 =	vld.idx.msk [tilespmem:v19+s12+$0x0], $0xffff;
	v19 =	vor.u32 v26, v1  }
0x199: {  	_ =	sdelay $0x3  }
0x19a: {  	v23 =	vld.idx.msk [tilespmem:v23+s12+$0x0], $0xffff  }
0x19b: {  	v25 =	vld [tilespmem:$0x1FF60]  }
0x19c: {  	v22 =	vld.idx.msk [tilespmem:v22+s12+$0x0], $0xffff  }
0x19d: {  	v30 =	vld [tilespmem:$0x1FFD0]  }
0x19e: {  	v21 =	vld.idx.msk [tilespmem:v21+s12+$0x0], $0xffff  }
0x19f: {  	v31 =	vld [tilespmem:$0x1FFE0]  }
0x1a0: {  	v20 =	vld.idx.msk [tilespmem:v20+s12+$0x0], $0xffff  }
0x1a1: {  	v10 =	vsub.f32 v10, v42;
	v42 =	vld [tilespmem:$0x1FFA0]  }
0x1a2: {  	v2 =	vsub.f32 v2, v35;
	v24 =	vlaneseq.u32;
	v27 =	vld [tilespmem:$0x1FF90]  }
0x1a3: {  	v5 =	vsub.f32 v5, v38;
	v3 =	vsub.f32 v3, v36;
	v28 =	vld [tilespmem:$0x1FFB0];
	v24 =	vor.u32 v24, v1  }
0x1a4: {  	v4 =	vsub.f32 v4, v37;
	v6 =	vsub.f32 v6, v39;
	v29 =	vld [tilespmem:$0x1FFC0];
	v25 =	vor.u32 v25, v1  }
0x1a5: {  	v13 =	vsub.f32 v13, v44;
	v8 =	vsub.f32 v8, v41;
	v26 =	vld [tilespmem:$0x1FF70];
	v35 =	vor.u32 v30, v1  }
0x1a6: {  	v14 =	vsub.f32 v14, v47;
	v11 =	vsub.f32 v11, v43;
	v43 =	vld [tilespmem:$0x1FF80];
	v36 =	vor.u32 v31, v1  }
0x1a7: {  	v19 =	vld.idx.msk [tilespmem:v19+s12+$0x0], $0xffff;
	v12 =	vsub.f32 v12, v45;
	v15 =	vsub.f32 v15, v53;
	v44 =	vor.u32 v42, v1  }
0x1a8: {  	v17 =	vsub.f32 v17, v51;
	v18 =	vsub.f32 v18, v46;
	v47 =	vor.u32 v27, v1;
	v24 =	vld.idx.msk [tilespmem:v24+s12+$0x0], $0xffff  }
0x1a9: {  	v2 =	vmul.f32 v2, v2;
	v16 =	vsub.f32 v16, v50;
	v50 =	vor.u32 v28, v1;
	v25 =	vld.idx.msk [tilespmem:v25+s12+$0x0], $0xffff  }
0x1aa: {  	v5 =	vmul.f32 v5, v5;
	v4 =	vmul.f32 v4, v4;
	v53 =	vor.u32 v29, v1;
	v35 =	vld.idx.msk [tilespmem:v35+s12+$0x0], $0xffff  }
0x1ab: {  	v23 =	vsub.f32 v23, v54;
	v54 =	vor.u32 v26, v1;
	v1 =	vor.u32 v43, v1;
	v36 =	vld.idx.msk [tilespmem:v36+s12+$0x0], $0xffff  }
0x1ac: {  	v7 =	vsub.f32 v7, v40;
	v10 =	vmul.f32 v10, v10;
	v8 =	vmul.f32 v8, v8;
	v37 =	vld.idx.msk [tilespmem:v44+s12+$0x0], $0xffff  }
0x1ad: {  	v14 =	vmul.f32 v14, v14;
	v12 =	vmul.f32 v12, v12;
	v9 =	vsub.f32 v9, v48;
	v38 =	vld.idx.msk [tilespmem:v47+s12+$0x0], $0xffff  }
0x1ae: {  	v15 =	vmul.f32 v15, v15;
	v22 =	vsub.f32 v22, v49;
	v20 =	vsub.f32 v20, v57;
	v57 =	vld.idx.msk [tilespmem:v50+s12+$0x0], $0xffff  }
0x1af: {  	v18 =	vmul.f32 v18, v18;
	v21 =	vsub.f32 v21, v55;
	v19 =	vsub.f32 v19, v60;
	v60 =	vld.idx.msk [tilespmem:v53+s12+$0x0], $0xffff  }
0x1b0: {  	v23 =	vmul.f32 v23, v23;
	v20 =	vmul.f32 v20, v20;
	v1 =	vld.idx.msk [tilespmem:v1+s12+$0x0], $0xffff;
	v0 =	vsub.f32 v24, v0  }
0x1b1: {  	v19 =	vmul.f32 v19, v19;
	v25 =	vsub.f32 v25, v63;
	v35 =	vsub.f32 v35, v62;
	v63 =	vld.idx.msk [tilespmem:v54+s12+$0x0], $0xffff  }
0x1b2: {  	v0 =	vmul.f32 v0, v0;
	v36 =	vsub.f32 v36, v61;
	v37 =	vsub.f32 v37, v59  }
0x1b3: {  	v38 =	vsub.f32 v38, v58;
	v24 =	vsub.f32 v57, v56;
	v25 =	vmul.f32 v25, v25  }
0x1b4: {  	v39 =	vsub.f32 v60, v52;
	v35 =	vmul.f32 v35, v35;
	v36 =	vmul.f32 v36, v36  }
0x1b5: {  	v1 =	vsub.f32 v1, v33;
	v37 =	vmul.f32 v37, v37;
	v38 =	vmul.f32 v38, v38  }
0x1b6: {  	v24 =	vmul.f32 v24, v24;
	v39 =	vmul.f32 v39, v39;
	v34 =	vsub.f32 v63, v34  }
0x1b7: {  	v1 =	vmul.f32 v1, v1;
	v0 =	vadd.f32 v37, v0;
	v25 =	vadd.f32 v38, v25  }
0x1b8: {  	v24 =	vadd.f32 v24, v35;
	v39 =	vadd.f32 v39, v36;
	v38 =	vmul.f32 v34, v34  }
0x1b9: {  	v21 =	vmul.f32 v21, v21;
	v0 =	vadd.f32 v20, v0;
	v19 =	vadd.f32 v19, v25  }
0x1ba: {  	v20 =	vmul.f32 v22, v22;
	v1 =	vadd.f32 v1, v39;
	v22 =	vadd.f32 v38, v24  }
0x1bb: {  	v17 =	vmul.f32 v17, v17;
	v0 =	vadd.f32 v18, v0;
	v18 =	vadd.f32 v23, v19  }
0x1bc: {  	v9 =	vmul.f32 v9, v9;
	v1 =	vadd.f32 v21, v1;
	v19 =	vadd.f32 v20, v22  }
0x1bd: {  	v11 =	vmul.f32 v11, v11;
	v0 =	vadd.f32 v12, v0;
	v12 =	vadd.f32 v15, v18  }
0x1be: {  	v1 =	vadd.f32 v17, v1;
	v15 =	vmul.f32 v16, v16;
	v9 =	vadd.f32 v9, v19  }
0x1bf: {  	v6 =	vmul.f32 v6, v6;
	v0 =	vadd.f32 v8, v0;
	v8 =	vadd.f32 v14, v12  }
0x1c0: {  	v1 =	vadd.f32 v15, v1;
	v9 =	vadd.f32 v11, v9;
	v11 =	vmul.f32 v13, v13  }
0x1c1: {  	v3 =	vmul.f32 v3, v3;
	v0 =	vadd.f32 v4, v0;
	v4 =	vadd.f32 v10, v8  }
0x1c2: {  	v7 =	vmul.f32 v7, v7;
	v6 =	vadd.f32 v6, v9;
	v1 =	vadd.f32 v11, v1  }
0x1c3: {  	v0 =	vadd.f32 v2, v0;
	v2 =	vadd.f32 v5, v4  }
0x1c4: {  	v3 =	vadd.f32 v3, v6;
	v1 =	vadd.f32 v7, v1;
	_ =	sdelay $0x1  }
0x1c5: {  	v0 =	vadd.f32 v2, v0;
	v1 =	vadd.f32 v1, v3;
	_ =	sdelay $0x1  }
0x1c6: {  	v0 =	vadd.f32 v1, v0;
	_ =	sdelay $0x1  }
0x1c7: {  	v1 =	vshrl.u32 v0, $0x1;
	v2 =	vmul.f32 $5.000000000e-01, v0  }
0x1c8: {  	v1 =	vsub.s32 $0x5F3759DF, v1  }
0x1c9: {  	v3 =	vmul.f32 v1, v2;
	_ =	sdelay $0x1  }
0x1ca: {  	v3 =	vmul.f32 v1, v3;
	_ =	sdelay $0x1  }
0x1cb: {  	v3 =	vsub.f32 $1.500000000e+00, v3;
	_ =	sdelay $0x1  }
0x1cc: {  	v1 =	vmul.f32 v1, v3;
	_ =	sdelay $0x1  }
0x1cd: {  	v3 =	vmul.f32 v1, v2;
	_ =	sdelay $0x1  }
0x1ce: {  	v3 =	vmul.f32 v3, v1;
	_ =	sdelay $0x1  }
0x1cf: {  	v3 =	vsub.f32 $1.500000000e+00, v3;
	_ =	sdelay $0x1  }
0x1d0: {  	v1 =	vmul.f32 v3, v1;
	_ =	sdelay $0x1  }
0x1d1: {  	v2 =	vmul.f32 v1, v2;
	_ =	sdelay $0x1  }
0x1d2: {  	v2 =	vmul.f32 v2, v1;
	_ =	sdelay $0x1  }
0x1d3: {  	v2 =	vsub.f32 $1.500000000e+00, v2;
	_ =	sdelay $0x1  }
0x1d4: {  	v1 =	vmul.f32 v2, v1;
	_ =	sdelay $0x1  }
0x1d5: {  	v0 =	vmul.f32 v1, v0  }
0x1d6: {  	s1 =	sadd.s32 $0x10, s25;
	p0 =	seq.s32 s30, $0x27  }
0x1d7: {  	s9 =	simm.s32 @!p0 $0x80;
	s11 =	simm.s32 @!p0 $0xA000;
	[tilespmem:s1+$0x0] =	vst v0;
	s1 =	sadd.s32 @!p0 $0x5100, s31  }
0x1d8: {  	[tilespmem:s11], [sflag:$0x1] =	stream.indirect.gather @!p0 [hbm4b:s3+s9], $0x80, s1, s9, $0xb8;
	[tilespmem:$0x1C800] =	vst v63  }
0x1d9: {  	s1 =	sadd.s32 @!p0 $0x7900, s31;
	s11 =	simm.s32 @!p0 $0xE000  }
0x1da: {  	[tilespmem:s11], [sflag:$0x1] =	stream.indirect.gather @!p0 [hbm4b:s4+s9], $0x80, s1, s9, $0xb8;
	[tilespmem:$0x1C800] =	vst v63  }
0x1db: {  	_ =	swait.ge [sflag:s19], $0x4000  }
0x1dc: {  	[sflag:s19] =	ssyncset.done $0x0  }
0x1dd: {  	[sflag:s19] =	ssyncadd.s32 $0xFFFFC000  }
0x1de: {  	_ =	swait.ge [sflag:s19], $0x4000  }
0x1df: {  	v2 =	vld [tilespmem:$0x1FFF0]  }
0x1e0: {  	v41 =	vld [tilespmem:$0x1FE20]  }
0x1e1: {  	v14 =	vld [tilespmem:$0x1FE00]  }
0x1e2: {  	v15 =	vld [tilespmem:$0x1FE30]  }
0x1e3: {  	v44 =	vld [tilespmem:$0x1FE10]  }
0x1e4: {  	v45 =	vld [tilespmem:$0x1FE40]  }
0x1e5: {  	v46 =	vld [tilespmem:$0x1FE50]  }
0x1e6: {  	v47 =	vld [tilespmem:$0x1FE90]  }
0x1e7: {  	v48 =	vld [tilespmem:$0x1FE60]  }
0x1e8: {  	[sflag:s19] =	ssyncset.done $0x0;
	v49 =	vld [tilespmem:$0x1FF30]  }
0x1e9: {  	v50 =	vld [tilespmem:$0x1FE70];
	[sflag:s19] =	ssyncadd.s32 $0xFFFFC000  }
0x1ea: {  	v0 =	vld [tilespmem:s26+$0x0]  }
0x1eb: {  	v51 =	vld [tilespmem:$0x1FE80]  }
0x1ec: {  	v52 =	vld [tilespmem:$0x1FF50]  }
0x1ed: {  	s25 =	simm.s32 $0x0;
	v53 =	vld [tilespmem:$0x1FEA0]  }
0x1ee: {  	v1 =	vmov s25;
	v54 =	vld [tilespmem:$0x1FF20]  }
0x1ef: {  	v1 =	vshll.u32 v1, $0x7;
	v55 =	vld [tilespmem:$0x1FEB0];
	v0 =	vshll.u32 v0, $0x5  }
0x1f0: {  	v56 =	vld [tilespmem:$0x1FF40];
	v2 =	vor.u32 v2, v1;
	v0 =	vand.u32 $0x60, v0  }
0x1f1: {  	v57 =	vld [tilespmem:$0x1FEC0];
	v3 =	vor.u32 v2, v0  }
0x1f2: {  	v58 =	vld [tilespmem:$0x1FED0];
	v0 =	vor.u32 v41, v3  }
0x1f3: {  	v59 =	vld [tilespmem:$0x1FF00];
	v1 =	vor.u32 v14, v3  }
0x1f4: {  	v60 =	vld [tilespmem:$0x1FF10];
	v4 =	vor.u32 v15, v3  }
0x1f5: {  	v61 =	vld [tilespmem:$0x1FEE0];
	v5 =	vor.u32 v44, v3  }
0x1f6: {  	v34 =	vld [tilespmem:s22+$0x0];
	v7 =	vor.u32 v46, v3  }
0x1f7: {  	v10 =	vor.u32 v49, v3;
	v8 =	vld.idx.msk [tilespmem:v0+s17+$0x0], $0xffff  }
0x1f8: {  	v11 =	vor.u32 v50, v3;
	v9 =	vld.idx.msk [tilespmem:v1+s17+$0x0], $0xffff  }
0x1f9: {  	v12 =	vor.u32 v51, v3;
	v4 =	vld.idx.msk [tilespmem:v4+s17+$0x0], $0xffff  }
0x1fa: {  	v13 =	vor.u32 v52, v3;
	v20 =	vld.idx.msk [tilespmem:v5+s17+$0x0], $0xffff  }
0x1fb: {  	v16 =	vor.u32 v55, v3;
	v7 =	vld.idx.msk [tilespmem:v7+s17+$0x0], $0xffff  }
0x1fc: {  	v0 =	vor.u32 v47, v3;
	v10 =	vld.idx.msk [tilespmem:v10+s17+$0x0], $0xffff  }
0x1fd: {  	v1 =	vor.u32 v48, v3;
	v11 =	vld.idx.msk [tilespmem:v11+s17+$0x0], $0xffff  }
0x1fe: {  	v17 =	vor.u32 v56, v3;
	v12 =	vld.idx.msk [tilespmem:v12+s17+$0x0], $0xffff  }
0x1ff: {  	v18 =	vor.u32 v57, v3;
	v13 =	vld.idx.msk [tilespmem:v13+s17+$0x0], $0xffff  }
0x200: {  	v16 =	vld.idx.msk [tilespmem:v16+s17+$0x0], $0xffff  }
0x201: {  	v32 =	vld.idx.msk [tilespmem:v0+s17+$0x0], $0xffff;
	v0 =	vor.u32 v53, v3  }
0x202: {  	v25 =	vld.idx.msk [tilespmem:v1+s17+$0x0], $0xffff;
	v1 =	vor.u32 v54, v3  }
0x203: {  	v37 =	vor.u32 v30, v3;
	v17 =	vld.idx.msk [tilespmem:v17+s17+$0x0], $0xffff  }
0x204: {  	v38 =	vor.u32 v31, v3;
	v18 =	vld.idx.msk [tilespmem:v18+s17+$0x0], $0xffff  }
0x205: {  	v6 =	vor.u32 v45, v3;
	v5 =	vld [tilespmem:$0x1FEF0]  }
0x206: {  	v34 =	vshll.u32 v34, $0x5;
	v62 =	vld.idx.msk [tilespmem:v0+s17+$0x0], $0xffff;
	v0 =	vor.u32 v59, v3  }
0x207: {  	v34 =	vand.u32 $0x60, v34;
	v21 =	vld.idx.msk [tilespmem:v1+s17+$0x0], $0xffff;
	v1 =	vor.u32 v60, v3  }
0x208: {  	v63 =	vlaneseq.u32;
	v2 =	vor.u32 v2, v34;
	v34 =	vld.idx.msk [tilespmem:v37+s17+$0x0], $0xffff  }
0x209: {  	v40 =	vor.u32 v63, v3;
	v37 =	vld.idx.msk [tilespmem:v38+s17+$0x0], $0xffff  }
0x20a: {  	v38 =	vor.u32 v41, v2;
	[tilespmem:$0x1FD70] =	vst v4;
	v4 =	vld.idx.msk [tilespmem:v6+s17+$0x0], $0xffff  }
0x20b: {  	v24 =	vor.u32 v26, v3;
	v0 =	vld.idx.msk [tilespmem:v0+s17+$0x0], $0xffff  }
0x20c: {  	v19 =	vor.u32 v58, v3;
	v33 =	vld.idx.msk [tilespmem:v1+s17+$0x0], $0xffff  }
0x20d: {  	v22 =	vor.u32 v61, v3;
	v1 =	vld [tilespmem:$0x1FF60]  }
0x20e: {  	v39 =	vor.u32 v27, v3;
	v35 =	vld.idx.msk [tilespmem:v40+s17+$0x0], $0xffff  }
0x20f: {  	v40 =	vor.u32 v28, v3;
	v38 =	vld.idx.msk [tilespmem:v38+s16+$0x0], $0xffff  }
0x210: {  	v41 =	vor.u32 v14, v2;
	[tilespmem:$0x1FD80] =	vst v4;
	v4 =	vld.idx.msk [tilespmem:v24+s17+$0x0], $0xffff  }
0x211: {  	v19 =	vld.idx.msk [tilespmem:v19+s17+$0x0], $0xffff;
	v23 =	vor.u32 v5, v3  }
0x212: {  	v22 =	vld.idx.msk [tilespmem:v22+s17+$0x0], $0xffff;
	v6 =	vmov v43;
	[tilespmem:$0x1FD90] =	vst v0;
	v0 =	vor.u32 v43, v3;
	v43 =	vor.u32 v1, v3  }
0x213: {  	v39 =	vld.idx.msk [tilespmem:v39+s17+$0x0], $0xffff;
	v24 =	vor.u32 v42, v3  }
0x214: {  	v40 =	vld.idx.msk [tilespmem:v40+s17+$0x0], $0xffff;
	v8 =	vsub.f32 v38, v8;
	v38 =	vor.u32 v63, v2  }
0x215: {  	v41 =	vld.idx.msk [tilespmem:v41+s16+$0x0], $0xffff;
	[tilespmem:$0x1FDA0] =	vst v4;
	v4 =	vmov v42;
	v42 =	vor.u32 v15, v2  }
0x216: {  	v23 =	vld.idx.msk [tilespmem:v23+s17+$0x0], $0xffff  }
0x217: {  	v3 =	vor.u32 v29, v3;
	v36 =	vld.idx.msk [tilespmem:v43+s17+$0x0], $0xffff;
	v43 =	vor.u32 v44, v2  }
0x218: {  	v24 =	vld.idx.msk [tilespmem:v24+s17+$0x0], $0xffff;
	v44 =	vor.u32 v45, v2;
	v45 =	vor.u32 v46, v2;
	v46 =	vor.u32 v47, v2  }
0x219: {  	v38 =	vld.idx.msk [tilespmem:v38+s16+$0x0], $0xffff;
	v47 =	vor.u32 v48, v2;
	v48 =	vor.u32 v49, v2;
	v49 =	vor.u32 v50, v2  }
0x21a: {  	v42 =	vld.idx.msk [tilespmem:v42+s16+$0x0], $0xffff;
	v50 =	vor.u32 v51, v2;
	v51 =	vor.u32 v52, v2;
	v52 =	vor.u32 v53, v2  }
0x21b: {  	v0 =	vld.idx.msk [tilespmem:v0+s17+$0x0], $0xffff;
	v53 =	vor.u32 v54, v2;
	v54 =	vor.u32 v55, v2;
	v55 =	vor.u32 v56, v2  }
0x21c: {  	v3 =	vld.idx.msk [tilespmem:v3+s17+$0x0], $0xffff;
	v56 =	vor.u32 v57, v2;
	v57 =	vor.u32 v58, v2;
	v58 =	vor.u32 v59, v2  }
0x21d: {  	v59 =	vor.u32 v60, v2;
	v60 =	vor.u32 v61, v2;
	v61 =	vor.u32 v5, v2;
	v5 =	vld [tilespmem:$0x1FD70]  }
0x21e: {  	v43 =	vld.idx.msk [tilespmem:v43+s16+$0x0], $0xffff  }
0x21f: {  	v44 =	vld.idx.msk [tilespmem:v44+s16+$0x0], $0xffff  }
0x220: {  	v45 =	vld.idx.msk [tilespmem:v45+s16+$0x0], $0xffff  }
0x221: {  	v46 =	vld.idx.msk [tilespmem:v46+s16+$0x0], $0xffff  }
0x222: {  	v47 =	vld.idx.msk [tilespmem:v47+s16+$0x0], $0xffff  }
0x223: {  	v48 =	vld.idx.msk [tilespmem:v48+s16+$0x0], $0xffff  }
0x224: {  	v49 =	vld.idx.msk [tilespmem:v49+s16+$0x0], $0xffff  }
0x225: {  	v50 =	vld.idx.msk [tilespmem:v50+s16+$0x0], $0xffff  }
0x226: {  	v51 =	vld.idx.msk [tilespmem:v51+s16+$0x0], $0xffff  }
0x227: {  	v52 =	vld.idx.msk [tilespmem:v52+s16+$0x0], $0xffff  }
0x228: {  	v53 =	vld.idx.msk [tilespmem:v53+s16+$0x0], $0xffff  }
0x229: {  	v9 =	vsub.f32 v41, v9;
	v41 =	vld.idx.msk [tilespmem:v57+s16+$0x0], $0xffff  }
0x22a: {  	v57 =	vsub.f32 v42, v5;
	v42 =	vor.u32 v1, v2;
	v1 =	vld [tilespmem:$0x1FD80]  }
0x22b: {  	v54 =	vld.idx.msk [tilespmem:v54+s16+$0x0], $0xffff  }
0x22c: {  	v55 =	vld.idx.msk [tilespmem:v55+s16+$0x0], $0xffff  }
0x22d: {  	v56 =	vld.idx.msk [tilespmem:v56+s16+$0x0], $0xffff  }
0x22e: {  	v8 =	vmul.f32 v8, v8;
	v35 =	vsub.f32 v38, v35;
	v63 =	vsub.f32 v43, v20;
	v43 =	vld.idx.msk [tilespmem:v58+s16+$0x0], $0xffff  }
0x22f: {  	v1 =	vsub.f32 v44, v1;
	v7 =	vsub.f32 v45, v7;
	v44 =	vor.u32 v30, v2;
	v45 =	vld.idx.msk [tilespmem:v59+s16+$0x0], $0xffff  }
0x230: {  	v15 =	vsub.f32 v47, v25;
	v25 =	vor.u32 v31, v2;
	v47 =	vld.idx.msk [tilespmem:v60+s16+$0x0], $0xffff;
	v10 =	vsub.f32 v48, v10  }
0x231: {  	v11 =	vsub.f32 v49, v11;
	v48 =	vor.u32 v4, v2;
	v49 =	vld.idx.msk [tilespmem:v61+s16+$0x0], $0xffff;
	v12 =	vsub.f32 v50, v12  }
0x232: {  	v50 =	vor.u32 v27, v2;
	v20 =	vsub.f32 v52, v62;
	v42 =	vld.idx.msk [tilespmem:v42+s16+$0x0], $0xffff;
	v61 =	vor.u32 v28, v2  }
0x233: {  	v60 =	vmovc v4;
	v30 =	vmovc v28;
	v17 =	vsub.f32 v55, v17;
	v62 =	vor.u32 v29, v2;
	v28 =	vmov v29;
	v4 =	vld [tilespmem:$0x1FD90]  }
0x234: {  	v29 =	vor.u32 v26, v2;
	v2 =	vor.u32 v6, v2;
	v55 =	vmovc v6;
	v6 =	vmul.f32 v1, v1;
	v1 =	vld [tilespmem:$0x1FDA0]  }
0x235: {  	v9 =	vmul.f32 v9, v9;
	v35 =	vmul.f32 v35, v35;
	v44 =	vld.idx.msk [tilespmem:v44+s16+$0x0], $0xffff  }
0x236: {  	v14 =	vsub.f32 v46, v32;
	v58 =	vmov v31;
	v19 =	vsub.f32 v41, v19;
	v41 =	vld.idx.msk [tilespmem:v25+s16+$0x0], $0xffff  }
0x237: {  	v13 =	vsub.f32 v51, v13;
	v21 =	vsub.f32 v53, v21;
	v7 =	vmul.f32 v7, v7;
	v48 =	vld.idx.msk [tilespmem:v48+s16+$0x0], $0xffff  }
0x238: {  	v18 =	vsub.f32 v56, v18;
	v10 =	vmul.f32 v10, v10;
	v11 =	vmul.f32 v11, v11;
	v53 =	vld.idx.msk [tilespmem:v50+s16+$0x0], $0xffff  }
0x239: {  	v16 =	vsub.f32 v54, v16;
	v20 =	vmul.f32 v20, v20;
	v21 =	vmul.f32 v21, v21;
	v56 =	vld.idx.msk [tilespmem:v61+s16+$0x0], $0xffff  }
0x23a: {  	v18 =	vmul.f32 v18, v18;
	v31 =	vsub.f32 v43, v4;
	v22 =	vsub.f32 v47, v22;
	v61 =	vld.idx.msk [tilespmem:v62+s16+$0x0], $0xffff  }
0x23b: {  	v19 =	vmul.f32 v19, v19;
	v33 =	vsub.f32 v45, v33;
	v23 =	vsub.f32 v49, v23;
	v62 =	vld.idx.msk [tilespmem:v29+s16+$0x0], $0xffff  }
0x23c: {  	v36 =	vsub.f32 v42, v36;
	v2 =	vld.idx.msk [tilespmem:v2+s16+$0x0], $0xffff;
	v22 =	vmul.f32 v22, v22;
	v34 =	vsub.f32 v44, v34  }
0x23d: {  	v23 =	vmul.f32 v23, v23;
	v37 =	vsub.f32 v41, v37;
	v24 =	vsub.f32 v48, v24  }
0x23e: {  	v36 =	vmul.f32 v36, v36;
	v39 =	vsub.f32 v53, v39;
	v38 =	vsub.f32 v56, v40  }
0x23f: {  	v3 =	vsub.f32 v61, v3;
	v34 =	vmul.f32 v34, v34;
	v37 =	vmul.f32 v37, v37  }
0x240: {  	v1 =	vsub.f32 v62, v1;
	v24 =	vmul.f32 v24, v24;
	v39 =	vmul.f32 v39, v39  }
0x241: {  	v0 =	vsub.f32 v2, v0;
	v38 =	vmul.f32 v38, v38;
	v3 =	vmul.f32 v3, v3  }
0x242: {  	v1 =	vmul.f32 v1, v1;
	v2 =	vadd.f32 v24, v35;
	v29 =	vadd.f32 v39, v36  }
0x243: {  	v0 =	vmul.f32 v0, v0;
	v34 =	vadd.f32 v38, v34;
	v3 =	vadd.f32 v3, v37  }
0x244: {  	v2 =	vadd.f32 v22, v2;
	v22 =	vadd.f32 v23, v29;
	v23 =	vmul.f32 v31, v31  }
0x245: {  	v1 =	vadd.f32 v1, v34;
	v0 =	vadd.f32 v0, v3;
	v3 =	vmul.f32 v33, v33  }
0x246: {  	v16 =	vmul.f32 v16, v16;
	v2 =	vadd.f32 v18, v2;
	v18 =	vadd.f32 v19, v22  }
0x247: {  	v1 =	vadd.f32 v23, v1;
	v0 =	vadd.f32 v3, v0;
	v3 =	vmul.f32 v17, v17  }
0x248: {  	v12 =	vmul.f32 v12, v12;
	v2 =	vadd.f32 v20, v2;
	v17 =	vadd.f32 v21, v18  }
0x249: {  	v1 =	vadd.f32 v16, v1;
	v0 =	vadd.f32 v3, v0;
	v3 =	vmul.f32 v13, v13  }
0x24a: {  	v2 =	vadd.f32 v10, v2;
	v10 =	vadd.f32 v11, v17;
	v11 =	vmul.f32 v14, v14  }
0x24b: {  	v1 =	vadd.f32 v12, v1;
	v0 =	vadd.f32 v3, v0;
	v3 =	vmul.f32 v15, v15  }
0x24c: {  	v4 =	vmul.f32 v57, v57;
	v2 =	vadd.f32 v6, v2;
	v6 =	vadd.f32 v7, v10  }
0x24d: {  	v1 =	vadd.f32 v11, v1;
	v0 =	vadd.f32 v3, v0;
	v3 =	vmul.f32 v63, v63  }
0x24e: {  	v2 =	vadd.f32 v8, v2;
	v5 =	vadd.f32 v9, v6  }
0x24f: {  	v1 =	vadd.f32 v4, v1;
	v0 =	vadd.f32 v3, v0;
	_ =	sdelay $0x1  }
0x250: {  	v2 =	vadd.f32 v5, v2;
	v0 =	vadd.f32 v0, v1;
	_ =	sdelay $0x1  }
0x251: {  	v0 =	vadd.f32 v0, v2;
	_ =	sdelay $0x1  }
0x252: {  	v1 =	vshrl.u32 v0, $0x1;
	v2 =	vmul.f32 $5.000000000e-01, v0  }
0x253: {  	v1 =	vsub.s32 $0x5F3759DF, v1  }
0x254: {  	v3 =	vmul.f32 v1, v2;
	_ =	sdelay $0x1  }
0x255: {  	v3 =	vmul.f32 v1, v3;
	_ =	sdelay $0x1  }
0x256: {  	v3 =	vsub.f32 $1.500000000e+00, v3;
	_ =	sdelay $0x1  }
0x257: {  	v1 =	vmul.f32 v1, v3;
	_ =	sdelay $0x1  }
0x258: {  	v3 =	vmul.f32 v1, v2;
	_ =	sdelay $0x1  }
0x259: {  	v3 =	vmul.f32 v3, v1;
	_ =	sdelay $0x1  }
0x25a: {  	v3 =	vsub.f32 $1.500000000e+00, v3;
	_ =	sdelay $0x1  }
0x25b: {  	v1 =	vmul.f32 v3, v1  }
0x25c: {  	v54 =	vmov v26;
	v26 =	vld [tilespmem:$0x1FF40]  }
0x25d: {  	v59 =	vmov v27;
	v27 =	vld [tilespmem:$0x1FED0];
	v2 =	vmul.f32 v1, v2  }
0x25e: {  	v32 =	vld [tilespmem:$0x1FF10]  }
0x25f: {  	v25 =	vld [tilespmem:$0x1FEF0];
	v2 =	vmul.f32 v2, v1  }
0x260: {  	v24 =	vld [tilespmem:$0x1FF20]  }
0x261: {  	v29 =	vld [tilespmem:$0x1FF30];
	v2 =	vsub.f32 $1.500000000e+00, v2  }
0x262: {  	v31 =	vld [tilespmem:$0x1FEE0]  }
0x263: {  	v19 =	vld [tilespmem:$0x1FEA0];
	v1 =	vmul.f32 v2, v1  }
0x264: {  	v23 =	vld [tilespmem:$0x1FEC0]  }
0x265: {  	v22 =	vld [tilespmem:$0x1FF00];
	v0 =	vmul.f32 v1, v0  }
0x266: {  	v13 =	vld [tilespmem:$0x1FE40]  }
0x267: {  	s1 =	sadd.s32 $0x10, s26;
	v18 =	vld [tilespmem:$0x1FE90];
	[tilespmem:s28+$0x0] =	vst v0  }
0x268: {  	v0 =	vld [tilespmem:s1+$0x0]  }
0x269: {  	v2 =	vld [tilespmem:$0x1FFF0]  }
0x26a: {  	v16 =	vld [tilespmem:$0x1FE70]  }
0x26b: {  	s31 =	simm.s32 $0x10;
	v12 =	vld [tilespmem:$0x1FE20]  }
0x26c: {  	v11 =	vld [tilespmem:$0x1FE00];
	v1 =	vmov s31  }
0x26d: {  	v10 =	vld [tilespmem:$0x1FE30];
	v1 =	vshll.u32 v1, $0x7;
	v0 =	vshll.u32 v0, $0x5  }
0x26e: {  	v9 =	vld [tilespmem:$0x1FE10];
	v1 =	vor.u32 v2, v1;
	v0 =	vand.u32 $0x60, v0  }
0x26f: {  	v21 =	vld [tilespmem:$0x1FF50];
	v2 =	vor.u32 v1, v0  }
0x270: {  	v14 =	vld [tilespmem:$0x1FE50];
	v0 =	vor.u32 v12, v2  }
0x271: {  	v20 =	vld [tilespmem:$0x1FEB0];
	v3 =	vor.u32 v11, v2  }
0x272: {  	v15 =	vld [tilespmem:$0x1FE60];
	v4 =	vor.u32 v10, v2  }
0x273: {  	v17 =	vld [tilespmem:$0x1FE80];
	v5 =	vor.u32 v9, v2  }
0x274: {  	v8 =	vld [tilespmem:$0x1FF60];
	v6 =	vor.u32 v13, v2  }
0x275: {  	v7 =	vor.u32 v14, v2;
	v35 =	vld.idx.msk [tilespmem:v0+s17+$0x0], $0xffff  }
0x276: {  	v0 =	vor.u32 v18, v2;
	v38 =	vld.idx.msk [tilespmem:v3+s17+$0x0], $0xffff  }
0x277: {  	v3 =	vor.u32 v15, v2;
	v36 =	vld.idx.msk [tilespmem:v4+s17+$0x0], $0xffff  }
0x278: {  	v4 =	vor.u32 v29, v2;
	v40 =	vld.idx.msk [tilespmem:v5+s17+$0x0], $0xffff  }
0x279: {  	v5 =	vor.u32 v16, v2;
	v37 =	vld.idx.msk [tilespmem:v6+s17+$0x0], $0xffff  }
0x27a: {  	v6 =	vor.u32 v17, v2;
	v42 =	vld.idx.msk [tilespmem:v7+s17+$0x0], $0xffff  }
0x27b: {  	v7 =	vor.u32 v21, v2;
	v39 =	vld.idx.msk [tilespmem:v0+s17+$0x0], $0xffff  }
0x27c: {  	v0 =	vor.u32 v19, v2;
	v44 =	vld.idx.msk [tilespmem:v3+s17+$0x0], $0xffff  }
0x27d: {  	v3 =	vor.u32 v24, v2;
	v41 =	vld.idx.msk [tilespmem:v4+s17+$0x0], $0xffff  }
0x27e: {  	v4 =	vor.u32 v20, v2;
	v47 =	vld.idx.msk [tilespmem:v5+s17+$0x0], $0xffff  }
0x27f: {  	v5 =	vor.u32 v26, v2;
	v43 =	vld.idx.msk [tilespmem:v6+s17+$0x0], $0xffff  }
0x280: {  	v6 =	vor.u32 v23, v2;
	v49 =	vld.idx.msk [tilespmem:v7+s17+$0x0], $0xffff  }
0x281: {  	v7 =	vor.u32 v27, v2;
	v45 =	vld.idx.msk [tilespmem:v0+s17+$0x0], $0xffff  }
0x282: {  	v0 =	vor.u32 v22, v2;
	v52 =	vld.idx.msk [tilespmem:v3+s17+$0x0], $0xffff  }
0x283: {  	v3 =	vor.u32 v32, v2;
	v48 =	vld.idx.msk [tilespmem:v4+s17+$0x0], $0xffff  }
0x284: {  	v50 =	vld.idx.msk [tilespmem:v5+s17+$0x0], $0xffff  }
0x285: {  	v4 =	vor.u32 v31, v2;
	v46 =	vld.idx.msk [tilespmem:v6+s17+$0x0], $0xffff  }
0x286: {  	v53 =	vld.idx.msk [tilespmem:v7+s17+$0x0], $0xffff  }
0x287: {  	v51 =	vld.idx.msk [tilespmem:v0+s17+$0x0], $0xffff  }
0x288: {  	s9 =	sadd.s32 $0x10, s22;
	v5 =	vor.u32 v25, v2;
	v6 =	vor.u32 v54, v2;
	v54 =	vld.idx.msk [tilespmem:v3+s17+$0x0], $0xffff  }
0x289: {  	v7 =	vlaneseq.u32;
	v3 =	vld [tilespmem:s9+$0x0]  }
0x28a: {  	v7 =	vor.u32 v7, v2;
	v0 =	vor.u32 v55, v2;
	v55 =	vld.idx.msk [tilespmem:v4+s17+$0x0], $0xffff  }
0x28b: {  	v4 =	vld [tilespmem:$0x1FFD0]  }
0x28c: {  	v8 =	vor.u32 v8, v2  }
0x28d: {  	v56 =	vld.idx.msk [tilespmem:v5+s17+$0x0], $0xffff;
	v5 =	vor.u32 v58, v2  }
0x28e: {  	v34 =	vld.idx.msk [tilespmem:v6+s17+$0x0], $0xffff;
	v6 =	vor.u32 v60, v2  }
0x28f: {  	v61 =	vld.idx.msk [tilespmem:v7+s17+$0x0], $0xffff;
	v7 =	vor.u32 v30, v2  }
0x290: {  	v4 =	vor.u32 v4, v2;
	v33 =	vld.idx.msk [tilespmem:v0+s17+$0x0], $0xffff;
	v0 =	vshll.u32 v3, $0x5  }
0x291: {  	v63 =	vld.idx.msk [tilespmem:v8+s17+$0x0], $0xffff;
	v3 =	vor.u32 v59, v2;
	v0 =	vand.u32 $0x60, v0  }
0x292: {  	v2 =	vor.u32 v28, v2;
	v62 =	vld.idx.msk [tilespmem:v5+s17+$0x0], $0xffff;
	v1 =	vor.u32 v1, v0  }
0x293: {  	v59 =	vld.idx.msk [tilespmem:v6+s17+$0x0], $0xffff;
	v5 =	vor.u32 v11, v1  }
0x294: {  	v58 =	vld.idx.msk [tilespmem:v7+s17+$0x0], $0xffff;
	v6 =	vor.u32 v9, v1  }
0x295: {  	v9 =	vor.u32 v14, v1;
	v0 =	vld.idx.msk [tilespmem:v4+s17+$0x0], $0xffff  }
0x296: {  	v11 =	vor.u32 v18, v1;
	v60 =	vld.idx.msk [tilespmem:v3+s17+$0x0], $0xffff  }
0x297: {  	v4 =	vor.u32 v12, v1;
	v57 =	vld.idx.msk [tilespmem:v2+s17+$0x0], $0xffff  }
0x298: {  	v3 =	vor.u32 v10, v1;
	v5 =	vld.idx.msk [tilespmem:v5+s16+$0x0], $0xffff  }
0x299: {  	v8 =	vor.u32 v13, v1;
	v7 =	vld.idx.msk [tilespmem:v6+s16+$0x0], $0xffff  }
0x29a: {  	v12 =	vor.u32 v15, v1;
	v10 =	vld.idx.msk [tilespmem:v9+s16+$0x0], $0xffff  }
0x29b: {  	v14 =	vor.u32 v29, v1;
	v6 =	vld.idx.msk [tilespmem:v11+s16+$0x0], $0xffff  }
0x29c: {  	v15 =	vor.u32 v16, v1;
	v2 =	vld.idx.msk [tilespmem:v4+s16+$0x0], $0xffff  }
0x29d: {  	v16 =	vor.u32 v17, v1;
	v3 =	vld.idx.msk [tilespmem:v3+s16+$0x0], $0xffff  }
0x29e: {  	v17 =	vor.u32 v19, v1;
	v4 =	vld.idx.msk [tilespmem:v8+s16+$0x0], $0xffff  }
0x29f: {  	v18 =	vor.u32 v24, v1;
	v13 =	vld.idx.msk [tilespmem:v12+s16+$0x0], $0xffff  }
0x2a0: {  	v19 =	vor.u32 v20, v1;
	v20 =	vor.u32 v26, v1;
	v8 =	vld.idx.msk [tilespmem:v14+s16+$0x0], $0xffff  }
0x2a1: {  	v30 =	vor.u32 v23, v1;
	v14 =	vld.idx.msk [tilespmem:v15+s16+$0x0], $0xffff  }
0x2a2: {  	v9 =	vor.u32 v21, v1;
	v11 =	vld.idx.msk [tilespmem:v16+s16+$0x0], $0xffff  }
0x2a3: {  	v12 =	vld.idx.msk [tilespmem:v17+s16+$0x0], $0xffff  }
0x2a4: {  	v15 =	vld.idx.msk [tilespmem:v18+s16+$0x0], $0xffff  }
0x2a5: {  	v17 =	vld.idx.msk [tilespmem:v20+s16+$0x0], $0xffff  }
0x2a6: {  	v18 =	vld.idx.msk [tilespmem:v30+s16+$0x0], $0xffff  }
0x2a7: {  	v23 =	vor.u32 v27, v1;
	v22 =	vor.u32 v22, v1;
	v16 =	vld.idx.msk [tilespmem:v9+s16+$0x0], $0xffff  }
0x2a8: {  	s25 =	smov.u32 s28;
	s11 =	simm.s32 $0x20;
	v21 =	vor.u32 v32, v1;
	v20 =	vor.u32 v31, v1;
	v9 =	vld.idx.msk [tilespmem:v19+s16+$0x0], $0xffff;
	v19 =	vor.u32 v25, v1  }
.LBB2_7:
0x2a9: {  	_ =	sdelay $0x2  }
0x2aa: {  	v23 =	vld.idx.msk [tilespmem:v23+s16+$0x0], $0xffff  }
0x2ab: {  	v25 =	vld [tilespmem:$0x1FF60]  }
0x2ac: {  	v22 =	vld.idx.msk [tilespmem:v22+s16+$0x0], $0xffff  }
0x2ad: {  	v20 =	vld.idx.msk [tilespmem:v20+s16+$0x0], $0xffff  }
0x2ae: {  	v26 =	vld [tilespmem:$0x1FFA0]  }
0x2af: {  	v10 =	vsub.f32 v10, v42;
	v42 =	vld [tilespmem:$0x1FF90]  }
0x2b0: {  	v32 =	vld [tilespmem:$0x1FF70]  }
0x2b1: {  	v36 =	vsub.f32 v3, v36;
	v3 =	vld [tilespmem:$0x1FFD0]  }
0x2b2: {  	v24 =	vlaneseq.u32;
	v2 =	vsub.f32 v2, v35;
	v35 =	vsub.f32 v7, v40;
	v7 =	vld.idx.msk [tilespmem:v21+s16+$0x0], $0xffff  }
0x2b3: {  	v24 =	vor.u32 v24, v1;
	v21 =	vld [tilespmem:$0x1FFE0]  }
0x2b4: {  	v10 =	vmul.f32 v10, v10;
	v11 =	vsub.f32 v11, v43;
	v43 =	vld [tilespmem:$0x1FFB0];
	v25 =	vor.u32 v25, v1  }
0x2b5: {  	v4 =	vsub.f32 v4, v37;
	v14 =	vsub.f32 v14, v47;
	v47 =	vld [tilespmem:$0x1FFC0];
	v37 =	vor.u32 v26, v1  }
0x2b6: {  	v31 =	vld [tilespmem:$0x1FF80];
	v5 =	vsub.f32 v5, v38;
	v6 =	vsub.f32 v6, v39;
	v38 =	vor.u32 v42, v1  }
0x2b7: {  	v19 =	vld.idx.msk [tilespmem:v19+s16+$0x0], $0xffff;
	v13 =	vsub.f32 v13, v44;
	v8 =	vsub.f32 v8, v41;
	v3 =	vor.u32 v3, v1  }
0x2b8: {  	v16 =	vsub.f32 v16, v49;
	v12 =	vsub.f32 v12, v45;
	v24 =	vld.idx.msk [tilespmem:v24+s16+$0x0], $0xffff;
	v21 =	vor.u32 v21, v1  }
0x2b9: {  	v15 =	vsub.f32 v15, v52;
	v9 =	vsub.f32 v9, v48;
	v44 =	vor.u32 v43, v1;
	v25 =	vld.idx.msk [tilespmem:v25+s16+$0x0], $0xffff  }
0x2ba: {  	v17 =	vsub.f32 v17, v50;
	v18 =	vsub.f32 v18, v46;
	v49 =	vor.u32 v47, v1;
	v37 =	vld.idx.msk [tilespmem:v37+s16+$0x0], $0xffff  }
0x2bb: {  	v52 =	vor.u32 v32, v1;
	v2 =	vmul.f32 v2, v2;
	v1 =	vor.u32 v31, v1;
	v38 =	vld.idx.msk [tilespmem:v38+s16+$0x0], $0xffff  }
0x2bc: {  	v23 =	vsub.f32 v23, v53;
	v5 =	vmul.f32 v5, v5;
	v4 =	vmul.f32 v4, v4;
	v3 =	vld.idx.msk [tilespmem:v3+s16+$0x0], $0xffff  }
0x2bd: {  	v22 =	vsub.f32 v22, v51;
	v8 =	vmul.f32 v8, v8;
	v14 =	vmul.f32 v14, v14;
	v21 =	vld.idx.msk [tilespmem:v21+s16+$0x0], $0xffff  }
0x2be: {  	v20 =	vsub.f32 v20, v55;
	v12 =	vmul.f32 v12, v12;
	v15 =	vmul.f32 v15, v15;
	v39 =	vld.idx.msk [tilespmem:v44+s16+$0x0], $0xffff  }
0x2bf: {  	v19 =	vsub.f32 v19, v56;
	v18 =	vmul.f32 v18, v18;
	v23 =	vmul.f32 v23, v23;
	v40 =	vld.idx.msk [tilespmem:v49+s16+$0x0], $0xffff  }
0x2c0: {  	v20 =	vmul.f32 v20, v20;
	v24 =	vsub.f32 v24, v61;
	v1 =	vld.idx.msk [tilespmem:v1+s16+$0x0], $0xffff;
	v25 =	vsub.f32 v25, v63  }
0x2c1: {  	v19 =	vmul.f32 v19, v19;
	v37 =	vsub.f32 v37, v59;
	v0 =	vsub.f32 v3, v0;
	v3 =	vld.idx.msk [tilespmem:v52+s16+$0x0], $0xffff  }
0x2c2: {  	v7 =	vsub.f32 v7, v54;
	v24 =	vmul.f32 v24, v24;
	v38 =	vsub.f32 v38, v60  }
0x2c3: {  	v25 =	vmul.f32 v25, v25;
	v37 =	vmul.f32 v37, v37;
	v21 =	vsub.f32 v21, v62  }
0x2c4: {  	v38 =	vmul.f32 v38, v38;
	v39 =	vsub.f32 v39, v58;
	v40 =	vsub.f32 v40, v57  }
0x2c5: {  	v1 =	vsub.f32 v1, v33;
	v0 =	vmul.f32 v0, v0;
	v21 =	vmul.f32 v21, v21  }
0x2c6: {  	v62 =	vmul.f32 v39, v39;
	v63 =	vmul.f32 v40, v40;
	v3 =	vsub.f32 v3, v34  }
0x2c7: {  	v24 =	vadd.f32 v37, v24;
	v25 =	vadd.f32 v38, v25;
	v1 =	vmul.f32 v1, v1  }
0x2c8: {  	v0 =	vadd.f32 v62, v0;
	v21 =	vadd.f32 v63, v21;
	v3 =	vmul.f32 v3, v3  }
0x2c9: {  	v22 =	vmul.f32 v22, v22;
	v20 =	vadd.f32 v20, v24;
	v19 =	vadd.f32 v19, v25  }
0x2ca: {  	v1 =	vadd.f32 v1, v21;
	v0 =	vadd.f32 v3, v0;
	v3 =	vmul.f32 v7, v7  }
0x2cb: {  	v9 =	vmul.f32 v9, v9;
	v7 =	vadd.f32 v18, v20;
	v18 =	vadd.f32 v23, v19  }
0x2cc: {  	v0 =	vadd.f32 v22, v0;
	v1 =	vadd.f32 v3, v1;
	v3 =	vmul.f32 v17, v17  }
0x2cd: {  	v11 =	vmul.f32 v11, v11;
	v7 =	vadd.f32 v12, v7;
	v12 =	vadd.f32 v15, v18  }
0x2ce: {  	v0 =	vadd.f32 v9, v0;
	v1 =	vadd.f32 v3, v1;
	v3 =	vmul.f32 v16, v16  }
0x2cf: {  	v6 =	vmul.f32 v6, v6;
	v7 =	vadd.f32 v8, v7;
	v8 =	vadd.f32 v14, v12  }
0x2d0: {  	v0 =	vadd.f32 v11, v0;
	v1 =	vadd.f32 v3, v1;
	v3 =	vmul.f32 v13, v13  }
0x2d1: {  	v4 =	vadd.f32 v4, v7;
	v7 =	vadd.f32 v10, v8;
	v8 =	vmul.f32 v36, v36  }
0x2d2: {  	v0 =	vadd.f32 v6, v0;
	v1 =	vadd.f32 v3, v1;
	v3 =	vmul.f32 v35, v35  }
0x2d3: {  	v2 =	vadd.f32 v2, v4;
	v4 =	vadd.f32 v5, v7  }
0x2d4: {  	v0 =	vadd.f32 v8, v0;
	v1 =	vadd.f32 v3, v1;
	_ =	sdelay $0x1  }
0x2d5: {  	v2 =	vadd.f32 v4, v2;
	v0 =	vadd.f32 v1, v0;
	_ =	sdelay $0x1  }
0x2d6: {  	v0 =	vadd.f32 v0, v2;
	_ =	sdelay $0x1  }
0x2d7: {  	v1 =	vshrl.u32 v0, $0x1;
	v2 =	vmul.f32 $5.000000000e-01, v0  }
0x2d8: {  	v1 =	vsub.s32 $0x5F3759DF, v1  }
0x2d9: {  	v3 =	vmul.f32 v1, v2;
	_ =	sdelay $0x1  }
0x2da: {  	v3 =	vmul.f32 v1, v3;
	_ =	sdelay $0x1  }
0x2db: {  	v3 =	vsub.f32 $1.500000000e+00, v3;
	_ =	sdelay $0x1  }
0x2dc: {  	v1 =	vmul.f32 v1, v3;
	_ =	sdelay $0x1  }
0x2dd: {  	v3 =	vmul.f32 v1, v2;
	_ =	sdelay $0x1  }
0x2de: {  	v3 =	vmul.f32 v3, v1;
	_ =	sdelay $0x1  }
0x2df: {  	v3 =	vsub.f32 $1.500000000e+00, v3;
	_ =	sdelay $0x1  }
0x2e0: {  	v1 =	vmul.f32 v3, v1  }
0x2e1: {  	v30 =	vld [tilespmem:$0x1FF50]  }
0x2e2: {  	v28 =	vld [tilespmem:$0x1FF00];
	v2 =	vmul.f32 v1, v2  }
0x2e3: {  	v29 =	vld [tilespmem:$0x1FF10]  }
0x2e4: {  	v27 =	vld [tilespmem:$0x1FEE0];
	v2 =	vmul.f32 v2, v1  }
0x2e5: {  	v26 =	vld [tilespmem:$0x1FEF0]  }
0x2e6: {  	v24 =	vld [tilespmem:$0x1FF30];
	v2 =	vsub.f32 $1.500000000e+00, v2  }
0x2e7: {  	v25 =	vld [tilespmem:$0x1FF40]  }
0x2e8: {  	v21 =	vld [tilespmem:$0x1FEC0];
	v1 =	vmul.f32 v2, v1  }
0x2e9: {  	v19 =	vld [tilespmem:$0x1FEA0]  }
0x2ea: {  	v23 =	vld [tilespmem:$0x1FF20];
	v0 =	vmul.f32 v1, v0  }
0x2eb: {  	s25 =	sadd.s32 $0x10, s25;
	v20 =	vld [tilespmem:$0x1FEB0]  }
0x2ec: {  	s1 =	sadd.s32 $0x10, s1;
	v18 =	vld [tilespmem:$0x1FE90];
	[tilespmem:s25+$0x0] =	vst v0  }
0x2ed: {  	v0 =	vld [tilespmem:s1+$0x0]  }
0x2ee: {  	v2 =	vld [tilespmem:$0x1FFF0]  }
0x2ef: {  	v15 =	vld [tilespmem:$0x1FE60]  }
0x2f0: {  	v11 =	vld [tilespmem:$0x1FE20]  }
0x2f1: {  	v9 =	vld [tilespmem:$0x1FE00];
	v1 =	vmov s11  }
0x2f2: {  	v12 =	vld [tilespmem:$0x1FE30];
	v1 =	vshll.u32 v1, $0x7;
	v0 =	vshll.u32 v0, $0x5  }
0x2f3: {  	v10 =	vld [tilespmem:$0x1FE10];
	v1 =	vor.u32 v2, v1;
	v0 =	vand.u32 $0x60, v0  }
0x2f4: {  	v13 =	vld [tilespmem:$0x1FE40];
	v2 =	vor.u32 v1, v0  }
0x2f5: {  	v14 =	vld [tilespmem:$0x1FE50];
	v0 =	vor.u32 v11, v2  }
0x2f6: {  	v17 =	vld [tilespmem:$0x1FE80];
	v3 =	vor.u32 v9, v2  }
0x2f7: {  	v22 =	vld [tilespmem:$0x1FED0];
	v4 =	vor.u32 v12, v2  }
0x2f8: {  	v16 =	vld [tilespmem:$0x1FE70];
	v5 =	vor.u32 v10, v2  }
0x2f9: {  	v8 =	vld [tilespmem:$0x1FF60];
	v6 =	vor.u32 v13, v2  }
0x2fa: {  	v7 =	vor.u32 v14, v2;
	v35 =	vld.idx.msk [tilespmem:v0+s17+$0x0], $0xffff  }
0x2fb: {  	v0 =	vor.u32 v18, v2;
	v38 =	vld.idx.msk [tilespmem:v3+s17+$0x0], $0xffff  }
0x2fc: {  	v3 =	vor.u32 v15, v2;
	v36 =	vld.idx.msk [tilespmem:v4+s17+$0x0], $0xffff  }
0x2fd: {  	v4 =	vor.u32 v24, v2;
	v40 =	vld.idx.msk [tilespmem:v5+s17+$0x0], $0xffff  }
0x2fe: {  	v5 =	vor.u32 v16, v2;
	v37 =	vld.idx.msk [tilespmem:v6+s17+$0x0], $0xffff  }
0x2ff: {  	v6 =	vor.u32 v17, v2;
	v42 =	vld.idx.msk [tilespmem:v7+s17+$0x0], $0xffff  }
0x300: {  	v7 =	vor.u32 v30, v2;
	v39 =	vld.idx.msk [tilespmem:v0+s17+$0x0], $0xffff  }
0x301: {  	v0 =	vor.u32 v19, v2;
	v44 =	vld.idx.msk [tilespmem:v3+s17+$0x0], $0xffff  }
0x302: {  	v3 =	vor.u32 v23, v2;
	v41 =	vld.idx.msk [tilespmem:v4+s17+$0x0], $0xffff  }
0x303: {  	v4 =	vor.u32 v20, v2;
	v47 =	vld.idx.msk [tilespmem:v5+s17+$0x0], $0xffff  }
0x304: {  	v5 =	vor.u32 v25, v2;
	v43 =	vld.idx.msk [tilespmem:v6+s17+$0x0], $0xffff  }
0x305: {  	v6 =	vor.u32 v21, v2;
	v49 =	vld.idx.msk [tilespmem:v7+s17+$0x0], $0xffff  }
0x306: {  	v7 =	vor.u32 v22, v2;
	v45 =	vld.idx.msk [tilespmem:v0+s17+$0x0], $0xffff  }
0x307: {  	v0 =	vor.u32 v28, v2;
	v52 =	vld.idx.msk [tilespmem:v3+s17+$0x0], $0xffff  }
0x308: {  	v3 =	vor.u32 v29, v2;
	v48 =	vld.idx.msk [tilespmem:v4+s17+$0x0], $0xffff  }
0x309: {  	v50 =	vld.idx.msk [tilespmem:v5+s17+$0x0], $0xffff  }
0x30a: {  	v4 =	vor.u32 v27, v2;
	v46 =	vld.idx.msk [tilespmem:v6+s17+$0x0], $0xffff  }
0x30b: {  	v53 =	vld.idx.msk [tilespmem:v7+s17+$0x0], $0xffff  }
0x30c: {  	v5 =	vor.u32 v26, v2;
	v51 =	vld.idx.msk [tilespmem:v0+s17+$0x0], $0xffff  }
0x30d: {  	s9 =	sadd.s32 $0x10, s9;
	v54 =	vld.idx.msk [tilespmem:v3+s17+$0x0], $0xffff  }
0x30e: {  	v6 =	vor.u32 v32, v2;
	v3 =	vld [tilespmem:s9+$0x0]  }
0x30f: {  	v7 =	vlaneseq.u32;
	v55 =	vld.idx.msk [tilespmem:v4+s17+$0x0], $0xffff  }
0x310: {  	v7 =	vor.u32 v7, v2;
	v4 =	vld [tilespmem:$0x1FFD0]  }
0x311: {  	v56 =	vld.idx.msk [tilespmem:v5+s17+$0x0], $0xffff  }
0x312: {  	v0 =	vor.u32 v31, v2;
	v5 =	vld [tilespmem:$0x1FFE0]  }
0x313: {  	v34 =	vld.idx.msk [tilespmem:v6+s17+$0x0], $0xffff  }
0x314: {  	v6 =	vld [tilespmem:$0x1FFA0]  }
0x315: {  	v61 =	vld.idx.msk [tilespmem:v7+s17+$0x0], $0xffff  }
0x316: {  	v7 =	vld [tilespmem:$0x1FFB0];
	v4 =	vor.u32 v4, v2  }
0x317: {  	v33 =	vld.idx.msk [tilespmem:v0+s17+$0x0], $0xffff  }
0x318: {  	v0 =	vshll.u32 v3, $0x5;
	v3 =	vld [tilespmem:$0x1FF90]  }
0x319: {  	v5 =	vor.u32 v5, v2  }
0x31a: {  	v6 =	vor.u32 v6, v2;
	v0 =	vand.u32 $0x60, v0  }
0x31b: {  	v8 =	vor.u32 v8, v2;
	v1 =	vor.u32 v1, v0;
	v0 =	vld.idx.msk [tilespmem:v4+s17+$0x0], $0xffff  }
0x31c: {  	v7 =	vor.u32 v7, v2;
	v4 =	vld [tilespmem:$0x1FFC0]  }
0x31d: {  	v3 =	vor.u32 v3, v2  }
0x31e: {  	v62 =	vld.idx.msk [tilespmem:v5+s17+$0x0], $0xffff;
	v5 =	vor.u32 v9, v1  }
0x31f: {  	v59 =	vld.idx.msk [tilespmem:v6+s17+$0x0], $0xffff;
	v6 =	vor.u32 v10, v1  }
0x320: {  	v63 =	vld.idx.msk [tilespmem:v8+s17+$0x0], $0xffff;
	v9 =	vor.u32 v14, v1  }
0x321: {  	v58 =	vld.idx.msk [tilespmem:v7+s17+$0x0], $0xffff;
	v2 =	vor.u32 v4, v2  }
0x322: {  	v4 =	vor.u32 v11, v1;
	v60 =	vld.idx.msk [tilespmem:v3+s17+$0x0], $0xffff  }
0x323: {  	v3 =	vor.u32 v12, v1;
	v5 =	vld.idx.msk [tilespmem:v5+s16+$0x0], $0xffff  }
0x324: {  	v8 =	vor.u32 v13, v1;
	v7 =	vld.idx.msk [tilespmem:v6+s16+$0x0], $0xffff  }
0x325: {  	v11 =	vor.u32 v18, v1;
	v10 =	vld.idx.msk [tilespmem:v9+s16+$0x0], $0xffff  }
0x326: {  	v12 =	vor.u32 v15, v1;
	v57 =	vld.idx.msk [tilespmem:v2+s17+$0x0], $0xffff  }
0x327: {  	v14 =	vor.u32 v24, v1;
	v2 =	vld.idx.msk [tilespmem:v4+s16+$0x0], $0xffff  }
0x328: {  	v15 =	vor.u32 v16, v1;
	v3 =	vld.idx.msk [tilespmem:v3+s16+$0x0], $0xffff  }
0x329: {  	v16 =	vor.u32 v17, v1;
	v4 =	vld.idx.msk [tilespmem:v8+s16+$0x0], $0xffff  }
0x32a: {  	v9 =	vor.u32 v30, v1;
	v6 =	vld.idx.msk [tilespmem:v11+s16+$0x0], $0xffff  }
0x32b: {  	v17 =	vor.u32 v19, v1;
	v13 =	vld.idx.msk [tilespmem:v12+s16+$0x0], $0xffff  }
0x32c: {  	v18 =	vor.u32 v23, v1;
	v8 =	vld.idx.msk [tilespmem:v14+s16+$0x0], $0xffff  }
0x32d: {  	v19 =	vor.u32 v20, v1;
	v14 =	vld.idx.msk [tilespmem:v15+s16+$0x0], $0xffff  }
0x32e: {  	v24 =	vor.u32 v25, v1;
	v11 =	vld.idx.msk [tilespmem:v16+s16+$0x0], $0xffff  }
0x32f: {  	p0 =	sne.s32 s11, $0x70;
	v32 =	vor.u32 v21, v1;
	v16 =	vld.idx.msk [tilespmem:v9+s16+$0x0], $0xffff  }
.Ltmp2:
0x330: {  	v12 =	vld.idx.msk [tilespmem:v17+s16+$0x0], $0xffff;
	(pc) =	sbr.rel @p0 .LBB2_7-.Ltmp2, $4  }
0x331: {  	v15 =	vld.idx.msk [tilespmem:v18+s16+$0x0], $0xffff  }
0x332: {  	v9 =	vld.idx.msk [tilespmem:v19+s16+$0x0], $0xffff  }
0x333: {  	v31 =	vlaneseq.u32;
	v21 =	vor.u32 v29, v1;
	v23 =	vor.u32 v22, v1;
	v17 =	vld.idx.msk [tilespmem:v24+s16+$0x0], $0xffff  }
0x334: {  	s11 =	sadd.s32 $0x10, s11;
	v22 =	vor.u32 v28, v1;
	v20 =	vor.u32 v27, v1;
	v19 =	vor.u32 v26, v1;
	v18 =	vld.idx.msk [tilespmem:v32+s16+$0x0], $0xffff  }
0x335: {  	_ =	sdelay $0x3  }
0x336: {  	v23 =	vld.idx.msk [tilespmem:v23+s16+$0x0], $0xffff  }
0x337: {  	v32 =	vld [tilespmem:$0x1FF60]  }
0x338: {  	v22 =	vld.idx.msk [tilespmem:v22+s16+$0x0], $0xffff  }
0x339: {  	v28 =	vld [tilespmem:$0x1FFD0]  }
0x33a: {  	v21 =	vld.idx.msk [tilespmem:v21+s16+$0x0], $0xffff  }
0x33b: {  	v24 =	vor.u32 v31, v1;
	v31 =	vld [tilespmem:$0x1FFE0]  }
0x33c: {  	v20 =	vld.idx.msk [tilespmem:v20+s16+$0x0], $0xffff  }
0x33d: {  	v29 =	vld [tilespmem:$0x1FFA0]  }
0x33e: {  	v19 =	vld.idx.msk [tilespmem:v19+s16+$0x0], $0xffff  }
0x33f: {  	v30 =	vld [tilespmem:$0x1FF90]  }
0x340: {  	v26 =	vld [tilespmem:$0x1FFB0];
	v25 =	vor.u32 v32, v1  }
0x341: {  	v2 =	vsub.f32 v2, v35;
	v13 =	vsub.f32 v13, v44;
	v44 =	vld [tilespmem:$0x1FFC0];
	v35 =	vor.u32 v28, v1  }
0x342: {  	v3 =	vsub.f32 v3, v36;
	v11 =	vsub.f32 v11, v43;
	v43 =	vld [tilespmem:$0x1FF70];
	v36 =	vor.u32 v31, v1  }
0x343: {  	v4 =	vsub.f32 v4, v37;
	v10 =	vsub.f32 v10, v42;
	v42 =	vld [tilespmem:$0x1FF80];
	v37 =	vor.u32 v29, v1  }
0x344: {  	v5 =	vsub.f32 v5, v38;
	v24 =	vld.idx.msk [tilespmem:v24+s16+$0x0], $0xffff;
	v38 =	vor.u32 v30, v1  }
0x345: {  	v6 =	vsub.f32 v6, v39;
	v39 =	vor.u32 v26, v1;
	v25 =	vld.idx.msk [tilespmem:v25+s16+$0x0], $0xffff  }
0x346: {  	v8 =	vsub.f32 v8, v41;
	v14 =	vsub.f32 v14, v47;
	v47 =	vor.u32 v44, v1;
	v35 =	vld.idx.msk [tilespmem:v35+s16+$0x0], $0xffff  }
0x347: {  	v16 =	vsub.f32 v16, v49;
	v12 =	vsub.f32 v12, v45;
	v49 =	vor.u32 v43, v1;
	v36 =	vld.idx.msk [tilespmem:v36+s16+$0x0], $0xffff  }
0x348: {  	v7 =	vsub.f32 v7, v40;
	v15 =	vsub.f32 v15, v52;
	v52 =	vor.u32 v42, v1;
	v37 =	vld.idx.msk [tilespmem:v37+s16+$0x0], $0xffff  }
0x349: {  	v9 =	vsub.f32 v9, v48;
	v12 =	vmul.f32 v12, v12;
	v8 =	vmul.f32 v8, v8;
	v38 =	vld.idx.msk [tilespmem:v38+s16+$0x0], $0xffff  }
0x34a: {  	v11 =	vmul.f32 v11, v11;
	v17 =	vsub.f32 v17, v50;
	v18 =	vsub.f32 v18, v46;
	v39 =	vld.idx.msk [tilespmem:v39+s16+$0x0], $0xffff  }
0x34b: {  	v4 =	vmul.f32 v4, v4;
	v23 =	vsub.f32 v23, v53;
	v22 =	vsub.f32 v22, v51;
	v40 =	vld.idx.msk [tilespmem:v47+s16+$0x0], $0xffff  }
0x34c: {  	v15 =	vmul.f32 v15, v15;
	v21 =	vsub.f32 v21, v54;
	v20 =	vsub.f32 v20, v55;
	v41 =	vld.idx.msk [tilespmem:v49+s16+$0x0], $0xffff  }
0x34d: {  	v19 =	vsub.f32 v19, v56;
	v18 =	vmul.f32 v18, v18;
	v24 =	vsub.f32 v24, v61;
	v1 =	vld.idx.msk [tilespmem:v52+s16+$0x0], $0xffff  }
0x34e: {  	v20 =	vmul.f32 v20, v20;
	v25 =	vsub.f32 v25, v63;
	v0 =	vsub.f32 v35, v0  }
0x34f: {  	v19 =	vmul.f32 v19, v19;
	v54 =	vsub.f32 v36, v62;
	v55 =	vsub.f32 v37, v59  }
0x350: {  	v24 =	vmul.f32 v24, v24;
	v56 =	vsub.f32 v38, v60;
	v58 =	vsub.f32 v39, v58  }
0x351: {  	v59 =	vsub.f32 v40, v57;
	v34 =	vsub.f32 v41, v34;
	v36 =	vmul.f32 v55, v55  }
0x352: {  	v1 =	vsub.f32 v1, v33;
	v25 =	vmul.f32 v25, v25;
	v37 =	vmul.f32 v56, v56  }
0x353: {  	v0 =	vmul.f32 v0, v0;
	v60 =	vmul.f32 v58, v58;
	v24 =	vadd.f32 v36, v24  }
0x354: {  	v35 =	vmul.f32 v54, v54;
	v61 =	vmul.f32 v59, v59;
	v25 =	vadd.f32 v37, v25  }
0x355: {  	v0 =	vadd.f32 v60, v0;
	v20 =	vadd.f32 v20, v24;
	v24 =	vmul.f32 v34, v34  }
0x356: {  	v23 =	vmul.f32 v23, v23;
	v1 =	vmul.f32 v1, v1;
	v62 =	vadd.f32 v61, v35  }
0x357: {  	v22 =	vmul.f32 v22, v22;
	v19 =	vadd.f32 v19, v25;
	v0 =	vadd.f32 v24, v0  }
0x358: {  	v1 =	vadd.f32 v1, v62;
	v18 =	vadd.f32 v18, v20;
	v20 =	vmul.f32 v21, v21  }
0x359: {  	v9 =	vmul.f32 v9, v9;
	v19 =	vadd.f32 v23, v19;
	v0 =	vadd.f32 v22, v0  }
0x35a: {  	v17 =	vmul.f32 v17, v17;
	v1 =	vadd.f32 v20, v1;
	v12 =	vadd.f32 v12, v18  }
0x35b: {  	v15 =	vadd.f32 v15, v19;
	v0 =	vadd.f32 v9, v0;
	v9 =	vmul.f32 v14, v14  }
0x35c: {  	v1 =	vadd.f32 v17, v1;
	v8 =	vadd.f32 v8, v12;
	v12 =	vmul.f32 v16, v16  }
0x35d: {  	v10 =	vmul.f32 v10, v10;
	v6 =	vmul.f32 v6, v6;
	v9 =	vadd.f32 v9, v15  }
0x35e: {  	v2 =	vmul.f32 v2, v2;
	v0 =	vadd.f32 v11, v0;
	v1 =	vadd.f32 v12, v1  }
0x35f: {  	v4 =	vadd.f32 v4, v8;
	v8 =	vadd.f32 v10, v9;
	v9 =	vmul.f32 v13, v13  }
0x360: {  	v5 =	vmul.f32 v5, v5;
	v3 =	vmul.f32 v3, v3  }
0x361: {  	v0 =	vadd.f32 v6, v0;
	v6 =	vmul.f32 v7, v7;
	v1 =	vadd.f32 v9, v1  }
0x362: {  	v2 =	vadd.f32 v2, v4;
	v4 =	vadd.f32 v5, v8  }
0x363: {  	v0 =	vadd.f32 v3, v0;
	v1 =	vadd.f32 v6, v1;
	_ =	sdelay $0x1  }
0x364: {  	v2 =	vadd.f32 v4, v2;
	v0 =	vadd.f32 v1, v0;
	_ =	sdelay $0x1  }
0x365: {  	v0 =	vadd.f32 v0, v2;
	_ =	sdelay $0x1  }
0x366: {  	v63 =	vshrl.u32 v0, $0x1;
	v2 =	vmul.f32 $5.000000000e-01, v0  }
0x367: {  	v1 =	vsub.s32 $0x5F3759DF, v63  }
0x368: {  	v3 =	vmul.f32 v1, v2;
	_ =	sdelay $0x1  }
0x369: {  	v3 =	vmul.f32 v1, v3;
	_ =	sdelay $0x1  }
0x36a: {  	v27 =	vld [tilespmem:$0x1FE10];
	v3 =	vsub.f32 $1.500000000e+00, v3  }
0x36b: {  	v45 =	vmov v30;
	v30 =	vld [tilespmem:$0x1FEF0]  }
0x36c: {  	v33 =	vld [tilespmem:$0x1FF00];
	v1 =	vmul.f32 v1, v3  }
0x36d: {  	v35 =	vld [tilespmem:$0x1FF20]  }
0x36e: {  	v36 =	vld [tilespmem:$0x1FF30];
	v3 =	vmul.f32 v1, v2  }
0x36f: {  	v37 =	vld [tilespmem:$0x1FF40]  }
0x370: {  	v34 =	vld [tilespmem:$0x1FF10];
	v3 =	vmul.f32 v3, v1  }
0x371: {  	v24 =	vld [tilespmem:$0x1FFF0]  }
0x372: {  	v25 =	vmov v31;
	v31 =	vld [tilespmem:$0x1FEE0];
	v3 =	vsub.f32 $1.500000000e+00, v3  }
0x373: {  	v21 =	vld [tilespmem:$0x1FED0]  }
0x374: {  	v20 =	vld [tilespmem:$0x1FEC0];
	v1 =	vmul.f32 v3, v1  }
0x375: {  	v18 =	vld [tilespmem:$0x1FEB0]  }
0x376: {  	v14 =	vld [tilespmem:$0x1FE80];
	v2 =	vmul.f32 v1, v2  }
0x377: {  	v16 =	vld [tilespmem:$0x1FEA0]  }
0x378: {  	v12 =	vld [tilespmem:$0x1FE70];
	v2 =	vmul.f32 v2, v1  }
0x379: {  	v15 =	vld [tilespmem:$0x1FE90]  }
0x37a: {  	s30 =	sadd.s32 $0x1, s30;
	v11 =	vld [tilespmem:$0x1FE60];
	v2 =	vsub.f32 $1.500000000e+00, v2  }
0x37b: {  	p0 =	sne.s32 s30, $0x28;
	v10 =	vld [tilespmem:$0x1FE50]  }
.Ltmp3:
0x37c: {  	v7 =	vld [tilespmem:$0x1FE30];
	v1 =	vmul.f32 v2, v1;
	(pc) =	sbr.rel @p0 .LBB2_4-.Ltmp3, $4  }
0x37d: {  	v9 =	vld [tilespmem:$0x1FE40]  }
0x37e: {  	s1 =	sadd.s32 $0x10, s25;
	v6 =	vld [tilespmem:$0x1FE20];
	v0 =	vmul.f32 v1, v0  }
0x37f: {  	s29 =	sadd.s32 $0x100, s29;
	s24 =	sadd.s32 $0x100, s24;
	s0 =	sadd.s32 $0x100, s0;
	v4 =	vld [tilespmem:$0x1FE00]  }
0x380: {  	s22 =	sadd.s32 $0x100, s22;
	s26 =	sadd.s32 $0x100, s26;
	s28 =	sadd.s32 $0x100, s28;
	v63 =	vld [tilespmem:$0x1FF50];
	[tilespmem:s1+$0x0] =	vst v0  }
0x381: {  	s21 =	sadd.s32 $0x1, s21  }
0x382: {  	p0 =	sne.s32 s21, s8  }
.Ltmp4:
0x383: {  	_ = 	snop;
	(pc) =	sbr.rel @p0 .LBB2_1-.Ltmp4, $4  }
0x384: {  	[hbm4b:s7+s2] =	stream.linear.scatter [tilespmem:s20], [sflag:$0x3], $0x2800, $0x38;
	[tilespmem:$0x1C800] =	vst v63  }
0x385: {  	_ =	swait.ge [sflag:s10], $0x2800  }
0x386: {  	[sflag:s10] =	ssyncset.done $0x0  }
0x387: {  	[sflag:s10] =	ssyncadd.s32 $0xFFFFD800  }
0x388: {  	_ =	sfence.sel $0x180000  }
0x389: {  	[bflag:$0x0] =	sbarrier.arrive $0xFFFF  }
0x38a: {  	_ =	strace $0x9000004A  }
0x38b: {  	s0 =	stileid.u32;
	[bflag:$0x2] =	sbarrier.arrive $0xFFFF  }
0x38c: {  	p0 =	sne.s32 s0, $0x0;
	s0 =	rddreg [dreg:$0x4]  }
0x38d: {  	s0 =	sadd.s32 @!p0 $0x100000, s0  }
0x38e: {  	[sflag:s0] =	ssyncadd.tile.s32 @!p0 $0x1;
	_ =	shalt  }
.Lfunc_end2:
_tile_overlayer_lowered:
.L_overlay_start_2:
0x38f: {  	(tag) =	ssettag $0x2  }
0x390: {  	s0 =	rddreg [dreg:$0x0];
	s2 =	stileid.u32  }
0x391: {  	s1 =	rddreg [dreg:$0x1];
	p0 =	sne.s32 s2, $0x0  }
0x392: {  	s3 =	rddreg [dreg:$0x2];
	[bflag:$0x3] =	sbarrier.arrive $0xFFFF;
	s2 =	simm.s32 @!p0 $0x1C03  }
0x393: {  	[timem:s3], [sflag:s2] =	dma.local @!p0 [hbm:s0], s1  }
0x394: {  	s0 =	simm.s32 @!p0 $0x3  }
0x395: {  	_ =	swait.ge @!p0 [sflag:s0], s1  }
0x396: {  	s1 =	ssub.s32 @!p0 $0x0, s1;
	[sflag:s0] =	ssyncset.done @!p0 $0x0  }
0x397: {  	[sflag:s0] =	ssyncadd.s32 @!p0 s1  }
0x398: {  	[bflag:$0x3] =	sbarrier.arrive $0xFFFF  }
0x399: {  	_ =	shalt  }

</sc_bundles>
